<compile_context>
chip_gen: v7x
topology: tpu7x:2x2x1
jax: 0.10.2.dev20260603
libtpu: 0.0.44.dev20260713+nightly
codegen_flags: <defaults>
</compile_context>

<pallas_src>
import functools

import jax
import jax.numpy as jnp
import numpy as np
from jax import lax
from jax.experimental import pallas as pl
from jax.experimental.pallas import tpu as pltpu
from jax.experimental.pallas import tpu_sc as plsc

N = 100000
E = 1600000
D = 16
HP = 64

NW = 32
EPW = 51200
E_PAD = NW * EPW
NSLAB = 2
E_SLAB = E_PAD // NSLAB
EPW_S = E_SLAB // NW
CHUNK = 1024
KROWS = CHUNK // 128
NCHUNK = EPW_S // CHUNK

B = 8192
BP = B * D // 128
NB = E_PAD // B
NB_S = E_SLAB // B


def _sc_gather(table, src2, tgt2):
    mesh = plsc.VectorSubcoreMesh(core_axis_name="c", subcore_axis_name="s")

    @functools.partial(
        pl.kernel,
        mesh=mesh,
        out_type=[
            jax.ShapeDtypeStruct((E_SLAB, D), jnp.float32),
            jax.ShapeDtypeStruct((E_SLAB, D), jnp.float32),
        ],
        scratch_types=[
            pltpu.VMEM((KROWS, 128), jnp.int32),
            pltpu.VMEM((KROWS, 128), jnp.int32),
            pltpu.VMEM((KROWS, 128), jnp.int32),
            pltpu.VMEM((KROWS, 128), jnp.int32),
            pltpu.VMEM((CHUNK, D), jnp.float32),
            pltpu.VMEM((CHUNK, D), jnp.float32),
            pltpu.VMEM((CHUNK, D), jnp.float32),
            pltpu.VMEM((CHUNK, D), jnp.float32),
            pltpu.SemaphoreType.DMA,
            pltpu.SemaphoreType.DMA,
            pltpu.SemaphoreType.DMA,
            pltpu.SemaphoreType.DMA,
            pltpu.SemaphoreType.DMA,
            pltpu.SemaphoreType.DMA,
        ],
        compiler_params=pltpu.CompilerParams(use_tc_tiling_on_sc=False),
    )
    def gather_kernel(table_hbm, src_hbm, tgt_hbm, s_out, t_out,
                      idx_s0, idx_t0, idx_s1, idx_t1,
                      rows_s0, rows_t0, rows_s1, rows_t1,
                      gsem0, gsem1, isem0, isem1, ssem0, ssem1):
        wid = lax.axis_index("s") * 2 + lax.axis_index("c")
        base_row = wid * (EPW_S // 128)
        idx_s = [idx_s0, idx_s1]
        idx_t = [idx_t0, idx_t1]
        rows_s = [rows_s0, rows_s1]
        rows_t = [rows_t0, rows_t1]
        gsem = [gsem0, gsem1]
        isem = [isem0, isem1]
        ssem = [ssem0, ssem1]

        def load_idx(p, row0):
            pltpu.async_copy(src_hbm.at[pl.ds(row0, KROWS), :],
                             idx_s[p], isem[p])
            pltpu.async_copy(tgt_hbm.at[pl.ds(row0, KROWS), :],
                             idx_t[p], isem[p])

        def wait_idx(p, row0):
            pltpu.make_async_copy(src_hbm.at[pl.ds(row0, KROWS), :],
                                  idx_s[p], isem[p]).wait()
            pltpu.make_async_copy(tgt_hbm.at[pl.ds(row0, KROWS), :],
                                  idx_t[p], isem[p]).wait()

        def fire(p):
            for j in range(KROWS):
                pltpu.async_copy(table_hbm.at[idx_s[p].at[j]],
                                 rows_s[p].at[pl.ds(j * 128, 128), :], gsem[p])
                pltpu.async_copy(table_hbm.at[idx_t[p].at[j]],
                                 rows_t[p].at[pl.ds(j * 128, 128), :], gsem[p])

        def drain(p):
            for j in range(KROWS):
                pltpu.make_async_copy(table_hbm.at[idx_s[p].at[j]],
                                      rows_s[p].at[pl.ds(j * 128, 128), :],
                                      gsem[p]).wait()
                pltpu.make_async_copy(table_hbm.at[idx_t[p].at[j]],
                                      rows_t[p].at[pl.ds(j * 128, 128), :],
                                      gsem[p]).wait()

        def store(p, off):
            pltpu.async_copy(rows_s[p],
                             s_out.at[pl.ds(off, CHUNK), :], ssem[p])
            pltpu.async_copy(rows_t[p],
                             t_out.at[pl.ds(off, CHUNK), :], ssem[p])

        def wait_store(p, off):
            pltpu.make_async_copy(rows_s[p],
                                  s_out.at[pl.ds(off, CHUNK), :],
                                  ssem[p]).wait()
            pltpu.make_async_copy(rows_t[p],
                                  t_out.at[pl.ds(off, CHUNK), :],
                                  ssem[p]).wait()

        def rowat(c):
            return pl.multiple_of(base_row + c * KROWS, KROWS)

        def offat(c):
            return pl.multiple_of((base_row + c * KROWS) * 128, CHUNK)

        load_idx(0, rowat(0))
        wait_idx(0, rowat(0))
        fire(0)
        load_idx(1, rowat(1))

        def body(c2, carry):
            ca = 2 * c2
            cb = 2 * c2 + 1
            ra = rowat(ca)
            rb = rowat(cb)

            wait_idx(1, rb)

            @pl.when(c2 > 0)
            def _():
                wait_store(1, offat(ca - 1))

            fire(1)
            drain(0)
            store(0, offat(ca))

            @pl.when(cb + 1 < NCHUNK)
            def _():
                load_idx(0, rowat(cb + 1))
                wait_idx(0, rowat(cb + 1))
                wait_store(0, offat(ca))
                fire(0)

            drain(1)
            store(1, offat(cb))

            @pl.when(cb + 2 < NCHUNK)
            def _():
                load_idx(1, rowat(cb + 2))

            return carry

        lax.fori_loop(0, NCHUNK // 2, body, 0)
        drain(0)
        store(0, offat(NCHUNK - 1))
        wait_store(0, offat(NCHUNK - 1))
        wait_store(1, offat(NCHUNK - 2))

    return gather_kernel(table, src2, tgt2)


def _gelu_exact(x):
    return 0.5 * x * (1.0 + lax.erf(x * np.float32(1.0 / np.sqrt(2.0))))


def _mlp_body(s_ref, t_ref, ea_ref, gd_ref, w1s_ref, w1t_ref, w1e_ref,
              b1_ref, w2_ref, b2_ref, w3_ref, b3_ref, wd_ref, out_ref):
    parts = []
    for k in range(8):
        sk = s_ref[:, 16 * k:16 * k + 16]
        tk = t_ref[:, 16 * k:16 * k + 16]
        hk = jnp.dot(sk, w1s_ref[...], preferred_element_type=jnp.float32)
        hk = hk + jnp.dot(tk, w1t_ref[...], preferred_element_type=jnp.float32)
        parts.append(hk)
    ea = ea_ref[...].reshape(1, B)
    h_ea = lax.dot_general(ea, w1e_ref[...], (((0,), (0,)), ((), ())),
                           preferred_element_type=jnp.float32)
    h = jnp.concatenate(parts, axis=0) + (h_ea + b1_ref[...])
    h = _gelu_exact(h)
    h = jnp.dot(h, w2_ref[...], preferred_element_type=jnp.float32) + b2_ref[...]
    h = _gelu_exact(h)
    h = jnp.dot(h, w3_ref[...], preferred_element_type=jnp.float32) + b3_ref[...]
    h = _gelu_exact(h)
    ldiff = lax.dot_general(wd_ref[...], h, (((1,), (1,)), ((), ())),
                            preferred_element_type=jnp.float32)
    res = (ldiff > gd_ref[...].reshape(1, B)).astype(jnp.float32)
    out_ref[...] = res.reshape(1, 1, B)


def _tc_mlp(s_p, t_p, ea_perm, gd_perm, W1s, W1t, w1e, b1p,
            W2p, b2p, W3p, b3p, wd):
    def im_rows(i):
        return (i, 0)

    def im_w(i):
        return (0, 0)

    def im_row3(i):
        return (i, 0, 0)

    return pl.pallas_call(
        _mlp_body,
        grid=(NB_S,),
        in_specs=[
            pl.BlockSpec((BP, 128), im_rows),
            pl.BlockSpec((BP, 128), im_rows),
            pl.BlockSpec((1, 1, B), im_row3),
            pl.BlockSpec((1, 1, B), im_row3),
            pl.BlockSpec((D, HP), im_w),
            pl.BlockSpec((D, HP), im_w),
            pl.BlockSpec((1, HP), im_w),
            pl.BlockSpec((1, HP), im_w),
            pl.BlockSpec((HP, HP), im_w),
            pl.BlockSpec((1, HP), im_w),
            pl.BlockSpec((HP, HP), im_w),
            pl.BlockSpec((1, HP), im_w),
            pl.BlockSpec((1, HP), im_w),
        ],
        out_specs=pl.BlockSpec((1, 1, B), im_row3),
        out_shape=jax.ShapeDtypeStruct((NB_S, 1, B), jnp.float32),
        compiler_params=pltpu.CompilerParams(
            dimension_semantics=("arbitrary",)),
    )(s_p, t_p, ea_perm, gd_perm, W1s, W1t, w1e, b1p, W2p, b2p, W3p, b3p, wd)


def _threefry2x32(k0, k1, x0, x1):
    rotations = [(13, 15, 26, 6), (17, 29, 16, 24)]
    ks = [k0, k1, k0 ^ k1 ^ np.uint32(0x1BD11BDA)]
    x0 = (x0 + ks[0]).astype(np.uint32)
    x1 = (x1 + ks[1]).astype(np.uint32)
    for i in range(5):
        rots = rotations[i % 2]
        for r in rots:
            x0 = (x0 + x1).astype(np.uint32)
            x1 = ((x1 << np.uint32(r)) | (x1 >> np.uint32(32 - r))).astype(np.uint32)
            x1 = x1 ^ x0
        x0 = (x0 + ks[(i + 1) % 3]).astype(np.uint32)
        x1 = (x1 + ks[(i + 2) % 3] + np.uint32(i + 1)).astype(np.uint32)
    return x0, x1


def _gumbel_diff():
    n = 2 * E
    k0, k1 = np.uint32(0), np.uint32(42)
    c_hi = np.zeros(n, dtype=np.uint32)
    c_lo = np.arange(n, dtype=np.uint32)
    x0, x1 = _threefry2x32(k0, k1, c_hi, c_lo)
    bits = x0 ^ x1
    u = ((bits >> np.uint32(9)) | np.uint32(0x3F800000)).view(np.float32)
    u = (u - np.float32(1.0)).astype(np.float32)
    tiny = np.float32(np.finfo(np.float32).tiny)
    u = np.float32(u * (np.float32(1.0) - tiny) + tiny)
    u = np.maximum(tiny, u)
    g = (-np.log(-np.log(u.astype(np.float32)))).astype(np.float32)
    g = g.reshape(E, 2)
    gd = np.zeros((E_PAD,), np.float32)
    gd[:E] = g[:, 0] - g[:, 1]
    return np.ascontiguousarray(
        gd.reshape(NB, B // 8, 8).transpose(0, 2, 1).reshape(NB, 1, B))


_GDIFF_PERM = _gumbel_diff()


def kernel(x, token, edge_attr, edge_index, W1, b1, W2, b2, W3, b3, W4, b4):
    f32 = jnp.float32
    xt = jnp.concatenate([x, token], axis=1)
    table = jnp.pad(xt, ((0, 0), (0, D - 6)))
    src = jnp.pad(edge_index[0], (0, E_PAD - E)).reshape(E_PAD // 128, 128)
    tgt = jnp.pad(edge_index[1], (0, E_PAD - E)).reshape(E_PAD // 128, 128)
    ea_perm = jnp.pad(edge_attr[:, 0], (0, E_PAD - E)) \
        .reshape(NB, B // 8, 8).transpose(0, 2, 1).reshape(NB, 1, B)
    gd_perm = jnp.asarray(_GDIFF_PERM) - (b4[1] - b4[0])



    W1s = jnp.zeros((D, HP), f32).at[:6, :50].set(W1[:6])
    W1t = jnp.zeros((D, HP), f32).at[:6, :50].set(W1[6:12])
    w1e = jnp.zeros((1, HP), f32).at[0, :50].set(W1[12])
    b1p = jnp.zeros((1, HP), f32).at[0, :50].set(b1)
    W2p = jnp.zeros((HP, HP), f32).at[:50, :50].set(W2)
    b2p = jnp.zeros((1, HP), f32).at[0, :50].set(b2)
    W3p = jnp.zeros((HP, HP), f32).at[:50, :50].set(W3)
    b3p = jnp.zeros((1, HP), f32).at[0, :50].set(b3)
    wd = jnp.zeros((1, HP), f32).at[0, :50].set(W4[:, 1] - W4[:, 0])

    srow = E_SLAB // 128
    gathered = [
        _sc_gather(table,
                   src[sl * srow:(sl + 1) * srow],
                   tgt[sl * srow:(sl + 1) * srow])
        for sl in range(NSLAB)
    ]
    outs = []
    for sl, (s_g, t_g) in enumerate(gathered):
        s_p = s_g.reshape(E_SLAB * D // 128, 128)
        t_p = t_g.reshape(E_SLAB * D // 128, 128)
        outs.append(_tc_mlp(
            s_p, t_p,
            ea_perm[sl * NB_S:(sl + 1) * NB_S],
            gd_perm[sl * NB_S:(sl + 1) * NB_S],
            W1s, W1t, w1e, b1p, W2p, b2p, W3p, b3p, wd))
    out_p = jnp.concatenate(outs, axis=0)
    out = out_p.reshape(NB, 8, B // 8).transpose(0, 2, 1).reshape(E_PAD, 1)
    return out[:E]

# --- scband reference (transcript-rebuilt; emitter-appended) ---
"""Pipeline reference for scband-graph-generator-43568148250689 (READ-ONLY COPY).

The authoritative reference and input builder live on the scoring server;
editing this copy changes nothing except your own understanding.
"""

import jax, jax.numpy as jnp
import numpy as np

N = 100000
E = 1600000
HID = 50
IN_DIM = 2 * (1 + 5) + 1  # 2*(node_dim+token_dim)+edge_dim = 13

def _uni(k, shape, fan_in):
    b = 1.0 / np.sqrt(fan_in)
    return jax.random.uniform(k, shape, jnp.float32, -b, b)

def setup_inputs(seed: int = 0) -> dict:
    key = jax.random.key(seed)
    ks = jax.random.split(key, 12)
    x = jax.random.normal(ks[0], (N, 1), jnp.float32)
    token = jax.random.normal(ks[1], (N, 5), jnp.float32)
    edge_attr = jax.random.normal(ks[2], (E, 1), jnp.float32)
    edge_index = jax.random.randint(ks[3], (2, E), 0, N, jnp.int32)
    W1 = _uni(ks[4], (IN_DIM, HID), IN_DIM); b1 = _uni(ks[5], (HID,), IN_DIM)
    W2 = _uni(ks[6], (HID, HID), HID);       b2 = _uni(ks[7], (HID,), HID)
    W3 = _uni(ks[8], (HID, HID), HID);       b3 = _uni(ks[9], (HID,), HID)
    W4 = _uni(ks[10], (HID, 2), HID);        b4 = _uni(ks[11], (2,), HID)
    return {"x": x, "token": token, "edge_attr": edge_attr, "edge_index": edge_index,
            "W1": W1, "b1": b1, "W2": W2, "b2": b2, "W3": W3, "b3": b3, "W4": W4, "b4": b4}

def reference(x, token, edge_attr, edge_index, W1, b1, W2, b2, W3, b3, W4, b4):
    # GraphGenerator.generate_graph
    xt = jnp.concatenate([x, token], axis=-1)           # [N, 6]
    src = edge_index[0]
    tgt = edge_index[1]
    x_src = jnp.take(xt, src, axis=0)                   # gather [E, 6]
    x_tgt = jnp.take(xt, tgt, axis=0)                   # gather [E, 6]
    h = jnp.concatenate([x_src, x_tgt, edge_attr], axis=-1)  # [E, 13]
    h = jax.nn.gelu(h @ W1 + b1, approximate=False)
    h = jax.nn.gelu(h @ W2 + b2, approximate=False)
    h = jax.nn.gelu(h @ W3 + b3, approximate=False)
    logits = h @ W4 + b4                                # [E, 2]
    # gumbel_softmax(tau=1.0, hard=True), deterministic gumbel noise
    g = jax.random.gumbel(jax.random.key(42), logits.shape, logits.dtype)
    y_soft = jax.nn.softmax((logits + g) / 1.0, axis=-1)
    idx = jnp.argmax(y_soft, axis=-1)
    y_hard = jax.nn.one_hot(idx, 2, dtype=y_soft.dtype)
    ret = jax.lax.stop_gradient(y_hard - y_soft) + y_soft  # straight-through
    return ret[:, 1:2]                                  # [E, 1]

if __name__ == "__main__":
    import jax
    _d = setup_inputs()
    print(jax.jit(kernel)(*tuple(_d.values())))

</pallas_src>

<mosaic_0001>
#map = affine_map<(d0, d1) -> (0, 0)>
module attributes {stable_mosaic.version = 14 : i64} {
  func.func @gather_kernel(%arg0: i32, %arg1: i32, %arg2: memref<100000x16xf32, #tpu.memory_space<hbm>>, %arg3: memref<6400x128xi32, #tpu.memory_space<hbm>>, %arg4: memref<6400x128xi32, #tpu.memory_space<hbm>>, %arg5: memref<819200x16xf32, #tpu.memory_space<hbm>>, %arg6: memref<819200x16xf32, #tpu.memory_space<hbm>>, %arg7: memref<8x128xi32, #tpu.memory_space<vmem>>, %arg8: memref<8x128xi32, #tpu.memory_space<vmem>>, %arg9: memref<8x128xi32, #tpu.memory_space<vmem>>, %arg10: memref<8x128xi32, #tpu.memory_space<vmem>>, %arg11: memref<1024x16xf32, #tpu.memory_space<vmem>>, %arg12: memref<1024x16xf32, #tpu.memory_space<vmem>>, %arg13: memref<1024x16xf32, #tpu.memory_space<vmem>>, %arg14: memref<1024x16xf32, #tpu.memory_space<vmem>>, %arg15: memref<!tpu.dma_semaphore, #tpu.memory_space<semaphore_mem>>, %arg16: memref<!tpu.dma_semaphore, #tpu.memory_space<semaphore_mem>>, %arg17: memref<!tpu.dma_semaphore, #tpu.memory_space<semaphore_mem>>, %arg18: memref<!tpu.dma_semaphore, #tpu.memory_space<semaphore_mem>>, %arg19: memref<!tpu.dma_semaphore, #tpu.memory_space<semaphore_mem>>, %arg20: memref<!tpu.dma_semaphore, #tpu.memory_space<semaphore_mem>>) attributes {dimension_semantics = [#tpu.dimension_semantics<core_parallel>, #tpu.dimension_semantics<subcore_parallel>], iteration_bounds = array<i64: 2, 16>, scalar_prefetch = 0 : i64, scratch_operands = 14 : i64, tpu.core_type = #tpu.core_type<sc_vector_subcore>, window_params = [{transform_indices = #map}, {transform_indices = #map}, {transform_indices = #map}, {transform_indices = #map}, {transform_indices = #map}]} {
    %mul3A = arith.constant 2 : i32
    %mul3A_0 = arith.muli %arg1, %mul3A : i32
    %add3A = arith.addi %mul3A_0, %arg0 : i32
    %mul3A_1 = arith.constant 200 : i32
    %mul3A_2 = arith.muli %add3A, %mul3A_1 : i32
    %add3A_3 = arith.constant 0 : i32
    %add3A_4 = arith.addi %mul3A_2, %add3A_3 : i32
    %multiple_of3A = tpu.assume_multiple %add3A_4, 8 : i32
    %dma_start3A = arith.constant 0 : i32
    %dma_start3A_5 = tpu.memref_slice %arg3[%multiple_of3A, %dma_start3A] : memref<6400x128xi32, #tpu.memory_space<hbm>> -> memref<8x128xi32, #tpu.memory_space<hbm>>
    %dma_start3A_6 = arith.constant 0 : i32
    %dma_start3A_7 = tpu.memref_slice %arg3[%multiple_of3A, %dma_start3A_6] : memref<6400x128xi32, #tpu.memory_space<hbm>> -> memref<8x128xi32, #tpu.memory_space<hbm>>
    tpu.enqueue_dma source(%dma_start3A_7 : memref<8x128xi32, #tpu.memory_space<hbm>>) target(%arg7 : memref<8x128xi32, #tpu.memory_space<vmem>>) target_semaphore(%arg17 : memref<!tpu.dma_semaphore, #tpu.memory_space<semaphore_mem>>)
    %dma_start3A_8 = arith.constant 0 : i32
    %dma_start3A_9 = tpu.memref_slice %arg4[%multiple_of3A, %dma_start3A_8] : memref<6400x128xi32, #tpu.memory_space<hbm>> -> memref<8x128xi32, #tpu.memory_space<hbm>>
    %dma_start3A_10 = arith.constant 0 : i32
    %dma_start3A_11 = tpu.memref_slice %arg4[%multiple_of3A, %dma_start3A_10] : memref<6400x128xi32, #tpu.memory_space<hbm>> -> memref<8x128xi32, #tpu.memory_space<hbm>>
    tpu.enqueue_dma source(%dma_start3A_11 : memref<8x128xi32, #tpu.memory_space<hbm>>) target(%arg8 : memref<8x128xi32, #tpu.memory_space<vmem>>) target_semaphore(%arg17 : memref<!tpu.dma_semaphore, #tpu.memory_space<semaphore_mem>>)
    %add3A_12 = arith.constant 0 : i32
    %add3A_13 = arith.addi %mul3A_2, %add3A_12 : i32
    %multiple_of3A_14 = tpu.assume_multiple %add3A_13, 8 : i32
    %dma_wait3A = arith.constant 0 : i32
    %dma_wait3A_15 = tpu.memref_slice %arg3[%multiple_of3A_14, %dma_wait3A] : memref<6400x128xi32, #tpu.memory_space<hbm>> -> memref<8x128xi32, #tpu.memory_space<hbm>>
    %dma_wait3A_16 = arith.constant 0 : i32
    %dma_wait3A_17 = tpu.memref_slice %arg3[%multiple_of3A_14, %dma_wait3A_16] : memref<6400x128xi32, #tpu.memory_space<hbm>> -> memref<8x128xi32, #tpu.memory_space<hbm>>
    tpu.wait_dma2 semaphore(%arg17 : memref<!tpu.dma_semaphore, #tpu.memory_space<semaphore_mem>>) src(%dma_wait3A_17 : memref<8x128xi32, #tpu.memory_space<hbm>>) dst(%arg7 : memref<8x128xi32, #tpu.memory_space<vmem>>)
    %dma_wait3A_18 = arith.constant 0 : i32
    %dma_wait3A_19 = tpu.memref_slice %arg4[%multiple_of3A_14, %dma_wait3A_18] : memref<6400x128xi32, #tpu.memory_space<hbm>> -> memref<8x128xi32, #tpu.memory_space<hbm>>
    %dma_wait3A_20 = arith.constant 0 : i32
    %dma_wait3A_21 = tpu.memref_slice %arg4[%multiple_of3A_14, %dma_wait3A_20] : memref<6400x128xi32, #tpu.memory_space<hbm>> -> memref<8x128xi32, #tpu.memory_space<hbm>>
    tpu.wait_dma2 semaphore(%arg17 : memref<!tpu.dma_semaphore, #tpu.memory_space<semaphore_mem>>) src(%dma_wait3A_21 : memref<8x128xi32, #tpu.memory_space<hbm>>) dst(%arg8 : memref<8x128xi32, #tpu.memory_space<vmem>>)
    %dma_start3A_22 = arith.constant 0 : i32
    %dma_start3A_23 = arith.constant 0 : i32
    %dma_start3A_24 = arith.constant 0 : i32
    %dma_start3A_25 = tpu.memref_slice %arg11[%dma_start3A_23, %dma_start3A_24] : memref<1024x16xf32, #tpu.memory_space<vmem>> -> memref<128x16xf32, #tpu.memory_space<vmem>>
    %dma_start3A_26 = arith.constant 0 : i32
    %dma_start3A_27 = tpu.memref_slice %arg7[%dma_start3A_22, %dma_start3A_26] : memref<8x128xi32, #tpu.memory_space<vmem>> -> memref<1x128xi32, #tpu.memory_space<vmem>>
    %dma_start3A_28 = tpu.memref_squeeze %dma_start3A_27 : memref<1x128xi32, #tpu.memory_space<vmem>> -> memref<128xi32, #tpu.memory_space<vmem>>
    %dma_start3A_29 = arith.constant 0 : i32
    %dma_start3A_30 = arith.constant 0 : i32
    %dma_start3A_31 = tpu.memref_slice %arg2[%dma_start3A_29, %dma_start3A_30] : memref<100000x16xf32, #tpu.memory_space<hbm>> -> memref<100000x16xf32, #tpu.memory_space<hbm>>
    tpu.enqueue_indirect_dma source(%dma_start3A_31 : memref<100000x16xf32, #tpu.memory_space<hbm>>) target(%dma_start3A_25 : memref<128x16xf32, #tpu.memory_space<vmem>>) offsets(%dma_start3A_28 : memref<128xi32, #tpu.memory_space<vmem>>) semaphore(%arg15 : memref<!tpu.dma_semaphore, #tpu.memory_space<semaphore_mem>>)
    %dma_start3A_32 = arith.constant 0 : i32
    %dma_start3A_33 = arith.constant 0 : i32
    %dma_start3A_34 = arith.constant 0 : i32
    %dma_start3A_35 = tpu.memref_slice %arg12[%dma_start3A_33, %dma_start3A_34] : memref<1024x16xf32, #tpu.memory_space<vmem>> -> memref<128x16xf32, #tpu.memory_space<vmem>>
    %dma_start3A_36 = arith.constant 0 : i32
    %dma_start3A_37 = tpu.memref_slice %arg8[%dma_start3A_32, %dma_start3A_36] : memref<8x128xi32, #tpu.memory_space<vmem>> -> memref<1x128xi32, #tpu.memory_space<vmem>>
    %dma_start3A_38 = tpu.memref_squeeze %dma_start3A_37 : memref<1x128xi32, #tpu.memory_space<vmem>> -> memref<128xi32, #tpu.memory_space<vmem>>
    %dma_start3A_39 = arith.constant 0 : i32
    %dma_start3A_40 = arith.constant 0 : i32
    %dma_start3A_41 = tpu.memref_slice %arg2[%dma_start3A_39, %dma_start3A_40] : memref<100000x16xf32, #tpu.memory_space<hbm>> -> memref<100000x16xf32, #tpu.memory_space<hbm>>
    tpu.enqueue_indirect_dma source(%dma_start3A_41 : memref<100000x16xf32, #tpu.memory_space<hbm>>) target(%dma_start3A_35 : memref<128x16xf32, #tpu.memory_space<vmem>>) offsets(%dma_start3A_38 : memref<128xi32, #tpu.memory_space<vmem>>) semaphore(%arg15 : memref<!tpu.dma_semaphore, #tpu.memory_space<semaphore_mem>>)
    %dma_start3A_42 = arith.constant 1 : i32
    %dma_start3A_43 = arith.constant 128 : i32
    %dma_start3A_44 = arith.constant 0 : i32
    %dma_start3A_45 = tpu.memref_slice %arg11[%dma_start3A_43, %dma_start3A_44] : memref<1024x16xf32, #tpu.memory_space<vmem>> -> memref<128x16xf32, #tpu.memory_space<vmem>>
    %dma_start3A_46 = arith.constant 0 : i32
    %dma_start3A_47 = tpu.memref_slice %arg7[%dma_start3A_42, %dma_start3A_46] : memref<8x128xi32, #tpu.memory_space<vmem>> -> memref<1x128xi32, #tpu.memory_space<vmem>>
    %dma_start3A_48 = tpu.memref_squeeze %dma_start3A_47 : memref<1x128xi32, #tpu.memory_space<vmem>> -> memref<128xi32, #tpu.memory_space<vmem>>
    %dma_start3A_49 = arith.constant 0 : i32
    %dma_start3A_50 = arith.constant 0 : i32
    %dma_start3A_51 = tpu.memref_slice %arg2[%dma_start3A_49, %dma_start3A_50] : memref<100000x16xf32, #tpu.memory_space<hbm>> -> memref<100000x16xf32, #tpu.memory_space<hbm>>
    tpu.enqueue_indirect_dma source(%dma_start3A_51 : memref<100000x16xf32, #tpu.memory_space<hbm>>) target(%dma_start3A_45 : memref<128x16xf32, #tpu.memory_space<vmem>>) offsets(%dma_start3A_48 : memref<128xi32, #tpu.memory_space<vmem>>) semaphore(%arg15 : memref<!tpu.dma_semaphore, #tpu.memory_space<semaphore_mem>>)
    %dma_start3A_52 = arith.constant 1 : i32
    %dma_start3A_53 = arith.constant 128 : i32
    %dma_start3A_54 = arith.constant 0 : i32
    %dma_start3A_55 = tpu.memref_slice %arg12[%dma_start3A_53, %dma_start3A_54] : memref<1024x16xf32, #tpu.memory_space<vmem>> -> memref<128x16xf32, #tpu.memory_space<vmem>>
    %dma_start3A_56 = arith.constant 0 : i32
    %dma_start3A_57 = tpu.memref_slice %arg8[%dma_start3A_52, %dma_start3A_56] : memref<8x128xi32, #tpu.memory_space<vmem>> -> memref<1x128xi32, #tpu.memory_space<vmem>>
    %dma_start3A_58 = tpu.memref_squeeze %dma_start3A_57 : memref<1x128xi32, #tpu.memory_space<vmem>> -> memref<128xi32, #tpu.memory_space<vmem>>
    %dma_start3A_59 = arith.constant 0 : i32
    %dma_start3A_60 = arith.constant 0 : i32
    %dma_start3A_61 = tpu.memref_slice %arg2[%dma_start3A_59, %dma_start3A_60] : memref<100000x16xf32, #tpu.memory_space<hbm>> -> memref<100000x16xf32, #tpu.memory_space<hbm>>
    tpu.enqueue_indirect_dma source(%dma_start3A_61 : memref<100000x16xf32, #tpu.memory_space<hbm>>) target(%dma_start3A_55 : memref<128x16xf32, #tpu.memory_space<vmem>>) offsets(%dma_start3A_58 : memref<128xi32, #tpu.memory_space<vmem>>) semaphore(%arg15 : memref<!tpu.dma_semaphore, #tpu.memory_space<semaphore_mem>>)
    %dma_start3A_62 = arith.constant 2 : i32
    %dma_start3A_63 = arith.constant 256 : i32
    %dma_start3A_64 = arith.constant 0 : i32
    %dma_start3A_65 = tpu.memref_slice %arg11[%dma_start3A_63, %dma_start3A_64] : memref<1024x16xf32, #tpu.memory_space<vmem>> -> memref<128x16xf32, #tpu.memory_space<vmem>>
    %dma_start3A_66 = arith.constant 0 : i32
    %dma_start3A_67 = tpu.memref_slice %arg7[%dma_start3A_62, %dma_start3A_66] : memref<8x128xi32, #tpu.memory_space<vmem>> -> memref<1x128xi32, #tpu.memory_space<vmem>>
    %dma_start3A_68 = tpu.memref_squeeze %dma_start3A_67 : memref<1x128xi32, #tpu.memory_space<vmem>> -> memref<128xi32, #tpu.memory_space<vmem>>
    %dma_start3A_69 = arith.constant 0 : i32
    %dma_start3A_70 = arith.constant 0 : i32
    %dma_start3A_71 = tpu.memref_slice %arg2[%dma_start3A_69, %dma_start3A_70] : memref<100000x16xf32, #tpu.memory_space<hbm>> -> memref<100000x16xf32, #tpu.memory_space<hbm>>
    tpu.enqueue_indirect_dma source(%dma_start3A_71 : memref<100000x16xf32, #tpu.memory_space<hbm>>) target(%dma_start3A_65 : memref<128x16xf32, #tpu.memory_space<vmem>>) offsets(%dma_start3A_68 : memref<128xi32, #tpu.memory_space<vmem>>) semaphore(%arg15 : memref<!tpu.dma_semaphore, #tpu.memory_space<semaphore_mem>>)
    %dma_start3A_72 = arith.constant 2 : i32
    %dma_start3A_73 = arith.constant 256 : i32
    %dma_start3A_74 = arith.constant 0 : i32
    %dma_start3A_75 = tpu.memref_slice %arg12[%dma_start3A_73, %dma_start3A_74] : memref<1024x16xf32, #tpu.memory_space<vmem>> -> memref<128x16xf32, #tpu.memory_space<vmem>>
    %dma_start3A_76 = arith.constant 0 : i32
    %dma_start3A_77 = tpu.memref_slice %arg8[%dma_start3A_72, %dma_start3A_76] : memref<8x128xi32, #tpu.memory_space<vmem>> -> memref<1x128xi32, #tpu.memory_space<vmem>>
    %dma_start3A_78 = tpu.memref_squeeze %dma_start3A_77 : memref<1x128xi32, #tpu.memory_space<vmem>> -> memref<128xi32, #tpu.memory_space<vmem>>
    %dma_start3A_79 = arith.constant 0 : i32
    %dma_start3A_80 = arith.constant 0 : i32
    %dma_start3A_81 = tpu.memref_slice %arg2[%dma_start3A_79, %dma_start3A_80] : memref<100000x16xf32, #tpu.memory_space<hbm>> -> memref<100000x16xf32, #tpu.memory_space<hbm>>
    tpu.enqueue_indirect_dma source(%dma_start3A_81 : memref<100000x16xf32, #tpu.memory_space<hbm>>) target(%dma_start3A_75 : memref<128x16xf32, #tpu.memory_space<vmem>>) offsets(%dma_start3A_78 : memref<128xi32, #tpu.memory_space<vmem>>) semaphore(%arg15 : memref<!tpu.dma_semaphore, #tpu.memory_space<semaphore_mem>>)
    %dma_start3A_82 = arith.constant 3 : i32
    %dma_start3A_83 = arith.constant 384 : i32
    %dma_start3A_84 = arith.constant 0 : i32
    %dma_start3A_85 = tpu.memref_slice %arg11[%dma_start3A_83, %dma_start3A_84] : memref<1024x16xf32, #tpu.memory_space<vmem>> -> memref<128x16xf32, #tpu.memory_space<vmem>>
    %dma_start3A_86 = arith.constant 0 : i32
    %dma_start3A_87 = tpu.memref_slice %arg7[%dma_start3A_82, %dma_start3A_86] : memref<8x128xi32, #tpu.memory_space<vmem>> -> memref<1x128xi32, #tpu.memory_space<vmem>>
    %dma_start3A_88 = tpu.memref_squeeze %dma_start3A_87 : memref<1x128xi32, #tpu.memory_space<vmem>> -> memref<128xi32, #tpu.memory_space<vmem>>
    %dma_start3A_89 = arith.constant 0 : i32
    %dma_start3A_90 = arith.constant 0 : i32
    %dma_start3A_91 = tpu.memref_slice %arg2[%dma_start3A_89, %dma_start3A_90] : memref<100000x16xf32, #tpu.memory_space<hbm>> -> memref<100000x16xf32, #tpu.memory_space<hbm>>
    tpu.enqueue_indirect_dma source(%dma_start3A_91 : memref<100000x16xf32, #tpu.memory_space<hbm>>) target(%dma_start3A_85 : memref<128x16xf32, #tpu.memory_space<vmem>>) offsets(%dma_start3A_88 : memref<128xi32, #tpu.memory_space<vmem>>) semaphore(%arg15 : memref<!tpu.dma_semaphore, #tpu.memory_space<semaphore_mem>>)
    %dma_start3A_92 = arith.constant 3 : i32
    %dma_start3A_93 = arith.constant 384 : i32
    %dma_start3A_94 = arith.constant 0 : i32
    %dma_start3A_95 = tpu.memref_slice %arg12[%dma_start3A_93, %dma_start3A_94] : memref<1024x16xf32, #tpu.memory_space<vmem>> -> memref<128x16xf32, #tpu.memory_space<vmem>>
    %dma_start3A_96 = arith.constant 0 : i32
    %dma_start3A_97 = tpu.memref_slice %arg8[%dma_start3A_92, %dma_start3A_96] : memref<8x128xi32, #tpu.memory_space<vmem>> -> memref<1x128xi32, #tpu.memory_space<vmem>>
    %dma_start3A_98 = tpu.memref_squeeze %dma_start3A_97 : memref<1x128xi32, #tpu.memory_space<vmem>> -> memref<128xi32, #tpu.memory_space<vmem>>
    %dma_start3A_99 = arith.constant 0 : i32
    %dma_start3A_100 = arith.constant 0 : i32
    %dma_start3A_101 = tpu.memref_slice %arg2[%dma_start3A_99, %dma_start3A_100] : memref<100000x16xf32, #tpu.memory_space<hbm>> -> memref<100000x16xf32, #tpu.memory_space<hbm>>
    tpu.enqueue_indirect_dma source(%dma_start3A_101 : memref<100000x16xf32, #tpu.memory_space<hbm>>) target(%dma_start3A_95 : memref<128x16xf32, #tpu.memory_space<vmem>>) offsets(%dma_start3A_98 : memref<128xi32, #tpu.memory_space<vmem>>) semaphore(%arg15 : memref<!tpu.dma_semaphore, #tpu.memory_space<semaphore_mem>>)
    %dma_start3A_102 = arith.constant 4 : i32
    %dma_start3A_103 = arith.constant 512 : i32
    %dma_start3A_104 = arith.constant 0 : i32
    %dma_start3A_105 = tpu.memref_slice %arg11[%dma_start3A_103, %dma_start3A_104] : memref<1024x16xf32, #tpu.memory_space<vmem>> -> memref<128x16xf32, #tpu.memory_space<vmem>>
    %dma_start3A_106 = arith.constant 0 : i32
    %dma_start3A_107 = tpu.memref_slice %arg7[%dma_start3A_102, %dma_start3A_106] : memref<8x128xi32, #tpu.memory_space<vmem>> -> memref<1x128xi32, #tpu.memory_space<vmem>>
    %dma_start3A_108 = tpu.memref_squeeze %dma_start3A_107 : memref<1x128xi32, #tpu.memory_space<vmem>> -> memref<128xi32, #tpu.memory_space<vmem>>
    %dma_start3A_109 = arith.constant 0 : i32
    %dma_start3A_110 = arith.constant 0 : i32
    %dma_start3A_111 = tpu.memref_slice %arg2[%dma_start3A_109, %dma_start3A_110] : memref<100000x16xf32, #tpu.memory_space<hbm>> -> memref<100000x16xf32, #tpu.memory_space<hbm>>
    tpu.enqueue_indirect_dma source(%dma_start3A_111 : memref<100000x16xf32, #tpu.memory_space<hbm>>) target(%dma_start3A_105 : memref<128x16xf32, #tpu.memory_space<vmem>>) offsets(%dma_start3A_108 : memref<128xi32, #tpu.memory_space<vmem>>) semaphore(%arg15 : memref<!tpu.dma_semaphore, #tpu.memory_space<semaphore_mem>>)
    %dma_start3A_112 = arith.constant 4 : i32
    %dma_start3A_113 = arith.constant 512 : i32
    %dma_start3A_114 = arith.constant 0 : i32
    %dma_start3A_115 = tpu.memref_slice %arg12[%dma_start3A_113, %dma_start3A_114] : memref<1024x16xf32, #tpu.memory_space<vmem>> -> memref<128x16xf32, #tpu.memory_space<vmem>>
    %dma_start3A_116 = arith.constant 0 : i32
    %dma_start3A_117 = tpu.memref_slice %arg8[%dma_start3A_112, %dma_start3A_116] : memref<8x128xi32, #tpu.memory_space<vmem>> -> memref<1x128xi32, #tpu.memory_space<vmem>>
    %dma_start3A_118 = tpu.memref_squeeze %dma_start3A_117 : memref<1x128xi32, #tpu.memory_space<vmem>> -> memref<128xi32, #tpu.memory_space<vmem>>
    %dma_start3A_119 = arith.constant 0 : i32
    %dma_start3A_120 = arith.constant 0 : i32
    %dma_start3A_121 = tpu.memref_slice %arg2[%dma_start3A_119, %dma_start3A_120] : memref<100000x16xf32, #tpu.memory_space<hbm>> -> memref<100000x16xf32, #tpu.memory_space<hbm>>
    tpu.enqueue_indirect_dma source(%dma_start3A_121 : memref<100000x16xf32, #tpu.memory_space<hbm>>) target(%dma_start3A_115 : memref<128x16xf32, #tpu.memory_space<vmem>>) offsets(%dma_start3A_118 : memref<128xi32, #tpu.memory_space<vmem>>) semaphore(%arg15 : memref<!tpu.dma_semaphore, #tpu.memory_space<semaphore_mem>>)
    %dma_start3A_122 = arith.constant 5 : i32
    %dma_start3A_123 = arith.constant 640 : i32
    %dma_start3A_124 = arith.constant 0 : i32
    %dma_start3A_125 = tpu.memref_slice %arg11[%dma_start3A_123, %dma_start3A_124] : memref<1024x16xf32, #tpu.memory_space<vmem>> -> memref<128x16xf32, #tpu.memory_space<vmem>>
    %dma_start3A_126 = arith.constant 0 : i32
    %dma_start3A_127 = tpu.memref_slice %arg7[%dma_start3A_122, %dma_start3A_126] : memref<8x128xi32, #tpu.memory_space<vmem>> -> memref<1x128xi32, #tpu.memory_space<vmem>>
    %dma_start3A_128 = tpu.memref_squeeze %dma_start3A_127 : memref<1x128xi32, #tpu.memory_space<vmem>> -> memref<128xi32, #tpu.memory_space<vmem>>
    %dma_start3A_129 = arith.constant 0 : i32
    %dma_start3A_130 = arith.constant 0 : i32
    %dma_start3A_131 = tpu.memref_slice %arg2[%dma_start3A_129, %dma_start3A_130] : memref<100000x16xf32, #tpu.memory_space<hbm>> -> memref<100000x16xf32, #tpu.memory_space<hbm>>
    tpu.enqueue_indirect_dma source(%dma_start3A_131 : memref<100000x16xf32, #tpu.memory_space<hbm>>) target(%dma_start3A_125 : memref<128x16xf32, #tpu.memory_space<vmem>>) offsets(%dma_start3A_128 : memref<128xi32, #tpu.memory_space<vmem>>) semaphore(%arg15 : memref<!tpu.dma_semaphore, #tpu.memory_space<semaphore_mem>>)
    %dma_start3A_132 = arith.constant 5 : i32
    %dma_start3A_133 = arith.constant 640 : i32
    %dma_start3A_134 = arith.constant 0 : i32
    %dma_start3A_135 = tpu.memref_slice %arg12[%dma_start3A_133, %dma_start3A_134] : memref<1024x16xf32, #tpu.memory_space<vmem>> -> memref<128x16xf32, #tpu.memory_space<vmem>>
    %dma_start3A_136 = arith.constant 0 : i32
    %dma_start3A_137 = tpu.memref_slice %arg8[%dma_start3A_132, %dma_start3A_136] : memref<8x128xi32, #tpu.memory_space<vmem>> -> memref<1x128xi32, #tpu.memory_space<vmem>>
    %dma_start3A_138 = tpu.memref_squeeze %dma_start3A_137 : memref<1x128xi32, #tpu.memory_space<vmem>> -> memref<128xi32, #tpu.memory_space<vmem>>
    %dma_start3A_139 = arith.constant 0 : i32
    %dma_start3A_140 = arith.constant 0 : i32
    %dma_start3A_141 = tpu.memref_slice %arg2[%dma_start3A_139, %dma_start3A_140] : memref<100000x16xf32, #tpu.memory_space<hbm>> -> memref<100000x16xf32, #tpu.memory_space<hbm>>
    tpu.enqueue_indirect_dma source(%dma_start3A_141 : memref<100000x16xf32, #tpu.memory_space<hbm>>) target(%dma_start3A_135 : memref<128x16xf32, #tpu.memory_space<vmem>>) offsets(%dma_start3A_138 : memref<128xi32, #tpu.memory_space<vmem>>) semaphore(%arg15 : memref<!tpu.dma_semaphore, #tpu.memory_space<semaphore_mem>>)
    %dma_start3A_142 = arith.constant 6 : i32
    %dma_start3A_143 = arith.constant 768 : i32
    %dma_start3A_144 = arith.constant 0 : i32
    %dma_start3A_145 = tpu.memref_slice %arg11[%dma_start3A_143, %dma_start3A_144] : memref<1024x16xf32, #tpu.memory_space<vmem>> -> memref<128x16xf32, #tpu.memory_space<vmem>>
    %dma_start3A_146 = arith.constant 0 : i32
    %dma_start3A_147 = tpu.memref_slice %arg7[%dma_start3A_142, %dma_start3A_146] : memref<8x128xi32, #tpu.memory_space<vmem>> -> memref<1x128xi32, #tpu.memory_space<vmem>>
    %dma_start3A_148 = tpu.memref_squeeze %dma_start3A_147 : memref<1x128xi32, #tpu.memory_space<vmem>> -> memref<128xi32, #tpu.memory_space<vmem>>
    %dma_start3A_149 = arith.constant 0 : i32
    %dma_start3A_150 = arith.constant 0 : i32
    %dma_start3A_151 = tpu.memref_slice %arg2[%dma_start3A_149, %dma_start3A_150] : memref<100000x16xf32, #tpu.memory_space<hbm>> -> memref<100000x16xf32, #tpu.memory_space<hbm>>
    tpu.enqueue_indirect_dma source(%dma_start3A_151 : memref<100000x16xf32, #tpu.memory_space<hbm>>) target(%dma_start3A_145 : memref<128x16xf32, #tpu.memory_space<vmem>>) offsets(%dma_start3A_148 : memref<128xi32, #tpu.memory_space<vmem>>) semaphore(%arg15 : memref<!tpu.dma_semaphore, #tpu.memory_space<semaphore_mem>>)
    %dma_start3A_152 = arith.constant 6 : i32
    %dma_start3A_153 = arith.constant 768 : i32
    %dma_start3A_154 = arith.constant 0 : i32
    %dma_start3A_155 = tpu.memref_slice %arg12[%dma_start3A_153, %dma_start3A_154] : memref<1024x16xf32, #tpu.memory_space<vmem>> -> memref<128x16xf32, #tpu.memory_space<vmem>>
    %dma_start3A_156 = arith.constant 0 : i32
    %dma_start3A_157 = tpu.memref_slice %arg8[%dma_start3A_152, %dma_start3A_156] : memref<8x128xi32, #tpu.memory_space<vmem>> -> memref<1x128xi32, #tpu.memory_space<vmem>>
    %dma_start3A_158 = tpu.memref_squeeze %dma_start3A_157 : memref<1x128xi32, #tpu.memory_space<vmem>> -> memref<128xi32, #tpu.memory_space<vmem>>
    %dma_start3A_159 = arith.constant 0 : i32
    %dma_start3A_160 = arith.constant 0 : i32
    %dma_start3A_161 = tpu.memref_slice %arg2[%dma_start3A_159, %dma_start3A_160] : memref<100000x16xf32, #tpu.memory_space<hbm>> -> memref<100000x16xf32, #tpu.memory_space<hbm>>
    tpu.enqueue_indirect_dma source(%dma_start3A_161 : memref<100000x16xf32, #tpu.memory_space<hbm>>) target(%dma_start3A_155 : memref<128x16xf32, #tpu.memory_space<vmem>>) offsets(%dma_start3A_158 : memref<128xi32, #tpu.memory_space<vmem>>) semaphore(%arg15 : memref<!tpu.dma_semaphore, #tpu.memory_space<semaphore_mem>>)
    %dma_start3A_162 = arith.constant 7 : i32
    %dma_start3A_163 = arith.constant 896 : i32
    %dma_start3A_164 = arith.constant 0 : i32
    %dma_start3A_165 = tpu.memref_slice %arg11[%dma_start3A_163, %dma_start3A_164] : memref<1024x16xf32, #tpu.memory_space<vmem>> -> memref<128x16xf32, #tpu.memory_space<vmem>>
    %dma_start3A_166 = arith.constant 0 : i32
    %dma_start3A_167 = tpu.memref_slice %arg7[%dma_start3A_162, %dma_start3A_166] : memref<8x128xi32, #tpu.memory_space<vmem>> -> memref<1x128xi32, #tpu.memory_space<vmem>>
    %dma_start3A_168 = tpu.memref_squeeze %dma_start3A_167 : memref<1x128xi32, #tpu.memory_space<vmem>> -> memref<128xi32, #tpu.memory_space<vmem>>
    %dma_start3A_169 = arith.constant 0 : i32
    %dma_start3A_170 = arith.constant 0 : i32
    %dma_start3A_171 = tpu.memref_slice %arg2[%dma_start3A_169, %dma_start3A_170] : memref<100000x16xf32, #tpu.memory_space<hbm>> -> memref<100000x16xf32, #tpu.memory_space<hbm>>
    tpu.enqueue_indirect_dma source(%dma_start3A_171 : memref<100000x16xf32, #tpu.memory_space<hbm>>) target(%dma_start3A_165 : memref<128x16xf32, #tpu.memory_space<vmem>>) offsets(%dma_start3A_168 : memref<128xi32, #tpu.memory_space<vmem>>) semaphore(%arg15 : memref<!tpu.dma_semaphore, #tpu.memory_space<semaphore_mem>>)
    %dma_start3A_172 = arith.constant 7 : i32
    %dma_start3A_173 = arith.constant 896 : i32
    %dma_start3A_174 = arith.constant 0 : i32
    %dma_start3A_175 = tpu.memref_slice %arg12[%dma_start3A_173, %dma_start3A_174] : memref<1024x16xf32, #tpu.memory_space<vmem>> -> memref<128x16xf32, #tpu.memory_space<vmem>>
    %dma_start3A_176 = arith.constant 0 : i32
    %dma_start3A_177 = tpu.memref_slice %arg8[%dma_start3A_172, %dma_start3A_176] : memref<8x128xi32, #tpu.memory_space<vmem>> -> memref<1x128xi32, #tpu.memory_space<vmem>>
    %dma_start3A_178 = tpu.memref_squeeze %dma_start3A_177 : memref<1x128xi32, #tpu.memory_space<vmem>> -> memref<128xi32, #tpu.memory_space<vmem>>
    %dma_start3A_179 = arith.constant 0 : i32
    %dma_start3A_180 = arith.constant 0 : i32
    %dma_start3A_181 = tpu.memref_slice %arg2[%dma_start3A_179, %dma_start3A_180] : memref<100000x16xf32, #tpu.memory_space<hbm>> -> memref<100000x16xf32, #tpu.memory_space<hbm>>
    tpu.enqueue_indirect_dma source(%dma_start3A_181 : memref<100000x16xf32, #tpu.memory_space<hbm>>) target(%dma_start3A_175 : memref<128x16xf32, #tpu.memory_space<vmem>>) offsets(%dma_start3A_178 : memref<128xi32, #tpu.memory_space<vmem>>) semaphore(%arg15 : memref<!tpu.dma_semaphore, #tpu.memory_space<semaphore_mem>>)
    %add3A_182 = arith.constant 8 : i32
    %add3A_183 = arith.addi %mul3A_2, %add3A_182 : i32
    %multiple_of3A_184 = tpu.assume_multiple %add3A_183, 8 : i32
    %dma_start3A_185 = arith.constant 0 : i32
    %dma_start3A_186 = tpu.memref_slice %arg3[%multiple_of3A_184, %dma_start3A_185] : memref<6400x128xi32, #tpu.memory_space<hbm>> -> memref<8x128xi32, #tpu.memory_space<hbm>>
    %dma_start3A_187 = arith.constant 0 : i32
    %dma_start3A_188 = tpu.memref_slice %arg3[%multiple_of3A_184, %dma_start3A_187] : memref<6400x128xi32, #tpu.memory_space<hbm>> -> memref<8x128xi32, #tpu.memory_space<hbm>>
    tpu.enqueue_dma source(%dma_start3A_188 : memref<8x128xi32, #tpu.memory_space<hbm>>) target(%arg9 : memref<8x128xi32, #tpu.memory_space<vmem>>) target_semaphore(%arg18 : memref<!tpu.dma_semaphore, #tpu.memory_space<semaphore_mem>>)
    %dma_start3A_189 = arith.constant 0 : i32
    %dma_start3A_190 = tpu.memref_slice %arg4[%multiple_of3A_184, %dma_start3A_189] : memref<6400x128xi32, #tpu.memory_space<hbm>> -> memref<8x128xi32, #tpu.memory_space<hbm>>
    %dma_start3A_191 = arith.constant 0 : i32
    %dma_start3A_192 = tpu.memref_slice %arg4[%multiple_of3A_184, %dma_start3A_191] : memref<6400x128xi32, #tpu.memory_space<hbm>> -> memref<8x128xi32, #tpu.memory_space<hbm>>
    tpu.enqueue_dma source(%dma_start3A_192 : memref<8x128xi32, #tpu.memory_space<hbm>>) target(%arg10 : memref<8x128xi32, #tpu.memory_space<vmem>>) target_semaphore(%arg18 : memref<!tpu.dma_semaphore, #tpu.memory_space<semaphore_mem>>)
    %scan3A = arith.constant 0 : i32
    %scan3A_193 = arith.constant 0 : i32
    %scan3A_194 = arith.constant 12 : i32
    %scan3A_195 = arith.addi %scan3A_193, %scan3A_194 : i32
    %scan3A_196 = arith.constant 1 : i32
    scf.for %scan3A_397 = %scan3A_193 to %scan3A_195 step %scan3A_196  : i32 {
      %mul3A_398 = arith.constant 2 : i32
      %mul3A_399 = arith.muli %mul3A_398, %scan3A_397 : i32
      %mul3A_400 = arith.constant 2 : i32
      %mul3A_401 = arith.muli %mul3A_400, %scan3A_397 : i32
      %add3A_402 = arith.constant 1 : i32
      %add3A_403 = arith.addi %mul3A_401, %add3A_402 : i32
      %mul3A_404 = arith.constant 8 : i32
      %mul3A_405 = arith.muli %mul3A_399, %mul3A_404 : i32
      %add3A_406 = arith.addi %mul3A_2, %mul3A_405 : i32
      %multiple_of3A_407 = tpu.assume_multiple %add3A_406, 8 : i32
      %mul3A_408 = arith.constant 8 : i32
      %mul3A_409 = arith.muli %add3A_403, %mul3A_408 : i32
      %add3A_410 = arith.addi %mul3A_2, %mul3A_409 : i32
      %multiple_of3A_411 = tpu.assume_multiple %add3A_410, 8 : i32
      %dma_wait3A_412 = arith.constant 0 : i32
      %dma_wait3A_413 = tpu.memref_slice %arg3[%multiple_of3A_411, %dma_wait3A_412] : memref<6400x128xi32, #tpu.memory_space<hbm>> -> memref<8x128xi32, #tpu.memory_space<hbm>>
      %dma_wait3A_414 = arith.constant 0 : i32
      %dma_wait3A_415 = tpu.memref_slice %arg3[%multiple_of3A_411, %dma_wait3A_414] : memref<6400x128xi32, #tpu.memory_space<hbm>> -> memref<8x128xi32, #tpu.memory_space<hbm>>
      tpu.wait_dma2 semaphore(%arg18 : memref<!tpu.dma_semaphore, #tpu.memory_space<semaphore_mem>>) src(%dma_wait3A_415 : memref<8x128xi32, #tpu.memory_space<hbm>>) dst(%arg9 : memref<8x128xi32, #tpu.memory_space<vmem>>)
      %dma_wait3A_416 = arith.constant 0 : i32
      %dma_wait3A_417 = tpu.memref_slice %arg4[%multiple_of3A_411, %dma_wait3A_416] : memref<6400x128xi32, #tpu.memory_space<hbm>> -> memref<8x128xi32, #tpu.memory_space<hbm>>
      %dma_wait3A_418 = arith.constant 0 : i32
      %dma_wait3A_419 = tpu.memref_slice %arg4[%multiple_of3A_411, %dma_wait3A_418] : memref<6400x128xi32, #tpu.memory_space<hbm>> -> memref<8x128xi32, #tpu.memory_space<hbm>>
      tpu.wait_dma2 semaphore(%arg18 : memref<!tpu.dma_semaphore, #tpu.memory_space<semaphore_mem>>) src(%dma_wait3A_419 : memref<8x128xi32, #tpu.memory_space<hbm>>) dst(%arg10 : memref<8x128xi32, #tpu.memory_space<vmem>>)
      %gt3A = arith.constant 0 : i32
      %gt3A_420 = arith.cmpi sgt, %scan3A_397, %gt3A : i32
      %convert_element_type3A = arith.extui %gt3A_420 : i1 to i32
      %cond3A = arith.constant 0 : i32
      %cond3A_421 = arith.cmpi ne, %convert_element_type3A, %cond3A : i32
      scf.if %cond3A_421 {
        %sub3A = arith.constant 1 : i32
        %sub3A_943 = arith.subi %mul3A_399, %sub3A : i32
        %mul3A_944 = arith.constant 8 : i32
        %mul3A_945 = arith.muli %sub3A_943, %mul3A_944 : i32
        %add3A_946 = arith.addi %mul3A_2, %mul3A_945 : i32
        %mul3A_947 = arith.constant 128 : i32
        %mul3A_948 = arith.muli %add3A_946, %mul3A_947 : i32
        %multiple_of3A_949 = tpu.assume_multiple %mul3A_948, 1024 : i32
        %dma_wait3A_950 = arith.constant 0 : i32
        %dma_wait3A_951 = tpu.memref_slice %arg5[%multiple_of3A_949, %dma_wait3A_950] : memref<819200x16xf32, #tpu.memory_space<hbm>> -> memref<1024x16xf32, #tpu.memory_space<hbm>>
        %dma_wait3A_952 = arith.constant 0 : i32
        %dma_wait3A_953 = tpu.memref_slice %arg5[%multiple_of3A_949, %dma_wait3A_952] : memref<819200x16xf32, #tpu.memory_space<hbm>> -> memref<1024x16xf32, #tpu.memory_space<hbm>>
        tpu.wait_dma2 semaphore(%arg20 : memref<!tpu.dma_semaphore, #tpu.memory_space<semaphore_mem>>) src(%arg13 : memref<1024x16xf32, #tpu.memory_space<vmem>>) dst(%dma_wait3A_953 : memref<1024x16xf32, #tpu.memory_space<hbm>>)
        %dma_wait3A_954 = arith.constant 0 : i32
        %dma_wait3A_955 = tpu.memref_slice %arg6[%multiple_of3A_949, %dma_wait3A_954] : memref<819200x16xf32, #tpu.memory_space<hbm>> -> memref<1024x16xf32, #tpu.memory_space<hbm>>
        %dma_wait3A_956 = arith.constant 0 : i32
        %dma_wait3A_957 = tpu.memref_slice %arg6[%multiple_of3A_949, %dma_wait3A_956] : memref<819200x16xf32, #tpu.memory_space<hbm>> -> memref<1024x16xf32, #tpu.memory_space<hbm>>
        tpu.wait_dma2 semaphore(%arg20 : memref<!tpu.dma_semaphore, #tpu.memory_space<semaphore_mem>>) src(%arg14 : memref<1024x16xf32, #tpu.memory_space<vmem>>) dst(%dma_wait3A_957 : memref<1024x16xf32, #tpu.memory_space<hbm>>)
      } else {
      }
      %dma_start3A_422 = arith.constant 0 : i32
      %dma_start3A_423 = arith.constant 0 : i32
      %dma_start3A_424 = arith.constant 0 : i32
      %dma_start3A_425 = tpu.memref_slice %arg13[%dma_start3A_423, %dma_start3A_424] : memref<1024x16xf32, #tpu.memory_space<vmem>> -> memref<128x16xf32, #tpu.memory_space<vmem>>
      %dma_start3A_426 = arith.constant 0 : i32
      %dma_start3A_427 = tpu.memref_slice %arg9[%dma_start3A_422, %dma_start3A_426] : memref<8x128xi32, #tpu.memory_space<vmem>> -> memref<1x128xi32, #tpu.memory_space<vmem>>
      %dma_start3A_428 = tpu.memref_squeeze %dma_start3A_427 : memref<1x128xi32, #tpu.memory_space<vmem>> -> memref<128xi32, #tpu.memory_space<vmem>>
      %dma_start3A_429 = arith.constant 0 : i32
      %dma_start3A_430 = arith.constant 0 : i32
      %dma_start3A_431 = tpu.memref_slice %arg2[%dma_start3A_429, %dma_start3A_430] : memref<100000x16xf32, #tpu.memory_space<hbm>> -> memref<100000x16xf32, #tpu.memory_space<hbm>>
      tpu.enqueue_indirect_dma source(%dma_start3A_431 : memref<100000x16xf32, #tpu.memory_space<hbm>>) target(%dma_start3A_425 : memref<128x16xf32, #tpu.memory_space<vmem>>) offsets(%dma_start3A_428 : memref<128xi32, #tpu.memory_space<vmem>>) semaphore(%arg16 : memref<!tpu.dma_semaphore, #tpu.memory_space<semaphore_mem>>)
      %dma_start3A_432 = arith.constant 0 : i32
      %dma_start3A_433 = arith.constant 0 : i32
      %dma_start3A_434 = arith.constant 0 : i32
      %dma_start3A_435 = tpu.memref_slice %arg14[%dma_start3A_433, %dma_start3A_434] : memref<1024x16xf32, #tpu.memory_space<vmem>> -> memref<128x16xf32, #tpu.memory_space<vmem>>
      %dma_start3A_436 = arith.constant 0 : i32
      %dma_start3A_437 = tpu.memref_slice %arg10[%dma_start3A_432, %dma_start3A_436] : memref<8x128xi32, #tpu.memory_space<vmem>> -> memref<1x128xi32, #tpu.memory_space<vmem>>
      %dma_start3A_438 = tpu.memref_squeeze %dma_start3A_437 : memref<1x128xi32, #tpu.memory_space<vmem>> -> memref<128xi32, #tpu.memory_space<vmem>>
      %dma_start3A_439 = arith.constant 0 : i32
      %dma_start3A_440 = arith.constant 0 : i32
      %dma_start3A_441 = tpu.memref_slice %arg2[%dma_start3A_439, %dma_start3A_440] : memref<100000x16xf32, #tpu.memory_space<hbm>> -> memref<100000x16xf32, #tpu.memory_space<hbm>>
      tpu.enqueue_indirect_dma source(%dma_start3A_441 : memref<100000x16xf32, #tpu.memory_space<hbm>>) target(%dma_start3A_435 : memref<128x16xf32, #tpu.memory_space<vmem>>) offsets(%dma_start3A_438 : memref<128xi32, #tpu.memory_space<vmem>>) semaphore(%arg16 : memref<!tpu.dma_semaphore, #tpu.memory_space<semaphore_mem>>)
      %dma_start3A_442 = arith.constant 1 : i32
      %dma_start3A_443 = arith.constant 128 : i32
      %dma_start3A_444 = arith.constant 0 : i32
      %dma_start3A_445 = tpu.memref_slice %arg13[%dma_start3A_443, %dma_start3A_444] : memref<1024x16xf32, #tpu.memory_space<vmem>> -> memref<128x16xf32, #tpu.memory_space<vmem>>
      %dma_start3A_446 = arith.constant 0 : i32
      %dma_start3A_447 = tpu.memref_slice %arg9[%dma_start3A_442, %dma_start3A_446] : memref<8x128xi32, #tpu.memory_space<vmem>> -> memref<1x128xi32, #tpu.memory_space<vmem>>
      %dma_start3A_448 = tpu.memref_squeeze %dma_start3A_447 : memref<1x128xi32, #tpu.memory_space<vmem>> -> memref<128xi32, #tpu.memory_space<vmem>>
      %dma_start3A_449 = arith.constant 0 : i32
      %dma_start3A_450 = arith.constant 0 : i32
      %dma_start3A_451 = tpu.memref_slice %arg2[%dma_start3A_449, %dma_start3A_450] : memref<100000x16xf32, #tpu.memory_space<hbm>> -> memref<100000x16xf32, #tpu.memory_space<hbm>>
      tpu.enqueue_indirect_dma source(%dma_start3A_451 : memref<100000x16xf32, #tpu.memory_space<hbm>>) target(%dma_start3A_445 : memref<128x16xf32, #tpu.memory_space<vmem>>) offsets(%dma_start3A_448 : memref<128xi32, #tpu.memory_space<vmem>>) semaphore(%arg16 : memref<!tpu.dma_semaphore, #tpu.memory_space<semaphore_mem>>)
      %dma_start3A_452 = arith.constant 1 : i32
      %dma_start3A_453 = arith.constant 128 : i32
      %dma_start3A_454 = arith.constant 0 : i32
      %dma_start3A_455 = tpu.memref_slice %arg14[%dma_start3A_453, %dma_start3A_454] : memref<1024x16xf32, #tpu.memory_space<vmem>> -> memref<128x16xf32, #tpu.memory_space<vmem>>
      %dma_start3A_456 = arith.constant 0 : i32
      %dma_start3A_457 = tpu.memref_slice %arg10[%dma_start3A_452, %dma_start3A_456] : memref<8x128xi32, #tpu.memory_space<vmem>> -> memref<1x128xi32, #tpu.memory_space<vmem>>
      %dma_start3A_458 = tpu.memref_squeeze %dma_start3A_457 : memref<1x128xi32, #tpu.memory_space<vmem>> -> memref<128xi32, #tpu.memory_space<vmem>>
      %dma_start3A_459 = arith.constant 0 : i32
      %dma_start3A_460 = arith.constant 0 : i32
      %dma_start3A_461 = tpu.memref_slice %arg2[%dma_start3A_459, %dma_start3A_460] : memref<100000x16xf32, #tpu.memory_space<hbm>> -> memref<100000x16xf32, #tpu.memory_space<hbm>>
      tpu.enqueue_indirect_dma source(%dma_start3A_461 : memref<100000x16xf32, #tpu.memory_space<hbm>>) target(%dma_start3A_455 : memref<128x16xf32, #tpu.memory_space<vmem>>) offsets(%dma_start3A_458 : memref<128xi32, #tpu.memory_space<vmem>>) semaphore(%arg16 : memref<!tpu.dma_semaphore, #tpu.memory_space<semaphore_mem>>)
      %dma_start3A_462 = arith.constant 2 : i32
      %dma_start3A_463 = arith.constant 256 : i32
      %dma_start3A_464 = arith.constant 0 : i32
      %dma_start3A_465 = tpu.memref_slice %arg13[%dma_start3A_463, %dma_start3A_464] : memref<1024x16xf32, #tpu.memory_space<vmem>> -> memref<128x16xf32, #tpu.memory_space<vmem>>
      %dma_start3A_466 = arith.constant 0 : i32
      %dma_start3A_467 = tpu.memref_slice %arg9[%dma_start3A_462, %dma_start3A_466] : memref<8x128xi32, #tpu.memory_space<vmem>> -> memref<1x128xi32, #tpu.memory_space<vmem>>
      %dma_start3A_468 = tpu.memref_squeeze %dma_start3A_467 : memref<1x128xi32, #tpu.memory_space<vmem>> -> memref<128xi32, #tpu.memory_space<vmem>>
      %dma_start3A_469 = arith.constant 0 : i32
      %dma_start3A_470 = arith.constant 0 : i32
      %dma_start3A_471 = tpu.memref_slice %arg2[%dma_start3A_469, %dma_start3A_470] : memref<100000x16xf32, #tpu.memory_space<hbm>> -> memref<100000x16xf32, #tpu.memory_space<hbm>>
      tpu.enqueue_indirect_dma source(%dma_start3A_471 : memref<100000x16xf32, #tpu.memory_space<hbm>>) target(%dma_start3A_465 : memref<128x16xf32, #tpu.memory_space<vmem>>) offsets(%dma_start3A_468 : memref<128xi32, #tpu.memory_space<vmem>>) semaphore(%arg16 : memref<!tpu.dma_semaphore, #tpu.memory_space<semaphore_mem>>)
      %dma_start3A_472 = arith.constant 2 : i32
      %dma_start3A_473 = arith.constant 256 : i32
      %dma_start3A_474 = arith.constant 0 : i32
      %dma_start3A_475 = tpu.memref_slice %arg14[%dma_start3A_473, %dma_start3A_474] : memref<1024x16xf32, #tpu.memory_space<vmem>> -> memref<128x16xf32, #tpu.memory_space<vmem>>
      %dma_start3A_476 = arith.constant 0 : i32
      %dma_start3A_477 = tpu.memref_slice %arg10[%dma_start3A_472, %dma_start3A_476] : memref<8x128xi32, #tpu.memory_space<vmem>> -> memref<1x128xi32, #tpu.memory_space<vmem>>
      %dma_start3A_478 = tpu.memref_squeeze %dma_start3A_477 : memref<1x128xi32, #tpu.memory_space<vmem>> -> memref<128xi32, #tpu.memory_space<vmem>>
      %dma_start3A_479 = arith.constant 0 : i32
      %dma_start3A_480 = arith.constant 0 : i32
      %dma_start3A_481 = tpu.memref_slice %arg2[%dma_start3A_479, %dma_start3A_480] : memref<100000x16xf32, #tpu.memory_space<hbm>> -> memref<100000x16xf32, #tpu.memory_space<hbm>>
      tpu.enqueue_indirect_dma source(%dma_start3A_481 : memref<100000x16xf32, #tpu.memory_space<hbm>>) target(%dma_start3A_475 : memref<128x16xf32, #tpu.memory_space<vmem>>) offsets(%dma_start3A_478 : memref<128xi32, #tpu.memory_space<vmem>>) semaphore(%arg16 : memref<!tpu.dma_semaphore, #tpu.memory_space<semaphore_mem>>)
      %dma_start3A_482 = arith.constant 3 : i32
      %dma_start3A_483 = arith.constant 384 : i32
      %dma_start3A_484 = arith.constant 0 : i32
      %dma_start3A_485 = tpu.memref_slice %arg13[%dma_start3A_483, %dma_start3A_484] : memref<1024x16xf32, #tpu.memory_space<vmem>> -> memref<128x16xf32, #tpu.memory_space<vmem>>
      %dma_start3A_486 = arith.constant 0 : i32
      %dma_start3A_487 = tpu.memref_slice %arg9[%dma_start3A_482, %dma_start3A_486] : memref<8x128xi32, #tpu.memory_space<vmem>> -> memref<1x128xi32, #tpu.memory_space<vmem>>
      %dma_start3A_488 = tpu.memref_squeeze %dma_start3A_487 : memref<1x128xi32, #tpu.memory_space<vmem>> -> memref<128xi32, #tpu.memory_space<vmem>>
      %dma_start3A_489 = arith.constant 0 : i32
      %dma_start3A_490 = arith.constant 0 : i32
      %dma_start3A_491 = tpu.memref_slice %arg2[%dma_start3A_489, %dma_start3A_490] : memref<100000x16xf32, #tpu.memory_space<hbm>> -> memref<100000x16xf32, #tpu.memory_space<hbm>>
      tpu.enqueue_indirect_dma source(%dma_start3A_491 : memref<100000x16xf32, #tpu.memory_space<hbm>>) target(%dma_start3A_485 : memref<128x16xf32, #tpu.memory_space<vmem>>) offsets(%dma_start3A_488 : memref<128xi32, #tpu.memory_space<vmem>>) semaphore(%arg16 : memref<!tpu.dma_semaphore, #tpu.memory_space<semaphore_mem>>)
      %dma_start3A_492 = arith.constant 3 : i32
      %dma_start3A_493 = arith.constant 384 : i32
      %dma_start3A_494 = arith.constant 0 : i32
      %dma_start3A_495 = tpu.memref_slice %arg14[%dma_start3A_493, %dma_start3A_494] : memref<1024x16xf32, #tpu.memory_space<vmem>> -> memref<128x16xf32, #tpu.memory_space<vmem>>
      %dma_start3A_496 = arith.constant 0 : i32
      %dma_start3A_497 = tpu.memref_slice %arg10[%dma_start3A_492, %dma_start3A_496] : memref<8x128xi32, #tpu.memory_space<vmem>> -> memref<1x128xi32, #tpu.memory_space<vmem>>
      %dma_start3A_498 = tpu.memref_squeeze %dma_start3A_497 : memref<1x128xi32, #tpu.memory_space<vmem>> -> memref<128xi32, #tpu.memory_space<vmem>>
      %dma_start3A_499 = arith.constant 0 : i32
      %dma_start3A_500 = arith.constant 0 : i32
      %dma_start3A_501 = tpu.memref_slice %arg2[%dma_start3A_499, %dma_start3A_500] : memref<100000x16xf32, #tpu.memory_space<hbm>> -> memref<100000x16xf32, #tpu.memory_space<hbm>>
      tpu.enqueue_indirect_dma source(%dma_start3A_501 : memref<100000x16xf32, #tpu.memory_space<hbm>>) target(%dma_start3A_495 : memref<128x16xf32, #tpu.memory_space<vmem>>) offsets(%dma_start3A_498 : memref<128xi32, #tpu.memory_space<vmem>>) semaphore(%arg16 : memref<!tpu.dma_semaphore, #tpu.memory_space<semaphore_mem>>)
      %dma_start3A_502 = arith.constant 4 : i32
      %dma_start3A_503 = arith.constant 512 : i32
      %dma_start3A_504 = arith.constant 0 : i32
      %dma_start3A_505 = tpu.memref_slice %arg13[%dma_start3A_503, %dma_start3A_504] : memref<1024x16xf32, #tpu.memory_space<vmem>> -> memref<128x16xf32, #tpu.memory_space<vmem>>
      %dma_start3A_506 = arith.constant 0 : i32
      %dma_start3A_507 = tpu.memref_slice %arg9[%dma_start3A_502, %dma_start3A_506] : memref<8x128xi32, #tpu.memory_space<vmem>> -> memref<1x128xi32, #tpu.memory_space<vmem>>
      %dma_start3A_508 = tpu.memref_squeeze %dma_start3A_507 : memref<1x128xi32, #tpu.memory_space<vmem>> -> memref<128xi32, #tpu.memory_space<vmem>>
      %dma_start3A_509 = arith.constant 0 : i32
      %dma_start3A_510 = arith.constant 0 : i32
      %dma_start3A_511 = tpu.memref_slice %arg2[%dma_start3A_509, %dma_start3A_510] : memref<100000x16xf32, #tpu.memory_space<hbm>> -> memref<100000x16xf32, #tpu.memory_space<hbm>>
      tpu.enqueue_indirect_dma source(%dma_start3A_511 : memref<100000x16xf32, #tpu.memory_space<hbm>>) target(%dma_start3A_505 : memref<128x16xf32, #tpu.memory_space<vmem>>) offsets(%dma_start3A_508 : memref<128xi32, #tpu.memory_space<vmem>>) semaphore(%arg16 : memref<!tpu.dma_semaphore, #tpu.memory_space<semaphore_mem>>)
      %dma_start3A_512 = arith.constant 4 : i32
      %dma_start3A_513 = arith.constant 512 : i32
      %dma_start3A_514 = arith.constant 0 : i32
      %dma_start3A_515 = tpu.memref_slice %arg14[%dma_start3A_513, %dma_start3A_514] : memref<1024x16xf32, #tpu.memory_space<vmem>> -> memref<128x16xf32, #tpu.memory_space<vmem>>
      %dma_start3A_516 = arith.constant 0 : i32
      %dma_start3A_517 = tpu.memref_slice %arg10[%dma_start3A_512, %dma_start3A_516] : memref<8x128xi32, #tpu.memory_space<vmem>> -> memref<1x128xi32, #tpu.memory_space<vmem>>
      %dma_start3A_518 = tpu.memref_squeeze %dma_start3A_517 : memref<1x128xi32, #tpu.memory_space<vmem>> -> memref<128xi32, #tpu.memory_space<vmem>>
      %dma_start3A_519 = arith.constant 0 : i32
      %dma_start3A_520 = arith.constant 0 : i32
      %dma_start3A_521 = tpu.memref_slice %arg2[%dma_start3A_519, %dma_start3A_520] : memref<100000x16xf32, #tpu.memory_space<hbm>> -> memref<100000x16xf32, #tpu.memory_space<hbm>>
      tpu.enqueue_indirect_dma source(%dma_start3A_521 : memref<100000x16xf32, #tpu.memory_space<hbm>>) target(%dma_start3A_515 : memref<128x16xf32, #tpu.memory_space<vmem>>) offsets(%dma_start3A_518 : memref<128xi32, #tpu.memory_space<vmem>>) semaphore(%arg16 : memref<!tpu.dma_semaphore, #tpu.memory_space<semaphore_mem>>)
      %dma_start3A_522 = arith.constant 5 : i32
      %dma_start3A_523 = arith.constant 640 : i32
      %dma_start3A_524 = arith.constant 0 : i32
      %dma_start3A_525 = tpu.memref_slice %arg13[%dma_start3A_523, %dma_start3A_524] : memref<1024x16xf32, #tpu.memory_space<vmem>> -> memref<128x16xf32, #tpu.memory_space<vmem>>
      %dma_start3A_526 = arith.constant 0 : i32
      %dma_start3A_527 = tpu.memref_slice %arg9[%dma_start3A_522, %dma_start3A_526] : memref<8x128xi32, #tpu.memory_space<vmem>> -> memref<1x128xi32, #tpu.memory_space<vmem>>
      %dma_start3A_528 = tpu.memref_squeeze %dma_start3A_527 : memref<1x128xi32, #tpu.memory_space<vmem>> -> memref<128xi32, #tpu.memory_space<vmem>>
      %dma_start3A_529 = arith.constant 0 : i32
      %dma_start3A_530 = arith.constant 0 : i32
      %dma_start3A_531 = tpu.memref_slice %arg2[%dma_start3A_529, %dma_start3A_530] : memref<100000x16xf32, #tpu.memory_space<hbm>> -> memref<100000x16xf32, #tpu.memory_space<hbm>>
      tpu.enqueue_indirect_dma source(%dma_start3A_531 : memref<100000x16xf32, #tpu.memory_space<hbm>>) target(%dma_start3A_525 : memref<128x16xf32, #tpu.memory_space<vmem>>) offsets(%dma_start3A_528 : memref<128xi32, #tpu.memory_space<vmem>>) semaphore(%arg16 : memref<!tpu.dma_semaphore, #tpu.memory_space<semaphore_mem>>)
      %dma_start3A_532 = arith.constant 5 : i32
      %dma_start3A_533 = arith.constant 640 : i32
      %dma_start3A_534 = arith.constant 0 : i32
      %dma_start3A_535 = tpu.memref_slice %arg14[%dma_start3A_533, %dma_start3A_534] : memref<1024x16xf32, #tpu.memory_space<vmem>> -> memref<128x16xf32, #tpu.memory_space<vmem>>
      %dma_start3A_536 = arith.constant 0 : i32
      %dma_start3A_537 = tpu.memref_slice %arg10[%dma_start3A_532, %dma_start3A_536] : memref<8x128xi32, #tpu.memory_space<vmem>> -> memref<1x128xi32, #tpu.memory_space<vmem>>
      %dma_start3A_538 = tpu.memref_squeeze %dma_start3A_537 : memref<1x128xi32, #tpu.memory_space<vmem>> -> memref<128xi32, #tpu.memory_space<vmem>>
      %dma_start3A_539 = arith.constant 0 : i32
      %dma_start3A_540 = arith.constant 0 : i32
      %dma_start3A_541 = tpu.memref_slice %arg2[%dma_start3A_539, %dma_start3A_540] : memref<100000x16xf32, #tpu.memory_space<hbm>> -> memref<100000x16xf32, #tpu.memory_space<hbm>>
      tpu.enqueue_indirect_dma source(%dma_start3A_541 : memref<100000x16xf32, #tpu.memory_space<hbm>>) target(%dma_start3A_535 : memref<128x16xf32, #tpu.memory_space<vmem>>) offsets(%dma_start3A_538 : memref<128xi32, #tpu.memory_space<vmem>>) semaphore(%arg16 : memref<!tpu.dma_semaphore, #tpu.memory_space<semaphore_mem>>)
      %dma_start3A_542 = arith.constant 6 : i32
      %dma_start3A_543 = arith.constant 768 : i32
      %dma_start3A_544 = arith.constant 0 : i32
      %dma_start3A_545 = tpu.memref_slice %arg13[%dma_start3A_543, %dma_start3A_544] : memref<1024x16xf32, #tpu.memory_space<vmem>> -> memref<128x16xf32, #tpu.memory_space<vmem>>
      %dma_start3A_546 = arith.constant 0 : i32
      %dma_start3A_547 = tpu.memref_slice %arg9[%dma_start3A_542, %dma_start3A_546] : memref<8x128xi32, #tpu.memory_space<vmem>> -> memref<1x128xi32, #tpu.memory_space<vmem>>
      %dma_start3A_548 = tpu.memref_squeeze %dma_start3A_547 : memref<1x128xi32, #tpu.memory_space<vmem>> -> memref<128xi32, #tpu.memory_space<vmem>>
      %dma_start3A_549 = arith.constant 0 : i32
      %dma_start3A_550 = arith.constant 0 : i32
      %dma_start3A_551 = tpu.memref_slice %arg2[%dma_start3A_549, %dma_start3A_550] : memref<100000x16xf32, #tpu.memory_space<hbm>> -> memref<100000x16xf32, #tpu.memory_space<hbm>>
      tpu.enqueue_indirect_dma source(%dma_start3A_551 : memref<100000x16xf32, #tpu.memory_space<hbm>>) target(%dma_start3A_545 : memref<128x16xf32, #tpu.memory_space<vmem>>) offsets(%dma_start3A_548 : memref<128xi32, #tpu.memory_space<vmem>>) semaphore(%arg16 : memref<!tpu.dma_semaphore, #tpu.memory_space<semaphore_mem>>)
      %dma_start3A_552 = arith.constant 6 : i32
      %dma_start3A_553 = arith.constant 768 : i32
      %dma_start3A_554 = arith.constant 0 : i32
      %dma_start3A_555 = tpu.memref_slice %arg14[%dma_start3A_553, %dma_start3A_554] : memref<1024x16xf32, #tpu.memory_space<vmem>> -> memref<128x16xf32, #tpu.memory_space<vmem>>
      %dma_start3A_556 = arith.constant 0 : i32
      %dma_start3A_557 = tpu.memref_slice %arg10[%dma_start3A_552, %dma_start3A_556] : memref<8x128xi32, #tpu.memory_space<vmem>> -> memref<1x128xi32, #tpu.memory_space<vmem>>
      %dma_start3A_558 = tpu.memref_squeeze %dma_start3A_557 : memref<1x128xi32, #tpu.memory_space<vmem>> -> memref<128xi32, #tpu.memory_space<vmem>>
      %dma_start3A_559 = arith.constant 0 : i32
      %dma_start3A_560 = arith.constant 0 : i32
      %dma_start3A_561 = tpu.memref_slice %arg2[%dma_start3A_559, %dma_start3A_560] : memref<100000x16xf32, #tpu.memory_space<hbm>> -> memref<100000x16xf32, #tpu.memory_space<hbm>>
      tpu.enqueue_indirect_dma source(%dma_start3A_561 : memref<100000x16xf32, #tpu.memory_space<hbm>>) target(%dma_start3A_555 : memref<128x16xf32, #tpu.memory_space<vmem>>) offsets(%dma_start3A_558 : memref<128xi32, #tpu.memory_space<vmem>>) semaphore(%arg16 : memref<!tpu.dma_semaphore, #tpu.memory_space<semaphore_mem>>)
      %dma_start3A_562 = arith.constant 7 : i32
      %dma_start3A_563 = arith.constant 896 : i32
      %dma_start3A_564 = arith.constant 0 : i32
      %dma_start3A_565 = tpu.memref_slice %arg13[%dma_start3A_563, %dma_start3A_564] : memref<1024x16xf32, #tpu.memory_space<vmem>> -> memref<128x16xf32, #tpu.memory_space<vmem>>
      %dma_start3A_566 = arith.constant 0 : i32
      %dma_start3A_567 = tpu.memref_slice %arg9[%dma_start3A_562, %dma_start3A_566] : memref<8x128xi32, #tpu.memory_space<vmem>> -> memref<1x128xi32, #tpu.memory_space<vmem>>
      %dma_start3A_568 = tpu.memref_squeeze %dma_start3A_567 : memref<1x128xi32, #tpu.memory_space<vmem>> -> memref<128xi32, #tpu.memory_space<vmem>>
      %dma_start3A_569 = arith.constant 0 : i32
      %dma_start3A_570 = arith.constant 0 : i32
      %dma_start3A_571 = tpu.memref_slice %arg2[%dma_start3A_569, %dma_start3A_570] : memref<100000x16xf32, #tpu.memory_space<hbm>> -> memref<100000x16xf32, #tpu.memory_space<hbm>>
      tpu.enqueue_indirect_dma source(%dma_start3A_571 : memref<100000x16xf32, #tpu.memory_space<hbm>>) target(%dma_start3A_565 : memref<128x16xf32, #tpu.memory_space<vmem>>) offsets(%dma_start3A_568 : memref<128xi32, #tpu.memory_space<vmem>>) semaphore(%arg16 : memref<!tpu.dma_semaphore, #tpu.memory_space<semaphore_mem>>)
      %dma_start3A_572 = arith.constant 7 : i32
      %dma_start3A_573 = arith.constant 896 : i32
      %dma_start3A_574 = arith.constant 0 : i32
      %dma_start3A_575 = tpu.memref_slice %arg14[%dma_start3A_573, %dma_start3A_574] : memref<1024x16xf32, #tpu.memory_space<vmem>> -> memref<128x16xf32, #tpu.memory_space<vmem>>
      %dma_start3A_576 = arith.constant 0 : i32
      %dma_start3A_577 = tpu.memref_slice %arg10[%dma_start3A_572, %dma_start3A_576] : memref<8x128xi32, #tpu.memory_space<vmem>> -> memref<1x128xi32, #tpu.memory_space<vmem>>
      %dma_start3A_578 = tpu.memref_squeeze %dma_start3A_577 : memref<1x128xi32, #tpu.memory_space<vmem>> -> memref<128xi32, #tpu.memory_space<vmem>>
      %dma_start3A_579 = arith.constant 0 : i32
      %dma_start3A_580 = arith.constant 0 : i32
      %dma_start3A_581 = tpu.memref_slice %arg2[%dma_start3A_579, %dma_start3A_580] : memref<100000x16xf32, #tpu.memory_space<hbm>> -> memref<100000x16xf32, #tpu.memory_space<hbm>>
      tpu.enqueue_indirect_dma source(%dma_start3A_581 : memref<100000x16xf32, #tpu.memory_space<hbm>>) target(%dma_start3A_575 : memref<128x16xf32, #tpu.memory_space<vmem>>) offsets(%dma_start3A_578 : memref<128xi32, #tpu.memory_space<vmem>>) semaphore(%arg16 : memref<!tpu.dma_semaphore, #tpu.memory_space<semaphore_mem>>)
      %dma_wait3A_582 = arith.constant 0 : i32
      %dma_wait3A_583 = arith.constant 0 : i32
      %dma_wait3A_584 = arith.constant 0 : i32
      %dma_wait3A_585 = tpu.memref_slice %arg11[%dma_wait3A_583, %dma_wait3A_584] : memref<1024x16xf32, #tpu.memory_space<vmem>> -> memref<128x16xf32, #tpu.memory_space<vmem>>
      %dma_wait3A_586 = arith.constant 0 : i32
      %dma_wait3A_587 = tpu.memref_slice %arg7[%dma_wait3A_582, %dma_wait3A_586] : memref<8x128xi32, #tpu.memory_space<vmem>> -> memref<1x128xi32, #tpu.memory_space<vmem>>
      %dma_wait3A_588 = tpu.memref_squeeze %dma_wait3A_587 : memref<1x128xi32, #tpu.memory_space<vmem>> -> memref<128xi32, #tpu.memory_space<vmem>>
      %dma_wait3A_589 = arith.constant 0 : i32
      %dma_wait3A_590 = arith.constant 0 : i32
      %dma_wait3A_591 = tpu.memref_slice %arg2[%dma_wait3A_589, %dma_wait3A_590] : memref<100000x16xf32, #tpu.memory_space<hbm>> -> memref<100000x16xf32, #tpu.memory_space<hbm>>
      tpu.wait_indirect_dma semaphore(%arg15 : memref<!tpu.dma_semaphore, #tpu.memory_space<semaphore_mem>>) src(%dma_wait3A_591 : memref<100000x16xf32, #tpu.memory_space<hbm>>) dst(%dma_wait3A_585 : memref<128x16xf32, #tpu.memory_space<vmem>>)
      %dma_wait3A_592 = arith.constant 0 : i32
      %dma_wait3A_593 = arith.constant 0 : i32
      %dma_wait3A_594 = arith.constant 0 : i32
      %dma_wait3A_595 = tpu.memref_slice %arg12[%dma_wait3A_593, %dma_wait3A_594] : memref<1024x16xf32, #tpu.memory_space<vmem>> -> memref<128x16xf32, #tpu.memory_space<vmem>>
      %dma_wait3A_596 = arith.constant 0 : i32
      %dma_wait3A_597 = tpu.memref_slice %arg8[%dma_wait3A_592, %dma_wait3A_596] : memref<8x128xi32, #tpu.memory_space<vmem>> -> memref<1x128xi32, #tpu.memory_space<vmem>>
      %dma_wait3A_598 = tpu.memref_squeeze %dma_wait3A_597 : memref<1x128xi32, #tpu.memory_space<vmem>> -> memref<128xi32, #tpu.memory_space<vmem>>
      %dma_wait3A_599 = arith.constant 0 : i32
      %dma_wait3A_600 = arith.constant 0 : i32
      %dma_wait3A_601 = tpu.memref_slice %arg2[%dma_wait3A_599, %dma_wait3A_600] : memref<100000x16xf32, #tpu.memory_space<hbm>> -> memref<100000x16xf32, #tpu.memory_space<hbm>>
      tpu.wait_indirect_dma semaphore(%arg15 : memref<!tpu.dma_semaphore, #tpu.memory_space<semaphore_mem>>) src(%dma_wait3A_601 : memref<100000x16xf32, #tpu.memory_space<hbm>>) dst(%dma_wait3A_595 : memref<128x16xf32, #tpu.memory_space<vmem>>)
      %dma_wait3A_602 = arith.constant 1 : i32
      %dma_wait3A_603 = arith.constant 128 : i32
      %dma_wait3A_604 = arith.constant 0 : i32
      %dma_wait3A_605 = tpu.memref_slice %arg11[%dma_wait3A_603, %dma_wait3A_604] : memref<1024x16xf32, #tpu.memory_space<vmem>> -> memref<128x16xf32, #tpu.memory_space<vmem>>
      %dma_wait3A_606 = arith.constant 0 : i32
      %dma_wait3A_607 = tpu.memref_slice %arg7[%dma_wait3A_602, %dma_wait3A_606] : memref<8x128xi32, #tpu.memory_space<vmem>> -> memref<1x128xi32, #tpu.memory_space<vmem>>
      %dma_wait3A_608 = tpu.memref_squeeze %dma_wait3A_607 : memref<1x128xi32, #tpu.memory_space<vmem>> -> memref<128xi32, #tpu.memory_space<vmem>>
      %dma_wait3A_609 = arith.constant 0 : i32
      %dma_wait3A_610 = arith.constant 0 : i32
      %dma_wait3A_611 = tpu.memref_slice %arg2[%dma_wait3A_609, %dma_wait3A_610] : memref<100000x16xf32, #tpu.memory_space<hbm>> -> memref<100000x16xf32, #tpu.memory_space<hbm>>
      tpu.wait_indirect_dma semaphore(%arg15 : memref<!tpu.dma_semaphore, #tpu.memory_space<semaphore_mem>>) src(%dma_wait3A_611 : memref<100000x16xf32, #tpu.memory_space<hbm>>) dst(%dma_wait3A_605 : memref<128x16xf32, #tpu.memory_space<vmem>>)
      %dma_wait3A_612 = arith.constant 1 : i32
      %dma_wait3A_613 = arith.constant 128 : i32
      %dma_wait3A_614 = arith.constant 0 : i32
      %dma_wait3A_615 = tpu.memref_slice %arg12[%dma_wait3A_613, %dma_wait3A_614] : memref<1024x16xf32, #tpu.memory_space<vmem>> -> memref<128x16xf32, #tpu.memory_space<vmem>>
      %dma_wait3A_616 = arith.constant 0 : i32
      %dma_wait3A_617 = tpu.memref_slice %arg8[%dma_wait3A_612, %dma_wait3A_616] : memref<8x128xi32, #tpu.memory_space<vmem>> -> memref<1x128xi32, #tpu.memory_space<vmem>>
      %dma_wait3A_618 = tpu.memref_squeeze %dma_wait3A_617 : memref<1x128xi32, #tpu.memory_space<vmem>> -> memref<128xi32, #tpu.memory_space<vmem>>
      %dma_wait3A_619 = arith.constant 0 : i32
      %dma_wait3A_620 = arith.constant 0 : i32
      %dma_wait3A_621 = tpu.memref_slice %arg2[%dma_wait3A_619, %dma_wait3A_620] : memref<100000x16xf32, #tpu.memory_space<hbm>> -> memref<100000x16xf32, #tpu.memory_space<hbm>>
      tpu.wait_indirect_dma semaphore(%arg15 : memref<!tpu.dma_semaphore, #tpu.memory_space<semaphore_mem>>) src(%dma_wait3A_621 : memref<100000x16xf32, #tpu.memory_space<hbm>>) dst(%dma_wait3A_615 : memref<128x16xf32, #tpu.memory_space<vmem>>)
      %dma_wait3A_622 = arith.constant 2 : i32
      %dma_wait3A_623 = arith.constant 256 : i32
      %dma_wait3A_624 = arith.constant 0 : i32
      %dma_wait3A_625 = tpu.memref_slice %arg11[%dma_wait3A_623, %dma_wait3A_624] : memref<1024x16xf32, #tpu.memory_space<vmem>> -> memref<128x16xf32, #tpu.memory_space<vmem>>
      %dma_wait3A_626 = arith.constant 0 : i32
      %dma_wait3A_627 = tpu.memref_slice %arg7[%dma_wait3A_622, %dma_wait3A_626] : memref<8x128xi32, #tpu.memory_space<vmem>> -> memref<1x128xi32, #tpu.memory_space<vmem>>
      %dma_wait3A_628 = tpu.memref_squeeze %dma_wait3A_627 : memref<1x128xi32, #tpu.memory_space<vmem>> -> memref<128xi32, #tpu.memory_space<vmem>>
      %dma_wait3A_629 = arith.constant 0 : i32
      %dma_wait3A_630 = arith.constant 0 : i32
      %dma_wait3A_631 = tpu.memref_slice %arg2[%dma_wait3A_629, %dma_wait3A_630] : memref<100000x16xf32, #tpu.memory_space<hbm>> -> memref<100000x16xf32, #tpu.memory_space<hbm>>
      tpu.wait_indirect_dma semaphore(%arg15 : memref<!tpu.dma_semaphore, #tpu.memory_space<semaphore_mem>>) src(%dma_wait3A_631 : memref<100000x16xf32, #tpu.memory_space<hbm>>) dst(%dma_wait3A_625 : memref<128x16xf32, #tpu.memory_space<vmem>>)
      %dma_wait3A_632 = arith.constant 2 : i32
      %dma_wait3A_633 = arith.constant 256 : i32
      %dma_wait3A_634 = arith.constant 0 : i32
      %dma_wait3A_635 = tpu.memref_slice %arg12[%dma_wait3A_633, %dma_wait3A_634] : memref<1024x16xf32, #tpu.memory_space<vmem>> -> memref<128x16xf32, #tpu.memory_space<vmem>>
      %dma_wait3A_636 = arith.constant 0 : i32
      %dma_wait3A_637 = tpu.memref_slice %arg8[%dma_wait3A_632, %dma_wait3A_636] : memref<8x128xi32, #tpu.memory_space<vmem>> -> memref<1x128xi32, #tpu.memory_space<vmem>>
      %dma_wait3A_638 = tpu.memref_squeeze %dma_wait3A_637 : memref<1x128xi32, #tpu.memory_space<vmem>> -> memref<128xi32, #tpu.memory_space<vmem>>
      %dma_wait3A_639 = arith.constant 0 : i32
      %dma_wait3A_640 = arith.constant 0 : i32
      %dma_wait3A_641 = tpu.memref_slice %arg2[%dma_wait3A_639, %dma_wait3A_640] : memref<100000x16xf32, #tpu.memory_space<hbm>> -> memref<100000x16xf32, #tpu.memory_space<hbm>>
      tpu.wait_indirect_dma semaphore(%arg15 : memref<!tpu.dma_semaphore, #tpu.memory_space<semaphore_mem>>) src(%dma_wait3A_641 : memref<100000x16xf32, #tpu.memory_space<hbm>>) dst(%dma_wait3A_635 : memref<128x16xf32, #tpu.memory_space<vmem>>)
      %dma_wait3A_642 = arith.constant 3 : i32
      %dma_wait3A_643 = arith.constant 384 : i32
      %dma_wait3A_644 = arith.constant 0 : i32
      %dma_wait3A_645 = tpu.memref_slice %arg11[%dma_wait3A_643, %dma_wait3A_644] : memref<1024x16xf32, #tpu.memory_space<vmem>> -> memref<128x16xf32, #tpu.memory_space<vmem>>
      %dma_wait3A_646 = arith.constant 0 : i32
      %dma_wait3A_647 = tpu.memref_slice %arg7[%dma_wait3A_642, %dma_wait3A_646] : memref<8x128xi32, #tpu.memory_space<vmem>> -> memref<1x128xi32, #tpu.memory_space<vmem>>
      %dma_wait3A_648 = tpu.memref_squeeze %dma_wait3A_647 : memref<1x128xi32, #tpu.memory_space<vmem>> -> memref<128xi32, #tpu.memory_space<vmem>>
      %dma_wait3A_649 = arith.constant 0 : i32
      %dma_wait3A_650 = arith.constant 0 : i32
      %dma_wait3A_651 = tpu.memref_slice %arg2[%dma_wait3A_649, %dma_wait3A_650] : memref<100000x16xf32, #tpu.memory_space<hbm>> -> memref<100000x16xf32, #tpu.memory_space<hbm>>
      tpu.wait_indirect_dma semaphore(%arg15 : memref<!tpu.dma_semaphore, #tpu.memory_space<semaphore_mem>>) src(%dma_wait3A_651 : memref<100000x16xf32, #tpu.memory_space<hbm>>) dst(%dma_wait3A_645 : memref<128x16xf32, #tpu.memory_space<vmem>>)
      %dma_wait3A_652 = arith.constant 3 : i32
      %dma_wait3A_653 = arith.constant 384 : i32
      %dma_wait3A_654 = arith.constant 0 : i32
      %dma_wait3A_655 = tpu.memref_slice %arg12[%dma_wait3A_653, %dma_wait3A_654] : memref<1024x16xf32, #tpu.memory_space<vmem>> -> memref<128x16xf32, #tpu.memory_space<vmem>>
      %dma_wait3A_656 = arith.constant 0 : i32
      %dma_wait3A_657 = tpu.memref_slice %arg8[%dma_wait3A_652, %dma_wait3A_656] : memref<8x128xi32, #tpu.memory_space<vmem>> -> memref<1x128xi32, #tpu.memory_space<vmem>>
      %dma_wait3A_658 = tpu.memref_squeeze %dma_wait3A_657 : memref<1x128xi32, #tpu.memory_space<vmem>> -> memref<128xi32, #tpu.memory_space<vmem>>
      %dma_wait3A_659 = arith.constant 0 : i32
      %dma_wait3A_660 = arith.constant 0 : i32
      %dma_wait3A_661 = tpu.memref_slice %arg2[%dma_wait3A_659, %dma_wait3A_660] : memref<100000x16xf32, #tpu.memory_space<hbm>> -> memref<100000x16xf32, #tpu.memory_space<hbm>>
      tpu.wait_indirect_dma semaphore(%arg15 : memref<!tpu.dma_semaphore, #tpu.memory_space<semaphore_mem>>) src(%dma_wait3A_661 : memref<100000x16xf32, #tpu.memory_space<hbm>>) dst(%dma_wait3A_655 : memref<128x16xf32, #tpu.memory_space<vmem>>)
      %dma_wait3A_662 = arith.constant 4 : i32
      %dma_wait3A_663 = arith.constant 512 : i32
      %dma_wait3A_664 = arith.constant 0 : i32
      %dma_wait3A_665 = tpu.memref_slice %arg11[%dma_wait3A_663, %dma_wait3A_664] : memref<1024x16xf32, #tpu.memory_space<vmem>> -> memref<128x16xf32, #tpu.memory_space<vmem>>
      %dma_wait3A_666 = arith.constant 0 : i32
      %dma_wait3A_667 = tpu.memref_slice %arg7[%dma_wait3A_662, %dma_wait3A_666] : memref<8x128xi32, #tpu.memory_space<vmem>> -> memref<1x128xi32, #tpu.memory_space<vmem>>
      %dma_wait3A_668 = tpu.memref_squeeze %dma_wait3A_667 : memref<1x128xi32, #tpu.memory_space<vmem>> -> memref<128xi32, #tpu.memory_space<vmem>>
      %dma_wait3A_669 = arith.constant 0 : i32
      %dma_wait3A_670 = arith.constant 0 : i32
      %dma_wait3A_671 = tpu.memref_slice %arg2[%dma_wait3A_669, %dma_wait3A_670] : memref<100000x16xf32, #tpu.memory_space<hbm>> -> memref<100000x16xf32, #tpu.memory_space<hbm>>
      tpu.wait_indirect_dma semaphore(%arg15 : memref<!tpu.dma_semaphore, #tpu.memory_space<semaphore_mem>>) src(%dma_wait3A_671 : memref<100000x16xf32, #tpu.memory_space<hbm>>) dst(%dma_wait3A_665 : memref<128x16xf32, #tpu.memory_space<vmem>>)
      %dma_wait3A_672 = arith.constant 4 : i32
      %dma_wait3A_673 = arith.constant 512 : i32
      %dma_wait3A_674 = arith.constant 0 : i32
      %dma_wait3A_675 = tpu.memref_slice %arg12[%dma_wait3A_673, %dma_wait3A_674] : memref<1024x16xf32, #tpu.memory_space<vmem>> -> memref<128x16xf32, #tpu.memory_space<vmem>>
      %dma_wait3A_676 = arith.constant 0 : i32
      %dma_wait3A_677 = tpu.memref_slice %arg8[%dma_wait3A_672, %dma_wait3A_676] : memref<8x128xi32, #tpu.memory_space<vmem>> -> memref<1x128xi32, #tpu.memory_space<vmem>>
      %dma_wait3A_678 = tpu.memref_squeeze %dma_wait3A_677 : memref<1x128xi32, #tpu.memory_space<vmem>> -> memref<128xi32, #tpu.memory_space<vmem>>
      %dma_wait3A_679 = arith.constant 0 : i32
      %dma_wait3A_680 = arith.constant 0 : i32
      %dma_wait3A_681 = tpu.memref_slice %arg2[%dma_wait3A_679, %dma_wait3A_680] : memref<100000x16xf32, #tpu.memory_space<hbm>> -> memref<100000x16xf32, #tpu.memory_space<hbm>>
      tpu.wait_indirect_dma semaphore(%arg15 : memref<!tpu.dma_semaphore, #tpu.memory_space<semaphore_mem>>) src(%dma_wait3A_681 : memref<100000x16xf32, #tpu.memory_space<hbm>>) dst(%dma_wait3A_675 : memref<128x16xf32, #tpu.memory_space<vmem>>)
      %dma_wait3A_682 = arith.constant 5 : i32
      %dma_wait3A_683 = arith.constant 640 : i32
      %dma_wait3A_684 = arith.constant 0 : i32
      %dma_wait3A_685 = tpu.memref_slice %arg11[%dma_wait3A_683, %dma_wait3A_684] : memref<1024x16xf32, #tpu.memory_space<vmem>> -> memref<128x16xf32, #tpu.memory_space<vmem>>
      %dma_wait3A_686 = arith.constant 0 : i32
      %dma_wait3A_687 = tpu.memref_slice %arg7[%dma_wait3A_682, %dma_wait3A_686] : memref<8x128xi32, #tpu.memory_space<vmem>> -> memref<1x128xi32, #tpu.memory_space<vmem>>
      %dma_wait3A_688 = tpu.memref_squeeze %dma_wait3A_687 : memref<1x128xi32, #tpu.memory_space<vmem>> -> memref<128xi32, #tpu.memory_space<vmem>>
      %dma_wait3A_689 = arith.constant 0 : i32
      %dma_wait3A_690 = arith.constant 0 : i32
      %dma_wait3A_691 = tpu.memref_slice %arg2[%dma_wait3A_689, %dma_wait3A_690] : memref<100000x16xf32, #tpu.memory_space<hbm>> -> memref<100000x16xf32, #tpu.memory_space<hbm>>
      tpu.wait_indirect_dma semaphore(%arg15 : memref<!tpu.dma_semaphore, #tpu.memory_space<semaphore_mem>>) src(%dma_wait3A_691 : memref<100000x16xf32, #tpu.memory_space<hbm>>) dst(%dma_wait3A_685 : memref<128x16xf32, #tpu.memory_space<vmem>>)
      %dma_wait3A_692 = arith.constant 5 : i32
      %dma_wait3A_693 = arith.constant 640 : i32
      %dma_wait3A_694 = arith.constant 0 : i32
      %dma_wait3A_695 = tpu.memref_slice %arg12[%dma_wait3A_693, %dma_wait3A_694] : memref<1024x16xf32, #tpu.memory_space<vmem>> -> memref<128x16xf32, #tpu.memory_space<vmem>>
      %dma_wait3A_696 = arith.constant 0 : i32
      %dma_wait3A_697 = tpu.memref_slice %arg8[%dma_wait3A_692, %dma_wait3A_696] : memref<8x128xi32, #tpu.memory_space<vmem>> -> memref<1x128xi32, #tpu.memory_space<vmem>>
      %dma_wait3A_698 = tpu.memref_squeeze %dma_wait3A_697 : memref<1x128xi32, #tpu.memory_space<vmem>> -> memref<128xi32, #tpu.memory_space<vmem>>
      %dma_wait3A_699 = arith.constant 0 : i32
      %dma_wait3A_700 = arith.constant 0 : i32
      %dma_wait3A_701 = tpu.memref_slice %arg2[%dma_wait3A_699, %dma_wait3A_700] : memref<100000x16xf32, #tpu.memory_space<hbm>> -> memref<100000x16xf32, #tpu.memory_space<hbm>>
      tpu.wait_indirect_dma semaphore(%arg15 : memref<!tpu.dma_semaphore, #tpu.memory_space<semaphore_mem>>) src(%dma_wait3A_701 : memref<100000x16xf32, #tpu.memory_space<hbm>>) dst(%dma_wait3A_695 : memref<128x16xf32, #tpu.memory_space<vmem>>)
      %dma_wait3A_702 = arith.constant 6 : i32
      %dma_wait3A_703 = arith.constant 768 : i32
      %dma_wait3A_704 = arith.constant 0 : i32
      %dma_wait3A_705 = tpu.memref_slice %arg11[%dma_wait3A_703, %dma_wait3A_704] : memref<1024x16xf32, #tpu.memory_space<vmem>> -> memref<128x16xf32, #tpu.memory_space<vmem>>
      %dma_wait3A_706 = arith.constant 0 : i32
      %dma_wait3A_707 = tpu.memref_slice %arg7[%dma_wait3A_702, %dma_wait3A_706] : memref<8x128xi32, #tpu.memory_space<vmem>> -> memref<1x128xi32, #tpu.memory_space<vmem>>
      %dma_wait3A_708 = tpu.memref_squeeze %dma_wait3A_707 : memref<1x128xi32, #tpu.memory_space<vmem>> -> memref<128xi32, #tpu.memory_space<vmem>>
      %dma_wait3A_709 = arith.constant 0 : i32
      %dma_wait3A_710 = arith.constant 0 : i32
      %dma_wait3A_711 = tpu.memref_slice %arg2[%dma_wait3A_709, %dma_wait3A_710] : memref<100000x16xf32, #tpu.memory_space<hbm>> -> memref<100000x16xf32, #tpu.memory_space<hbm>>
      tpu.wait_indirect_dma semaphore(%arg15 : memref<!tpu.dma_semaphore, #tpu.memory_space<semaphore_mem>>) src(%dma_wait3A_711 : memref<100000x16xf32, #tpu.memory_space<hbm>>) dst(%dma_wait3A_705 : memref<128x16xf32, #tpu.memory_space<vmem>>)
      %dma_wait3A_712 = arith.constant 6 : i32
      %dma_wait3A_713 = arith.constant 768 : i32
      %dma_wait3A_714 = arith.constant 0 : i32
      %dma_wait3A_715 = tpu.memref_slice %arg12[%dma_wait3A_713, %dma_wait3A_714] : memref<1024x16xf32, #tpu.memory_space<vmem>> -> memref<128x16xf32, #tpu.memory_space<vmem>>
      %dma_wait3A_716 = arith.constant 0 : i32
      %dma_wait3A_717 = tpu.memref_slice %arg8[%dma_wait3A_712, %dma_wait3A_716] : memref<8x128xi32, #tpu.memory_space<vmem>> -> memref<1x128xi32, #tpu.memory_space<vmem>>
      %dma_wait3A_718 = tpu.memref_squeeze %dma_wait3A_717 : memref<1x128xi32, #tpu.memory_space<vmem>> -> memref<128xi32, #tpu.memory_space<vmem>>
      %dma_wait3A_719 = arith.constant 0 : i32
      %dma_wait3A_720 = arith.constant 0 : i32
      %dma_wait3A_721 = tpu.memref_slice %arg2[%dma_wait3A_719, %dma_wait3A_720] : memref<100000x16xf32, #tpu.memory_space<hbm>> -> memref<100000x16xf32, #tpu.memory_space<hbm>>
      tpu.wait_indirect_dma semaphore(%arg15 : memref<!tpu.dma_semaphore, #tpu.memory_space<semaphore_mem>>) src(%dma_wait3A_721 : memref<100000x16xf32, #tpu.memory_space<hbm>>) dst(%dma_wait3A_715 : memref<128x16xf32, #tpu.memory_space<vmem>>)
      %dma_wait3A_722 = arith.constant 7 : i32
      %dma_wait3A_723 = arith.constant 896 : i32
      %dma_wait3A_724 = arith.constant 0 : i32
      %dma_wait3A_725 = tpu.memref_slice %arg11[%dma_wait3A_723, %dma_wait3A_724] : memref<1024x16xf32, #tpu.memory_space<vmem>> -> memref<128x16xf32, #tpu.memory_space<vmem>>
      %dma_wait3A_726 = arith.constant 0 : i32
      %dma_wait3A_727 = tpu.memref_slice %arg7[%dma_wait3A_722, %dma_wait3A_726] : memref<8x128xi32, #tpu.memory_space<vmem>> -> memref<1x128xi32, #tpu.memory_space<vmem>>
      %dma_wait3A_728 = tpu.memref_squeeze %dma_wait3A_727 : memref<1x128xi32, #tpu.memory_space<vmem>> -> memref<128xi32, #tpu.memory_space<vmem>>
      %dma_wait3A_729 = arith.constant 0 : i32
      %dma_wait3A_730 = arith.constant 0 : i32
      %dma_wait3A_731 = tpu.memref_slice %arg2[%dma_wait3A_729, %dma_wait3A_730] : memref<100000x16xf32, #tpu.memory_space<hbm>> -> memref<100000x16xf32, #tpu.memory_space<hbm>>
      tpu.wait_indirect_dma semaphore(%arg15 : memref<!tpu.dma_semaphore, #tpu.memory_space<semaphore_mem>>) src(%dma_wait3A_731 : memref<100000x16xf32, #tpu.memory_space<hbm>>) dst(%dma_wait3A_725 : memref<128x16xf32, #tpu.memory_space<vmem>>)
      %dma_wait3A_732 = arith.constant 7 : i32
      %dma_wait3A_733 = arith.constant 896 : i32
      %dma_wait3A_734 = arith.constant 0 : i32
      %dma_wait3A_735 = tpu.memref_slice %arg12[%dma_wait3A_733, %dma_wait3A_734] : memref<1024x16xf32, #tpu.memory_space<vmem>> -> memref<128x16xf32, #tpu.memory_space<vmem>>
      %dma_wait3A_736 = arith.constant 0 : i32
      %dma_wait3A_737 = tpu.memref_slice %arg8[%dma_wait3A_732, %dma_wait3A_736] : memref<8x128xi32, #tpu.memory_space<vmem>> -> memref<1x128xi32, #tpu.memory_space<vmem>>
      %dma_wait3A_738 = tpu.memref_squeeze %dma_wait3A_737 : memref<1x128xi32, #tpu.memory_space<vmem>> -> memref<128xi32, #tpu.memory_space<vmem>>
      %dma_wait3A_739 = arith.constant 0 : i32
      %dma_wait3A_740 = arith.constant 0 : i32
      %dma_wait3A_741 = tpu.memref_slice %arg2[%dma_wait3A_739, %dma_wait3A_740] : memref<100000x16xf32, #tpu.memory_space<hbm>> -> memref<100000x16xf32, #tpu.memory_space<hbm>>
      tpu.wait_indirect_dma semaphore(%arg15 : memref<!tpu.dma_semaphore, #tpu.memory_space<semaphore_mem>>) src(%dma_wait3A_741 : memref<100000x16xf32, #tpu.memory_space<hbm>>) dst(%dma_wait3A_735 : memref<128x16xf32, #tpu.memory_space<vmem>>)
      %mul3A_742 = arith.constant 8 : i32
      %mul3A_743 = arith.muli %mul3A_399, %mul3A_742 : i32
      %add3A_744 = arith.addi %mul3A_2, %mul3A_743 : i32
      %mul3A_745 = arith.constant 128 : i32
      %mul3A_746 = arith.muli %add3A_744, %mul3A_745 : i32
      %multiple_of3A_747 = tpu.assume_multiple %mul3A_746, 1024 : i32
      %dma_start3A_748 = arith.constant 0 : i32
      %dma_start3A_749 = tpu.memref_slice %arg5[%multiple_of3A_747, %dma_start3A_748] : memref<819200x16xf32, #tpu.memory_space<hbm>> -> memref<1024x16xf32, #tpu.memory_space<hbm>>
      %dma_start3A_750 = arith.constant 0 : i32
      %dma_start3A_751 = tpu.memref_slice %arg5[%multiple_of3A_747, %dma_start3A_750] : memref<819200x16xf32, #tpu.memory_space<hbm>> -> memref<1024x16xf32, #tpu.memory_space<hbm>>
      tpu.enqueue_dma source(%arg11 : memref<1024x16xf32, #tpu.memory_space<vmem>>) target(%dma_start3A_751 : memref<1024x16xf32, #tpu.memory_space<hbm>>) target_semaphore(%arg19 : memref<!tpu.dma_semaphore, #tpu.memory_space<semaphore_mem>>)
      %dma_start3A_752 = arith.constant 0 : i32
      %dma_start3A_753 = tpu.memref_slice %arg6[%multiple_of3A_747, %dma_start3A_752] : memref<819200x16xf32, #tpu.memory_space<hbm>> -> memref<1024x16xf32, #tpu.memory_space<hbm>>
      %dma_start3A_754 = arith.constant 0 : i32
      %dma_start3A_755 = tpu.memref_slice %arg6[%multiple_of3A_747, %dma_start3A_754] : memref<819200x16xf32, #tpu.memory_space<hbm>> -> memref<1024x16xf32, #tpu.memory_space<hbm>>
      tpu.enqueue_dma source(%arg12 : memref<1024x16xf32, #tpu.memory_space<vmem>>) target(%dma_start3A_755 : memref<1024x16xf32, #tpu.memory_space<hbm>>) target_semaphore(%arg19 : memref<!tpu.dma_semaphore, #tpu.memory_space<semaphore_mem>>)
      %add3A_756 = arith.constant 1 : i32
      %add3A_757 = arith.addi %add3A_403, %add3A_756 : i32
      %lt3A = arith.constant 25 : i32
      %lt3A_758 = arith.cmpi slt, %add3A_757, %lt3A : i32
      %convert_element_type3A_759 = arith.extui %lt3A_758 : i1 to i32
      %cond3A_760 = arith.constant 0 : i32
      %cond3A_761 = arith.cmpi ne, %convert_element_type3A_759, %cond3A_760 : i32
      scf.if %cond3A_761 {
        %add3A_943 = arith.constant 1 : i32
        %add3A_944 = arith.addi %add3A_403, %add3A_943 : i32
        %mul3A_945 = arith.constant 8 : i32
        %mul3A_946 = arith.muli %add3A_944, %mul3A_945 : i32
        %add3A_947 = arith.addi %mul3A_2, %mul3A_946 : i32
        %multiple_of3A_948 = tpu.assume_multiple %add3A_947, 8 : i32
        %dma_start3A_949 = arith.constant 0 : i32
        %dma_start3A_950 = tpu.memref_slice %arg3[%multiple_of3A_948, %dma_start3A_949] : memref<6400x128xi32, #tpu.memory_space<hbm>> -> memref<8x128xi32, #tpu.memory_space<hbm>>
        %dma_start3A_951 = arith.constant 0 : i32
        %dma_start3A_952 = tpu.memref_slice %arg3[%multiple_of3A_948, %dma_start3A_951] : memref<6400x128xi32, #tpu.memory_space<hbm>> -> memref<8x128xi32, #tpu.memory_space<hbm>>
        tpu.enqueue_dma source(%dma_start3A_952 : memref<8x128xi32, #tpu.memory_space<hbm>>) target(%arg7 : memref<8x128xi32, #tpu.memory_space<vmem>>) target_semaphore(%arg17 : memref<!tpu.dma_semaphore, #tpu.memory_space<semaphore_mem>>)
        %dma_start3A_953 = arith.constant 0 : i32
        %dma_start3A_954 = tpu.memref_slice %arg4[%multiple_of3A_948, %dma_start3A_953] : memref<6400x128xi32, #tpu.memory_space<hbm>> -> memref<8x128xi32, #tpu.memory_space<hbm>>
        %dma_start3A_955 = arith.constant 0 : i32
        %dma_start3A_956 = tpu.memref_slice %arg4[%multiple_of3A_948, %dma_start3A_955] : memref<6400x128xi32, #tpu.memory_space<hbm>> -> memref<8x128xi32, #tpu.memory_space<hbm>>
        tpu.enqueue_dma source(%dma_start3A_956 : memref<8x128xi32, #tpu.memory_space<hbm>>) target(%arg8 : memref<8x128xi32, #tpu.memory_space<vmem>>) target_semaphore(%arg17 : memref<!tpu.dma_semaphore, #tpu.memory_space<semaphore_mem>>)
        %add3A_957 = arith.constant 1 : i32
        %add3A_958 = arith.addi %add3A_403, %add3A_957 : i32
        %mul3A_959 = arith.constant 8 : i32
        %mul3A_960 = arith.muli %add3A_958, %mul3A_959 : i32
        %add3A_961 = arith.addi %mul3A_2, %mul3A_960 : i32
        %multiple_of3A_962 = tpu.assume_multiple %add3A_961, 8 : i32
        %dma_wait3A_963 = arith.constant 0 : i32
        %dma_wait3A_964 = tpu.memref_slice %arg3[%multiple_of3A_962, %dma_wait3A_963] : memref<6400x128xi32, #tpu.memory_space<hbm>> -> memref<8x128xi32, #tpu.memory_space<hbm>>
        %dma_wait3A_965 = arith.constant 0 : i32
        %dma_wait3A_966 = tpu.memref_slice %arg3[%multiple_of3A_962, %dma_wait3A_965] : memref<6400x128xi32, #tpu.memory_space<hbm>> -> memref<8x128xi32, #tpu.memory_space<hbm>>
        tpu.wait_dma2 semaphore(%arg17 : memref<!tpu.dma_semaphore, #tpu.memory_space<semaphore_mem>>) src(%dma_wait3A_966 : memref<8x128xi32, #tpu.memory_space<hbm>>) dst(%arg7 : memref<8x128xi32, #tpu.memory_space<vmem>>)
        %dma_wait3A_967 = arith.constant 0 : i32
        %dma_wait3A_968 = tpu.memref_slice %arg4[%multiple_of3A_962, %dma_wait3A_967] : memref<6400x128xi32, #tpu.memory_space<hbm>> -> memref<8x128xi32, #tpu.memory_space<hbm>>
        %dma_wait3A_969 = arith.constant 0 : i32
        %dma_wait3A_970 = tpu.memref_slice %arg4[%multiple_of3A_962, %dma_wait3A_969] : memref<6400x128xi32, #tpu.memory_space<hbm>> -> memref<8x128xi32, #tpu.memory_space<hbm>>
        tpu.wait_dma2 semaphore(%arg17 : memref<!tpu.dma_semaphore, #tpu.memory_space<semaphore_mem>>) src(%dma_wait3A_970 : memref<8x128xi32, #tpu.memory_space<hbm>>) dst(%arg8 : memref<8x128xi32, #tpu.memory_space<vmem>>)
        %mul3A_971 = arith.constant 8 : i32
        %mul3A_972 = arith.muli %mul3A_399, %mul3A_971 : i32
        %add3A_973 = arith.addi %mul3A_2, %mul3A_972 : i32
        %mul3A_974 = arith.constant 128 : i32
        %mul3A_975 = arith.muli %add3A_973, %mul3A_974 : i32
        %multiple_of3A_976 = tpu.assume_multiple %mul3A_975, 1024 : i32
        %dma_wait3A_977 = arith.constant 0 : i32
        %dma_wait3A_978 = tpu.memref_slice %arg5[%multiple_of3A_976, %dma_wait3A_977] : memref<819200x16xf32, #tpu.memory_space<hbm>> -> memref<1024x16xf32, #tpu.memory_space<hbm>>
        %dma_wait3A_979 = arith.constant 0 : i32
        %dma_wait3A_980 = tpu.memref_slice %arg5[%multiple_of3A_976, %dma_wait3A_979] : memref<819200x16xf32, #tpu.memory_space<hbm>> -> memref<1024x16xf32, #tpu.memory_space<hbm>>
        tpu.wait_dma2 semaphore(%arg19 : memref<!tpu.dma_semaphore, #tpu.memory_space<semaphore_mem>>) src(%arg11 : memref<1024x16xf32, #tpu.memory_space<vmem>>) dst(%dma_wait3A_980 : memref<1024x16xf32, #tpu.memory_space<hbm>>)
        %dma_wait3A_981 = arith.constant 0 : i32
        %dma_wait3A_982 = tpu.memref_slice %arg6[%multiple_of3A_976, %dma_wait3A_981] : memref<819200x16xf32, #tpu.memory_space<hbm>> -> memref<1024x16xf32, #tpu.memory_space<hbm>>
        %dma_wait3A_983 = arith.constant 0 : i32
        %dma_wait3A_984 = tpu.memref_slice %arg6[%multiple_of3A_976, %dma_wait3A_983] : memref<819200x16xf32, #tpu.memory_space<hbm>> -> memref<1024x16xf32, #tpu.memory_space<hbm>>
        tpu.wait_dma2 semaphore(%arg19 : memref<!tpu.dma_semaphore, #tpu.memory_space<semaphore_mem>>) src(%arg12 : memref<1024x16xf32, #tpu.memory_space<vmem>>) dst(%dma_wait3A_984 : memref<1024x16xf32, #tpu.memory_space<hbm>>)
        %dma_start3A_985 = arith.constant 0 : i32
        %dma_start3A_986 = arith.constant 0 : i32
        %dma_start3A_987 = arith.constant 0 : i32
        %dma_start3A_988 = tpu.memref_slice %arg11[%dma_start3A_986, %dma_start3A_987] : memref<1024x16xf32, #tpu.memory_space<vmem>> -> memref<128x16xf32, #tpu.memory_space<vmem>>
        %dma_start3A_989 = arith.constant 0 : i32
        %dma_start3A_990 = tpu.memref_slice %arg7[%dma_start3A_985, %dma_start3A_989] : memref<8x128xi32, #tpu.memory_space<vmem>> -> memref<1x128xi32, #tpu.memory_space<vmem>>
        %dma_start3A_991 = tpu.memref_squeeze %dma_start3A_990 : memref<1x128xi32, #tpu.memory_space<vmem>> -> memref<128xi32, #tpu.memory_space<vmem>>
        %dma_start3A_992 = arith.constant 0 : i32
        %dma_start3A_993 = arith.constant 0 : i32
        %dma_start3A_994 = tpu.memref_slice %arg2[%dma_start3A_992, %dma_start3A_993] : memref<100000x16xf32, #tpu.memory_space<hbm>> -> memref<100000x16xf32, #tpu.memory_space<hbm>>
        tpu.enqueue_indirect_dma source(%dma_start3A_994 : memref<100000x16xf32, #tpu.memory_space<hbm>>) target(%dma_start3A_988 : memref<128x16xf32, #tpu.memory_space<vmem>>) offsets(%dma_start3A_991 : memref<128xi32, #tpu.memory_space<vmem>>) semaphore(%arg15 : memref<!tpu.dma_semaphore, #tpu.memory_space<semaphore_mem>>)
        %dma_start3A_995 = arith.constant 0 : i32
        %dma_start3A_996 = arith.constant 0 : i32
        %dma_start3A_997 = arith.constant 0 : i32
        %dma_start3A_998 = tpu.memref_slice %arg12[%dma_start3A_996, %dma_start3A_997] : memref<1024x16xf32, #tpu.memory_space<vmem>> -> memref<128x16xf32, #tpu.memory_space<vmem>>
        %dma_start3A_999 = arith.constant 0 : i32
        %dma_start3A_1000 = tpu.memref_slice %arg8[%dma_start3A_995, %dma_start3A_999] : memref<8x128xi32, #tpu.memory_space<vmem>> -> memref<1x128xi32, #tpu.memory_space<vmem>>
        %dma_start3A_1001 = tpu.memref_squeeze %dma_start3A_1000 : memref<1x128xi32, #tpu.memory_space<vmem>> -> memref<128xi32, #tpu.memory_space<vmem>>
        %dma_start3A_1002 = arith.constant 0 : i32
        %dma_start3A_1003 = arith.constant 0 : i32
        %dma_start3A_1004 = tpu.memref_slice %arg2[%dma_start3A_1002, %dma_start3A_1003] : memref<100000x16xf32, #tpu.memory_space<hbm>> -> memref<100000x16xf32, #tpu.memory_space<hbm>>
        tpu.enqueue_indirect_dma source(%dma_start3A_1004 : memref<100000x16xf32, #tpu.memory_space<hbm>>) target(%dma_start3A_998 : memref<128x16xf32, #tpu.memory_space<vmem>>) offsets(%dma_start3A_1001 : memref<128xi32, #tpu.memory_space<vmem>>) semaphore(%arg15 : memref<!tpu.dma_semaphore, #tpu.memory_space<semaphore_mem>>)
        %dma_start3A_1005 = arith.constant 1 : i32
        %dma_start3A_1006 = arith.constant 128 : i32
        %dma_start3A_1007 = arith.constant 0 : i32
        %dma_start3A_1008 = tpu.memref_slice %arg11[%dma_start3A_1006, %dma_start3A_1007] : memref<1024x16xf32, #tpu.memory_space<vmem>> -> memref<128x16xf32, #tpu.memory_space<vmem>>
        %dma_start3A_1009 = arith.constant 0 : i32
        %dma_start3A_1010 = tpu.memref_slice %arg7[%dma_start3A_1005, %dma_start3A_1009] : memref<8x128xi32, #tpu.memory_space<vmem>> -> memref<1x128xi32, #tpu.memory_space<vmem>>
        %dma_start3A_1011 = tpu.memref_squeeze %dma_start3A_1010 : memref<1x128xi32, #tpu.memory_space<vmem>> -> memref<128xi32, #tpu.memory_space<vmem>>
        %dma_start3A_1012 = arith.constant 0 : i32
        %dma_start3A_1013 = arith.constant 0 : i32
        %dma_start3A_1014 = tpu.memref_slice %arg2[%dma_start3A_1012, %dma_start3A_1013] : memref<100000x16xf32, #tpu.memory_space<hbm>> -> memref<100000x16xf32, #tpu.memory_space<hbm>>
        tpu.enqueue_indirect_dma source(%dma_start3A_1014 : memref<100000x16xf32, #tpu.memory_space<hbm>>) target(%dma_start3A_1008 : memref<128x16xf32, #tpu.memory_space<vmem>>) offsets(%dma_start3A_1011 : memref<128xi32, #tpu.memory_space<vmem>>) semaphore(%arg15 : memref<!tpu.dma_semaphore, #tpu.memory_space<semaphore_mem>>)
        %dma_start3A_1015 = arith.constant 1 : i32
        %dma_start3A_1016 = arith.constant 128 : i32
        %dma_start3A_1017 = arith.constant 0 : i32
        %dma_start3A_1018 = tpu.memref_slice %arg12[%dma_start3A_1016, %dma_start3A_1017] : memref<1024x16xf32, #tpu.memory_space<vmem>> -> memref<128x16xf32, #tpu.memory_space<vmem>>
        %dma_start3A_1019 = arith.constant 0 : i32
        %dma_start3A_1020 = tpu.memref_slice %arg8[%dma_start3A_1015, %dma_start3A_1019] : memref<8x128xi32, #tpu.memory_space<vmem>> -> memref<1x128xi32, #tpu.memory_space<vmem>>
        %dma_start3A_1021 = tpu.memref_squeeze %dma_start3A_1020 : memref<1x128xi32, #tpu.memory_space<vmem>> -> memref<128xi32, #tpu.memory_space<vmem>>
        %dma_start3A_1022 = arith.constant 0 : i32
        %dma_start3A_1023 = arith.constant 0 : i32
        %dma_start3A_1024 = tpu.memref_slice %arg2[%dma_start3A_1022, %dma_start3A_1023] : memref<100000x16xf32, #tpu.memory_space<hbm>> -> memref<100000x16xf32, #tpu.memory_space<hbm>>
        tpu.enqueue_indirect_dma source(%dma_start3A_1024 : memref<100000x16xf32, #tpu.memory_space<hbm>>) target(%dma_start3A_1018 : memref<128x16xf32, #tpu.memory_space<vmem>>) offsets(%dma_start3A_1021 : memref<128xi32, #tpu.memory_space<vmem>>) semaphore(%arg15 : memref<!tpu.dma_semaphore, #tpu.memory_space<semaphore_mem>>)
        %dma_start3A_1025 = arith.constant 2 : i32
        %dma_start3A_1026 = arith.constant 256 : i32
        %dma_start3A_1027 = arith.constant 0 : i32
        %dma_start3A_1028 = tpu.memref_slice %arg11[%dma_start3A_1026, %dma_start3A_1027] : memref<1024x16xf32, #tpu.memory_space<vmem>> -> memref<128x16xf32, #tpu.memory_space<vmem>>
        %dma_start3A_1029 = arith.constant 0 : i32
        %dma_start3A_1030 = tpu.memref_slice %arg7[%dma_start3A_1025, %dma_start3A_1029] : memref<8x128xi32, #tpu.memory_space<vmem>> -> memref<1x128xi32, #tpu.memory_space<vmem>>
        %dma_start3A_1031 = tpu.memref_squeeze %dma_start3A_1030 : memref<1x128xi32, #tpu.memory_space<vmem>> -> memref<128xi32, #tpu.memory_space<vmem>>
        %dma_start3A_1032 = arith.constant 0 : i32
        %dma_start3A_1033 = arith.constant 0 : i32
        %dma_start3A_1034 = tpu.memref_slice %arg2[%dma_start3A_1032, %dma_start3A_1033] : memref<100000x16xf32, #tpu.memory_space<hbm>> -> memref<100000x16xf32, #tpu.memory_space<hbm>>
        tpu.enqueue_indirect_dma source(%dma_start3A_1034 : memref<100000x16xf32, #tpu.memory_space<hbm>>) target(%dma_start3A_1028 : memref<128x16xf32, #tpu.memory_space<vmem>>) offsets(%dma_start3A_1031 : memref<128xi32, #tpu.memory_space<vmem>>) semaphore(%arg15 : memref<!tpu.dma_semaphore, #tpu.memory_space<semaphore_mem>>)
        %dma_start3A_1035 = arith.constant 2 : i32
        %dma_start3A_1036 = arith.constant 256 : i32
        %dma_start3A_1037 = arith.constant 0 : i32
        %dma_start3A_1038 = tpu.memref_slice %arg12[%dma_start3A_1036, %dma_start3A_1037] : memref<1024x16xf32, #tpu.memory_space<vmem>> -> memref<128x16xf32, #tpu.memory_space<vmem>>
        %dma_start3A_1039 = arith.constant 0 : i32
        %dma_start3A_1040 = tpu.memref_slice %arg8[%dma_start3A_1035, %dma_start3A_1039] : memref<8x128xi32, #tpu.memory_space<vmem>> -> memref<1x128xi32, #tpu.memory_space<vmem>>
        %dma_start3A_1041 = tpu.memref_squeeze %dma_start3A_1040 : memref<1x128xi32, #tpu.memory_space<vmem>> -> memref<128xi32, #tpu.memory_space<vmem>>
        %dma_start3A_1042 = arith.constant 0 : i32
        %dma_start3A_1043 = arith.constant 0 : i32
        %dma_start3A_1044 = tpu.memref_slice %arg2[%dma_start3A_1042, %dma_start3A_1043] : memref<100000x16xf32, #tpu.memory_space<hbm>> -> memref<100000x16xf32, #tpu.memory_space<hbm>>
        tpu.enqueue_indirect_dma source(%dma_start3A_1044 : memref<100000x16xf32, #tpu.memory_space<hbm>>) target(%dma_start3A_1038 : memref<128x16xf32, #tpu.memory_space<vmem>>) offsets(%dma_start3A_1041 : memref<128xi32, #tpu.memory_space<vmem>>) semaphore(%arg15 : memref<!tpu.dma_semaphore, #tpu.memory_space<semaphore_mem>>)
        %dma_start3A_1045 = arith.constant 3 : i32
        %dma_start3A_1046 = arith.constant 384 : i32
        %dma_start3A_1047 = arith.constant 0 : i32
        %dma_start3A_1048 = tpu.memref_slice %arg11[%dma_start3A_1046, %dma_start3A_1047] : memref<1024x16xf32, #tpu.memory_space<vmem>> -> memref<128x16xf32, #tpu.memory_space<vmem>>
        %dma_start3A_1049 = arith.constant 0 : i32
        %dma_start3A_1050 = tpu.memref_slice %arg7[%dma_start3A_1045, %dma_start3A_1049] : memref<8x128xi32, #tpu.memory_space<vmem>> -> memref<1x128xi32, #tpu.memory_space<vmem>>
        %dma_start3A_1051 = tpu.memref_squeeze %dma_start3A_1050 : memref<1x128xi32, #tpu.memory_space<vmem>> -> memref<128xi32, #tpu.memory_space<vmem>>
        %dma_start3A_1052 = arith.constant 0 : i32
        %dma_start3A_1053 = arith.constant 0 : i32
        %dma_start3A_1054 = tpu.memref_slice %arg2[%dma_start3A_1052, %dma_start3A_1053] : memref<100000x16xf32, #tpu.memory_space<hbm>> -> memref<100000x16xf32, #tpu.memory_space<hbm>>
        tpu.enqueue_indirect_dma source(%dma_start3A_1054 : memref<100000x16xf32, #tpu.memory_space<hbm>>) target(%dma_start3A_1048 : memref<128x16xf32, #tpu.memory_space<vmem>>) offsets(%dma_start3A_1051 : memref<128xi32, #tpu.memory_space<vmem>>) semaphore(%arg15 : memref<!tpu.dma_semaphore, #tpu.memory_space<semaphore_mem>>)
        %dma_start3A_1055 = arith.constant 3 : i32
        %dma_start3A_1056 = arith.constant 384 : i32
        %dma_start3A_1057 = arith.constant 0 : i32
        %dma_start3A_1058 = tpu.memref_slice %arg12[%dma_start3A_1056, %dma_start3A_1057] : memref<1024x16xf32, #tpu.memory_space<vmem>> -> memref<128x16xf32, #tpu.memory_space<vmem>>
        %dma_start3A_1059 = arith.constant 0 : i32
        %dma_start3A_1060 = tpu.memref_slice %arg8[%dma_start3A_1055, %dma_start3A_1059] : memref<8x128xi32, #tpu.memory_space<vmem>> -> memref<1x128xi32, #tpu.memory_space<vmem>>
        %dma_start3A_1061 = tpu.memref_squeeze %dma_start3A_1060 : memref<1x128xi32, #tpu.memory_space<vmem>> -> memref<128xi32, #tpu.memory_space<vmem>>
        %dma_start3A_1062 = arith.constant 0 : i32
        %dma_start3A_1063 = arith.constant 0 : i32
        %dma_start3A_1064 = tpu.memref_slice %arg2[%dma_start3A_1062, %dma_start3A_1063] : memref<100000x16xf32, #tpu.memory_space<hbm>> -> memref<100000x16xf32, #tpu.memory_space<hbm>>
        tpu.enqueue_indirect_dma source(%dma_start3A_1064 : memref<100000x16xf32, #tpu.memory_space<hbm>>) target(%dma_start3A_1058 : memref<128x16xf32, #tpu.memory_space<vmem>>) offsets(%dma_start3A_1061 : memref<128xi32, #tpu.memory_space<vmem>>) semaphore(%arg15 : memref<!tpu.dma_semaphore, #tpu.memory_space<semaphore_mem>>)
        %dma_start3A_1065 = arith.constant 4 : i32
        %dma_start3A_1066 = arith.constant 512 : i32
        %dma_start3A_1067 = arith.constant 0 : i32
        %dma_start3A_1068 = tpu.memref_slice %arg11[%dma_start3A_1066, %dma_start3A_1067] : memref<1024x16xf32, #tpu.memory_space<vmem>> -> memref<128x16xf32, #tpu.memory_space<vmem>>
        %dma_start3A_1069 = arith.constant 0 : i32
        %dma_start3A_1070 = tpu.memref_slice %arg7[%dma_start3A_1065, %dma_start3A_1069] : memref<8x128xi32, #tpu.memory_space<vmem>> -> memref<1x128xi32, #tpu.memory_space<vmem>>
        %dma_start3A_1071 = tpu.memref_squeeze %dma_start3A_1070 : memref<1x128xi32, #tpu.memory_space<vmem>> -> memref<128xi32, #tpu.memory_space<vmem>>
        %dma_start3A_1072 = arith.constant 0 : i32
        %dma_start3A_1073 = arith.constant 0 : i32
        %dma_start3A_1074 = tpu.memref_slice %arg2[%dma_start3A_1072, %dma_start3A_1073] : memref<100000x16xf32, #tpu.memory_space<hbm>> -> memref<100000x16xf32, #tpu.memory_space<hbm>>
        tpu.enqueue_indirect_dma source(%dma_start3A_1074 : memref<100000x16xf32, #tpu.memory_space<hbm>>) target(%dma_start3A_1068 : memref<128x16xf32, #tpu.memory_space<vmem>>) offsets(%dma_start3A_1071 : memref<128xi32, #tpu.memory_space<vmem>>) semaphore(%arg15 : memref<!tpu.dma_semaphore, #tpu.memory_space<semaphore_mem>>)
        %dma_start3A_1075 = arith.constant 4 : i32
        %dma_start3A_1076 = arith.constant 512 : i32
        %dma_start3A_1077 = arith.constant 0 : i32
        %dma_start3A_1078 = tpu.memref_slice %arg12[%dma_start3A_1076, %dma_start3A_1077] : memref<1024x16xf32, #tpu.memory_space<vmem>> -> memref<128x16xf32, #tpu.memory_space<vmem>>
        %dma_start3A_1079 = arith.constant 0 : i32
        %dma_start3A_1080 = tpu.memref_slice %arg8[%dma_start3A_1075, %dma_start3A_1079] : memref<8x128xi32, #tpu.memory_space<vmem>> -> memref<1x128xi32, #tpu.memory_space<vmem>>
        %dma_start3A_1081 = tpu.memref_squeeze %dma_start3A_1080 : memref<1x128xi32, #tpu.memory_space<vmem>> -> memref<128xi32, #tpu.memory_space<vmem>>
        %dma_start3A_1082 = arith.constant 0 : i32
        %dma_start3A_1083 = arith.constant 0 : i32
        %dma_start3A_1084 = tpu.memref_slice %arg2[%dma_start3A_1082, %dma_start3A_1083] : memref<100000x16xf32, #tpu.memory_space<hbm>> -> memref<100000x16xf32, #tpu.memory_space<hbm>>
        tpu.enqueue_indirect_dma source(%dma_start3A_1084 : memref<100000x16xf32, #tpu.memory_space<hbm>>) target(%dma_start3A_1078 : memref<128x16xf32, #tpu.memory_space<vmem>>) offsets(%dma_start3A_1081 : memref<128xi32, #tpu.memory_space<vmem>>) semaphore(%arg15 : memref<!tpu.dma_semaphore, #tpu.memory_space<semaphore_mem>>)
        %dma_start3A_1085 = arith.constant 5 : i32
        %dma_start3A_1086 = arith.constant 640 : i32
        %dma_start3A_1087 = arith.constant 0 : i32
        %dma_start3A_1088 = tpu.memref_slice %arg11[%dma_start3A_1086, %dma_start3A_1087] : memref<1024x16xf32, #tpu.memory_space<vmem>> -> memref<128x16xf32, #tpu.memory_space<vmem>>
        %dma_start3A_1089 = arith.constant 0 : i32
        %dma_start3A_1090 = tpu.memref_slice %arg7[%dma_start3A_1085, %dma_start3A_1089] : memref<8x128xi32, #tpu.memory_space<vmem>> -> memref<1x128xi32, #tpu.memory_space<vmem>>
        %dma_start3A_1091 = tpu.memref_squeeze %dma_start3A_1090 : memref<1x128xi32, #tpu.memory_space<vmem>> -> memref<128xi32, #tpu.memory_space<vmem>>
        %dma_start3A_1092 = arith.constant 0 : i32
        %dma_start3A_1093 = arith.constant 0 : i32
        %dma_start3A_1094 = tpu.memref_slice %arg2[%dma_start3A_1092, %dma_start3A_1093] : memref<100000x16xf32, #tpu.memory_space<hbm>> -> memref<100000x16xf32, #tpu.memory_space<hbm>>
        tpu.enqueue_indirect_dma source(%dma_start3A_1094 : memref<100000x16xf32, #tpu.memory_space<hbm>>) target(%dma_start3A_1088 : memref<128x16xf32, #tpu.memory_space<vmem>>) offsets(%dma_start3A_1091 : memref<128xi32, #tpu.memory_space<vmem>>) semaphore(%arg15 : memref<!tpu.dma_semaphore, #tpu.memory_space<semaphore_mem>>)
        %dma_start3A_1095 = arith.constant 5 : i32
        %dma_start3A_1096 = arith.constant 640 : i32
        %dma_start3A_1097 = arith.constant 0 : i32
        %dma_start3A_1098 = tpu.memref_slice %arg12[%dma_start3A_1096, %dma_start3A_1097] : memref<1024x16xf32, #tpu.memory_space<vmem>> -> memref<128x16xf32, #tpu.memory_space<vmem>>
        %dma_start3A_1099 = arith.constant 0 : i32
        %dma_start3A_1100 = tpu.memref_slice %arg8[%dma_start3A_1095, %dma_start3A_1099] : memref<8x128xi32, #tpu.memory_space<vmem>> -> memref<1x128xi32, #tpu.memory_space<vmem>>
        %dma_start3A_1101 = tpu.memref_squeeze %dma_start3A_1100 : memref<1x128xi32, #tpu.memory_space<vmem>> -> memref<128xi32, #tpu.memory_space<vmem>>
        %dma_start3A_1102 = arith.constant 0 : i32
        %dma_start3A_1103 = arith.constant 0 : i32
        %dma_start3A_1104 = tpu.memref_slice %arg2[%dma_start3A_1102, %dma_start3A_1103] : memref<100000x16xf32, #tpu.memory_space<hbm>> -> memref<100000x16xf32, #tpu.memory_space<hbm>>
        tpu.enqueue_indirect_dma source(%dma_start3A_1104 : memref<100000x16xf32, #tpu.memory_space<hbm>>) target(%dma_start3A_1098 : memref<128x16xf32, #tpu.memory_space<vmem>>) offsets(%dma_start3A_1101 : memref<128xi32, #tpu.memory_space<vmem>>) semaphore(%arg15 : memref<!tpu.dma_semaphore, #tpu.memory_space<semaphore_mem>>)
        %dma_start3A_1105 = arith.constant 6 : i32
        %dma_start3A_1106 = arith.constant 768 : i32
        %dma_start3A_1107 = arith.constant 0 : i32
        %dma_start3A_1108 = tpu.memref_slice %arg11[%dma_start3A_1106, %dma_start3A_1107] : memref<1024x16xf32, #tpu.memory_space<vmem>> -> memref<128x16xf32, #tpu.memory_space<vmem>>
        %dma_start3A_1109 = arith.constant 0 : i32
        %dma_start3A_1110 = tpu.memref_slice %arg7[%dma_start3A_1105, %dma_start3A_1109] : memref<8x128xi32, #tpu.memory_space<vmem>> -> memref<1x128xi32, #tpu.memory_space<vmem>>
        %dma_start3A_1111 = tpu.memref_squeeze %dma_start3A_1110 : memref<1x128xi32, #tpu.memory_space<vmem>> -> memref<128xi32, #tpu.memory_space<vmem>>
        %dma_start3A_1112 = arith.constant 0 : i32
        %dma_start3A_1113 = arith.constant 0 : i32
        %dma_start3A_1114 = tpu.memref_slice %arg2[%dma_start3A_1112, %dma_start3A_1113] : memref<100000x16xf32, #tpu.memory_space<hbm>> -> memref<100000x16xf32, #tpu.memory_space<hbm>>
        tpu.enqueue_indirect_dma source(%dma_start3A_1114 : memref<100000x16xf32, #tpu.memory_space<hbm>>) target(%dma_start3A_1108 : memref<128x16xf32, #tpu.memory_space<vmem>>) offsets(%dma_start3A_1111 : memref<128xi32, #tpu.memory_space<vmem>>) semaphore(%arg15 : memref<!tpu.dma_semaphore, #tpu.memory_space<semaphore_mem>>)
        %dma_start3A_1115 = arith.constant 6 : i32
        %dma_start3A_1116 = arith.constant 768 : i32
        %dma_start3A_1117 = arith.constant 0 : i32
        %dma_start3A_1118 = tpu.memref_slice %arg12[%dma_start3A_1116, %dma_start3A_1117] : memref<1024x16xf32, #tpu.memory_space<vmem>> -> memref<128x16xf32, #tpu.memory_space<vmem>>
        %dma_start3A_1119 = arith.constant 0 : i32
        %dma_start3A_1120 = tpu.memref_slice %arg8[%dma_start3A_1115, %dma_start3A_1119] : memref<8x128xi32, #tpu.memory_space<vmem>> -> memref<1x128xi32, #tpu.memory_space<vmem>>
        %dma_start3A_1121 = tpu.memref_squeeze %dma_start3A_1120 : memref<1x128xi32, #tpu.memory_space<vmem>> -> memref<128xi32, #tpu.memory_space<vmem>>
        %dma_start3A_1122 = arith.constant 0 : i32
        %dma_start3A_1123 = arith.constant 0 : i32
        %dma_start3A_1124 = tpu.memref_slice %arg2[%dma_start3A_1122, %dma_start3A_1123] : memref<100000x16xf32, #tpu.memory_space<hbm>> -> memref<100000x16xf32, #tpu.memory_space<hbm>>
        tpu.enqueue_indirect_dma source(%dma_start3A_1124 : memref<100000x16xf32, #tpu.memory_space<hbm>>) target(%dma_start3A_1118 : memref<128x16xf32, #tpu.memory_space<vmem>>) offsets(%dma_start3A_1121 : memref<128xi32, #tpu.memory_space<vmem>>) semaphore(%arg15 : memref<!tpu.dma_semaphore, #tpu.memory_space<semaphore_mem>>)
        %dma_start3A_1125 = arith.constant 7 : i32
        %dma_start3A_1126 = arith.constant 896 : i32
        %dma_start3A_1127 = arith.constant 0 : i32
        %dma_start3A_1128 = tpu.memref_slice %arg11[%dma_start3A_1126, %dma_start3A_1127] : memref<1024x16xf32, #tpu.memory_space<vmem>> -> memref<128x16xf32, #tpu.memory_space<vmem>>
        %dma_start3A_1129 = arith.constant 0 : i32
        %dma_start3A_1130 = tpu.memref_slice %arg7[%dma_start3A_1125, %dma_start3A_1129] : memref<8x128xi32, #tpu.memory_space<vmem>> -> memref<1x128xi32, #tpu.memory_space<vmem>>
        %dma_start3A_1131 = tpu.memref_squeeze %dma_start3A_1130 : memref<1x128xi32, #tpu.memory_space<vmem>> -> memref<128xi32, #tpu.memory_space<vmem>>
        %dma_start3A_1132 = arith.constant 0 : i32
        %dma_start3A_1133 = arith.constant 0 : i32
        %dma_start3A_1134 = tpu.memref_slice %arg2[%dma_start3A_1132, %dma_start3A_1133] : memref<100000x16xf32, #tpu.memory_space<hbm>> -> memref<100000x16xf32, #tpu.memory_space<hbm>>
        tpu.enqueue_indirect_dma source(%dma_start3A_1134 : memref<100000x16xf32, #tpu.memory_space<hbm>>) target(%dma_start3A_1128 : memref<128x16xf32, #tpu.memory_space<vmem>>) offsets(%dma_start3A_1131 : memref<128xi32, #tpu.memory_space<vmem>>) semaphore(%arg15 : memref<!tpu.dma_semaphore, #tpu.memory_space<semaphore_mem>>)
        %dma_start3A_1135 = arith.constant 7 : i32
        %dma_start3A_1136 = arith.constant 896 : i32
        %dma_start3A_1137 = arith.constant 0 : i32
        %dma_start3A_1138 = tpu.memref_slice %arg12[%dma_start3A_1136, %dma_start3A_1137] : memref<1024x16xf32, #tpu.memory_space<vmem>> -> memref<128x16xf32, #tpu.memory_space<vmem>>
        %dma_start3A_1139 = arith.constant 0 : i32
        %dma_start3A_1140 = tpu.memref_slice %arg8[%dma_start3A_1135, %dma_start3A_1139] : memref<8x128xi32, #tpu.memory_space<vmem>> -> memref<1x128xi32, #tpu.memory_space<vmem>>
        %dma_start3A_1141 = tpu.memref_squeeze %dma_start3A_1140 : memref<1x128xi32, #tpu.memory_space<vmem>> -> memref<128xi32, #tpu.memory_space<vmem>>
        %dma_start3A_1142 = arith.constant 0 : i32
        %dma_start3A_1143 = arith.constant 0 : i32
        %dma_start3A_1144 = tpu.memref_slice %arg2[%dma_start3A_1142, %dma_start3A_1143] : memref<100000x16xf32, #tpu.memory_space<hbm>> -> memref<100000x16xf32, #tpu.memory_space<hbm>>
        tpu.enqueue_indirect_dma source(%dma_start3A_1144 : memref<100000x16xf32, #tpu.memory_space<hbm>>) target(%dma_start3A_1138 : memref<128x16xf32, #tpu.memory_space<vmem>>) offsets(%dma_start3A_1141 : memref<128xi32, #tpu.memory_space<vmem>>) semaphore(%arg15 : memref<!tpu.dma_semaphore, #tpu.memory_space<semaphore_mem>>)
      } else {
      }
      %dma_wait3A_762 = arith.constant 0 : i32
      %dma_wait3A_763 = arith.constant 0 : i32
      %dma_wait3A_764 = arith.constant 0 : i32
      %dma_wait3A_765 = tpu.memref_slice %arg13[%dma_wait3A_763, %dma_wait3A_764] : memref<1024x16xf32, #tpu.memory_space<vmem>> -> memref<128x16xf32, #tpu.memory_space<vmem>>
      %dma_wait3A_766 = arith.constant 0 : i32
      %dma_wait3A_767 = tpu.memref_slice %arg9[%dma_wait3A_762, %dma_wait3A_766] : memref<8x128xi32, #tpu.memory_space<vmem>> -> memref<1x128xi32, #tpu.memory_space<vmem>>
      %dma_wait3A_768 = tpu.memref_squeeze %dma_wait3A_767 : memref<1x128xi32, #tpu.memory_space<vmem>> -> memref<128xi32, #tpu.memory_space<vmem>>
      %dma_wait3A_769 = arith.constant 0 : i32
      %dma_wait3A_770 = arith.constant 0 : i32
      %dma_wait3A_771 = tpu.memref_slice %arg2[%dma_wait3A_769, %dma_wait3A_770] : memref<100000x16xf32, #tpu.memory_space<hbm>> -> memref<100000x16xf32, #tpu.memory_space<hbm>>
      tpu.wait_indirect_dma semaphore(%arg16 : memref<!tpu.dma_semaphore, #tpu.memory_space<semaphore_mem>>) src(%dma_wait3A_771 : memref<100000x16xf32, #tpu.memory_space<hbm>>) dst(%dma_wait3A_765 : memref<128x16xf32, #tpu.memory_space<vmem>>)
      %dma_wait3A_772 = arith.constant 0 : i32
      %dma_wait3A_773 = arith.constant 0 : i32
      %dma_wait3A_774 = arith.constant 0 : i32
      %dma_wait3A_775 = tpu.memref_slice %arg14[%dma_wait3A_773, %dma_wait3A_774] : memref<1024x16xf32, #tpu.memory_space<vmem>> -> memref<128x16xf32, #tpu.memory_space<vmem>>
      %dma_wait3A_776 = arith.constant 0 : i32
      %dma_wait3A_777 = tpu.memref_slice %arg10[%dma_wait3A_772, %dma_wait3A_776] : memref<8x128xi32, #tpu.memory_space<vmem>> -> memref<1x128xi32, #tpu.memory_space<vmem>>
      %dma_wait3A_778 = tpu.memref_squeeze %dma_wait3A_777 : memref<1x128xi32, #tpu.memory_space<vmem>> -> memref<128xi32, #tpu.memory_space<vmem>>
      %dma_wait3A_779 = arith.constant 0 : i32
      %dma_wait3A_780 = arith.constant 0 : i32
      %dma_wait3A_781 = tpu.memref_slice %arg2[%dma_wait3A_779, %dma_wait3A_780] : memref<100000x16xf32, #tpu.memory_space<hbm>> -> memref<100000x16xf32, #tpu.memory_space<hbm>>
      tpu.wait_indirect_dma semaphore(%arg16 : memref<!tpu.dma_semaphore, #tpu.memory_space<semaphore_mem>>) src(%dma_wait3A_781 : memref<100000x16xf32, #tpu.memory_space<hbm>>) dst(%dma_wait3A_775 : memref<128x16xf32, #tpu.memory_space<vmem>>)
      %dma_wait3A_782 = arith.constant 1 : i32
      %dma_wait3A_783 = arith.constant 128 : i32
      %dma_wait3A_784 = arith.constant 0 : i32
      %dma_wait3A_785 = tpu.memref_slice %arg13[%dma_wait3A_783, %dma_wait3A_784] : memref<1024x16xf32, #tpu.memory_space<vmem>> -> memref<128x16xf32, #tpu.memory_space<vmem>>
      %dma_wait3A_786 = arith.constant 0 : i32
      %dma_wait3A_787 = tpu.memref_slice %arg9[%dma_wait3A_782, %dma_wait3A_786] : memref<8x128xi32, #tpu.memory_space<vmem>> -> memref<1x128xi32, #tpu.memory_space<vmem>>
      %dma_wait3A_788 = tpu.memref_squeeze %dma_wait3A_787 : memref<1x128xi32, #tpu.memory_space<vmem>> -> memref<128xi32, #tpu.memory_space<vmem>>
      %dma_wait3A_789 = arith.constant 0 : i32
      %dma_wait3A_790 = arith.constant 0 : i32
      %dma_wait3A_791 = tpu.memref_slice %arg2[%dma_wait3A_789, %dma_wait3A_790] : memref<100000x16xf32, #tpu.memory_space<hbm>> -> memref<100000x16xf32, #tpu.memory_space<hbm>>
      tpu.wait_indirect_dma semaphore(%arg16 : memref<!tpu.dma_semaphore, #tpu.memory_space<semaphore_mem>>) src(%dma_wait3A_791 : memref<100000x16xf32, #tpu.memory_space<hbm>>) dst(%dma_wait3A_785 : memref<128x16xf32, #tpu.memory_space<vmem>>)
      %dma_wait3A_792 = arith.constant 1 : i32
      %dma_wait3A_793 = arith.constant 128 : i32
      %dma_wait3A_794 = arith.constant 0 : i32
      %dma_wait3A_795 = tpu.memref_slice %arg14[%dma_wait3A_793, %dma_wait3A_794] : memref<1024x16xf32, #tpu.memory_space<vmem>> -> memref<128x16xf32, #tpu.memory_space<vmem>>
      %dma_wait3A_796 = arith.constant 0 : i32
      %dma_wait3A_797 = tpu.memref_slice %arg10[%dma_wait3A_792, %dma_wait3A_796] : memref<8x128xi32, #tpu.memory_space<vmem>> -> memref<1x128xi32, #tpu.memory_space<vmem>>
      %dma_wait3A_798 = tpu.memref_squeeze %dma_wait3A_797 : memref<1x128xi32, #tpu.memory_space<vmem>> -> memref<128xi32, #tpu.memory_space<vmem>>
      %dma_wait3A_799 = arith.constant 0 : i32
      %dma_wait3A_800 = arith.constant 0 : i32
      %dma_wait3A_801 = tpu.memref_slice %arg2[%dma_wait3A_799, %dma_wait3A_800] : memref<100000x16xf32, #tpu.memory_space<hbm>> -> memref<100000x16xf32, #tpu.memory_space<hbm>>
      tpu.wait_indirect_dma semaphore(%arg16 : memref<!tpu.dma_semaphore, #tpu.memory_space<semaphore_mem>>) src(%dma_wait3A_801 : memref<100000x16xf32, #tpu.memory_space<hbm>>) dst(%dma_wait3A_795 : memref<128x16xf32, #tpu.memory_space<vmem>>)
      %dma_wait3A_802 = arith.constant 2 : i32
      %dma_wait3A_803 = arith.constant 256 : i32
      %dma_wait3A_804 = arith.constant 0 : i32
      %dma_wait3A_805 = tpu.memref_slice %arg13[%dma_wait3A_803, %dma_wait3A_804] : memref<1024x16xf32, #tpu.memory_space<vmem>> -> memref<128x16xf32, #tpu.memory_space<vmem>>
      %dma_wait3A_806 = arith.constant 0 : i32
      %dma_wait3A_807 = tpu.memref_slice %arg9[%dma_wait3A_802, %dma_wait3A_806] : memref<8x128xi32, #tpu.memory_space<vmem>> -> memref<1x128xi32, #tpu.memory_space<vmem>>
      %dma_wait3A_808 = tpu.memref_squeeze %dma_wait3A_807 : memref<1x128xi32, #tpu.memory_space<vmem>> -> memref<128xi32, #tpu.memory_space<vmem>>
      %dma_wait3A_809 = arith.constant 0 : i32
      %dma_wait3A_810 = arith.constant 0 : i32
      %dma_wait3A_811 = tpu.memref_slice %arg2[%dma_wait3A_809, %dma_wait3A_810] : memref<100000x16xf32, #tpu.memory_space<hbm>> -> memref<100000x16xf32, #tpu.memory_space<hbm>>
      tpu.wait_indirect_dma semaphore(%arg16 : memref<!tpu.dma_semaphore, #tpu.memory_space<semaphore_mem>>) src(%dma_wait3A_811 : memref<100000x16xf32, #tpu.memory_space<hbm>>) dst(%dma_wait3A_805 : memref<128x16xf32, #tpu.memory_space<vmem>>)
      %dma_wait3A_812 = arith.constant 2 : i32
      %dma_wait3A_813 = arith.constant 256 : i32
      %dma_wait3A_814 = arith.constant 0 : i32
      %dma_wait3A_815 = tpu.memref_slice %arg14[%dma_wait3A_813, %dma_wait3A_814] : memref<1024x16xf32, #tpu.memory_space<vmem>> -> memref<128x16xf32, #tpu.memory_space<vmem>>
      %dma_wait3A_816 = arith.constant 0 : i32
      %dma_wait3A_817 = tpu.memref_slice %arg10[%dma_wait3A_812, %dma_wait3A_816] : memref<8x128xi32, #tpu.memory_space<vmem>> -> memref<1x128xi32, #tpu.memory_space<vmem>>
      %dma_wait3A_818 = tpu.memref_squeeze %dma_wait3A_817 : memref<1x128xi32, #tpu.memory_space<vmem>> -> memref<128xi32, #tpu.memory_space<vmem>>
      %dma_wait3A_819 = arith.constant 0 : i32
      %dma_wait3A_820 = arith.constant 0 : i32
      %dma_wait3A_821 = tpu.memref_slice %arg2[%dma_wait3A_819, %dma_wait3A_820] : memref<100000x16xf32, #tpu.memory_space<hbm>> -> memref<100000x16xf32, #tpu.memory_space<hbm>>
      tpu.wait_indirect_dma semaphore(%arg16 : memref<!tpu.dma_semaphore, #tpu.memory_space<semaphore_mem>>) src(%dma_wait3A_821 : memref<100000x16xf32, #tpu.memory_space<hbm>>) dst(%dma_wait3A_815 : memref<128x16xf32, #tpu.memory_space<vmem>>)
      %dma_wait3A_822 = arith.constant 3 : i32
      %dma_wait3A_823 = arith.constant 384 : i32
      %dma_wait3A_824 = arith.constant 0 : i32
      %dma_wait3A_825 = tpu.memref_slice %arg13[%dma_wait3A_823, %dma_wait3A_824] : memref<1024x16xf32, #tpu.memory_space<vmem>> -> memref<128x16xf32, #tpu.memory_space<vmem>>
      %dma_wait3A_826 = arith.constant 0 : i32
      %dma_wait3A_827 = tpu.memref_slice %arg9[%dma_wait3A_822, %dma_wait3A_826] : memref<8x128xi32, #tpu.memory_space<vmem>> -> memref<1x128xi32, #tpu.memory_space<vmem>>
      %dma_wait3A_828 = tpu.memref_squeeze %dma_wait3A_827 : memref<1x128xi32, #tpu.memory_space<vmem>> -> memref<128xi32, #tpu.memory_space<vmem>>
      %dma_wait3A_829 = arith.constant 0 : i32
      %dma_wait3A_830 = arith.constant 0 : i32
      %dma_wait3A_831 = tpu.memref_slice %arg2[%dma_wait3A_829, %dma_wait3A_830] : memref<100000x16xf32, #tpu.memory_space<hbm>> -> memref<100000x16xf32, #tpu.memory_space<hbm>>
      tpu.wait_indirect_dma semaphore(%arg16 : memref<!tpu.dma_semaphore, #tpu.memory_space<semaphore_mem>>) src(%dma_wait3A_831 : memref<100000x16xf32, #tpu.memory_space<hbm>>) dst(%dma_wait3A_825 : memref<128x16xf32, #tpu.memory_space<vmem>>)
      %dma_wait3A_832 = arith.constant 3 : i32
      %dma_wait3A_833 = arith.constant 384 : i32
      %dma_wait3A_834 = arith.constant 0 : i32
      %dma_wait3A_835 = tpu.memref_slice %arg14[%dma_wait3A_833, %dma_wait3A_834] : memref<1024x16xf32, #tpu.memory_space<vmem>> -> memref<128x16xf32, #tpu.memory_space<vmem>>
      %dma_wait3A_836 = arith.constant 0 : i32
      %dma_wait3A_837 = tpu.memref_slice %arg10[%dma_wait3A_832, %dma_wait3A_836] : memref<8x128xi32, #tpu.memory_space<vmem>> -> memref<1x128xi32, #tpu.memory_space<vmem>>
      %dma_wait3A_838 = tpu.memref_squeeze %dma_wait3A_837 : memref<1x128xi32, #tpu.memory_space<vmem>> -> memref<128xi32, #tpu.memory_space<vmem>>
      %dma_wait3A_839 = arith.constant 0 : i32
      %dma_wait3A_840 = arith.constant 0 : i32
      %dma_wait3A_841 = tpu.memref_slice %arg2[%dma_wait3A_839, %dma_wait3A_840] : memref<100000x16xf32, #tpu.memory_space<hbm>> -> memref<100000x16xf32, #tpu.memory_space<hbm>>
      tpu.wait_indirect_dma semaphore(%arg16 : memref<!tpu.dma_semaphore, #tpu.memory_space<semaphore_mem>>) src(%dma_wait3A_841 : memref<100000x16xf32, #tpu.memory_space<hbm>>) dst(%dma_wait3A_835 : memref<128x16xf32, #tpu.memory_space<vmem>>)
      %dma_wait3A_842 = arith.constant 4 : i32
      %dma_wait3A_843 = arith.constant 512 : i32
      %dma_wait3A_844 = arith.constant 0 : i32
      %dma_wait3A_845 = tpu.memref_slice %arg13[%dma_wait3A_843, %dma_wait3A_844] : memref<1024x16xf32, #tpu.memory_space<vmem>> -> memref<128x16xf32, #tpu.memory_space<vmem>>
      %dma_wait3A_846 = arith.constant 0 : i32
      %dma_wait3A_847 = tpu.memref_slice %arg9[%dma_wait3A_842, %dma_wait3A_846] : memref<8x128xi32, #tpu.memory_space<vmem>> -> memref<1x128xi32, #tpu.memory_space<vmem>>
      %dma_wait3A_848 = tpu.memref_squeeze %dma_wait3A_847 : memref<1x128xi32, #tpu.memory_space<vmem>> -> memref<128xi32, #tpu.memory_space<vmem>>
      %dma_wait3A_849 = arith.constant 0 : i32
      %dma_wait3A_850 = arith.constant 0 : i32
      %dma_wait3A_851 = tpu.memref_slice %arg2[%dma_wait3A_849, %dma_wait3A_850] : memref<100000x16xf32, #tpu.memory_space<hbm>> -> memref<100000x16xf32, #tpu.memory_space<hbm>>
      tpu.wait_indirect_dma semaphore(%arg16 : memref<!tpu.dma_semaphore, #tpu.memory_space<semaphore_mem>>) src(%dma_wait3A_851 : memref<100000x16xf32, #tpu.memory_space<hbm>>) dst(%dma_wait3A_845 : memref<128x16xf32, #tpu.memory_space<vmem>>)
      %dma_wait3A_852 = arith.constant 4 : i32
      %dma_wait3A_853 = arith.constant 512 : i32
      %dma_wait3A_854 = arith.constant 0 : i32
      %dma_wait3A_855 = tpu.memref_slice %arg14[%dma_wait3A_853, %dma_wait3A_854] : memref<1024x16xf32, #tpu.memory_space<vmem>> -> memref<128x16xf32, #tpu.memory_space<vmem>>
      %dma_wait3A_856 = arith.constant 0 : i32
      %dma_wait3A_857 = tpu.memref_slice %arg10[%dma_wait3A_852, %dma_wait3A_856] : memref<8x128xi32, #tpu.memory_space<vmem>> -> memref<1x128xi32, #tpu.memory_space<vmem>>
      %dma_wait3A_858 = tpu.memref_squeeze %dma_wait3A_857 : memref<1x128xi32, #tpu.memory_space<vmem>> -> memref<128xi32, #tpu.memory_space<vmem>>
      %dma_wait3A_859 = arith.constant 0 : i32
      %dma_wait3A_860 = arith.constant 0 : i32
      %dma_wait3A_861 = tpu.memref_slice %arg2[%dma_wait3A_859, %dma_wait3A_860] : memref<100000x16xf32, #tpu.memory_space<hbm>> -> memref<100000x16xf32, #tpu.memory_space<hbm>>
      tpu.wait_indirect_dma semaphore(%arg16 : memref<!tpu.dma_semaphore, #tpu.memory_space<semaphore_mem>>) src(%dma_wait3A_861 : memref<100000x16xf32, #tpu.memory_space<hbm>>) dst(%dma_wait3A_855 : memref<128x16xf32, #tpu.memory_space<vmem>>)
      %dma_wait3A_862 = arith.constant 5 : i32
      %dma_wait3A_863 = arith.constant 640 : i32
      %dma_wait3A_864 = arith.constant 0 : i32
      %dma_wait3A_865 = tpu.memref_slice %arg13[%dma_wait3A_863, %dma_wait3A_864] : memref<1024x16xf32, #tpu.memory_space<vmem>> -> memref<128x16xf32, #tpu.memory_space<vmem>>
      %dma_wait3A_866 = arith.constant 0 : i32
      %dma_wait3A_867 = tpu.memref_slice %arg9[%dma_wait3A_862, %dma_wait3A_866] : memref<8x128xi32, #tpu.memory_space<vmem>> -> memref<1x128xi32, #tpu.memory_space<vmem>>
      %dma_wait3A_868 = tpu.memref_squeeze %dma_wait3A_867 : memref<1x128xi32, #tpu.memory_space<vmem>> -> memref<128xi32, #tpu.memory_space<vmem>>
      %dma_wait3A_869 = arith.constant 0 : i32
      %dma_wait3A_870 = arith.constant 0 : i32
      %dma_wait3A_871 = tpu.memref_slice %arg2[%dma_wait3A_869, %dma_wait3A_870] : memref<100000x16xf32, #tpu.memory_space<hbm>> -> memref<100000x16xf32, #tpu.memory_space<hbm>>
      tpu.wait_indirect_dma semaphore(%arg16 : memref<!tpu.dma_semaphore, #tpu.memory_space<semaphore_mem>>) src(%dma_wait3A_871 : memref<100000x16xf32, #tpu.memory_space<hbm>>) dst(%dma_wait3A_865 : memref<128x16xf32, #tpu.memory_space<vmem>>)
      %dma_wait3A_872 = arith.constant 5 : i32
      %dma_wait3A_873 = arith.constant 640 : i32
      %dma_wait3A_874 = arith.constant 0 : i32
      %dma_wait3A_875 = tpu.memref_slice %arg14[%dma_wait3A_873, %dma_wait3A_874] : memref<1024x16xf32, #tpu.memory_space<vmem>> -> memref<128x16xf32, #tpu.memory_space<vmem>>
      %dma_wait3A_876 = arith.constant 0 : i32
      %dma_wait3A_877 = tpu.memref_slice %arg10[%dma_wait3A_872, %dma_wait3A_876] : memref<8x128xi32, #tpu.memory_space<vmem>> -> memref<1x128xi32, #tpu.memory_space<vmem>>
      %dma_wait3A_878 = tpu.memref_squeeze %dma_wait3A_877 : memref<1x128xi32, #tpu.memory_space<vmem>> -> memref<128xi32, #tpu.memory_space<vmem>>
      %dma_wait3A_879 = arith.constant 0 : i32
      %dma_wait3A_880 = arith.constant 0 : i32
      %dma_wait3A_881 = tpu.memref_slice %arg2[%dma_wait3A_879, %dma_wait3A_880] : memref<100000x16xf32, #tpu.memory_space<hbm>> -> memref<100000x16xf32, #tpu.memory_space<hbm>>
      tpu.wait_indirect_dma semaphore(%arg16 : memref<!tpu.dma_semaphore, #tpu.memory_space<semaphore_mem>>) src(%dma_wait3A_881 : memref<100000x16xf32, #tpu.memory_space<hbm>>) dst(%dma_wait3A_875 : memref<128x16xf32, #tpu.memory_space<vmem>>)
      %dma_wait3A_882 = arith.constant 6 : i32
      %dma_wait3A_883 = arith.constant 768 : i32
      %dma_wait3A_884 = arith.constant 0 : i32
      %dma_wait3A_885 = tpu.memref_slice %arg13[%dma_wait3A_883, %dma_wait3A_884] : memref<1024x16xf32, #tpu.memory_space<vmem>> -> memref<128x16xf32, #tpu.memory_space<vmem>>
      %dma_wait3A_886 = arith.constant 0 : i32
      %dma_wait3A_887 = tpu.memref_slice %arg9[%dma_wait3A_882, %dma_wait3A_886] : memref<8x128xi32, #tpu.memory_space<vmem>> -> memref<1x128xi32, #tpu.memory_space<vmem>>
      %dma_wait3A_888 = tpu.memref_squeeze %dma_wait3A_887 : memref<1x128xi32, #tpu.memory_space<vmem>> -> memref<128xi32, #tpu.memory_space<vmem>>
      %dma_wait3A_889 = arith.constant 0 : i32
      %dma_wait3A_890 = arith.constant 0 : i32
      %dma_wait3A_891 = tpu.memref_slice %arg2[%dma_wait3A_889, %dma_wait3A_890] : memref<100000x16xf32, #tpu.memory_space<hbm>> -> memref<100000x16xf32, #tpu.memory_space<hbm>>
      tpu.wait_indirect_dma semaphore(%arg16 : memref<!tpu.dma_semaphore, #tpu.memory_space<semaphore_mem>>) src(%dma_wait3A_891 : memref<100000x16xf32, #tpu.memory_space<hbm>>) dst(%dma_wait3A_885 : memref<128x16xf32, #tpu.memory_space<vmem>>)
      %dma_wait3A_892 = arith.constant 6 : i32
      %dma_wait3A_893 = arith.constant 768 : i32
      %dma_wait3A_894 = arith.constant 0 : i32
      %dma_wait3A_895 = tpu.memref_slice %arg14[%dma_wait3A_893, %dma_wait3A_894] : memref<1024x16xf32, #tpu.memory_space<vmem>> -> memref<128x16xf32, #tpu.memory_space<vmem>>
      %dma_wait3A_896 = arith.constant 0 : i32
      %dma_wait3A_897 = tpu.memref_slice %arg10[%dma_wait3A_892, %dma_wait3A_896] : memref<8x128xi32, #tpu.memory_space<vmem>> -> memref<1x128xi32, #tpu.memory_space<vmem>>
      %dma_wait3A_898 = tpu.memref_squeeze %dma_wait3A_897 : memref<1x128xi32, #tpu.memory_space<vmem>> -> memref<128xi32, #tpu.memory_space<vmem>>
      %dma_wait3A_899 = arith.constant 0 : i32
      %dma_wait3A_900 = arith.constant 0 : i32
      %dma_wait3A_901 = tpu.memref_slice %arg2[%dma_wait3A_899, %dma_wait3A_900] : memref<100000x16xf32, #tpu.memory_space<hbm>> -> memref<100000x16xf32, #tpu.memory_space<hbm>>
      tpu.wait_indirect_dma semaphore(%arg16 : memref<!tpu.dma_semaphore, #tpu.memory_space<semaphore_mem>>) src(%dma_wait3A_901 : memref<100000x16xf32, #tpu.memory_space<hbm>>) dst(%dma_wait3A_895 : memref<128x16xf32, #tpu.memory_space<vmem>>)
      %dma_wait3A_902 = arith.constant 7 : i32
      %dma_wait3A_903 = arith.constant 896 : i32
      %dma_wait3A_904 = arith.constant 0 : i32
      %dma_wait3A_905 = tpu.memref_slice %arg13[%dma_wait3A_903, %dma_wait3A_904] : memref<1024x16xf32, #tpu.memory_space<vmem>> -> memref<128x16xf32, #tpu.memory_space<vmem>>
      %dma_wait3A_906 = arith.constant 0 : i32
      %dma_wait3A_907 = tpu.memref_slice %arg9[%dma_wait3A_902, %dma_wait3A_906] : memref<8x128xi32, #tpu.memory_space<vmem>> -> memref<1x128xi32, #tpu.memory_space<vmem>>
      %dma_wait3A_908 = tpu.memref_squeeze %dma_wait3A_907 : memref<1x128xi32, #tpu.memory_space<vmem>> -> memref<128xi32, #tpu.memory_space<vmem>>
      %dma_wait3A_909 = arith.constant 0 : i32
      %dma_wait3A_910 = arith.constant 0 : i32
      %dma_wait3A_911 = tpu.memref_slice %arg2[%dma_wait3A_909, %dma_wait3A_910] : memref<100000x16xf32, #tpu.memory_space<hbm>> -> memref<100000x16xf32, #tpu.memory_space<hbm>>
      tpu.wait_indirect_dma semaphore(%arg16 : memref<!tpu.dma_semaphore, #tpu.memory_space<semaphore_mem>>) src(%dma_wait3A_911 : memref<100000x16xf32, #tpu.memory_space<hbm>>) dst(%dma_wait3A_905 : memref<128x16xf32, #tpu.memory_space<vmem>>)
      %dma_wait3A_912 = arith.constant 7 : i32
      %dma_wait3A_913 = arith.constant 896 : i32
      %dma_wait3A_914 = arith.constant 0 : i32
      %dma_wait3A_915 = tpu.memref_slice %arg14[%dma_wait3A_913, %dma_wait3A_914] : memref<1024x16xf32, #tpu.memory_space<vmem>> -> memref<128x16xf32, #tpu.memory_space<vmem>>
      %dma_wait3A_916 = arith.constant 0 : i32
      %dma_wait3A_917 = tpu.memref_slice %arg10[%dma_wait3A_912, %dma_wait3A_916] : memref<8x128xi32, #tpu.memory_space<vmem>> -> memref<1x128xi32, #tpu.memory_space<vmem>>
      %dma_wait3A_918 = tpu.memref_squeeze %dma_wait3A_917 : memref<1x128xi32, #tpu.memory_space<vmem>> -> memref<128xi32, #tpu.memory_space<vmem>>
      %dma_wait3A_919 = arith.constant 0 : i32
      %dma_wait3A_920 = arith.constant 0 : i32
      %dma_wait3A_921 = tpu.memref_slice %arg2[%dma_wait3A_919, %dma_wait3A_920] : memref<100000x16xf32, #tpu.memory_space<hbm>> -> memref<100000x16xf32, #tpu.memory_space<hbm>>
      tpu.wait_indirect_dma semaphore(%arg16 : memref<!tpu.dma_semaphore, #tpu.memory_space<semaphore_mem>>) src(%dma_wait3A_921 : memref<100000x16xf32, #tpu.memory_space<hbm>>) dst(%dma_wait3A_915 : memref<128x16xf32, #tpu.memory_space<vmem>>)
      %mul3A_922 = arith.constant 8 : i32
      %mul3A_923 = arith.muli %add3A_403, %mul3A_922 : i32
      %add3A_924 = arith.addi %mul3A_2, %mul3A_923 : i32
      %mul3A_925 = arith.constant 128 : i32
      %mul3A_926 = arith.muli %add3A_924, %mul3A_925 : i32
      %multiple_of3A_927 = tpu.assume_multiple %mul3A_926, 1024 : i32
      %dma_start3A_928 = arith.constant 0 : i32
      %dma_start3A_929 = tpu.memref_slice %arg5[%multiple_of3A_927, %dma_start3A_928] : memref<819200x16xf32, #tpu.memory_space<hbm>> -> memref<1024x16xf32, #tpu.memory_space<hbm>>
      %dma_start3A_930 = arith.constant 0 : i32
      %dma_start3A_931 = tpu.memref_slice %arg5[%multiple_of3A_927, %dma_start3A_930] : memref<819200x16xf32, #tpu.memory_space<hbm>> -> memref<1024x16xf32, #tpu.memory_space<hbm>>
      tpu.enqueue_dma source(%arg13 : memref<1024x16xf32, #tpu.memory_space<vmem>>) target(%dma_start3A_931 : memref<1024x16xf32, #tpu.memory_space<hbm>>) target_semaphore(%arg20 : memref<!tpu.dma_semaphore, #tpu.memory_space<semaphore_mem>>)
      %dma_start3A_932 = arith.constant 0 : i32
      %dma_start3A_933 = tpu.memref_slice %arg6[%multiple_of3A_927, %dma_start3A_932] : memref<819200x16xf32, #tpu.memory_space<hbm>> -> memref<1024x16xf32, #tpu.memory_space<hbm>>
      %dma_start3A_934 = arith.constant 0 : i32
      %dma_start3A_935 = tpu.memref_slice %arg6[%multiple_of3A_927, %dma_start3A_934] : memref<819200x16xf32, #tpu.memory_space<hbm>> -> memref<1024x16xf32, #tpu.memory_space<hbm>>
      tpu.enqueue_dma source(%arg14 : memref<1024x16xf32, #tpu.memory_space<vmem>>) target(%dma_start3A_935 : memref<1024x16xf32, #tpu.memory_space<hbm>>) target_semaphore(%arg20 : memref<!tpu.dma_semaphore, #tpu.memory_space<semaphore_mem>>)
      %add3A_936 = arith.constant 2 : i32
      %add3A_937 = arith.addi %add3A_403, %add3A_936 : i32
      %lt3A_938 = arith.constant 25 : i32
      %lt3A_939 = arith.cmpi slt, %add3A_937, %lt3A_938 : i32
      %convert_element_type3A_940 = arith.extui %lt3A_939 : i1 to i32
      %cond3A_941 = arith.constant 0 : i32
      %cond3A_942 = arith.cmpi ne, %convert_element_type3A_940, %cond3A_941 : i32
      scf.if %cond3A_942 {
        %add3A_943 = arith.constant 2 : i32
        %add3A_944 = arith.addi %add3A_403, %add3A_943 : i32
        %mul3A_945 = arith.constant 8 : i32
        %mul3A_946 = arith.muli %add3A_944, %mul3A_945 : i32
        %add3A_947 = arith.addi %mul3A_2, %mul3A_946 : i32
        %multiple_of3A_948 = tpu.assume_multiple %add3A_947, 8 : i32
        %dma_start3A_949 = arith.constant 0 : i32
        %dma_start3A_950 = tpu.memref_slice %arg3[%multiple_of3A_948, %dma_start3A_949] : memref<6400x128xi32, #tpu.memory_space<hbm>> -> memref<8x128xi32, #tpu.memory_space<hbm>>
        %dma_start3A_951 = arith.constant 0 : i32
        %dma_start3A_952 = tpu.memref_slice %arg3[%multiple_of3A_948, %dma_start3A_951] : memref<6400x128xi32, #tpu.memory_space<hbm>> -> memref<8x128xi32, #tpu.memory_space<hbm>>
        tpu.enqueue_dma source(%dma_start3A_952 : memref<8x128xi32, #tpu.memory_space<hbm>>) target(%arg9 : memref<8x128xi32, #tpu.memory_space<vmem>>) target_semaphore(%arg18 : memref<!tpu.dma_semaphore, #tpu.memory_space<semaphore_mem>>)
        %dma_start3A_953 = arith.constant 0 : i32
        %dma_start3A_954 = tpu.memref_slice %arg4[%multiple_of3A_948, %dma_start3A_953] : memref<6400x128xi32, #tpu.memory_space<hbm>> -> memref<8x128xi32, #tpu.memory_space<hbm>>
        %dma_start3A_955 = arith.constant 0 : i32
        %dma_start3A_956 = tpu.memref_slice %arg4[%multiple_of3A_948, %dma_start3A_955] : memref<6400x128xi32, #tpu.memory_space<hbm>> -> memref<8x128xi32, #tpu.memory_space<hbm>>
        tpu.enqueue_dma source(%dma_start3A_956 : memref<8x128xi32, #tpu.memory_space<hbm>>) target(%arg10 : memref<8x128xi32, #tpu.memory_space<vmem>>) target_semaphore(%arg18 : memref<!tpu.dma_semaphore, #tpu.memory_space<semaphore_mem>>)
      } else {
      }
    }
    %scan3A_197 = arith.constant 12 : i32
    %dma_wait3A_198 = arith.constant 0 : i32
    %dma_wait3A_199 = arith.constant 0 : i32
    %dma_wait3A_200 = arith.constant 0 : i32
    %dma_wait3A_201 = tpu.memref_slice %arg11[%dma_wait3A_199, %dma_wait3A_200] : memref<1024x16xf32, #tpu.memory_space<vmem>> -> memref<128x16xf32, #tpu.memory_space<vmem>>
    %dma_wait3A_202 = arith.constant 0 : i32
    %dma_wait3A_203 = tpu.memref_slice %arg7[%dma_wait3A_198, %dma_wait3A_202] : memref<8x128xi32, #tpu.memory_space<vmem>> -> memref<1x128xi32, #tpu.memory_space<vmem>>
    %dma_wait3A_204 = tpu.memref_squeeze %dma_wait3A_203 : memref<1x128xi32, #tpu.memory_space<vmem>> -> memref<128xi32, #tpu.memory_space<vmem>>
    %dma_wait3A_205 = arith.constant 0 : i32
    %dma_wait3A_206 = arith.constant 0 : i32
    %dma_wait3A_207 = tpu.memref_slice %arg2[%dma_wait3A_205, %dma_wait3A_206] : memref<100000x16xf32, #tpu.memory_space<hbm>> -> memref<100000x16xf32, #tpu.memory_space<hbm>>
    tpu.wait_indirect_dma semaphore(%arg15 : memref<!tpu.dma_semaphore, #tpu.memory_space<semaphore_mem>>) src(%dma_wait3A_207 : memref<100000x16xf32, #tpu.memory_space<hbm>>) dst(%dma_wait3A_201 : memref<128x16xf32, #tpu.memory_space<vmem>>)
    %dma_wait3A_208 = arith.constant 0 : i32
    %dma_wait3A_209 = arith.constant 0 : i32
    %dma_wait3A_210 = arith.constant 0 : i32
    %dma_wait3A_211 = tpu.memref_slice %arg12[%dma_wait3A_209, %dma_wait3A_210] : memref<1024x16xf32, #tpu.memory_space<vmem>> -> memref<128x16xf32, #tpu.memory_space<vmem>>
    %dma_wait3A_212 = arith.constant 0 : i32
    %dma_wait3A_213 = tpu.memref_slice %arg8[%dma_wait3A_208, %dma_wait3A_212] : memref<8x128xi32, #tpu.memory_space<vmem>> -> memref<1x128xi32, #tpu.memory_space<vmem>>
    %dma_wait3A_214 = tpu.memref_squeeze %dma_wait3A_213 : memref<1x128xi32, #tpu.memory_space<vmem>> -> memref<128xi32, #tpu.memory_space<vmem>>
    %dma_wait3A_215 = arith.constant 0 : i32
    %dma_wait3A_216 = arith.constant 0 : i32
    %dma_wait3A_217 = tpu.memref_slice %arg2[%dma_wait3A_215, %dma_wait3A_216] : memref<100000x16xf32, #tpu.memory_space<hbm>> -> memref<100000x16xf32, #tpu.memory_space<hbm>>
    tpu.wait_indirect_dma semaphore(%arg15 : memref<!tpu.dma_semaphore, #tpu.memory_space<semaphore_mem>>) src(%dma_wait3A_217 : memref<100000x16xf32, #tpu.memory_space<hbm>>) dst(%dma_wait3A_211 : memref<128x16xf32, #tpu.memory_space<vmem>>)
    %dma_wait3A_218 = arith.constant 1 : i32
    %dma_wait3A_219 = arith.constant 128 : i32
    %dma_wait3A_220 = arith.constant 0 : i32
    %dma_wait3A_221 = tpu.memref_slice %arg11[%dma_wait3A_219, %dma_wait3A_220] : memref<1024x16xf32, #tpu.memory_space<vmem>> -> memref<128x16xf32, #tpu.memory_space<vmem>>
    %dma_wait3A_222 = arith.constant 0 : i32
    %dma_wait3A_223 = tpu.memref_slice %arg7[%dma_wait3A_218, %dma_wait3A_222] : memref<8x128xi32, #tpu.memory_space<vmem>> -> memref<1x128xi32, #tpu.memory_space<vmem>>
    %dma_wait3A_224 = tpu.memref_squeeze %dma_wait3A_223 : memref<1x128xi32, #tpu.memory_space<vmem>> -> memref<128xi32, #tpu.memory_space<vmem>>
    %dma_wait3A_225 = arith.constant 0 : i32
    %dma_wait3A_226 = arith.constant 0 : i32
    %dma_wait3A_227 = tpu.memref_slice %arg2[%dma_wait3A_225, %dma_wait3A_226] : memref<100000x16xf32, #tpu.memory_space<hbm>> -> memref<100000x16xf32, #tpu.memory_space<hbm>>
    tpu.wait_indirect_dma semaphore(%arg15 : memref<!tpu.dma_semaphore, #tpu.memory_space<semaphore_mem>>) src(%dma_wait3A_227 : memref<100000x16xf32, #tpu.memory_space<hbm>>) dst(%dma_wait3A_221 : memref<128x16xf32, #tpu.memory_space<vmem>>)
    %dma_wait3A_228 = arith.constant 1 : i32
    %dma_wait3A_229 = arith.constant 128 : i32
    %dma_wait3A_230 = arith.constant 0 : i32
    %dma_wait3A_231 = tpu.memref_slice %arg12[%dma_wait3A_229, %dma_wait3A_230] : memref<1024x16xf32, #tpu.memory_space<vmem>> -> memref<128x16xf32, #tpu.memory_space<vmem>>
    %dma_wait3A_232 = arith.constant 0 : i32
    %dma_wait3A_233 = tpu.memref_slice %arg8[%dma_wait3A_228, %dma_wait3A_232] : memref<8x128xi32, #tpu.memory_space<vmem>> -> memref<1x128xi32, #tpu.memory_space<vmem>>
    %dma_wait3A_234 = tpu.memref_squeeze %dma_wait3A_233 : memref<1x128xi32, #tpu.memory_space<vmem>> -> memref<128xi32, #tpu.memory_space<vmem>>
    %dma_wait3A_235 = arith.constant 0 : i32
    %dma_wait3A_236 = arith.constant 0 : i32
    %dma_wait3A_237 = tpu.memref_slice %arg2[%dma_wait3A_235, %dma_wait3A_236] : memref<100000x16xf32, #tpu.memory_space<hbm>> -> memref<100000x16xf32, #tpu.memory_space<hbm>>
    tpu.wait_indirect_dma semaphore(%arg15 : memref<!tpu.dma_semaphore, #tpu.memory_space<semaphore_mem>>) src(%dma_wait3A_237 : memref<100000x16xf32, #tpu.memory_space<hbm>>) dst(%dma_wait3A_231 : memref<128x16xf32, #tpu.memory_space<vmem>>)
    %dma_wait3A_238 = arith.constant 2 : i32
    %dma_wait3A_239 = arith.constant 256 : i32
    %dma_wait3A_240 = arith.constant 0 : i32
    %dma_wait3A_241 = tpu.memref_slice %arg11[%dma_wait3A_239, %dma_wait3A_240] : memref<1024x16xf32, #tpu.memory_space<vmem>> -> memref<128x16xf32, #tpu.memory_space<vmem>>
    %dma_wait3A_242 = arith.constant 0 : i32
    %dma_wait3A_243 = tpu.memref_slice %arg7[%dma_wait3A_238, %dma_wait3A_242] : memref<8x128xi32, #tpu.memory_space<vmem>> -> memref<1x128xi32, #tpu.memory_space<vmem>>
    %dma_wait3A_244 = tpu.memref_squeeze %dma_wait3A_243 : memref<1x128xi32, #tpu.memory_space<vmem>> -> memref<128xi32, #tpu.memory_space<vmem>>
    %dma_wait3A_245 = arith.constant 0 : i32
    %dma_wait3A_246 = arith.constant 0 : i32
    %dma_wait3A_247 = tpu.memref_slice %arg2[%dma_wait3A_245, %dma_wait3A_246] : memref<100000x16xf32, #tpu.memory_space<hbm>> -> memref<100000x16xf32, #tpu.memory_space<hbm>>
    tpu.wait_indirect_dma semaphore(%arg15 : memref<!tpu.dma_semaphore, #tpu.memory_space<semaphore_mem>>) src(%dma_wait3A_247 : memref<100000x16xf32, #tpu.memory_space<hbm>>) dst(%dma_wait3A_241 : memref<128x16xf32, #tpu.memory_space<vmem>>)
    %dma_wait3A_248 = arith.constant 2 : i32
    %dma_wait3A_249 = arith.constant 256 : i32
    %dma_wait3A_250 = arith.constant 0 : i32
    %dma_wait3A_251 = tpu.memref_slice %arg12[%dma_wait3A_249, %dma_wait3A_250] : memref<1024x16xf32, #tpu.memory_space<vmem>> -> memref<128x16xf32, #tpu.memory_space<vmem>>
    %dma_wait3A_252 = arith.constant 0 : i32
    %dma_wait3A_253 = tpu.memref_slice %arg8[%dma_wait3A_248, %dma_wait3A_252] : memref<8x128xi32, #tpu.memory_space<vmem>> -> memref<1x128xi32, #tpu.memory_space<vmem>>
    %dma_wait3A_254 = tpu.memref_squeeze %dma_wait3A_253 : memref<1x128xi32, #tpu.memory_space<vmem>> -> memref<128xi32, #tpu.memory_space<vmem>>
    %dma_wait3A_255 = arith.constant 0 : i32
    %dma_wait3A_256 = arith.constant 0 : i32
    %dma_wait3A_257 = tpu.memref_slice %arg2[%dma_wait3A_255, %dma_wait3A_256] : memref<100000x16xf32, #tpu.memory_space<hbm>> -> memref<100000x16xf32, #tpu.memory_space<hbm>>
    tpu.wait_indirect_dma semaphore(%arg15 : memref<!tpu.dma_semaphore, #tpu.memory_space<semaphore_mem>>) src(%dma_wait3A_257 : memref<100000x16xf32, #tpu.memory_space<hbm>>) dst(%dma_wait3A_251 : memref<128x16xf32, #tpu.memory_space<vmem>>)
    %dma_wait3A_258 = arith.constant 3 : i32
    %dma_wait3A_259 = arith.constant 384 : i32
    %dma_wait3A_260 = arith.constant 0 : i32
    %dma_wait3A_261 = tpu.memref_slice %arg11[%dma_wait3A_259, %dma_wait3A_260] : memref<1024x16xf32, #tpu.memory_space<vmem>> -> memref<128x16xf32, #tpu.memory_space<vmem>>
    %dma_wait3A_262 = arith.constant 0 : i32
    %dma_wait3A_263 = tpu.memref_slice %arg7[%dma_wait3A_258, %dma_wait3A_262] : memref<8x128xi32, #tpu.memory_space<vmem>> -> memref<1x128xi32, #tpu.memory_space<vmem>>
    %dma_wait3A_264 = tpu.memref_squeeze %dma_wait3A_263 : memref<1x128xi32, #tpu.memory_space<vmem>> -> memref<128xi32, #tpu.memory_space<vmem>>
    %dma_wait3A_265 = arith.constant 0 : i32
    %dma_wait3A_266 = arith.constant 0 : i32
    %dma_wait3A_267 = tpu.memref_slice %arg2[%dma_wait3A_265, %dma_wait3A_266] : memref<100000x16xf32, #tpu.memory_space<hbm>> -> memref<100000x16xf32, #tpu.memory_space<hbm>>
    tpu.wait_indirect_dma semaphore(%arg15 : memref<!tpu.dma_semaphore, #tpu.memory_space<semaphore_mem>>) src(%dma_wait3A_267 : memref<100000x16xf32, #tpu.memory_space<hbm>>) dst(%dma_wait3A_261 : memref<128x16xf32, #tpu.memory_space<vmem>>)
    %dma_wait3A_268 = arith.constant 3 : i32
    %dma_wait3A_269 = arith.constant 384 : i32
    %dma_wait3A_270 = arith.constant 0 : i32
    %dma_wait3A_271 = tpu.memref_slice %arg12[%dma_wait3A_269, %dma_wait3A_270] : memref<1024x16xf32, #tpu.memory_space<vmem>> -> memref<128x16xf32, #tpu.memory_space<vmem>>
    %dma_wait3A_272 = arith.constant 0 : i32
    %dma_wait3A_273 = tpu.memref_slice %arg8[%dma_wait3A_268, %dma_wait3A_272] : memref<8x128xi32, #tpu.memory_space<vmem>> -> memref<1x128xi32, #tpu.memory_space<vmem>>
    %dma_wait3A_274 = tpu.memref_squeeze %dma_wait3A_273 : memref<1x128xi32, #tpu.memory_space<vmem>> -> memref<128xi32, #tpu.memory_space<vmem>>
    %dma_wait3A_275 = arith.constant 0 : i32
    %dma_wait3A_276 = arith.constant 0 : i32
    %dma_wait3A_277 = tpu.memref_slice %arg2[%dma_wait3A_275, %dma_wait3A_276] : memref<100000x16xf32, #tpu.memory_space<hbm>> -> memref<100000x16xf32, #tpu.memory_space<hbm>>
    tpu.wait_indirect_dma semaphore(%arg15 : memref<!tpu.dma_semaphore, #tpu.memory_space<semaphore_mem>>) src(%dma_wait3A_277 : memref<100000x16xf32, #tpu.memory_space<hbm>>) dst(%dma_wait3A_271 : memref<128x16xf32, #tpu.memory_space<vmem>>)
    %dma_wait3A_278 = arith.constant 4 : i32
    %dma_wait3A_279 = arith.constant 512 : i32
    %dma_wait3A_280 = arith.constant 0 : i32
    %dma_wait3A_281 = tpu.memref_slice %arg11[%dma_wait3A_279, %dma_wait3A_280] : memref<1024x16xf32, #tpu.memory_space<vmem>> -> memref<128x16xf32, #tpu.memory_space<vmem>>
    %dma_wait3A_282 = arith.constant 0 : i32
    %dma_wait3A_283 = tpu.memref_slice %arg7[%dma_wait3A_278, %dma_wait3A_282] : memref<8x128xi32, #tpu.memory_space<vmem>> -> memref<1x128xi32, #tpu.memory_space<vmem>>
    %dma_wait3A_284 = tpu.memref_squeeze %dma_wait3A_283 : memref<1x128xi32, #tpu.memory_space<vmem>> -> memref<128xi32, #tpu.memory_space<vmem>>
    %dma_wait3A_285 = arith.constant 0 : i32
    %dma_wait3A_286 = arith.constant 0 : i32
    %dma_wait3A_287 = tpu.memref_slice %arg2[%dma_wait3A_285, %dma_wait3A_286] : memref<100000x16xf32, #tpu.memory_space<hbm>> -> memref<100000x16xf32, #tpu.memory_space<hbm>>
    tpu.wait_indirect_dma semaphore(%arg15 : memref<!tpu.dma_semaphore, #tpu.memory_space<semaphore_mem>>) src(%dma_wait3A_287 : memref<100000x16xf32, #tpu.memory_space<hbm>>) dst(%dma_wait3A_281 : memref<128x16xf32, #tpu.memory_space<vmem>>)
    %dma_wait3A_288 = arith.constant 4 : i32
    %dma_wait3A_289 = arith.constant 512 : i32
    %dma_wait3A_290 = arith.constant 0 : i32
    %dma_wait3A_291 = tpu.memref_slice %arg12[%dma_wait3A_289, %dma_wait3A_290] : memref<1024x16xf32, #tpu.memory_space<vmem>> -> memref<128x16xf32, #tpu.memory_space<vmem>>
    %dma_wait3A_292 = arith.constant 0 : i32
    %dma_wait3A_293 = tpu.memref_slice %arg8[%dma_wait3A_288, %dma_wait3A_292] : memref<8x128xi32, #tpu.memory_space<vmem>> -> memref<1x128xi32, #tpu.memory_space<vmem>>
    %dma_wait3A_294 = tpu.memref_squeeze %dma_wait3A_293 : memref<1x128xi32, #tpu.memory_space<vmem>> -> memref<128xi32, #tpu.memory_space<vmem>>
    %dma_wait3A_295 = arith.constant 0 : i32
    %dma_wait3A_296 = arith.constant 0 : i32
    %dma_wait3A_297 = tpu.memref_slice %arg2[%dma_wait3A_295, %dma_wait3A_296] : memref<100000x16xf32, #tpu.memory_space<hbm>> -> memref<100000x16xf32, #tpu.memory_space<hbm>>
    tpu.wait_indirect_dma semaphore(%arg15 : memref<!tpu.dma_semaphore, #tpu.memory_space<semaphore_mem>>) src(%dma_wait3A_297 : memref<100000x16xf32, #tpu.memory_space<hbm>>) dst(%dma_wait3A_291 : memref<128x16xf32, #tpu.memory_space<vmem>>)
    %dma_wait3A_298 = arith.constant 5 : i32
    %dma_wait3A_299 = arith.constant 640 : i32
    %dma_wait3A_300 = arith.constant 0 : i32
    %dma_wait3A_301 = tpu.memref_slice %arg11[%dma_wait3A_299, %dma_wait3A_300] : memref<1024x16xf32, #tpu.memory_space<vmem>> -> memref<128x16xf32, #tpu.memory_space<vmem>>
    %dma_wait3A_302 = arith.constant 0 : i32
    %dma_wait3A_303 = tpu.memref_slice %arg7[%dma_wait3A_298, %dma_wait3A_302] : memref<8x128xi32, #tpu.memory_space<vmem>> -> memref<1x128xi32, #tpu.memory_space<vmem>>
    %dma_wait3A_304 = tpu.memref_squeeze %dma_wait3A_303 : memref<1x128xi32, #tpu.memory_space<vmem>> -> memref<128xi32, #tpu.memory_space<vmem>>
    %dma_wait3A_305 = arith.constant 0 : i32
    %dma_wait3A_306 = arith.constant 0 : i32
    %dma_wait3A_307 = tpu.memref_slice %arg2[%dma_wait3A_305, %dma_wait3A_306] : memref<100000x16xf32, #tpu.memory_space<hbm>> -> memref<100000x16xf32, #tpu.memory_space<hbm>>
    tpu.wait_indirect_dma semaphore(%arg15 : memref<!tpu.dma_semaphore, #tpu.memory_space<semaphore_mem>>) src(%dma_wait3A_307 : memref<100000x16xf32, #tpu.memory_space<hbm>>) dst(%dma_wait3A_301 : memref<128x16xf32, #tpu.memory_space<vmem>>)
    %dma_wait3A_308 = arith.constant 5 : i32
    %dma_wait3A_309 = arith.constant 640 : i32
    %dma_wait3A_310 = arith.constant 0 : i32
    %dma_wait3A_311 = tpu.memref_slice %arg12[%dma_wait3A_309, %dma_wait3A_310] : memref<1024x16xf32, #tpu.memory_space<vmem>> -> memref<128x16xf32, #tpu.memory_space<vmem>>
    %dma_wait3A_312 = arith.constant 0 : i32
    %dma_wait3A_313 = tpu.memref_slice %arg8[%dma_wait3A_308, %dma_wait3A_312] : memref<8x128xi32, #tpu.memory_space<vmem>> -> memref<1x128xi32, #tpu.memory_space<vmem>>
    %dma_wait3A_314 = tpu.memref_squeeze %dma_wait3A_313 : memref<1x128xi32, #tpu.memory_space<vmem>> -> memref<128xi32, #tpu.memory_space<vmem>>
    %dma_wait3A_315 = arith.constant 0 : i32
    %dma_wait3A_316 = arith.constant 0 : i32
    %dma_wait3A_317 = tpu.memref_slice %arg2[%dma_wait3A_315, %dma_wait3A_316] : memref<100000x16xf32, #tpu.memory_space<hbm>> -> memref<100000x16xf32, #tpu.memory_space<hbm>>
    tpu.wait_indirect_dma semaphore(%arg15 : memref<!tpu.dma_semaphore, #tpu.memory_space<semaphore_mem>>) src(%dma_wait3A_317 : memref<100000x16xf32, #tpu.memory_space<hbm>>) dst(%dma_wait3A_311 : memref<128x16xf32, #tpu.memory_space<vmem>>)
    %dma_wait3A_318 = arith.constant 6 : i32
    %dma_wait3A_319 = arith.constant 768 : i32
    %dma_wait3A_320 = arith.constant 0 : i32
    %dma_wait3A_321 = tpu.memref_slice %arg11[%dma_wait3A_319, %dma_wait3A_320] : memref<1024x16xf32, #tpu.memory_space<vmem>> -> memref<128x16xf32, #tpu.memory_space<vmem>>
    %dma_wait3A_322 = arith.constant 0 : i32
    %dma_wait3A_323 = tpu.memref_slice %arg7[%dma_wait3A_318, %dma_wait3A_322] : memref<8x128xi32, #tpu.memory_space<vmem>> -> memref<1x128xi32, #tpu.memory_space<vmem>>
    %dma_wait3A_324 = tpu.memref_squeeze %dma_wait3A_323 : memref<1x128xi32, #tpu.memory_space<vmem>> -> memref<128xi32, #tpu.memory_space<vmem>>
    %dma_wait3A_325 = arith.constant 0 : i32
    %dma_wait3A_326 = arith.constant 0 : i32
    %dma_wait3A_327 = tpu.memref_slice %arg2[%dma_wait3A_325, %dma_wait3A_326] : memref<100000x16xf32, #tpu.memory_space<hbm>> -> memref<100000x16xf32, #tpu.memory_space<hbm>>
    tpu.wait_indirect_dma semaphore(%arg15 : memref<!tpu.dma_semaphore, #tpu.memory_space<semaphore_mem>>) src(%dma_wait3A_327 : memref<100000x16xf32, #tpu.memory_space<hbm>>) dst(%dma_wait3A_321 : memref<128x16xf32, #tpu.memory_space<vmem>>)
    %dma_wait3A_328 = arith.constant 6 : i32
    %dma_wait3A_329 = arith.constant 768 : i32
    %dma_wait3A_330 = arith.constant 0 : i32
    %dma_wait3A_331 = tpu.memref_slice %arg12[%dma_wait3A_329, %dma_wait3A_330] : memref<1024x16xf32, #tpu.memory_space<vmem>> -> memref<128x16xf32, #tpu.memory_space<vmem>>
    %dma_wait3A_332 = arith.constant 0 : i32
    %dma_wait3A_333 = tpu.memref_slice %arg8[%dma_wait3A_328, %dma_wait3A_332] : memref<8x128xi32, #tpu.memory_space<vmem>> -> memref<1x128xi32, #tpu.memory_space<vmem>>
    %dma_wait3A_334 = tpu.memref_squeeze %dma_wait3A_333 : memref<1x128xi32, #tpu.memory_space<vmem>> -> memref<128xi32, #tpu.memory_space<vmem>>
    %dma_wait3A_335 = arith.constant 0 : i32
    %dma_wait3A_336 = arith.constant 0 : i32
    %dma_wait3A_337 = tpu.memref_slice %arg2[%dma_wait3A_335, %dma_wait3A_336] : memref<100000x16xf32, #tpu.memory_space<hbm>> -> memref<100000x16xf32, #tpu.memory_space<hbm>>
    tpu.wait_indirect_dma semaphore(%arg15 : memref<!tpu.dma_semaphore, #tpu.memory_space<semaphore_mem>>) src(%dma_wait3A_337 : memref<100000x16xf32, #tpu.memory_space<hbm>>) dst(%dma_wait3A_331 : memref<128x16xf32, #tpu.memory_space<vmem>>)
    %dma_wait3A_338 = arith.constant 7 : i32
    %dma_wait3A_339 = arith.constant 896 : i32
    %dma_wait3A_340 = arith.constant 0 : i32
    %dma_wait3A_341 = tpu.memref_slice %arg11[%dma_wait3A_339, %dma_wait3A_340] : memref<1024x16xf32, #tpu.memory_space<vmem>> -> memref<128x16xf32, #tpu.memory_space<vmem>>
    %dma_wait3A_342 = arith.constant 0 : i32
    %dma_wait3A_343 = tpu.memref_slice %arg7[%dma_wait3A_338, %dma_wait3A_342] : memref<8x128xi32, #tpu.memory_space<vmem>> -> memref<1x128xi32, #tpu.memory_space<vmem>>
    %dma_wait3A_344 = tpu.memref_squeeze %dma_wait3A_343 : memref<1x128xi32, #tpu.memory_space<vmem>> -> memref<128xi32, #tpu.memory_space<vmem>>
    %dma_wait3A_345 = arith.constant 0 : i32
    %dma_wait3A_346 = arith.constant 0 : i32
    %dma_wait3A_347 = tpu.memref_slice %arg2[%dma_wait3A_345, %dma_wait3A_346] : memref<100000x16xf32, #tpu.memory_space<hbm>> -> memref<100000x16xf32, #tpu.memory_space<hbm>>
    tpu.wait_indirect_dma semaphore(%arg15 : memref<!tpu.dma_semaphore, #tpu.memory_space<semaphore_mem>>) src(%dma_wait3A_347 : memref<100000x16xf32, #tpu.memory_space<hbm>>) dst(%dma_wait3A_341 : memref<128x16xf32, #tpu.memory_space<vmem>>)
    %dma_wait3A_348 = arith.constant 7 : i32
    %dma_wait3A_349 = arith.constant 896 : i32
    %dma_wait3A_350 = arith.constant 0 : i32
    %dma_wait3A_351 = tpu.memref_slice %arg12[%dma_wait3A_349, %dma_wait3A_350] : memref<1024x16xf32, #tpu.memory_space<vmem>> -> memref<128x16xf32, #tpu.memory_space<vmem>>
    %dma_wait3A_352 = arith.constant 0 : i32
    %dma_wait3A_353 = tpu.memref_slice %arg8[%dma_wait3A_348, %dma_wait3A_352] : memref<8x128xi32, #tpu.memory_space<vmem>> -> memref<1x128xi32, #tpu.memory_space<vmem>>
    %dma_wait3A_354 = tpu.memref_squeeze %dma_wait3A_353 : memref<1x128xi32, #tpu.memory_space<vmem>> -> memref<128xi32, #tpu.memory_space<vmem>>
    %dma_wait3A_355 = arith.constant 0 : i32
    %dma_wait3A_356 = arith.constant 0 : i32
    %dma_wait3A_357 = tpu.memref_slice %arg2[%dma_wait3A_355, %dma_wait3A_356] : memref<100000x16xf32, #tpu.memory_space<hbm>> -> memref<100000x16xf32, #tpu.memory_space<hbm>>
    tpu.wait_indirect_dma semaphore(%arg15 : memref<!tpu.dma_semaphore, #tpu.memory_space<semaphore_mem>>) src(%dma_wait3A_357 : memref<100000x16xf32, #tpu.memory_space<hbm>>) dst(%dma_wait3A_351 : memref<128x16xf32, #tpu.memory_space<vmem>>)
    %add3A_358 = arith.constant 192 : i32
    %add3A_359 = arith.addi %mul3A_2, %add3A_358 : i32
    %mul3A_360 = arith.constant 128 : i32
    %mul3A_361 = arith.muli %add3A_359, %mul3A_360 : i32
    %multiple_of3A_362 = tpu.assume_multiple %mul3A_361, 1024 : i32
    %dma_start3A_363 = arith.constant 0 : i32
    %dma_start3A_364 = tpu.memref_slice %arg5[%multiple_of3A_362, %dma_start3A_363] : memref<819200x16xf32, #tpu.memory_space<hbm>> -> memref<1024x16xf32, #tpu.memory_space<hbm>>
    %dma_start3A_365 = arith.constant 0 : i32
    %dma_start3A_366 = tpu.memref_slice %arg5[%multiple_of3A_362, %dma_start3A_365] : memref<819200x16xf32, #tpu.memory_space<hbm>> -> memref<1024x16xf32, #tpu.memory_space<hbm>>
    tpu.enqueue_dma source(%arg11 : memref<1024x16xf32, #tpu.memory_space<vmem>>) target(%dma_start3A_366 : memref<1024x16xf32, #tpu.memory_space<hbm>>) target_semaphore(%arg19 : memref<!tpu.dma_semaphore, #tpu.memory_space<semaphore_mem>>)
    %dma_start3A_367 = arith.constant 0 : i32
    %dma_start3A_368 = tpu.memref_slice %arg6[%multiple_of3A_362, %dma_start3A_367] : memref<819200x16xf32, #tpu.memory_space<hbm>> -> memref<1024x16xf32, #tpu.memory_space<hbm>>
    %dma_start3A_369 = arith.constant 0 : i32
    %dma_start3A_370 = tpu.memref_slice %arg6[%multiple_of3A_362, %dma_start3A_369] : memref<819200x16xf32, #tpu.memory_space<hbm>> -> memref<1024x16xf32, #tpu.memory_space<hbm>>
    tpu.enqueue_dma source(%arg12 : memref<1024x16xf32, #tpu.memory_space<vmem>>) target(%dma_start3A_370 : memref<1024x16xf32, #tpu.memory_space<hbm>>) target_semaphore(%arg19 : memref<!tpu.dma_semaphore, #tpu.memory_space<semaphore_mem>>)
    %add3A_371 = arith.constant 192 : i32
    %add3A_372 = arith.addi %mul3A_2, %add3A_371 : i32
    %mul3A_373 = arith.constant 128 : i32
    %mul3A_374 = arith.muli %add3A_372, %mul3A_373 : i32
    %multiple_of3A_375 = tpu.assume_multiple %mul3A_374, 1024 : i32
    %dma_wait3A_376 = arith.constant 0 : i32
    %dma_wait3A_377 = tpu.memref_slice %arg5[%multiple_of3A_375, %dma_wait3A_376] : memref<819200x16xf32, #tpu.memory_space<hbm>> -> memref<1024x16xf32, #tpu.memory_space<hbm>>
    %dma_wait3A_378 = arith.constant 0 : i32
    %dma_wait3A_379 = tpu.memref_slice %arg5[%multiple_of3A_375, %dma_wait3A_378] : memref<819200x16xf32, #tpu.memory_space<hbm>> -> memref<1024x16xf32, #tpu.memory_space<hbm>>
    tpu.wait_dma2 semaphore(%arg19 : memref<!tpu.dma_semaphore, #tpu.memory_space<semaphore_mem>>) src(%arg11 : memref<1024x16xf32, #tpu.memory_space<vmem>>) dst(%dma_wait3A_379 : memref<1024x16xf32, #tpu.memory_space<hbm>>)
    %dma_wait3A_380 = arith.constant 0 : i32
    %dma_wait3A_381 = tpu.memref_slice %arg6[%multiple_of3A_375, %dma_wait3A_380] : memref<819200x16xf32, #tpu.memory_space<hbm>> -> memref<1024x16xf32, #tpu.memory_space<hbm>>
    %dma_wait3A_382 = arith.constant 0 : i32
    %dma_wait3A_383 = tpu.memref_slice %arg6[%multiple_of3A_375, %dma_wait3A_382] : memref<819200x16xf32, #tpu.memory_space<hbm>> -> memref<1024x16xf32, #tpu.memory_space<hbm>>
    tpu.wait_dma2 semaphore(%arg19 : memref<!tpu.dma_semaphore, #tpu.memory_space<semaphore_mem>>) src(%arg12 : memref<1024x16xf32, #tpu.memory_space<vmem>>) dst(%dma_wait3A_383 : memref<1024x16xf32, #tpu.memory_space<hbm>>)
    %add3A_384 = arith.constant 184 : i32
    %add3A_385 = arith.addi %mul3A_2, %add3A_384 : i32
    %mul3A_386 = arith.constant 128 : i32
    %mul3A_387 = arith.muli %add3A_385, %mul3A_386 : i32
    %multiple_of3A_388 = tpu.assume_multiple %mul3A_387, 1024 : i32
    %dma_wait3A_389 = arith.constant 0 : i32
    %dma_wait3A_390 = tpu.memref_slice %arg5[%multiple_of3A_388, %dma_wait3A_389] : memref<819200x16xf32, #tpu.memory_space<hbm>> -> memref<1024x16xf32, #tpu.memory_space<hbm>>
    %dma_wait3A_391 = arith.constant 0 : i32
    %dma_wait3A_392 = tpu.memref_slice %arg5[%multiple_of3A_388, %dma_wait3A_391] : memref<819200x16xf32, #tpu.memory_space<hbm>> -> memref<1024x16xf32, #tpu.memory_space<hbm>>
    tpu.wait_dma2 semaphore(%arg20 : memref<!tpu.dma_semaphore, #tpu.memory_space<semaphore_mem>>) src(%arg13 : memref<1024x16xf32, #tpu.memory_space<vmem>>) dst(%dma_wait3A_392 : memref<1024x16xf32, #tpu.memory_space<hbm>>)
    %dma_wait3A_393 = arith.constant 0 : i32
    %dma_wait3A_394 = tpu.memref_slice %arg6[%multiple_of3A_388, %dma_wait3A_393] : memref<819200x16xf32, #tpu.memory_space<hbm>> -> memref<1024x16xf32, #tpu.memory_space<hbm>>
    %dma_wait3A_395 = arith.constant 0 : i32
    %dma_wait3A_396 = tpu.memref_slice %arg6[%multiple_of3A_388, %dma_wait3A_395] : memref<819200x16xf32, #tpu.memory_space<hbm>> -> memref<1024x16xf32, #tpu.memory_space<hbm>>
    tpu.wait_dma2 semaphore(%arg20 : memref<!tpu.dma_semaphore, #tpu.memory_space<semaphore_mem>>) src(%arg14 : memref<1024x16xf32, #tpu.memory_space<vmem>>) dst(%dma_wait3A_396 : memref<1024x16xf32, #tpu.memory_space<hbm>>)
    return
  }
}

#map = affine_map<(d0, d1) -> (0, 0)>
module attributes {stable_mosaic.version = 14 : i64} {
  func.func @gather_kernel(%arg0: i32, %arg1: i32, %arg2: memref<100000x16xf32, #tpu.memory_space<hbm>>, %arg3: memref<6400x128xi32, #tpu.memory_space<hbm>>, %arg4: memref<6400x128xi32, #tpu.memory_space<hbm>>, %arg5: memref<819200x16xf32, #tpu.memory_space<hbm>>, %arg6: memref<819200x16xf32, #tpu.memory_space<hbm>>, %arg7: memref<8x128xi32, #tpu.memory_space<vmem>>, %arg8: memref<8x128xi32, #tpu.memory_space<vmem>>, %arg9: memref<8x128xi32, #tpu.memory_space<vmem>>, %arg10: memref<8x128xi32, #tpu.memory_space<vmem>>, %arg11: memref<1024x16xf32, #tpu.memory_space<vmem>>, %arg12: memref<1024x16xf32, #tpu.memory_space<vmem>>, %arg13: memref<1024x16xf32, #tpu.memory_space<vmem>>, %arg14: memref<1024x16xf32, #tpu.memory_space<vmem>>, %arg15: memref<!tpu.dma_semaphore, #tpu.memory_space<semaphore_mem>>, %arg16: memref<!tpu.dma_semaphore, #tpu.memory_space<semaphore_mem>>, %arg17: memref<!tpu.dma_semaphore, #tpu.memory_space<semaphore_mem>>, %arg18: memref<!tpu.dma_semaphore, #tpu.memory_space<semaphore_mem>>, %arg19: memref<!tpu.dma_semaphore, #tpu.memory_space<semaphore_mem>>, %arg20: memref<!tpu.dma_semaphore, #tpu.memory_space<semaphore_mem>>) attributes {dimension_semantics = [#tpu.dimension_semantics<core_parallel>, #tpu.dimension_semantics<subcore_parallel>], iteration_bounds = array<i64: 2, 16>, scalar_prefetch = 0 : i64, scratch_operands = 14 : i64, tpu.core_type = #tpu.core_type<sc_vector_subcore>, window_params = [{transform_indices = #map}, {transform_indices = #map}, {transform_indices = #map}, {transform_indices = #map}, {transform_indices = #map}]} {
    %mul3A = arith.constant 2 : i32
    %mul3A_0 = arith.muli %arg1, %mul3A : i32
    %add3A = arith.addi %mul3A_0, %arg0 : i32
    %mul3A_1 = arith.constant 200 : i32
    %mul3A_2 = arith.muli %add3A, %mul3A_1 : i32
    %add3A_3 = arith.constant 0 : i32
    %add3A_4 = arith.addi %mul3A_2, %add3A_3 : i32
    %multiple_of3A = tpu.assume_multiple %add3A_4, 8 : i32
    %dma_start3A = arith.constant 0 : i32
    %dma_start3A_5 = tpu.memref_slice %arg3[%multiple_of3A, %dma_start3A] : memref<6400x128xi32, #tpu.memory_space<hbm>> -> memref<8x128xi32, #tpu.memory_space<hbm>>
    %dma_start3A_6 = arith.constant 0 : i32
    %dma_start3A_7 = tpu.memref_slice %arg3[%multiple_of3A, %dma_start3A_6] : memref<6400x128xi32, #tpu.memory_space<hbm>> -> memref<8x128xi32, #tpu.memory_space<hbm>>
    tpu.enqueue_dma source(%dma_start3A_7 : memref<8x128xi32, #tpu.memory_space<hbm>>) target(%arg7 : memref<8x128xi32, #tpu.memory_space<vmem>>) target_semaphore(%arg17 : memref<!tpu.dma_semaphore, #tpu.memory_space<semaphore_mem>>)
    %dma_start3A_8 = arith.constant 0 : i32
    %dma_start3A_9 = tpu.memref_slice %arg4[%multiple_of3A, %dma_start3A_8] : memref<6400x128xi32, #tpu.memory_space<hbm>> -> memref<8x128xi32, #tpu.memory_space<hbm>>
    %dma_start3A_10 = arith.constant 0 : i32
    %dma_start3A_11 = tpu.memref_slice %arg4[%multiple_of3A, %dma_start3A_10] : memref<6400x128xi32, #tpu.memory_space<hbm>> -> memref<8x128xi32, #tpu.memory_space<hbm>>
    tpu.enqueue_dma source(%dma_start3A_11 : memref<8x128xi32, #tpu.memory_space<hbm>>) target(%arg8 : memref<8x128xi32, #tpu.memory_space<vmem>>) target_semaphore(%arg17 : memref<!tpu.dma_semaphore, #tpu.memory_space<semaphore_mem>>)
    %add3A_12 = arith.constant 0 : i32
    %add3A_13 = arith.addi %mul3A_2, %add3A_12 : i32
    %multiple_of3A_14 = tpu.assume_multiple %add3A_13, 8 : i32
    %dma_wait3A = arith.constant 0 : i32
    %dma_wait3A_15 = tpu.memref_slice %arg3[%multiple_of3A_14, %dma_wait3A] : memref<6400x128xi32, #tpu.memory_space<hbm>> -> memref<8x128xi32, #tpu.memory_space<hbm>>
    %dma_wait3A_16 = arith.constant 0 : i32
    %dma_wait3A_17 = tpu.memref_slice %arg3[%multiple_of3A_14, %dma_wait3A_16] : memref<6400x128xi32, #tpu.memory_space<hbm>> -> memref<8x128xi32, #tpu.memory_space<hbm>>
    tpu.wait_dma2 semaphore(%arg17 : memref<!tpu.dma_semaphore, #tpu.memory_space<semaphore_mem>>) src(%dma_wait3A_17 : memref<8x128xi32, #tpu.memory_space<hbm>>) dst(%arg7 : memref<8x128xi32, #tpu.memory_space<vmem>>)
    %dma_wait3A_18 = arith.constant 0 : i32
    %dma_wait3A_19 = tpu.memref_slice %arg4[%multiple_of3A_14, %dma_wait3A_18] : memref<6400x128xi32, #tpu.memory_space<hbm>> -> memref<8x128xi32, #tpu.memory_space<hbm>>
    %dma_wait3A_20 = arith.constant 0 : i32
    %dma_wait3A_21 = tpu.memref_slice %arg4[%multiple_of3A_14, %dma_wait3A_20] : memref<6400x128xi32, #tpu.memory_space<hbm>> -> memref<8x128xi32, #tpu.memory_space<hbm>>
    tpu.wait_dma2 semaphore(%arg17 : memref<!tpu.dma_semaphore, #tpu.memory_space<semaphore_mem>>) src(%dma_wait3A_21 : memref<8x128xi32, #tpu.memory_space<hbm>>) dst(%arg8 : memref<8x128xi32, #tpu.memory_space<vmem>>)
    %dma_start3A_22 = arith.constant 0 : i32
    %dma_start3A_23 = arith.constant 0 : i32
    %dma_start3A_24 = arith.constant 0 : i32
    %dma_start3A_25 = tpu.memref_slice %arg11[%dma_start3A_23, %dma_start3A_24] : memref<1024x16xf32, #tpu.memory_space<vmem>> -> memref<128x16xf32, #tpu.memory_space<vmem>>
    %dma_start3A_26 = arith.constant 0 : i32
    %dma_start3A_27 = tpu.memref_slice %arg7[%dma_start3A_22, %dma_start3A_26] : memref<8x128xi32, #tpu.memory_space<vmem>> -> memref<1x128xi32, #tpu.memory_space<vmem>>
    %dma_start3A_28 = tpu.memref_squeeze %dma_start3A_27 : memref<1x128xi32, #tpu.memory_space<vmem>> -> memref<128xi32, #tpu.memory_space<vmem>>
    %dma_start3A_29 = arith.constant 0 : i32
    %dma_start3A_30 = arith.constant 0 : i32
    %dma_start3A_31 = tpu.memref_slice %arg2[%dma_start3A_29, %dma_start3A_30] : memref<100000x16xf32, #tpu.memory_space<hbm>> -> memref<100000x16xf32, #tpu.memory_space<hbm>>
    tpu.enqueue_indirect_dma source(%dma_start3A_31 : memref<100000x16xf32, #tpu.memory_space<hbm>>) target(%dma_start3A_25 : memref<128x16xf32, #tpu.memory_space<vmem>>) offsets(%dma_start3A_28 : memref<128xi32, #tpu.memory_space<vmem>>) semaphore(%arg15 : memref<!tpu.dma_semaphore, #tpu.memory_space<semaphore_mem>>)
    %dma_start3A_32 = arith.constant 0 : i32
    %dma_start3A_33 = arith.constant 0 : i32
    %dma_start3A_34 = arith.constant 0 : i32
    %dma_start3A_35 = tpu.memref_slice %arg12[%dma_start3A_33, %dma_start3A_34] : memref<1024x16xf32, #tpu.memory_space<vmem>> -> memref<128x16xf32, #tpu.memory_space<vmem>>
    %dma_start3A_36 = arith.constant 0 : i32
    %dma_start3A_37 = tpu.memref_slice %arg8[%dma_start3A_32, %dma_start3A_36] : memref<8x128xi32, #tpu.memory_space<vmem>> -> memref<1x128xi32, #tpu.memory_space<vmem>>
    %dma_start3A_38 = tpu.memref_squeeze %dma_start3A_37 : memref<1x128xi32, #tpu.memory_space<vmem>> -> memref<128xi32, #tpu.memory_space<vmem>>
    %dma_start3A_39 = arith.constant 0 : i32
    %dma_start3A_40 = arith.constant 0 : i32
    %dma_start3A_41 = tpu.memref_slice %arg2[%dma_start3A_39, %dma_start3A_40] : memref<100000x16xf32, #tpu.memory_space<hbm>> -> memref<100000x16xf32, #tpu.memory_space<hbm>>
    tpu.enqueue_indirect_dma source(%dma_start3A_41 : memref<100000x16xf32, #tpu.memory_space<hbm>>) target(%dma_start3A_35 : memref<128x16xf32, #tpu.memory_space<vmem>>) offsets(%dma_start3A_38 : memref<128xi32, #tpu.memory_space<vmem>>) semaphore(%arg15 : memref<!tpu.dma_semaphore, #tpu.memory_space<semaphore_mem>>)
    %dma_start3A_42 = arith.constant 1 : i32
    %dma_start3A_43 = arith.constant 128 : i32
    %dma_start3A_44 = arith.constant 0 : i32
    %dma_start3A_45 = tpu.memref_slice %arg11[%dma_start3A_43, %dma_start3A_44] : memref<1024x16xf32, #tpu.memory_space<vmem>> -> memref<128x16xf32, #tpu.memory_space<vmem>>
    %dma_start3A_46 = arith.constant 0 : i32
    %dma_start3A_47 = tpu.memref_slice %arg7[%dma_start3A_42, %dma_start3A_46] : memref<8x128xi32, #tpu.memory_space<vmem>> -> memref<1x128xi32, #tpu.memory_space<vmem>>
    %dma_start3A_48 = tpu.memref_squeeze %dma_start3A_47 : memref<1x128xi32, #tpu.memory_space<vmem>> -> memref<128xi32, #tpu.memory_space<vmem>>
    %dma_start3A_49 = arith.constant 0 : i32
    %dma_start3A_50 = arith.constant 0 : i32
    %dma_start3A_51 = tpu.memref_slice %arg2[%dma_start3A_49, %dma_start3A_50] : memref<100000x16xf32, #tpu.memory_space<hbm>> -> memref<100000x16xf32, #tpu.memory_space<hbm>>
    tpu.enqueue_indirect_dma source(%dma_start3A_51 : memref<100000x16xf32, #tpu.memory_space<hbm>>) target(%dma_start3A_45 : memref<128x16xf32, #tpu.memory_space<vmem>>) offsets(%dma_start3A_48 : memref<128xi32, #tpu.memory_space<vmem>>) semaphore(%arg15 : memref<!tpu.dma_semaphore, #tpu.memory_space<semaphore_mem>>)
    %dma_start3A_52 = arith.constant 1 : i32
    %dma_start3A_53 = arith.constant 128 : i32
    %dma_start3A_54 = arith.constant 0 : i32
    %dma_start3A_55 = tpu.memref_slice %arg12[%dma_start3A_53, %dma_start3A_54] : memref<1024x16xf32, #tpu.memory_space<vmem>> -> memref<128x16xf32, #tpu.memory_space<vmem>>
    %dma_start3A_56 = arith.constant 0 : i32
    %dma_start3A_57 = tpu.memref_slice %arg8[%dma_start3A_52, %dma_start3A_56] : memref<8x128xi32, #tpu.memory_space<vmem>> -> memref<1x128xi32, #tpu.memory_space<vmem>>
    %dma_start3A_58 = tpu.memref_squeeze %dma_start3A_57 : memref<1x128xi32, #tpu.memory_space<vmem>> -> memref<128xi32, #tpu.memory_space<vmem>>
    %dma_start3A_59 = arith.constant 0 : i32
    %dma_start3A_60 = arith.constant 0 : i32
    %dma_start3A_61 = tpu.memref_slice %arg2[%dma_start3A_59, %dma_start3A_60] : memref<100000x16xf32, #tpu.memory_space<hbm>> -> memref<100000x16xf32, #tpu.memory_space<hbm>>
    tpu.enqueue_indirect_dma source(%dma_start3A_61 : memref<100000x16xf32, #tpu.memory_space<hbm>>) target(%dma_start3A_55 : memref<128x16xf32, #tpu.memory_space<vmem>>) offsets(%dma_start3A_58 : memref<128xi32, #tpu.memory_space<vmem>>) semaphore(%arg15 : memref<!tpu.dma_semaphore, #tpu.memory_space<semaphore_mem>>)
    %dma_start3A_62 = arith.constant 2 : i32
    %dma_start3A_63 = arith.constant 256 : i32
    %dma_start3A_64 = arith.constant 0 : i32
    %dma_start3A_65 = tpu.memref_slice %arg11[%dma_start3A_63, %dma_start3A_64] : memref<1024x16xf32, #tpu.memory_space<vmem>> -> memref<128x16xf32, #tpu.memory_space<vmem>>
    %dma_start3A_66 = arith.constant 0 : i32
    %dma_start3A_67 = tpu.memref_slice %arg7[%dma_start3A_62, %dma_start3A_66] : memref<8x128xi32, #tpu.memory_space<vmem>> -> memref<1x128xi32, #tpu.memory_space<vmem>>
    %dma_start3A_68 = tpu.memref_squeeze %dma_start3A_67 : memref<1x128xi32, #tpu.memory_space<vmem>> -> memref<128xi32, #tpu.memory_space<vmem>>
    %dma_start3A_69 = arith.constant 0 : i32
    %dma_start3A_70 = arith.constant 0 : i32
    %dma_start3A_71 = tpu.memref_slice %arg2[%dma_start3A_69, %dma_start3A_70] : memref<100000x16xf32, #tpu.memory_space<hbm>> -> memref<100000x16xf32, #tpu.memory_space<hbm>>
    tpu.enqueue_indirect_dma source(%dma_start3A_71 : memref<100000x16xf32, #tpu.memory_space<hbm>>) target(%dma_start3A_65 : memref<128x16xf32, #tpu.memory_space<vmem>>) offsets(%dma_start3A_68 : memref<128xi32, #tpu.memory_space<vmem>>) semaphore(%arg15 : memref<!tpu.dma_semaphore, #tpu.memory_space<semaphore_mem>>)
    %dma_start3A_72 = arith.constant 2 : i32
    %dma_start3A_73 = arith.constant 256 : i32
    %dma_start3A_74 = arith.constant 0 : i32
    %dma_start3A_75 = tpu.memref_slice %arg12[%dma_start3A_73, %dma_start3A_74] : memref<1024x16xf32, #tpu.memory_space<vmem>> -> memref<128x16xf32, #tpu.memory_space<vmem>>
    %dma_start3A_76 = arith.constant 0 : i32
    %dma_start3A_77 = tpu.memref_slice %arg8[%dma_start3A_72, %dma_start3A_76] : memref<8x128xi32, #tpu.memory_space<vmem>> -> memref<1x128xi32, #tpu.memory_space<vmem>>
    %dma_start3A_78 = tpu.memref_squeeze %dma_start3A_77 : memref<1x128xi32, #tpu.memory_space<vmem>> -> memref<128xi32, #tpu.memory_space<vmem>>
    %dma_start3A_79 = arith.constant 0 : i32
    %dma_start3A_80 = arith.constant 0 : i32
    %dma_start3A_81 = tpu.memref_slice %arg2[%dma_start3A_79, %dma_start3A_80] : memref<100000x16xf32, #tpu.memory_space<hbm>> -> memref<100000x16xf32, #tpu.memory_space<hbm>>
    tpu.enqueue_indirect_dma source(%dma_start3A_81 : memref<100000x16xf32, #tpu.memory_space<hbm>>) target(%dma_start3A_75 : memref<128x16xf32, #tpu.memory_space<vmem>>) offsets(%dma_start3A_78 : memref<128xi32, #tpu.memory_space<vmem>>) semaphore(%arg15 : memref<!tpu.dma_semaphore, #tpu.memory_space<semaphore_mem>>)
    %dma_start3A_82 = arith.constant 3 : i32
    %dma_start3A_83 = arith.constant 384 : i32
    %dma_start3A_84 = arith.constant 0 : i32
    %dma_start3A_85 = tpu.memref_slice %arg11[%dma_start3A_83, %dma_start3A_84] : memref<1024x16xf32, #tpu.memory_space<vmem>> -> memref<128x16xf32, #tpu.memory_space<vmem>>
    %dma_start3A_86 = arith.constant 0 : i32
    %dma_start3A_87 = tpu.memref_slice %arg7[%dma_start3A_82, %dma_start3A_86] : memref<8x128xi32, #tpu.memory_space<vmem>> -> memref<1x128xi32, #tpu.memory_space<vmem>>
    %dma_start3A_88 = tpu.memref_squeeze %dma_start3A_87 : memref<1x128xi32, #tpu.memory_space<vmem>> -> memref<128xi32, #tpu.memory_space<vmem>>
    %dma_start3A_89 = arith.constant 0 : i32
    %dma_start3A_90 = arith.constant 0 : i32
    %dma_start3A_91 = tpu.memref_slice %arg2[%dma_start3A_89, %dma_start3A_90] : memref<100000x16xf32, #tpu.memory_space<hbm>> -> memref<100000x16xf32, #tpu.memory_space<hbm>>
    tpu.enqueue_indirect_dma source(%dma_start3A_91 : memref<100000x16xf32, #tpu.memory_space<hbm>>) target(%dma_start3A_85 : memref<128x16xf32, #tpu.memory_space<vmem>>) offsets(%dma_start3A_88 : memref<128xi32, #tpu.memory_space<vmem>>) semaphore(%arg15 : memref<!tpu.dma_semaphore, #tpu.memory_space<semaphore_mem>>)
    %dma_start3A_92 = arith.constant 3 : i32
    %dma_start3A_93 = arith.constant 384 : i32
    %dma_start3A_94 = arith.constant 0 : i32
    %dma_start3A_95 = tpu.memref_slice %arg12[%dma_start3A_93, %dma_start3A_94] : memref<1024x16xf32, #tpu.memory_space<vmem>> -> memref<128x16xf32, #tpu.memory_space<vmem>>
    %dma_start3A_96 = arith.constant 0 : i32
    %dma_start3A_97 = tpu.memref_slice %arg8[%dma_start3A_92, %dma_start3A_96] : memref<8x128xi32, #tpu.memory_space<vmem>> -> memref<1x128xi32, #tpu.memory_space<vmem>>
    %dma_start3A_98 = tpu.memref_squeeze %dma_start3A_97 : memref<1x128xi32, #tpu.memory_space<vmem>> -> memref<128xi32, #tpu.memory_space<vmem>>
    %dma_start3A_99 = arith.constant 0 : i32
    %dma_start3A_100 = arith.constant 0 : i32
    %dma_start3A_101 = tpu.memref_slice %arg2[%dma_start3A_99, %dma_start3A_100] : memref<100000x16xf32, #tpu.memory_space<hbm>> -> memref<100000x16xf32, #tpu.memory_space<hbm>>
    tpu.enqueue_indirect_dma source(%dma_start3A_101 : memref<100000x16xf32, #tpu.memory_space<hbm>>) target(%dma_start3A_95 : memref<128x16xf32, #tpu.memory_space<vmem>>) offsets(%dma_start3A_98 : memref<128xi32, #tpu.memory_space<vmem>>) semaphore(%arg15 : memref<!tpu.dma_semaphore, #tpu.memory_space<semaphore_mem>>)
    %dma_start3A_102 = arith.constant 4 : i32
    %dma_start3A_103 = arith.constant 512 : i32
    %dma_start3A_104 = arith.constant 0 : i32
    %dma_start3A_105 = tpu.memref_slice %arg11[%dma_start3A_103, %dma_start3A_104] : memref<1024x16xf32, #tpu.memory_space<vmem>> -> memref<128x16xf32, #tpu.memory_space<vmem>>
    %dma_start3A_106 = arith.constant 0 : i32
    %dma_start3A_107 = tpu.memref_slice %arg7[%dma_start3A_102, %dma_start3A_106] : memref<8x128xi32, #tpu.memory_space<vmem>> -> memref<1x128xi32, #tpu.memory_space<vmem>>
    %dma_start3A_108 = tpu.memref_squeeze %dma_start3A_107 : memref<1x128xi32, #tpu.memory_space<vmem>> -> memref<128xi32, #tpu.memory_space<vmem>>
    %dma_start3A_109 = arith.constant 0 : i32
    %dma_start3A_110 = arith.constant 0 : i32
    %dma_start3A_111 = tpu.memref_slice %arg2[%dma_start3A_109, %dma_start3A_110] : memref<100000x16xf32, #tpu.memory_space<hbm>> -> memref<100000x16xf32, #tpu.memory_space<hbm>>
    tpu.enqueue_indirect_dma source(%dma_start3A_111 : memref<100000x16xf32, #tpu.memory_space<hbm>>) target(%dma_start3A_105 : memref<128x16xf32, #tpu.memory_space<vmem>>) offsets(%dma_start3A_108 : memref<128xi32, #tpu.memory_space<vmem>>) semaphore(%arg15 : memref<!tpu.dma_semaphore, #tpu.memory_space<semaphore_mem>>)
    %dma_start3A_112 = arith.constant 4 : i32
    %dma_start3A_113 = arith.constant 512 : i32
    %dma_start3A_114 = arith.constant 0 : i32
    %dma_start3A_115 = tpu.memref_slice %arg12[%dma_start3A_113, %dma_start3A_114] : memref<1024x16xf32, #tpu.memory_space<vmem>> -> memref<128x16xf32, #tpu.memory_space<vmem>>
    %dma_start3A_116 = arith.constant 0 : i32
    %dma_start3A_117 = tpu.memref_slice %arg8[%dma_start3A_112, %dma_start3A_116] : memref<8x128xi32, #tpu.memory_space<vmem>> -> memref<1x128xi32, #tpu.memory_space<vmem>>
    %dma_start3A_118 = tpu.memref_squeeze %dma_start3A_117 : memref<1x128xi32, #tpu.memory_space<vmem>> -> memref<128xi32, #tpu.memory_space<vmem>>
    %dma_start3A_119 = arith.constant 0 : i32
    %dma_start3A_120 = arith.constant 0 : i32
    %dma_start3A_121 = tpu.memref_slice %arg2[%dma_start3A_119, %dma_start3A_120] : memref<100000x16xf32, #tpu.memory_space<hbm>> -> memref<100000x16xf32, #tpu.memory_space<hbm>>
    tpu.enqueue_indirect_dma source(%dma_start3A_121 : memref<100000x16xf32, #tpu.memory_space<hbm>>) target(%dma_start3A_115 : memref<128x16xf32, #tpu.memory_space<vmem>>) offsets(%dma_start3A_118 : memref<128xi32, #tpu.memory_space<vmem>>) semaphore(%arg15 : memref<!tpu.dma_semaphore, #tpu.memory_space<semaphore_mem>>)
    %dma_start3A_122 = arith.constant 5 : i32
    %dma_start3A_123 = arith.constant 640 : i32
    %dma_start3A_124 = arith.constant 0 : i32
    %dma_start3A_125 = tpu.memref_slice %arg11[%dma_start3A_123, %dma_start3A_124] : memref<1024x16xf32, #tpu.memory_space<vmem>> -> memref<128x16xf32, #tpu.memory_space<vmem>>
    %dma_start3A_126 = arith.constant 0 : i32
    %dma_start3A_127 = tpu.memref_slice %arg7[%dma_start3A_122, %dma_start3A_126] : memref<8x128xi32, #tpu.memory_space<vmem>> -> memref<1x128xi32, #tpu.memory_space<vmem>>
    %dma_start3A_128 = tpu.memref_squeeze %dma_start3A_127 : memref<1x128xi32, #tpu.memory_space<vmem>> -> memref<128xi32, #tpu.memory_space<vmem>>
    %dma_start3A_129 = arith.constant 0 : i32
    %dma_start3A_130 = arith.constant 0 : i32
    %dma_start3A_131 = tpu.memref_slice %arg2[%dma_start3A_129, %dma_start3A_130] : memref<100000x16xf32, #tpu.memory_space<hbm>> -> memref<100000x16xf32, #tpu.memory_space<hbm>>
    tpu.enqueue_indirect_dma source(%dma_start3A_131 : memref<100000x16xf32, #tpu.memory_space<hbm>>) target(%dma_start3A_125 : memref<128x16xf32, #tpu.memory_space<vmem>>) offsets(%dma_start3A_128 : memref<128xi32, #tpu.memory_space<vmem>>) semaphore(%arg15 : memref<!tpu.dma_semaphore, #tpu.memory_space<semaphore_mem>>)
    %dma_start3A_132 = arith.constant 5 : i32
    %dma_start3A_133 = arith.constant 640 : i32
    %dma_start3A_134 = arith.constant 0 : i32
    %dma_start3A_135 = tpu.memref_slice %arg12[%dma_start3A_133, %dma_start3A_134] : memref<1024x16xf32, #tpu.memory_space<vmem>> -> memref<128x16xf32, #tpu.memory_space<vmem>>
    %dma_start3A_136 = arith.constant 0 : i32
    %dma_start3A_137 = tpu.memref_slice %arg8[%dma_start3A_132, %dma_start3A_136] : memref<8x128xi32, #tpu.memory_space<vmem>> -> memref<1x128xi32, #tpu.memory_space<vmem>>
    %dma_start3A_138 = tpu.memref_squeeze %dma_start3A_137 : memref<1x128xi32, #tpu.memory_space<vmem>> -> memref<128xi32, #tpu.memory_space<vmem>>
    %dma_start3A_139 = arith.constant 0 : i32
    %dma_start3A_140 = arith.constant 0 : i32
    %dma_start3A_141 = tpu.memref_slice %arg2[%dma_start3A_139, %dma_start3A_140] : memref<100000x16xf32, #tpu.memory_space<hbm>> -> memref<100000x16xf32, #tpu.memory_space<hbm>>
    tpu.enqueue_indirect_dma source(%dma_start3A_141 : memref<100000x16xf32, #tpu.memory_space<hbm>>) target(%dma_start3A_135 : memref<128x16xf32, #tpu.memory_space<vmem>>) offsets(%dma_start3A_138 : memref<128xi32, #tpu.memory_space<vmem>>) semaphore(%arg15 : memref<!tpu.dma_semaphore, #tpu.memory_space<semaphore_mem>>)
    %dma_start3A_142 = arith.constant 6 : i32
    %dma_start3A_143 = arith.constant 768 : i32
    %dma_start3A_144 = arith.constant 0 : i32
    %dma_start3A_145 = tpu.memref_slice %arg11[%dma_start3A_143, %dma_start3A_144] : memref<1024x16xf32, #tpu.memory_space<vmem>> -> memref<128x16xf32, #tpu.memory_space<vmem>>
    %dma_start3A_146 = arith.constant 0 : i32
    %dma_start3A_147 = tpu.memref_slice %arg7[%dma_start3A_142, %dma_start3A_146] : memref<8x128xi32, #tpu.memory_space<vmem>> -> memref<1x128xi32, #tpu.memory_space<vmem>>
    %dma_start3A_148 = tpu.memref_squeeze %dma_start3A_147 : memref<1x128xi32, #tpu.memory_space<vmem>> -> memref<128xi32, #tpu.memory_space<vmem>>
    %dma_start3A_149 = arith.constant 0 : i32
    %dma_start3A_150 = arith.constant 0 : i32
    %dma_start3A_151 = tpu.memref_slice %arg2[%dma_start3A_149, %dma_start3A_150] : memref<100000x16xf32, #tpu.memory_space<hbm>> -> memref<100000x16xf32, #tpu.memory_space<hbm>>
    tpu.enqueue_indirect_dma source(%dma_start3A_151 : memref<100000x16xf32, #tpu.memory_space<hbm>>) target(%dma_start3A_145 : memref<128x16xf32, #tpu.memory_space<vmem>>) offsets(%dma_start3A_148 : memref<128xi32, #tpu.memory_space<vmem>>) semaphore(%arg15 : memref<!tpu.dma_semaphore, #tpu.memory_space<semaphore_mem>>)
    %dma_start3A_152 = arith.constant 6 : i32
    %dma_start3A_153 = arith.constant 768 : i32
    %dma_start3A_154 = arith.constant 0 : i32
    %dma_start3A_155 = tpu.memref_slice %arg12[%dma_start3A_153, %dma_start3A_154] : memref<1024x16xf32, #tpu.memory_space<vmem>> -> memref<128x16xf32, #tpu.memory_space<vmem>>
    %dma_start3A_156 = arith.constant 0 : i32
    %dma_start3A_157 = tpu.memref_slice %arg8[%dma_start3A_152, %dma_start3A_156] : memref<8x128xi32, #tpu.memory_space<vmem>> -> memref<1x128xi32, #tpu.memory_space<vmem>>
    %dma_start3A_158 = tpu.memref_squeeze %dma_start3A_157 : memref<1x128xi32, #tpu.memory_space<vmem>> -> memref<128xi32, #tpu.memory_space<vmem>>
    %dma_start3A_159 = arith.constant 0 : i32
    %dma_start3A_160 = arith.constant 0 : i32
    %dma_start3A_161 = tpu.memref_slice %arg2[%dma_start3A_159, %dma_start3A_160] : memref<100000x16xf32, #tpu.memory_space<hbm>> -> memref<100000x16xf32, #tpu.memory_space<hbm>>
    tpu.enqueue_indirect_dma source(%dma_start3A_161 : memref<100000x16xf32, #tpu.memory_space<hbm>>) target(%dma_start3A_155 : memref<128x16xf32, #tpu.memory_space<vmem>>) offsets(%dma_start3A_158 : memref<128xi32, #tpu.memory_space<vmem>>) semaphore(%arg15 : memref<!tpu.dma_semaphore, #tpu.memory_space<semaphore_mem>>)
    %dma_start3A_162 = arith.constant 7 : i32
    %dma_start3A_163 = arith.constant 896 : i32
    %dma_start3A_164 = arith.constant 0 : i32
    %dma_start3A_165 = tpu.memref_slice %arg11[%dma_start3A_163, %dma_start3A_164] : memref<1024x16xf32, #tpu.memory_space<vmem>> -> memref<128x16xf32, #tpu.memory_space<vmem>>
    %dma_start3A_166 = arith.constant 0 : i32
    %dma_start3A_167 = tpu.memref_slice %arg7[%dma_start3A_162, %dma_start3A_166] : memref<8x128xi32, #tpu.memory_space<vmem>> -> memref<1x128xi32, #tpu.memory_space<vmem>>
    %dma_start3A_168 = tpu.memref_squeeze %dma_start3A_167 : memref<1x128xi32, #tpu.memory_space<vmem>> -> memref<128xi32, #tpu.memory_space<vmem>>
    %dma_start3A_169 = arith.constant 0 : i32
    %dma_start3A_170 = arith.constant 0 : i32
    %dma_start3A_171 = tpu.memref_slice %arg2[%dma_start3A_169, %dma_start3A_170] : memref<100000x16xf32, #tpu.memory_space<hbm>> -> memref<100000x16xf32, #tpu.memory_space<hbm>>
    tpu.enqueue_indirect_dma source(%dma_start3A_171 : memref<100000x16xf32, #tpu.memory_space<hbm>>) target(%dma_start3A_165 : memref<128x16xf32, #tpu.memory_space<vmem>>) offsets(%dma_start3A_168 : memref<128xi32, #tpu.memory_space<vmem>>) semaphore(%arg15 : memref<!tpu.dma_semaphore, #tpu.memory_space<semaphore_mem>>)
    %dma_start3A_172 = arith.constant 7 : i32
    %dma_start3A_173 = arith.constant 896 : i32
    %dma_start3A_174 = arith.constant 0 : i32
    %dma_start3A_175 = tpu.memref_slice %arg12[%dma_start3A_173, %dma_start3A_174] : memref<1024x16xf32, #tpu.memory_space<vmem>> -> memref<128x16xf32, #tpu.memory_space<vmem>>
    %dma_start3A_176 = arith.constant 0 : i32
    %dma_start3A_177 = tpu.memref_slice %arg8[%dma_start3A_172, %dma_start3A_176] : memref<8x128xi32, #tpu.memory_space<vmem>> -> memref<1x128xi32, #tpu.memory_space<vmem>>
    %dma_start3A_178 = tpu.memref_squeeze %dma_start3A_177 : memref<1x128xi32, #tpu.memory_space<vmem>> -> memref<128xi32, #tpu.memory_space<vmem>>
    %dma_start3A_179 = arith.constant 0 : i32
    %dma_start3A_180 = arith.constant 0 : i32
    %dma_start3A_181 = tpu.memref_slice %arg2[%dma_start3A_179, %dma_start3A_180] : memref<100000x16xf32, #tpu.memory_space<hbm>> -> memref<100000x16xf32, #tpu.memory_space<hbm>>
    tpu.enqueue_indirect_dma source(%dma_start3A_181 : memref<100000x16xf32, #tpu.memory_space<hbm>>) target(%dma_start3A_175 : memref<128x16xf32, #tpu.memory_space<vmem>>) offsets(%dma_start3A_178 : memref<128xi32, #tpu.memory_space<vmem>>) semaphore(%arg15 : memref<!tpu.dma_semaphore, #tpu.memory_space<semaphore_mem>>)
    %add3A_182 = arith.constant 8 : i32
    %add3A_183 = arith.addi %mul3A_2, %add3A_182 : i32
    %multiple_of3A_184 = tpu.assume_multiple %add3A_183, 8 : i32
    %dma_start3A_185 = arith.constant 0 : i32
    %dma_start3A_186 = tpu.memref_slice %arg3[%multiple_of3A_184, %dma_start3A_185] : memref<6400x128xi32, #tpu.memory_space<hbm>> -> memref<8x128xi32, #tpu.memory_space<hbm>>
    %dma_start3A_187 = arith.constant 0 : i32
    %dma_start3A_188 = tpu.memref_slice %arg3[%multiple_of3A_184, %dma_start3A_187] : memref<6400x128xi32, #tpu.memory_space<hbm>> -> memref<8x128xi32, #tpu.memory_space<hbm>>
    tpu.enqueue_dma source(%dma_start3A_188 : memref<8x128xi32, #tpu.memory_space<hbm>>) target(%arg9 : memref<8x128xi32, #tpu.memory_space<vmem>>) target_semaphore(%arg18 : memref<!tpu.dma_semaphore, #tpu.memory_space<semaphore_mem>>)
    %dma_start3A_189 = arith.constant 0 : i32
    %dma_start3A_190 = tpu.memref_slice %arg4[%multiple_of3A_184, %dma_start3A_189] : memref<6400x128xi32, #tpu.memory_space<hbm>> -> memref<8x128xi32, #tpu.memory_space<hbm>>
    %dma_start3A_191 = arith.constant 0 : i32
    %dma_start3A_192 = tpu.memref_slice %arg4[%multiple_of3A_184, %dma_start3A_191] : memref<6400x128xi32, #tpu.memory_space<hbm>> -> memref<8x128xi32, #tpu.memory_space<hbm>>
    tpu.enqueue_dma source(%dma_start3A_192 : memref<8x128xi32, #tpu.memory_space<hbm>>) target(%arg10 : memref<8x128xi32, #tpu.memory_space<vmem>>) target_semaphore(%arg18 : memref<!tpu.dma_semaphore, #tpu.memory_space<semaphore_mem>>)
    %scan3A = arith.constant 0 : i32
    %scan3A_193 = arith.constant 0 : i32
    %scan3A_194 = arith.constant 12 : i32
    %scan3A_195 = arith.addi %scan3A_193, %scan3A_194 : i32
    %scan3A_196 = arith.constant 1 : i32
    scf.for %scan3A_397 = %scan3A_193 to %scan3A_195 step %scan3A_196  : i32 {
      %mul3A_398 = arith.constant 2 : i32
      %mul3A_399 = arith.muli %mul3A_398, %scan3A_397 : i32
      %mul3A_400 = arith.constant 2 : i32
      %mul3A_401 = arith.muli %mul3A_400, %scan3A_397 : i32
      %add3A_402 = arith.constant 1 : i32
      %add3A_403 = arith.addi %mul3A_401, %add3A_402 : i32
      %mul3A_404 = arith.constant 8 : i32
      %mul3A_405 = arith.muli %mul3A_399, %mul3A_404 : i32
      %add3A_406 = arith.addi %mul3A_2, %mul3A_405 : i32
      %multiple_of3A_407 = tpu.assume_multiple %add3A_406, 8 : i32
      %mul3A_408 = arith.constant 8 : i32
      %mul3A_409 = arith.muli %add3A_403, %mul3A_408 : i32
      %add3A_410 = arith.addi %mul3A_2, %mul3A_409 : i32
      %multiple_of3A_411 = tpu.assume_multiple %add3A_410, 8 : i32
      %dma_wait3A_412 = arith.constant 0 : i32
      %dma_wait3A_413 = tpu.memref_slice %arg3[%multiple_of3A_411, %dma_wait3A_412] : memref<6400x128xi32, #tpu.memory_space<hbm>> -> memref<8x128xi32, #tpu.memory_space<hbm>>
      %dma_wait3A_414 = arith.constant 0 : i32
      %dma_wait3A_415 = tpu.memref_slice %arg3[%multiple_of3A_411, %dma_wait3A_414] : memref<6400x128xi32, #tpu.memory_space<hbm>> -> memref<8x128xi32, #tpu.memory_space<hbm>>
      tpu.wait_dma2 semaphore(%arg18 : memref<!tpu.dma_semaphore, #tpu.memory_space<semaphore_mem>>) src(%dma_wait3A_415 : memref<8x128xi32, #tpu.memory_space<hbm>>) dst(%arg9 : memref<8x128xi32, #tpu.memory_space<vmem>>)
      %dma_wait3A_416 = arith.constant 0 : i32
      %dma_wait3A_417 = tpu.memref_slice %arg4[%multiple_of3A_411, %dma_wait3A_416] : memref<6400x128xi32, #tpu.memory_space<hbm>> -> memref<8x128xi32, #tpu.memory_space<hbm>>
      %dma_wait3A_418 = arith.constant 0 : i32
      %dma_wait3A_419 = tpu.memref_slice %arg4[%multiple_of3A_411, %dma_wait3A_418] : memref<6400x128xi32, #tpu.memory_space<hbm>> -> memref<8x128xi32, #tpu.memory_space<hbm>>
      tpu.wait_dma2 semaphore(%arg18 : memref<!tpu.dma_semaphore, #tpu.memory_space<semaphore_mem>>) src(%dma_wait3A_419 : memref<8x128xi32, #tpu.memory_space<hbm>>) dst(%arg10 : memref<8x128xi32, #tpu.memory_space<vmem>>)
      %gt3A = arith.constant 0 : i32
      %gt3A_420 = arith.cmpi sgt, %scan3A_397, %gt3A : i32
      %convert_element_type3A = arith.extui %gt3A_420 : i1 to i32
      %cond3A = arith.constant 0 : i32
      %cond3A_421 = arith.cmpi ne, %convert_element_type3A, %cond3A : i32
      scf.if %cond3A_421 {
        %sub3A = arith.constant 1 : i32
        %sub3A_943 = arith.subi %mul3A_399, %sub3A : i32
        %mul3A_944 = arith.constant 8 : i32
        %mul3A_945 = arith.muli %sub3A_943, %mul3A_944 : i32
        %add3A_946 = arith.addi %mul3A_2, %mul3A_945 : i32
        %mul3A_947 = arith.constant 128 : i32
        %mul3A_948 = arith.muli %add3A_946, %mul3A_947 : i32
        %multiple_of3A_949 = tpu.assume_multiple %mul3A_948, 1024 : i32
        %dma_wait3A_950 = arith.constant 0 : i32
        %dma_wait3A_951 = tpu.memref_slice %arg5[%multiple_of3A_949, %dma_wait3A_950] : memref<819200x16xf32, #tpu.memory_space<hbm>> -> memref<1024x16xf32, #tpu.memory_space<hbm>>
        %dma_wait3A_952 = arith.constant 0 : i32
        %dma_wait3A_953 = tpu.memref_slice %arg5[%multiple_of3A_949, %dma_wait3A_952] : memref<819200x16xf32, #tpu.memory_space<hbm>> -> memref<1024x16xf32, #tpu.memory_space<hbm>>
        tpu.wait_dma2 semaphore(%arg20 : memref<!tpu.dma_semaphore, #tpu.memory_space<semaphore_mem>>) src(%arg13 : memref<1024x16xf32, #tpu.memory_space<vmem>>) dst(%dma_wait3A_953 : memref<1024x16xf32, #tpu.memory_space<hbm>>)
        %dma_wait3A_954 = arith.constant 0 : i32
        %dma_wait3A_955 = tpu.memref_slice %arg6[%multiple_of3A_949, %dma_wait3A_954] : memref<819200x16xf32, #tpu.memory_space<hbm>> -> memref<1024x16xf32, #tpu.memory_space<hbm>>
        %dma_wait3A_956 = arith.constant 0 : i32
        %dma_wait3A_957 = tpu.memref_slice %arg6[%multiple_of3A_949, %dma_wait3A_956] : memref<819200x16xf32, #tpu.memory_space<hbm>> -> memref<1024x16xf32, #tpu.memory_space<hbm>>
        tpu.wait_dma2 semaphore(%arg20 : memref<!tpu.dma_semaphore, #tpu.memory_space<semaphore_mem>>) src(%arg14 : memref<1024x16xf32, #tpu.memory_space<vmem>>) dst(%dma_wait3A_957 : memref<1024x16xf32, #tpu.memory_space<hbm>>)
      } else {
      }
      %dma_start3A_422 = arith.constant 0 : i32
      %dma_start3A_423 = arith.constant 0 : i32
      %dma_start3A_424 = arith.constant 0 : i32
      %dma_start3A_425 = tpu.memref_slice %arg13[%dma_start3A_423, %dma_start3A_424] : memref<1024x16xf32, #tpu.memory_space<vmem>> -> memref<128x16xf32, #tpu.memory_space<vmem>>
      %dma_start3A_426 = arith.constant 0 : i32
      %dma_start3A_427 = tpu.memref_slice %arg9[%dma_start3A_422, %dma_start3A_426] : memref<8x128xi32, #tpu.memory_space<vmem>> -> memref<1x128xi32, #tpu.memory_space<vmem>>
      %dma_start3A_428 = tpu.memref_squeeze %dma_start3A_427 : memref<1x128xi32, #tpu.memory_space<vmem>> -> memref<128xi32, #tpu.memory_space<vmem>>
      %dma_start3A_429 = arith.constant 0 : i32
      %dma_start3A_430 = arith.constant 0 : i32
      %dma_start3A_431 = tpu.memref_slice %arg2[%dma_start3A_429, %dma_start3A_430] : memref<100000x16xf32, #tpu.memory_space<hbm>> -> memref<100000x16xf32, #tpu.memory_space<hbm>>
      tpu.enqueue_indirect_dma source(%dma_start3A_431 : memref<100000x16xf32, #tpu.memory_space<hbm>>) target(%dma_start3A_425 : memref<128x16xf32, #tpu.memory_space<vmem>>) offsets(%dma_start3A_428 : memref<128xi32, #tpu.memory_space<vmem>>) semaphore(%arg16 : memref<!tpu.dma_semaphore, #tpu.memory_space<semaphore_mem>>)
      %dma_start3A_432 = arith.constant 0 : i32
      %dma_start3A_433 = arith.constant 0 : i32
      %dma_start3A_434 = arith.constant 0 : i32
      %dma_start3A_435 = tpu.memref_slice %arg14[%dma_start3A_433, %dma_start3A_434] : memref<1024x16xf32, #tpu.memory_space<vmem>> -> memref<128x16xf32, #tpu.memory_space<vmem>>
      %dma_start3A_436 = arith.constant 0 : i32
      %dma_start3A_437 = tpu.memref_slice %arg10[%dma_start3A_432, %dma_start3A_436] : memref<8x128xi32, #tpu.memory_space<vmem>> -> memref<1x128xi32, #tpu.memory_space<vmem>>
      %dma_start3A_438 = tpu.memref_squeeze %dma_start3A_437 : memref<1x128xi32, #tpu.memory_space<vmem>> -> memref<128xi32, #tpu.memory_space<vmem>>
      %dma_start3A_439 = arith.constant 0 : i32
      %dma_start3A_440 = arith.constant 0 : i32
      %dma_start3A_441 = tpu.memref_slice %arg2[%dma_start3A_439, %dma_start3A_440] : memref<100000x16xf32, #tpu.memory_space<hbm>> -> memref<100000x16xf32, #tpu.memory_space<hbm>>
      tpu.enqueue_indirect_dma source(%dma_start3A_441 : memref<100000x16xf32, #tpu.memory_space<hbm>>) target(%dma_start3A_435 : memref<128x16xf32, #tpu.memory_space<vmem>>) offsets(%dma_start3A_438 : memref<128xi32, #tpu.memory_space<vmem>>) semaphore(%arg16 : memref<!tpu.dma_semaphore, #tpu.memory_space<semaphore_mem>>)
      %dma_start3A_442 = arith.constant 1 : i32
      %dma_start3A_443 = arith.constant 128 : i32
      %dma_start3A_444 = arith.constant 0 : i32
      %dma_start3A_445 = tpu.memref_slice %arg13[%dma_start3A_443, %dma_start3A_444] : memref<1024x16xf32, #tpu.memory_space<vmem>> -> memref<128x16xf32, #tpu.memory_space<vmem>>
      %dma_start3A_446 = arith.constant 0 : i32
      %dma_start3A_447 = tpu.memref_slice %arg9[%dma_start3A_442, %dma_start3A_446] : memref<8x128xi32, #tpu.memory_space<vmem>> -> memref<1x128xi32, #tpu.memory_space<vmem>>
      %dma_start3A_448 = tpu.memref_squeeze %dma_start3A_447 : memref<1x128xi32, #tpu.memory_space<vmem>> -> memref<128xi32, #tpu.memory_space<vmem>>
      %dma_start3A_449 = arith.constant 0 : i32
      %dma_start3A_450 = arith.constant 0 : i32
      %dma_start3A_451 = tpu.memref_slice %arg2[%dma_start3A_449, %dma_start3A_450] : memref<100000x16xf32, #tpu.memory_space<hbm>> -> memref<100000x16xf32, #tpu.memory_space<hbm>>
      tpu.enqueue_indirect_dma source(%dma_start3A_451 : memref<100000x16xf32, #tpu.memory_space<hbm>>) target(%dma_start3A_445 : memref<128x16xf32, #tpu.memory_space<vmem>>) offsets(%dma_start3A_448 : memref<128xi32, #tpu.memory_space<vmem>>) semaphore(%arg16 : memref<!tpu.dma_semaphore, #tpu.memory_space<semaphore_mem>>)
      %dma_start3A_452 = arith.constant 1 : i32
      %dma_start3A_453 = arith.constant 128 : i32
      %dma_start3A_454 = arith.constant 0 : i32
      %dma_start3A_455 = tpu.memref_slice %arg14[%dma_start3A_453, %dma_start3A_454] : memref<1024x16xf32, #tpu.memory_space<vmem>> -> memref<128x16xf32, #tpu.memory_space<vmem>>
      %dma_start3A_456 = arith.constant 0 : i32
      %dma_start3A_457 = tpu.memref_slice %arg10[%dma_start3A_452, %dma_start3A_456] : memref<8x128xi32, #tpu.memory_space<vmem>> -> memref<1x128xi32, #tpu.memory_space<vmem>>
      %dma_start3A_458 = tpu.memref_squeeze %dma_start3A_457 : memref<1x128xi32, #tpu.memory_space<vmem>> -> memref<128xi32, #tpu.memory_space<vmem>>
      %dma_start3A_459 = arith.constant 0 : i32
      %dma_start3A_460 = arith.constant 0 : i32
      %dma_start3A_461 = tpu.memref_slice %arg2[%dma_start3A_459, %dma_start3A_460] : memref<100000x16xf32, #tpu.memory_space<hbm>> -> memref<100000x16xf32, #tpu.memory_space<hbm>>
      tpu.enqueue_indirect_dma source(%dma_start3A_461 : memref<100000x16xf32, #tpu.memory_space<hbm>>) target(%dma_start3A_455 : memref<128x16xf32, #tpu.memory_space<vmem>>) offsets(%dma_start3A_458 : memref<128xi32, #tpu.memory_space<vmem>>) semaphore(%arg16 : memref<!tpu.dma_semaphore, #tpu.memory_space<semaphore_mem>>)
      %dma_start3A_462 = arith.constant 2 : i32
      %dma_start3A_463 = arith.constant 256 : i32
      %dma_start3A_464 = arith.constant 0 : i32
      %dma_start3A_465 = tpu.memref_slice %arg13[%dma_start3A_463, %dma_start3A_464] : memref<1024x16xf32, #tpu.memory_space<vmem>> -> memref<128x16xf32, #tpu.memory_space<vmem>>
      %dma_start3A_466 = arith.constant 0 : i32
      %dma_start3A_467 = tpu.memref_slice %arg9[%dma_start3A_462, %dma_start3A_466] : memref<8x128xi32, #tpu.memory_space<vmem>> -> memref<1x128xi32, #tpu.memory_space<vmem>>
      %dma_start3A_468 = tpu.memref_squeeze %dma_start3A_467 : memref<1x128xi32, #tpu.memory_space<vmem>> -> memref<128xi32, #tpu.memory_space<vmem>>
      %dma_start3A_469 = arith.constant 0 : i32
      %dma_start3A_470 = arith.constant 0 : i32
      %dma_start3A_471 = tpu.memref_slice %arg2[%dma_start3A_469, %dma_start3A_470] : memref<100000x16xf32, #tpu.memory_space<hbm>> -> memref<100000x16xf32, #tpu.memory_space<hbm>>
      tpu.enqueue_indirect_dma source(%dma_start3A_471 : memref<100000x16xf32, #tpu.memory_space<hbm>>) target(%dma_start3A_465 : memref<128x16xf32, #tpu.memory_space<vmem>>) offsets(%dma_start3A_468 : memref<128xi32, #tpu.memory_space<vmem>>) semaphore(%arg16 : memref<!tpu.dma_semaphore, #tpu.memory_space<semaphore_mem>>)
      %dma_start3A_472 = arith.constant 2 : i32
      %dma_start3A_473 = arith.constant 256 : i32
      %dma_start3A_474 = arith.constant 0 : i32
      %dma_start3A_475 = tpu.memref_slice %arg14[%dma_start3A_473, %dma_start3A_474] : memref<1024x16xf32, #tpu.memory_space<vmem>> -> memref<128x16xf32, #tpu.memory_space<vmem>>
      %dma_start3A_476 = arith.constant 0 : i32
      %dma_start3A_477 = tpu.memref_slice %arg10[%dma_start3A_472, %dma_start3A_476] : memref<8x128xi32, #tpu.memory_space<vmem>> -> memref<1x128xi32, #tpu.memory_space<vmem>>
      %dma_start3A_478 = tpu.memref_squeeze %dma_start3A_477 : memref<1x128xi32, #tpu.memory_space<vmem>> -> memref<128xi32, #tpu.memory_space<vmem>>
      %dma_start3A_479 = arith.constant 0 : i32
      %dma_start3A_480 = arith.constant 0 : i32
      %dma_start3A_481 = tpu.memref_slice %arg2[%dma_start3A_479, %dma_start3A_480] : memref<100000x16xf32, #tpu.memory_space<hbm>> -> memref<100000x16xf32, #tpu.memory_space<hbm>>
      tpu.enqueue_indirect_dma source(%dma_start3A_481 : memref<100000x16xf32, #tpu.memory_space<hbm>>) target(%dma_start3A_475 : memref<128x16xf32, #tpu.memory_space<vmem>>) offsets(%dma_start3A_478 : memref<128xi32, #tpu.memory_space<vmem>>) semaphore(%arg16 : memref<!tpu.dma_semaphore, #tpu.memory_space<semaphore_mem>>)
      %dma_start3A_482 = arith.constant 3 : i32
      %dma_start3A_483 = arith.constant 384 : i32
      %dma_start3A_484 = arith.constant 0 : i32
      %dma_start3A_485 = tpu.memref_slice %arg13[%dma_start3A_483, %dma_start3A_484] : memref<1024x16xf32, #tpu.memory_space<vmem>> -> memref<128x16xf32, #tpu.memory_space<vmem>>
      %dma_start3A_486 = arith.constant 0 : i32
      %dma_start3A_487 = tpu.memref_slice %arg9[%dma_start3A_482, %dma_start3A_486] : memref<8x128xi32, #tpu.memory_space<vmem>> -> memref<1x128xi32, #tpu.memory_space<vmem>>
      %dma_start3A_488 = tpu.memref_squeeze %dma_start3A_487 : memref<1x128xi32, #tpu.memory_space<vmem>> -> memref<128xi32, #tpu.memory_space<vmem>>
      %dma_start3A_489 = arith.constant 0 : i32
      %dma_start3A_490 = arith.constant 0 : i32
      %dma_start3A_491 = tpu.memref_slice %arg2[%dma_start3A_489, %dma_start3A_490] : memref<100000x16xf32, #tpu.memory_space<hbm>> -> memref<100000x16xf32, #tpu.memory_space<hbm>>
      tpu.enqueue_indirect_dma source(%dma_start3A_491 : memref<100000x16xf32, #tpu.memory_space<hbm>>) target(%dma_start3A_485 : memref<128x16xf32, #tpu.memory_space<vmem>>) offsets(%dma_start3A_488 : memref<128xi32, #tpu.memory_space<vmem>>) semaphore(%arg16 : memref<!tpu.dma_semaphore, #tpu.memory_space<semaphore_mem>>)
      %dma_start3A_492 = arith.constant 3 : i32
      %dma_start3A_493 = arith.constant 384 : i32
      %dma_start3A_494 = arith.constant 0 : i32
      %dma_start3A_495 = tpu.memref_slice %arg14[%dma_start3A_493, %dma_start3A_494] : memref<1024x16xf32, #tpu.memory_space<vmem>> -> memref<128x16xf32, #tpu.memory_space<vmem>>
      %dma_start3A_496 = arith.constant 0 : i32
      %dma_start3A_497 = tpu.memref_slice %arg10[%dma_start3A_492, %dma_start3A_496] : memref<8x128xi32, #tpu.memory_space<vmem>> -> memref<1x128xi32, #tpu.memory_space<vmem>>
      %dma_start3A_498 = tpu.memref_squeeze %dma_start3A_497 : memref<1x128xi32, #tpu.memory_space<vmem>> -> memref<128xi32, #tpu.memory_space<vmem>>
      %dma_start3A_499 = arith.constant 0 : i32
      %dma_start3A_500 = arith.constant 0 : i32
      %dma_start3A_501 = tpu.memref_slice %arg2[%dma_start3A_499, %dma_start3A_500] : memref<100000x16xf32, #tpu.memory_space<hbm>> -> memref<100000x16xf32, #tpu.memory_space<hbm>>
      tpu.enqueue_indirect_dma source(%dma_start3A_501 : memref<100000x16xf32, #tpu.memory_space<hbm>>) target(%dma_start3A_495 : memref<128x16xf32, #tpu.memory_space<vmem>>) offsets(%dma_start3A_498 : memref<128xi32, #tpu.memory_space<vmem>>) semaphore(%arg16 : memref<!tpu.dma_semaphore, #tpu.memory_space<semaphore_mem>>)
      %dma_start3A_502 = arith.constant 4 : i32
      %dma_start3A_503 = arith.constant 512 : i32
      %dma_start3A_504 = arith.constant 0 : i32
      %dma_start3A_505 = tpu.memref_slice %arg13[%dma_start3A_503, %dma_start3A_504] : memref<1024x16xf32, #tpu.memory_space<vmem>> -> memref<128x16xf32, #tpu.memory_space<vmem>>
      %dma_start3A_506 = arith.constant 0 : i32
      %dma_start3A_507 = tpu.memref_slice %arg9[%dma_start3A_502, %dma_start3A_506] : memref<8x128xi32, #tpu.memory_space<vmem>> -> memref<1x128xi32, #tpu.memory_space<vmem>>
      %dma_start3A_508 = tpu.memref_squeeze %dma_start3A_507 : memref<1x128xi32, #tpu.memory_space<vmem>> -> memref<128xi32, #tpu.memory_space<vmem>>
      %dma_start3A_509 = arith.constant 0 : i32
      %dma_start3A_510 = arith.constant 0 : i32
      %dma_start3A_511 = tpu.memref_slice %arg2[%dma_start3A_509, %dma_start3A_510] : memref<100000x16xf32, #tpu.memory_space<hbm>> -> memref<100000x16xf32, #tpu.memory_space<hbm>>
      tpu.enqueue_indirect_dma source(%dma_start3A_511 : memref<100000x16xf32, #tpu.memory_space<hbm>>) target(%dma_start3A_505 : memref<128x16xf32, #tpu.memory_space<vmem>>) offsets(%dma_start3A_508 : memref<128xi32, #tpu.memory_space<vmem>>) semaphore(%arg16 : memref<!tpu.dma_semaphore, #tpu.memory_space<semaphore_mem>>)
      %dma_start3A_512 = arith.constant 4 : i32
      %dma_start3A_513 = arith.constant 512 : i32
      %dma_start3A_514 = arith.constant 0 : i32
      %dma_start3A_515 = tpu.memref_slice %arg14[%dma_start3A_513, %dma_start3A_514] : memref<1024x16xf32, #tpu.memory_space<vmem>> -> memref<128x16xf32, #tpu.memory_space<vmem>>
      %dma_start3A_516 = arith.constant 0 : i32
      %dma_start3A_517 = tpu.memref_slice %arg10[%dma_start3A_512, %dma_start3A_516] : memref<8x128xi32, #tpu.memory_space<vmem>> -> memref<1x128xi32, #tpu.memory_space<vmem>>
      %dma_start3A_518 = tpu.memref_squeeze %dma_start3A_517 : memref<1x128xi32, #tpu.memory_space<vmem>> -> memref<128xi32, #tpu.memory_space<vmem>>
      %dma_start3A_519 = arith.constant 0 : i32
      %dma_start3A_520 = arith.constant 0 : i32
      %dma_start3A_521 = tpu.memref_slice %arg2[%dma_start3A_519, %dma_start3A_520] : memref<100000x16xf32, #tpu.memory_space<hbm>> -> memref<100000x16xf32, #tpu.memory_space<hbm>>
      tpu.enqueue_indirect_dma source(%dma_start3A_521 : memref<100000x16xf32, #tpu.memory_space<hbm>>) target(%dma_start3A_515 : memref<128x16xf32, #tpu.memory_space<vmem>>) offsets(%dma_start3A_518 : memref<128xi32, #tpu.memory_space<vmem>>) semaphore(%arg16 : memref<!tpu.dma_semaphore, #tpu.memory_space<semaphore_mem>>)
      %dma_start3A_522 = arith.constant 5 : i32
      %dma_start3A_523 = arith.constant 640 : i32
      %dma_start3A_524 = arith.constant 0 : i32
      %dma_start3A_525 = tpu.memref_slice %arg13[%dma_start3A_523, %dma_start3A_524] : memref<1024x16xf32, #tpu.memory_space<vmem>> -> memref<128x16xf32, #tpu.memory_space<vmem>>
      %dma_start3A_526 = arith.constant 0 : i32
      %dma_start3A_527 = tpu.memref_slice %arg9[%dma_start3A_522, %dma_start3A_526] : memref<8x128xi32, #tpu.memory_space<vmem>> -> memref<1x128xi32, #tpu.memory_space<vmem>>
      %dma_start3A_528 = tpu.memref_squeeze %dma_start3A_527 : memref<1x128xi32, #tpu.memory_space<vmem>> -> memref<128xi32, #tpu.memory_space<vmem>>
      %dma_start3A_529 = arith.constant 0 : i32
      %dma_start3A_530 = arith.constant 0 : i32
      %dma_start3A_531 = tpu.memref_slice %arg2[%dma_start3A_529, %dma_start3A_530] : memref<100000x16xf32, #tpu.memory_space<hbm>> -> memref<100000x16xf32, #tpu.memory_space<hbm>>
      tpu.enqueue_indirect_dma source(%dma_start3A_531 : memref<100000x16xf32, #tpu.memory_space<hbm>>) target(%dma_start3A_525 : memref<128x16xf32, #tpu.memory_space<vmem>>) offsets(%dma_start3A_528 : memref<128xi32, #tpu.memory_space<vmem>>) semaphore(%arg16 : memref<!tpu.dma_semaphore, #tpu.memory_space<semaphore_mem>>)
      %dma_start3A_532 = arith.constant 5 : i32
      %dma_start3A_533 = arith.constant 640 : i32
      %dma_start3A_534 = arith.constant 0 : i32
      %dma_start3A_535 = tpu.memref_slice %arg14[%dma_start3A_533, %dma_start3A_534] : memref<1024x16xf32, #tpu.memory_space<vmem>> -> memref<128x16xf32, #tpu.memory_space<vmem>>
      %dma_start3A_536 = arith.constant 0 : i32
      %dma_start3A_537 = tpu.memref_slice %arg10[%dma_start3A_532, %dma_start3A_536] : memref<8x128xi32, #tpu.memory_space<vmem>> -> memref<1x128xi32, #tpu.memory_space<vmem>>
      %dma_start3A_538 = tpu.memref_squeeze %dma_start3A_537 : memref<1x128xi32, #tpu.memory_space<vmem>> -> memref<128xi32, #tpu.memory_space<vmem>>
      %dma_start3A_539 = arith.constant 0 : i32
      %dma_start3A_540 = arith.constant 0 : i32
      %dma_start3A_541 = tpu.memref_slice %arg2[%dma_start3A_539, %dma_start3A_540] : memref<100000x16xf32, #tpu.memory_space<hbm>> -> memref<100000x16xf32, #tpu.memory_space<hbm>>
      tpu.enqueue_indirect_dma source(%dma_start3A_541 : memref<100000x16xf32, #tpu.memory_space<hbm>>) target(%dma_start3A_535 : memref<128x16xf32, #tpu.memory_space<vmem>>) offsets(%dma_start3A_538 : memref<128xi32, #tpu.memory_space<vmem>>) semaphore(%arg16 : memref<!tpu.dma_semaphore, #tpu.memory_space<semaphore_mem>>)
      %dma_start3A_542 = arith.constant 6 : i32
      %dma_start3A_543 = arith.constant 768 : i32
      %dma_start3A_544 = arith.constant 0 : i32
      %dma_start3A_545 = tpu.memref_slice %arg13[%dma_start3A_543, %dma_start3A_544] : memref<1024x16xf32, #tpu.memory_space<vmem>> -> memref<128x16xf32, #tpu.memory_space<vmem>>
      %dma_start3A_546 = arith.constant 0 : i32
      %dma_start3A_547 = tpu.memref_slice %arg9[%dma_start3A_542, %dma_start3A_546] : memref<8x128xi32, #tpu.memory_space<vmem>> -> memref<1x128xi32, #tpu.memory_space<vmem>>
      %dma_start3A_548 = tpu.memref_squeeze %dma_start3A_547 : memref<1x128xi32, #tpu.memory_space<vmem>> -> memref<128xi32, #tpu.memory_space<vmem>>
      %dma_start3A_549 = arith.constant 0 : i32
      %dma_start3A_550 = arith.constant 0 : i32
      %dma_start3A_551 = tpu.memref_slice %arg2[%dma_start3A_549, %dma_start3A_550] : memref<100000x16xf32, #tpu.memory_space<hbm>> -> memref<100000x16xf32, #tpu.memory_space<hbm>>
      tpu.enqueue_indirect_dma source(%dma_start3A_551 : memref<100000x16xf32, #tpu.memory_space<hbm>>) target(%dma_start3A_545 : memref<128x16xf32, #tpu.memory_space<vmem>>) offsets(%dma_start3A_548 : memref<128xi32, #tpu.memory_space<vmem>>) semaphore(%arg16 : memref<!tpu.dma_semaphore, #tpu.memory_space<semaphore_mem>>)
      %dma_start3A_552 = arith.constant 6 : i32
      %dma_start3A_553 = arith.constant 768 : i32
      %dma_start3A_554 = arith.constant 0 : i32
      %dma_start3A_555 = tpu.memref_slice %arg14[%dma_start3A_553, %dma_start3A_554] : memref<1024x16xf32, #tpu.memory_space<vmem>> -> memref<128x16xf32, #tpu.memory_space<vmem>>
      %dma_start3A_556 = arith.constant 0 : i32
      %dma_start3A_557 = tpu.memref_slice %arg10[%dma_start3A_552, %dma_start3A_556] : memref<8x128xi32, #tpu.memory_space<vmem>> -> memref<1x128xi32, #tpu.memory_space<vmem>>
      %dma_start3A_558 = tpu.memref_squeeze %dma_start3A_557 : memref<1x128xi32, #tpu.memory_space<vmem>> -> memref<128xi32, #tpu.memory_space<vmem>>
      %dma_start3A_559 = arith.constant 0 : i32
      %dma_start3A_560 = arith.constant 0 : i32
      %dma_start3A_561 = tpu.memref_slice %arg2[%dma_start3A_559, %dma_start3A_560] : memref<100000x16xf32, #tpu.memory_space<hbm>> -> memref<100000x16xf32, #tpu.memory_space<hbm>>
      tpu.enqueue_indirect_dma source(%dma_start3A_561 : memref<100000x16xf32, #tpu.memory_space<hbm>>) target(%dma_start3A_555 : memref<128x16xf32, #tpu.memory_space<vmem>>) offsets(%dma_start3A_558 : memref<128xi32, #tpu.memory_space<vmem>>) semaphore(%arg16 : memref<!tpu.dma_semaphore, #tpu.memory_space<semaphore_mem>>)
      %dma_start3A_562 = arith.constant 7 : i32
      %dma_start3A_563 = arith.constant 896 : i32
      %dma_start3A_564 = arith.constant 0 : i32
      %dma_start3A_565 = tpu.memref_slice %arg13[%dma_start3A_563, %dma_start3A_564] : memref<1024x16xf32, #tpu.memory_space<vmem>> -> memref<128x16xf32, #tpu.memory_space<vmem>>
      %dma_start3A_566 = arith.constant 0 : i32
      %dma_start3A_567 = tpu.memref_slice %arg9[%dma_start3A_562, %dma_start3A_566] : memref<8x128xi32, #tpu.memory_space<vmem>> -> memref<1x128xi32, #tpu.memory_space<vmem>>
      %dma_start3A_568 = tpu.memref_squeeze %dma_start3A_567 : memref<1x128xi32, #tpu.memory_space<vmem>> -> memref<128xi32, #tpu.memory_space<vmem>>
      %dma_start3A_569 = arith.constant 0 : i32
      %dma_start3A_570 = arith.constant 0 : i32
      %dma_start3A_571 = tpu.memref_slice %arg2[%dma_start3A_569, %dma_start3A_570] : memref<100000x16xf32, #tpu.memory_space<hbm>> -> memref<100000x16xf32, #tpu.memory_space<hbm>>
      tpu.enqueue_indirect_dma source(%dma_start3A_571 : memref<100000x16xf32, #tpu.memory_space<hbm>>) target(%dma_start3A_565 : memref<128x16xf32, #tpu.memory_space<vmem>>) offsets(%dma_start3A_568 : memref<128xi32, #tpu.memory_space<vmem>>) semaphore(%arg16 : memref<!tpu.dma_semaphore, #tpu.memory_space<semaphore_mem>>)
      %dma_start3A_572 = arith.constant 7 : i32
      %dma_start3A_573 = arith.constant 896 : i32
      %dma_start3A_574 = arith.constant 0 : i32
      %dma_start3A_575 = tpu.memref_slice %arg14[%dma_start3A_573, %dma_start3A_574] : memref<1024x16xf32, #tpu.memory_space<vmem>> -> memref<128x16xf32, #tpu.memory_space<vmem>>
      %dma_start3A_576 = arith.constant 0 : i32
      %dma_start3A_577 = tpu.memref_slice %arg10[%dma_start3A_572, %dma_start3A_576] : memref<8x128xi32, #tpu.memory_space<vmem>> -> memref<1x128xi32, #tpu.memory_space<vmem>>
      %dma_start3A_578 = tpu.memref_squeeze %dma_start3A_577 : memref<1x128xi32, #tpu.memory_space<vmem>> -> memref<128xi32, #tpu.memory_space<vmem>>
      %dma_start3A_579 = arith.constant 0 : i32
      %dma_start3A_580 = arith.constant 0 : i32
      %dma_start3A_581 = tpu.memref_slice %arg2[%dma_start3A_579, %dma_start3A_580] : memref<100000x16xf32, #tpu.memory_space<hbm>> -> memref<100000x16xf32, #tpu.memory_space<hbm>>
      tpu.enqueue_indirect_dma source(%dma_start3A_581 : memref<100000x16xf32, #tpu.memory_space<hbm>>) target(%dma_start3A_575 : memref<128x16xf32, #tpu.memory_space<vmem>>) offsets(%dma_start3A_578 : memref<128xi32, #tpu.memory_space<vmem>>) semaphore(%arg16 : memref<!tpu.dma_semaphore, #tpu.memory_space<semaphore_mem>>)
      %dma_wait3A_582 = arith.constant 0 : i32
      %dma_wait3A_583 = arith.constant 0 : i32
      %dma_wait3A_584 = arith.constant 0 : i32
      %dma_wait3A_585 = tpu.memref_slice %arg11[%dma_wait3A_583, %dma_wait3A_584] : memref<1024x16xf32, #tpu.memory_space<vmem>> -> memref<128x16xf32, #tpu.memory_space<vmem>>
      %dma_wait3A_586 = arith.constant 0 : i32
      %dma_wait3A_587 = tpu.memref_slice %arg7[%dma_wait3A_582, %dma_wait3A_586] : memref<8x128xi32, #tpu.memory_space<vmem>> -> memref<1x128xi32, #tpu.memory_space<vmem>>
      %dma_wait3A_588 = tpu.memref_squeeze %dma_wait3A_587 : memref<1x128xi32, #tpu.memory_space<vmem>> -> memref<128xi32, #tpu.memory_space<vmem>>
      %dma_wait3A_589 = arith.constant 0 : i32
      %dma_wait3A_590 = arith.constant 0 : i32
      %dma_wait3A_591 = tpu.memref_slice %arg2[%dma_wait3A_589, %dma_wait3A_590] : memref<100000x16xf32, #tpu.memory_space<hbm>> -> memref<100000x16xf32, #tpu.memory_space<hbm>>
      tpu.wait_indirect_dma semaphore(%arg15 : memref<!tpu.dma_semaphore, #tpu.memory_space<semaphore_mem>>) src(%dma_wait3A_591 : memref<100000x16xf32, #tpu.memory_space<hbm>>) dst(%dma_wait3A_585 : memref<128x16xf32, #tpu.memory_space<vmem>>)
      %dma_wait3A_592 = arith.constant 0 : i32
      %dma_wait3A_593 = arith.constant 0 : i32
      %dma_wait3A_594 = arith.constant 0 : i32
      %dma_wait3A_595 = tpu.memref_slice %arg12[%dma_wait3A_593, %dma_wait3A_594] : memref<1024x16xf32, #tpu.memory_space<vmem>> -> memref<128x16xf32, #tpu.memory_space<vmem>>
      %dma_wait3A_596 = arith.constant 0 : i32
      %dma_wait3A_597 = tpu.memref_slice %arg8[%dma_wait3A_592, %dma_wait3A_596] : memref<8x128xi32, #tpu.memory_space<vmem>> -> memref<1x128xi32, #tpu.memory_space<vmem>>
      %dma_wait3A_598 = tpu.memref_squeeze %dma_wait3A_597 : memref<1x128xi32, #tpu.memory_space<vmem>> -> memref<128xi32, #tpu.memory_space<vmem>>
      %dma_wait3A_599 = arith.constant 0 : i32
      %dma_wait3A_600 = arith.constant 0 : i32
      %dma_wait3A_601 = tpu.memref_slice %arg2[%dma_wait3A_599, %dma_wait3A_600] : memref<100000x16xf32, #tpu.memory_space<hbm>> -> memref<100000x16xf32, #tpu.memory_space<hbm>>
      tpu.wait_indirect_dma semaphore(%arg15 : memref<!tpu.dma_semaphore, #tpu.memory_space<semaphore_mem>>) src(%dma_wait3A_601 : memref<100000x16xf32, #tpu.memory_space<hbm>>) dst(%dma_wait3A_595 : memref<128x16xf32, #tpu.memory_space<vmem>>)
      %dma_wait3A_602 = arith.constant 1 : i32
      %dma_wait3A_603 = arith.constant 128 : i32
      %dma_wait3A_604 = arith.constant 0 : i32
      %dma_wait3A_605 = tpu.memref_slice %arg11[%dma_wait3A_603, %dma_wait3A_604] : memref<1024x16xf32, #tpu.memory_space<vmem>> -> memref<128x16xf32, #tpu.memory_space<vmem>>
      %dma_wait3A_606 = arith.constant 0 : i32
      %dma_wait3A_607 = tpu.memref_slice %arg7[%dma_wait3A_602, %dma_wait3A_606] : memref<8x128xi32, #tpu.memory_space<vmem>> -> memref<1x128xi32, #tpu.memory_space<vmem>>
      %dma_wait3A_608 = tpu.memref_squeeze %dma_wait3A_607 : memref<1x128xi32, #tpu.memory_space<vmem>> -> memref<128xi32, #tpu.memory_space<vmem>>
      %dma_wait3A_609 = arith.constant 0 : i32
      %dma_wait3A_610 = arith.constant 0 : i32
      %dma_wait3A_611 = tpu.memref_slice %arg2[%dma_wait3A_609, %dma_wait3A_610] : memref<100000x16xf32, #tpu.memory_space<hbm>> -> memref<100000x16xf32, #tpu.memory_space<hbm>>
      tpu.wait_indirect_dma semaphore(%arg15 : memref<!tpu.dma_semaphore, #tpu.memory_space<semaphore_mem>>) src(%dma_wait3A_611 : memref<100000x16xf32, #tpu.memory_space<hbm>>) dst(%dma_wait3A_605 : memref<128x16xf32, #tpu.memory_space<vmem>>)
      %dma_wait3A_612 = arith.constant 1 : i32
      %dma_wait3A_613 = arith.constant 128 : i32
      %dma_wait3A_614 = arith.constant 0 : i32
      %dma_wait3A_615 = tpu.memref_slice %arg12[%dma_wait3A_613, %dma_wait3A_614] : memref<1024x16xf32, #tpu.memory_space<vmem>> -> memref<128x16xf32, #tpu.memory_space<vmem>>
      %dma_wait3A_616 = arith.constant 0 : i32
      %dma_wait3A_617 = tpu.memref_slice %arg8[%dma_wait3A_612, %dma_wait3A_616] : memref<8x128xi32, #tpu.memory_space<vmem>> -> memref<1x128xi32, #tpu.memory_space<vmem>>
      %dma_wait3A_618 = tpu.memref_squeeze %dma_wait3A_617 : memref<1x128xi32, #tpu.memory_space<vmem>> -> memref<128xi32, #tpu.memory_space<vmem>>
      %dma_wait3A_619 = arith.constant 0 : i32
      %dma_wait3A_620 = arith.constant 0 : i32
      %dma_wait3A_621 = tpu.memref_slice %arg2[%dma_wait3A_619, %dma_wait3A_620] : memref<100000x16xf32, #tpu.memory_space<hbm>> -> memref<100000x16xf32, #tpu.memory_space<hbm>>
      tpu.wait_indirect_dma semaphore(%arg15 : memref<!tpu.dma_semaphore, #tpu.memory_space<semaphore_mem>>) src(%dma_wait3A_621 : memref<100000x16xf32, #tpu.memory_space<hbm>>) dst(%dma_wait3A_615 : memref<128x16xf32, #tpu.memory_space<vmem>>)
      %dma_wait3A_622 = arith.constant 2 : i32
      %dma_wait3A_623 = arith.constant 256 : i32
      %dma_wait3A_624 = arith.constant 0 : i32
      %dma_wait3A_625 = tpu.memref_slice %arg11[%dma_wait3A_623, %dma_wait3A_624] : memref<1024x16xf32, #tpu.memory_space<vmem>> -> memref<128x16xf32, #tpu.memory_space<vmem>>
      %dma_wait3A_626 = arith.constant 0 : i32
      %dma_wait3A_627 = tpu.memref_slice %arg7[%dma_wait3A_622, %dma_wait3A_626] : memref<8x128xi32, #tpu.memory_space<vmem>> -> memref<1x128xi32, #tpu.memory_space<vmem>>
      %dma_wait3A_628 = tpu.memref_squeeze %dma_wait3A_627 : memref<1x128xi32, #tpu.memory_space<vmem>> -> memref<128xi32, #tpu.memory_space<vmem>>
      %dma_wait3A_629 = arith.constant 0 : i32
      %dma_wait3A_630 = arith.constant 0 : i32
      %dma_wait3A_631 = tpu.memref_slice %arg2[%dma_wait3A_629, %dma_wait3A_630] : memref<100000x16xf32, #tpu.memory_space<hbm>> -> memref<100000x16xf32, #tpu.memory_space<hbm>>
      tpu.wait_indirect_dma semaphore(%arg15 : memref<!tpu.dma_semaphore, #tpu.memory_space<semaphore_mem>>) src(%dma_wait3A_631 : memref<100000x16xf32, #tpu.memory_space<hbm>>) dst(%dma_wait3A_625 : memref<128x16xf32, #tpu.memory_space<vmem>>)
      %dma_wait3A_632 = arith.constant 2 : i32
      %dma_wait3A_633 = arith.constant 256 : i32
      %dma_wait3A_634 = arith.constant 0 : i32
      %dma_wait3A_635 = tpu.memref_slice %arg12[%dma_wait3A_633, %dma_wait3A_634] : memref<1024x16xf32, #tpu.memory_space<vmem>> -> memref<128x16xf32, #tpu.memory_space<vmem>>
      %dma_wait3A_636 = arith.constant 0 : i32
      %dma_wait3A_637 = tpu.memref_slice %arg8[%dma_wait3A_632, %dma_wait3A_636] : memref<8x128xi32, #tpu.memory_space<vmem>> -> memref<1x128xi32, #tpu.memory_space<vmem>>
      %dma_wait3A_638 = tpu.memref_squeeze %dma_wait3A_637 : memref<1x128xi32, #tpu.memory_space<vmem>> -> memref<128xi32, #tpu.memory_space<vmem>>
      %dma_wait3A_639 = arith.constant 0 : i32
      %dma_wait3A_640 = arith.constant 0 : i32
      %dma_wait3A_641 = tpu.memref_slice %arg2[%dma_wait3A_639, %dma_wait3A_640] : memref<100000x16xf32, #tpu.memory_space<hbm>> -> memref<100000x16xf32, #tpu.memory_space<hbm>>
      tpu.wait_indirect_dma semaphore(%arg15 : memref<!tpu.dma_semaphore, #tpu.memory_space<semaphore_mem>>) src(%dma_wait3A_641 : memref<100000x16xf32, #tpu.memory_space<hbm>>) dst(%dma_wait3A_635 : memref<128x16xf32, #tpu.memory_space<vmem>>)
      %dma_wait3A_642 = arith.constant 3 : i32
      %dma_wait3A_643 = arith.constant 384 : i32
      %dma_wait3A_644 = arith.constant 0 : i32
      %dma_wait3A_645 = tpu.memref_slice %arg11[%dma_wait3A_643, %dma_wait3A_644] : memref<1024x16xf32, #tpu.memory_space<vmem>> -> memref<128x16xf32, #tpu.memory_space<vmem>>
      %dma_wait3A_646 = arith.constant 0 : i32
      %dma_wait3A_647 = tpu.memref_slice %arg7[%dma_wait3A_642, %dma_wait3A_646] : memref<8x128xi32, #tpu.memory_space<vmem>> -> memref<1x128xi32, #tpu.memory_space<vmem>>
      %dma_wait3A_648 = tpu.memref_squeeze %dma_wait3A_647 : memref<1x128xi32, #tpu.memory_space<vmem>> -> memref<128xi32, #tpu.memory_space<vmem>>
      %dma_wait3A_649 = arith.constant 0 : i32
      %dma_wait3A_650 = arith.constant 0 : i32
      %dma_wait3A_651 = tpu.memref_slice %arg2[%dma_wait3A_649, %dma_wait3A_650] : memref<100000x16xf32, #tpu.memory_space<hbm>> -> memref<100000x16xf32, #tpu.memory_space<hbm>>
      tpu.wait_indirect_dma semaphore(%arg15 : memref<!tpu.dma_semaphore, #tpu.memory_space<semaphore_mem>>) src(%dma_wait3A_651 : memref<100000x16xf32, #tpu.memory_space<hbm>>) dst(%dma_wait3A_645 : memref<128x16xf32, #tpu.memory_space<vmem>>)
      %dma_wait3A_652 = arith.constant 3 : i32
      %dma_wait3A_653 = arith.constant 384 : i32
      %dma_wait3A_654 = arith.constant 0 : i32
      %dma_wait3A_655 = tpu.memref_slice %arg12[%dma_wait3A_653, %dma_wait3A_654] : memref<1024x16xf32, #tpu.memory_space<vmem>> -> memref<128x16xf32, #tpu.memory_space<vmem>>
      %dma_wait3A_656 = arith.constant 0 : i32
      %dma_wait3A_657 = tpu.memref_slice %arg8[%dma_wait3A_652, %dma_wait3A_656] : memref<8x128xi32, #tpu.memory_space<vmem>> -> memref<1x128xi32, #tpu.memory_space<vmem>>
      %dma_wait3A_658 = tpu.memref_squeeze %dma_wait3A_657 : memref<1x128xi32, #tpu.memory_space<vmem>> -> memref<128xi32, #tpu.memory_space<vmem>>
      %dma_wait3A_659 = arith.constant 0 : i32
      %dma_wait3A_660 = arith.constant 0 : i32
      %dma_wait3A_661 = tpu.memref_slice %arg2[%dma_wait3A_659, %dma_wait3A_660] : memref<100000x16xf32, #tpu.memory_space<hbm>> -> memref<100000x16xf32, #tpu.memory_space<hbm>>
      tpu.wait_indirect_dma semaphore(%arg15 : memref<!tpu.dma_semaphore, #tpu.memory_space<semaphore_mem>>) src(%dma_wait3A_661 : memref<100000x16xf32, #tpu.memory_space<hbm>>) dst(%dma_wait3A_655 : memref<128x16xf32, #tpu.memory_space<vmem>>)
      %dma_wait3A_662 = arith.constant 4 : i32
      %dma_wait3A_663 = arith.constant 512 : i32
      %dma_wait3A_664 = arith.constant 0 : i32
      %dma_wait3A_665 = tpu.memref_slice %arg11[%dma_wait3A_663, %dma_wait3A_664] : memref<1024x16xf32, #tpu.memory_space<vmem>> -> memref<128x16xf32, #tpu.memory_space<vmem>>
      %dma_wait3A_666 = arith.constant 0 : i32
      %dma_wait3A_667 = tpu.memref_slice %arg7[%dma_wait3A_662, %dma_wait3A_666] : memref<8x128xi32, #tpu.memory_space<vmem>> -> memref<1x128xi32, #tpu.memory_space<vmem>>
      %dma_wait3A_668 = tpu.memref_squeeze %dma_wait3A_667 : memref<1x128xi32, #tpu.memory_space<vmem>> -> memref<128xi32, #tpu.memory_space<vmem>>
      %dma_wait3A_669 = arith.constant 0 : i32
      %dma_wait3A_670 = arith.constant 0 : i32
      %dma_wait3A_671 = tpu.memref_slice %arg2[%dma_wait3A_669, %dma_wait3A_670] : memref<100000x16xf32, #tpu.memory_space<hbm>> -> memref<100000x16xf32, #tpu.memory_space<hbm>>
      tpu.wait_indirect_dma semaphore(%arg15 : memref<!tpu.dma_semaphore, #tpu.memory_space<semaphore_mem>>) src(%dma_wait3A_671 : memref<100000x16xf32, #tpu.memory_space<hbm>>) dst(%dma_wait3A_665 : memref<128x16xf32, #tpu.memory_space<vmem>>)
      %dma_wait3A_672 = arith.constant 4 : i32
      %dma_wait3A_673 = arith.constant 512 : i32
      %dma_wait3A_674 = arith.constant 0 : i32
      %dma_wait3A_675 = tpu.memref_slice %arg12[%dma_wait3A_673, %dma_wait3A_674] : memref<1024x16xf32, #tpu.memory_space<vmem>> -> memref<128x16xf32, #tpu.memory_space<vmem>>
      %dma_wait3A_676 = arith.constant 0 : i32
      %dma_wait3A_677 = tpu.memref_slice %arg8[%dma_wait3A_672, %dma_wait3A_676] : memref<8x128xi32, #tpu.memory_space<vmem>> -> memref<1x128xi32, #tpu.memory_space<vmem>>
      %dma_wait3A_678 = tpu.memref_squeeze %dma_wait3A_677 : memref<1x128xi32, #tpu.memory_space<vmem>> -> memref<128xi32, #tpu.memory_space<vmem>>
      %dma_wait3A_679 = arith.constant 0 : i32
      %dma_wait3A_680 = arith.constant 0 : i32
      %dma_wait3A_681 = tpu.memref_slice %arg2[%dma_wait3A_679, %dma_wait3A_680] : memref<100000x16xf32, #tpu.memory_space<hbm>> -> memref<100000x16xf32, #tpu.memory_space<hbm>>
      tpu.wait_indirect_dma semaphore(%arg15 : memref<!tpu.dma_semaphore, #tpu.memory_space<semaphore_mem>>) src(%dma_wait3A_681 : memref<100000x16xf32, #tpu.memory_space<hbm>>) dst(%dma_wait3A_675 : memref<128x16xf32, #tpu.memory_space<vmem>>)
      %dma_wait3A_682 = arith.constant 5 : i32
      %dma_wait3A_683 = arith.constant 640 : i32
      %dma_wait3A_684 = arith.constant 0 : i32
      %dma_wait3A_685 = tpu.memref_slice %arg11[%dma_wait3A_683, %dma_wait3A_684] : memref<1024x16xf32, #tpu.memory_space<vmem>> -> memref<128x16xf32, #tpu.memory_space<vmem>>
      %dma_wait3A_686 = arith.constant 0 : i32
      %dma_wait3A_687 = tpu.memref_slice %arg7[%dma_wait3A_682, %dma_wait3A_686] : memref<8x128xi32, #tpu.memory_space<vmem>> -> memref<1x128xi32, #tpu.memory_space<vmem>>
      %dma_wait3A_688 = tpu.memref_squeeze %dma_wait3A_687 : memref<1x128xi32, #tpu.memory_space<vmem>> -> memref<128xi32, #tpu.memory_space<vmem>>
      %dma_wait3A_689 = arith.constant 0 : i32
      %dma_wait3A_690 = arith.constant 0 : i32
      %dma_wait3A_691 = tpu.memref_slice %arg2[%dma_wait3A_689, %dma_wait3A_690] : memref<100000x16xf32, #tpu.memory_space<hbm>> -> memref<100000x16xf32, #tpu.memory_space<hbm>>
      tpu.wait_indirect_dma semaphore(%arg15 : memref<!tpu.dma_semaphore, #tpu.memory_space<semaphore_mem>>) src(%dma_wait3A_691 : memref<100000x16xf32, #tpu.memory_space<hbm>>) dst(%dma_wait3A_685 : memref<128x16xf32, #tpu.memory_space<vmem>>)
      %dma_wait3A_692 = arith.constant 5 : i32
      %dma_wait3A_693 = arith.constant 640 : i32
      %dma_wait3A_694 = arith.constant 0 : i32
      %dma_wait3A_695 = tpu.memref_slice %arg12[%dma_wait3A_693, %dma_wait3A_694] : memref<1024x16xf32, #tpu.memory_space<vmem>> -> memref<128x16xf32, #tpu.memory_space<vmem>>
      %dma_wait3A_696 = arith.constant 0 : i32
      %dma_wait3A_697 = tpu.memref_slice %arg8[%dma_wait3A_692, %dma_wait3A_696] : memref<8x128xi32, #tpu.memory_space<vmem>> -> memref<1x128xi32, #tpu.memory_space<vmem>>
      %dma_wait3A_698 = tpu.memref_squeeze %dma_wait3A_697 : memref<1x128xi32, #tpu.memory_space<vmem>> -> memref<128xi32, #tpu.memory_space<vmem>>
      %dma_wait3A_699 = arith.constant 0 : i32
      %dma_wait3A_700 = arith.constant 0 : i32
      %dma_wait3A_701 = tpu.memref_slice %arg2[%dma_wait3A_699, %dma_wait3A_700] : memref<100000x16xf32, #tpu.memory_space<hbm>> -> memref<100000x16xf32, #tpu.memory_space<hbm>>
      tpu.wait_indirect_dma semaphore(%arg15 : memref<!tpu.dma_semaphore, #tpu.memory_space<semaphore_mem>>) src(%dma_wait3A_701 : memref<100000x16xf32, #tpu.memory_space<hbm>>) dst(%dma_wait3A_695 : memref<128x16xf32, #tpu.memory_space<vmem>>)
      %dma_wait3A_702 = arith.constant 6 : i32
      %dma_wait3A_703 = arith.constant 768 : i32
      %dma_wait3A_704 = arith.constant 0 : i32
      %dma_wait3A_705 = tpu.memref_slice %arg11[%dma_wait3A_703, %dma_wait3A_704] : memref<1024x16xf32, #tpu.memory_space<vmem>> -> memref<128x16xf32, #tpu.memory_space<vmem>>
      %dma_wait3A_706 = arith.constant 0 : i32
      %dma_wait3A_707 = tpu.memref_slice %arg7[%dma_wait3A_702, %dma_wait3A_706] : memref<8x128xi32, #tpu.memory_space<vmem>> -> memref<1x128xi32, #tpu.memory_space<vmem>>
      %dma_wait3A_708 = tpu.memref_squeeze %dma_wait3A_707 : memref<1x128xi32, #tpu.memory_space<vmem>> -> memref<128xi32, #tpu.memory_space<vmem>>
      %dma_wait3A_709 = arith.constant 0 : i32
      %dma_wait3A_710 = arith.constant 0 : i32
      %dma_wait3A_711 = tpu.memref_slice %arg2[%dma_wait3A_709, %dma_wait3A_710] : memref<100000x16xf32, #tpu.memory_space<hbm>> -> memref<100000x16xf32, #tpu.memory_space<hbm>>
      tpu.wait_indirect_dma semaphore(%arg15 : memref<!tpu.dma_semaphore, #tpu.memory_space<semaphore_mem>>) src(%dma_wait3A_711 : memref<100000x16xf32, #tpu.memory_space<hbm>>) dst(%dma_wait3A_705 : memref<128x16xf32, #tpu.memory_space<vmem>>)
      %dma_wait3A_712 = arith.constant 6 : i32
      %dma_wait3A_713 = arith.constant 768 : i32
      %dma_wait3A_714 = arith.constant 0 : i32
      %dma_wait3A_715 = tpu.memref_slice %arg12[%dma_wait3A_713, %dma_wait3A_714] : memref<1024x16xf32, #tpu.memory_space<vmem>> -> memref<128x16xf32, #tpu.memory_space<vmem>>
      %dma_wait3A_716 = arith.constant 0 : i32
      %dma_wait3A_717 = tpu.memref_slice %arg8[%dma_wait3A_712, %dma_wait3A_716] : memref<8x128xi32, #tpu.memory_space<vmem>> -> memref<1x128xi32, #tpu.memory_space<vmem>>
      %dma_wait3A_718 = tpu.memref_squeeze %dma_wait3A_717 : memref<1x128xi32, #tpu.memory_space<vmem>> -> memref<128xi32, #tpu.memory_space<vmem>>
      %dma_wait3A_719 = arith.constant 0 : i32
      %dma_wait3A_720 = arith.constant 0 : i32
      %dma_wait3A_721 = tpu.memref_slice %arg2[%dma_wait3A_719, %dma_wait3A_720] : memref<100000x16xf32, #tpu.memory_space<hbm>> -> memref<100000x16xf32, #tpu.memory_space<hbm>>
      tpu.wait_indirect_dma semaphore(%arg15 : memref<!tpu.dma_semaphore, #tpu.memory_space<semaphore_mem>>) src(%dma_wait3A_721 : memref<100000x16xf32, #tpu.memory_space<hbm>>) dst(%dma_wait3A_715 : memref<128x16xf32, #tpu.memory_space<vmem>>)
      %dma_wait3A_722 = arith.constant 7 : i32
      %dma_wait3A_723 = arith.constant 896 : i32
      %dma_wait3A_724 = arith.constant 0 : i32
      %dma_wait3A_725 = tpu.memref_slice %arg11[%dma_wait3A_723, %dma_wait3A_724] : memref<1024x16xf32, #tpu.memory_space<vmem>> -> memref<128x16xf32, #tpu.memory_space<vmem>>
      %dma_wait3A_726 = arith.constant 0 : i32
      %dma_wait3A_727 = tpu.memref_slice %arg7[%dma_wait3A_722, %dma_wait3A_726] : memref<8x128xi32, #tpu.memory_space<vmem>> -> memref<1x128xi32, #tpu.memory_space<vmem>>
      %dma_wait3A_728 = tpu.memref_squeeze %dma_wait3A_727 : memref<1x128xi32, #tpu.memory_space<vmem>> -> memref<128xi32, #tpu.memory_space<vmem>>
      %dma_wait3A_729 = arith.constant 0 : i32
      %dma_wait3A_730 = arith.constant 0 : i32
      %dma_wait3A_731 = tpu.memref_slice %arg2[%dma_wait3A_729, %dma_wait3A_730] : memref<100000x16xf32, #tpu.memory_space<hbm>> -> memref<100000x16xf32, #tpu.memory_space<hbm>>
      tpu.wait_indirect_dma semaphore(%arg15 : memref<!tpu.dma_semaphore, #tpu.memory_space<semaphore_mem>>) src(%dma_wait3A_731 : memref<100000x16xf32, #tpu.memory_space<hbm>>) dst(%dma_wait3A_725 : memref<128x16xf32, #tpu.memory_space<vmem>>)
      %dma_wait3A_732 = arith.constant 7 : i32
      %dma_wait3A_733 = arith.constant 896 : i32
      %dma_wait3A_734 = arith.constant 0 : i32
      %dma_wait3A_735 = tpu.memref_slice %arg12[%dma_wait3A_733, %dma_wait3A_734] : memref<1024x16xf32, #tpu.memory_space<vmem>> -> memref<128x16xf32, #tpu.memory_space<vmem>>
      %dma_wait3A_736 = arith.constant 0 : i32
      %dma_wait3A_737 = tpu.memref_slice %arg8[%dma_wait3A_732, %dma_wait3A_736] : memref<8x128xi32, #tpu.memory_space<vmem>> -> memref<1x128xi32, #tpu.memory_space<vmem>>
      %dma_wait3A_738 = tpu.memref_squeeze %dma_wait3A_737 : memref<1x128xi32, #tpu.memory_space<vmem>> -> memref<128xi32, #tpu.memory_space<vmem>>
      %dma_wait3A_739 = arith.constant 0 : i32
      %dma_wait3A_740 = arith.constant 0 : i32
      %dma_wait3A_741 = tpu.memref_slice %arg2[%dma_wait3A_739, %dma_wait3A_740] : memref<100000x16xf32, #tpu.memory_space<hbm>> -> memref<100000x16xf32, #tpu.memory_space<hbm>>
      tpu.wait_indirect_dma semaphore(%arg15 : memref<!tpu.dma_semaphore, #tpu.memory_space<semaphore_mem>>) src(%dma_wait3A_741 : memref<100000x16xf32, #tpu.memory_space<hbm>>) dst(%dma_wait3A_735 : memref<128x16xf32, #tpu.memory_space<vmem>>)
      %mul3A_742 = arith.constant 8 : i32
      %mul3A_743 = arith.muli %mul3A_399, %mul3A_742 : i32
      %add3A_744 = arith.addi %mul3A_2, %mul3A_743 : i32
      %mul3A_745 = arith.constant 128 : i32
      %mul3A_746 = arith.muli %add3A_744, %mul3A_745 : i32
      %multiple_of3A_747 = tpu.assume_multiple %mul3A_746, 1024 : i32
      %dma_start3A_748 = arith.constant 0 : i32
      %dma_start3A_749 = tpu.memref_slice %arg5[%multiple_of3A_747, %dma_start3A_748] : memref<819200x16xf32, #tpu.memory_space<hbm>> -> memref<1024x16xf32, #tpu.memory_space<hbm>>
      %dma_start3A_750 = arith.constant 0 : i32
      %dma_start3A_751 = tpu.memref_slice %arg5[%multiple_of3A_747, %dma_start3A_750] : memref<819200x16xf32, #tpu.memory_space<hbm>> -> memref<1024x16xf32, #tpu.memory_space<hbm>>
      tpu.enqueue_dma source(%arg11 : memref<1024x16xf32, #tpu.memory_space<vmem>>) target(%dma_start3A_751 : memref<1024x16xf32, #tpu.memory_space<hbm>>) target_semaphore(%arg19 : memref<!tpu.dma_semaphore, #tpu.memory_space<semaphore_mem>>)
      %dma_start3A_752 = arith.constant 0 : i32
      %dma_start3A_753 = tpu.memref_slice %arg6[%multiple_of3A_747, %dma_start3A_752] : memref<819200x16xf32, #tpu.memory_space<hbm>> -> memref<1024x16xf32, #tpu.memory_space<hbm>>
      %dma_start3A_754 = arith.constant 0 : i32
      %dma_start3A_755 = tpu.memref_slice %arg6[%multiple_of3A_747, %dma_start3A_754] : memref<819200x16xf32, #tpu.memory_space<hbm>> -> memref<1024x16xf32, #tpu.memory_space<hbm>>
      tpu.enqueue_dma source(%arg12 : memref<1024x16xf32, #tpu.memory_space<vmem>>) target(%dma_start3A_755 : memref<1024x16xf32, #tpu.memory_space<hbm>>) target_semaphore(%arg19 : memref<!tpu.dma_semaphore, #tpu.memory_space<semaphore_mem>>)
      %add3A_756 = arith.constant 1 : i32
      %add3A_757 = arith.addi %add3A_403, %add3A_756 : i32
      %lt3A = arith.constant 25 : i32
      %lt3A_758 = arith.cmpi slt, %add3A_757, %lt3A : i32
      %convert_element_type3A_759 = arith.extui %lt3A_758 : i1 to i32
      %cond3A_760 = arith.constant 0 : i32
      %cond3A_761 = arith.cmpi ne, %convert_element_type3A_759, %cond3A_760 : i32
      scf.if %cond3A_761 {
        %add3A_943 = arith.constant 1 : i32
        %add3A_944 = arith.addi %add3A_403, %add3A_943 : i32
        %mul3A_945 = arith.constant 8 : i32
        %mul3A_946 = arith.muli %add3A_944, %mul3A_945 : i32
        %add3A_947 = arith.addi %mul3A_2, %mul3A_946 : i32
        %multiple_of3A_948 = tpu.assume_multiple %add3A_947, 8 : i32
        %dma_start3A_949 = arith.constant 0 : i32
        %dma_start3A_950 = tpu.memref_slice %arg3[%multiple_of3A_948, %dma_start3A_949] : memref<6400x128xi32, #tpu.memory_space<hbm>> -> memref<8x128xi32, #tpu.memory_space<hbm>>
        %dma_start3A_951 = arith.constant 0 : i32
        %dma_start3A_952 = tpu.memref_slice %arg3[%multiple_of3A_948, %dma_start3A_951] : memref<6400x128xi32, #tpu.memory_space<hbm>> -> memref<8x128xi32, #tpu.memory_space<hbm>>
        tpu.enqueue_dma source(%dma_start3A_952 : memref<8x128xi32, #tpu.memory_space<hbm>>) target(%arg7 : memref<8x128xi32, #tpu.memory_space<vmem>>) target_semaphore(%arg17 : memref<!tpu.dma_semaphore, #tpu.memory_space<semaphore_mem>>)
        %dma_start3A_953 = arith.constant 0 : i32
        %dma_start3A_954 = tpu.memref_slice %arg4[%multiple_of3A_948, %dma_start3A_953] : memref<6400x128xi32, #tpu.memory_space<hbm>> -> memref<8x128xi32, #tpu.memory_space<hbm>>
        %dma_start3A_955 = arith.constant 0 : i32
        %dma_start3A_956 = tpu.memref_slice %arg4[%multiple_of3A_948, %dma_start3A_955] : memref<6400x128xi32, #tpu.memory_space<hbm>> -> memref<8x128xi32, #tpu.memory_space<hbm>>
        tpu.enqueue_dma source(%dma_start3A_956 : memref<8x128xi32, #tpu.memory_space<hbm>>) target(%arg8 : memref<8x128xi32, #tpu.memory_space<vmem>>) target_semaphore(%arg17 : memref<!tpu.dma_semaphore, #tpu.memory_space<semaphore_mem>>)
        %add3A_957 = arith.constant 1 : i32
        %add3A_958 = arith.addi %add3A_403, %add3A_957 : i32
        %mul3A_959 = arith.constant 8 : i32
        %mul3A_960 = arith.muli %add3A_958, %mul3A_959 : i32
        %add3A_961 = arith.addi %mul3A_2, %mul3A_960 : i32
        %multiple_of3A_962 = tpu.assume_multiple %add3A_961, 8 : i32
        %dma_wait3A_963 = arith.constant 0 : i32
        %dma_wait3A_964 = tpu.memref_slice %arg3[%multiple_of3A_962, %dma_wait3A_963] : memref<6400x128xi32, #tpu.memory_space<hbm>> -> memref<8x128xi32, #tpu.memory_space<hbm>>
        %dma_wait3A_965 = arith.constant 0 : i32
        %dma_wait3A_966 = tpu.memref_slice %arg3[%multiple_of3A_962, %dma_wait3A_965] : memref<6400x128xi32, #tpu.memory_space<hbm>> -> memref<8x128xi32, #tpu.memory_space<hbm>>
        tpu.wait_dma2 semaphore(%arg17 : memref<!tpu.dma_semaphore, #tpu.memory_space<semaphore_mem>>) src(%dma_wait3A_966 : memref<8x128xi32, #tpu.memory_space<hbm>>) dst(%arg7 : memref<8x128xi32, #tpu.memory_space<vmem>>)
        %dma_wait3A_967 = arith.constant 0 : i32
        %dma_wait3A_968 = tpu.memref_slice %arg4[%multiple_of3A_962, %dma_wait3A_967] : memref<6400x128xi32, #tpu.memory_space<hbm>> -> memref<8x128xi32, #tpu.memory_space<hbm>>
        %dma_wait3A_969 = arith.constant 0 : i32
        %dma_wait3A_970 = tpu.memref_slice %arg4[%multiple_of3A_962, %dma_wait3A_969] : memref<6400x128xi32, #tpu.memory_space<hbm>> -> memref<8x128xi32, #tpu.memory_space<hbm>>
        tpu.wait_dma2 semaphore(%arg17 : memref<!tpu.dma_semaphore, #tpu.memory_space<semaphore_mem>>) src(%dma_wait3A_970 : memref<8x128xi32, #tpu.memory_space<hbm>>) dst(%arg8 : memref<8x128xi32, #tpu.memory_space<vmem>>)
        %mul3A_971 = arith.constant 8 : i32
        %mul3A_972 = arith.muli %mul3A_399, %mul3A_971 : i32
        %add3A_973 = arith.addi %mul3A_2, %mul3A_972 : i32
        %mul3A_974 = arith.constant 128 : i32
        %mul3A_975 = arith.muli %add3A_973, %mul3A_974 : i32
        %multiple_of3A_976 = tpu.assume_multiple %mul3A_975, 1024 : i32
        %dma_wait3A_977 = arith.constant 0 : i32
        %dma_wait3A_978 = tpu.memref_slice %arg5[%multiple_of3A_976, %dma_wait3A_977] : memref<819200x16xf32, #tpu.memory_space<hbm>> -> memref<1024x16xf32, #tpu.memory_space<hbm>>
        %dma_wait3A_979 = arith.constant 0 : i32
        %dma_wait3A_980 = tpu.memref_slice %arg5[%multiple_of3A_976, %dma_wait3A_979] : memref<819200x16xf32, #tpu.memory_space<hbm>> -> memref<1024x16xf32, #tpu.memory_space<hbm>>
        tpu.wait_dma2 semaphore(%arg19 : memref<!tpu.dma_semaphore, #tpu.memory_space<semaphore_mem>>) src(%arg11 : memref<1024x16xf32, #tpu.memory_space<vmem>>) dst(%dma_wait3A_980 : memref<1024x16xf32, #tpu.memory_space<hbm>>)
        %dma_wait3A_981 = arith.constant 0 : i32
        %dma_wait3A_982 = tpu.memref_slice %arg6[%multiple_of3A_976, %dma_wait3A_981] : memref<819200x16xf32, #tpu.memory_space<hbm>> -> memref<1024x16xf32, #tpu.memory_space<hbm>>
        %dma_wait3A_983 = arith.constant 0 : i32
        %dma_wait3A_984 = tpu.memref_slice %arg6[%multiple_of3A_976, %dma_wait3A_983] : memref<819200x16xf32, #tpu.memory_space<hbm>> -> memref<1024x16xf32, #tpu.memory_space<hbm>>
        tpu.wait_dma2 semaphore(%arg19 : memref<!tpu.dma_semaphore, #tpu.memory_space<semaphore_mem>>) src(%arg12 : memref<1024x16xf32, #tpu.memory_space<vmem>>) dst(%dma_wait3A_984 : memref<1024x16xf32, #tpu.memory_space<hbm>>)
        %dma_start3A_985 = arith.constant 0 : i32
        %dma_start3A_986 = arith.constant 0 : i32
        %dma_start3A_987 = arith.constant 0 : i32
        %dma_start3A_988 = tpu.memref_slice %arg11[%dma_start3A_986, %dma_start3A_987] : memref<1024x16xf32, #tpu.memory_space<vmem>> -> memref<128x16xf32, #tpu.memory_space<vmem>>
        %dma_start3A_989 = arith.constant 0 : i32
        %dma_start3A_990 = tpu.memref_slice %arg7[%dma_start3A_985, %dma_start3A_989] : memref<8x128xi32, #tpu.memory_space<vmem>> -> memref<1x128xi32, #tpu.memory_space<vmem>>
        %dma_start3A_991 = tpu.memref_squeeze %dma_start3A_990 : memref<1x128xi32, #tpu.memory_space<vmem>> -> memref<128xi32, #tpu.memory_space<vmem>>
        %dma_start3A_992 = arith.constant 0 : i32
        %dma_start3A_993 = arith.constant 0 : i32
        %dma_start3A_994 = tpu.memref_slice %arg2[%dma_start3A_992, %dma_start3A_993] : memref<100000x16xf32, #tpu.memory_space<hbm>> -> memref<100000x16xf32, #tpu.memory_space<hbm>>
        tpu.enqueue_indirect_dma source(%dma_start3A_994 : memref<100000x16xf32, #tpu.memory_space<hbm>>) target(%dma_start3A_988 : memref<128x16xf32, #tpu.memory_space<vmem>>) offsets(%dma_start3A_991 : memref<128xi32, #tpu.memory_space<vmem>>) semaphore(%arg15 : memref<!tpu.dma_semaphore, #tpu.memory_space<semaphore_mem>>)
        %dma_start3A_995 = arith.constant 0 : i32
        %dma_start3A_996 = arith.constant 0 : i32
        %dma_start3A_997 = arith.constant 0 : i32
        %dma_start3A_998 = tpu.memref_slice %arg12[%dma_start3A_996, %dma_start3A_997] : memref<1024x16xf32, #tpu.memory_space<vmem>> -> memref<128x16xf32, #tpu.memory_space<vmem>>
        %dma_start3A_999 = arith.constant 0 : i32
        %dma_start3A_1000 = tpu.memref_slice %arg8[%dma_start3A_995, %dma_start3A_999] : memref<8x128xi32, #tpu.memory_space<vmem>> -> memref<1x128xi32, #tpu.memory_space<vmem>>
        %dma_start3A_1001 = tpu.memref_squeeze %dma_start3A_1000 : memref<1x128xi32, #tpu.memory_space<vmem>> -> memref<128xi32, #tpu.memory_space<vmem>>
        %dma_start3A_1002 = arith.constant 0 : i32
        %dma_start3A_1003 = arith.constant 0 : i32
        %dma_start3A_1004 = tpu.memref_slice %arg2[%dma_start3A_1002, %dma_start3A_1003] : memref<100000x16xf32, #tpu.memory_space<hbm>> -> memref<100000x16xf32, #tpu.memory_space<hbm>>
        tpu.enqueue_indirect_dma source(%dma_start3A_1004 : memref<100000x16xf32, #tpu.memory_space<hbm>>) target(%dma_start3A_998 : memref<128x16xf32, #tpu.memory_space<vmem>>) offsets(%dma_start3A_1001 : memref<128xi32, #tpu.memory_space<vmem>>) semaphore(%arg15 : memref<!tpu.dma_semaphore, #tpu.memory_space<semaphore_mem>>)
        %dma_start3A_1005 = arith.constant 1 : i32
        %dma_start3A_1006 = arith.constant 128 : i32
        %dma_start3A_1007 = arith.constant 0 : i32
        %dma_start3A_1008 = tpu.memref_slice %arg11[%dma_start3A_1006, %dma_start3A_1007] : memref<1024x16xf32, #tpu.memory_space<vmem>> -> memref<128x16xf32, #tpu.memory_space<vmem>>
        %dma_start3A_1009 = arith.constant 0 : i32
        %dma_start3A_1010 = tpu.memref_slice %arg7[%dma_start3A_1005, %dma_start3A_1009] : memref<8x128xi32, #tpu.memory_space<vmem>> -> memref<1x128xi32, #tpu.memory_space<vmem>>
        %dma_start3A_1011 = tpu.memref_squeeze %dma_start3A_1010 : memref<1x128xi32, #tpu.memory_space<vmem>> -> memref<128xi32, #tpu.memory_space<vmem>>
        %dma_start3A_1012 = arith.constant 0 : i32
        %dma_start3A_1013 = arith.constant 0 : i32
        %dma_start3A_1014 = tpu.memref_slice %arg2[%dma_start3A_1012, %dma_start3A_1013] : memref<100000x16xf32, #tpu.memory_space<hbm>> -> memref<100000x16xf32, #tpu.memory_space<hbm>>
        tpu.enqueue_indirect_dma source(%dma_start3A_1014 : memref<100000x16xf32, #tpu.memory_space<hbm>>) target(%dma_start3A_1008 : memref<128x16xf32, #tpu.memory_space<vmem>>) offsets(%dma_start3A_1011 : memref<128xi32, #tpu.memory_space<vmem>>) semaphore(%arg15 : memref<!tpu.dma_semaphore, #tpu.memory_space<semaphore_mem>>)
        %dma_start3A_1015 = arith.constant 1 : i32
        %dma_start3A_1016 = arith.constant 128 : i32
        %dma_start3A_1017 = arith.constant 0 : i32
        %dma_start3A_1018 = tpu.memref_slice %arg12[%dma_start3A_1016, %dma_start3A_1017] : memref<1024x16xf32, #tpu.memory_space<vmem>> -> memref<128x16xf32, #tpu.memory_space<vmem>>
        %dma_start3A_1019 = arith.constant 0 : i32
        %dma_start3A_1020 = tpu.memref_slice %arg8[%dma_start3A_1015, %dma_start3A_1019] : memref<8x128xi32, #tpu.memory_space<vmem>> -> memref<1x128xi32, #tpu.memory_space<vmem>>
        %dma_start3A_1021 = tpu.memref_squeeze %dma_start3A_1020 : memref<1x128xi32, #tpu.memory_space<vmem>> -> memref<128xi32, #tpu.memory_space<vmem>>
        %dma_start3A_1022 = arith.constant 0 : i32
        %dma_start3A_1023 = arith.constant 0 : i32
        %dma_start3A_1024 = tpu.memref_slice %arg2[%dma_start3A_1022, %dma_start3A_1023] : memref<100000x16xf32, #tpu.memory_space<hbm>> -> memref<100000x16xf32, #tpu.memory_space<hbm>>
        tpu.enqueue_indirect_dma source(%dma_start3A_1024 : memref<100000x16xf32, #tpu.memory_space<hbm>>) target(%dma_start3A_1018 : memref<128x16xf32, #tpu.memory_space<vmem>>) offsets(%dma_start3A_1021 : memref<128xi32, #tpu.memory_space<vmem>>) semaphore(%arg15 : memref<!tpu.dma_semaphore, #tpu.memory_space<semaphore_mem>>)
        %dma_start3A_1025 = arith.constant 2 : i32
        %dma_start3A_1026 = arith.constant 256 : i32
        %dma_start3A_1027 = arith.constant 0 : i32
        %dma_start3A_1028 = tpu.memref_slice %arg11[%dma_start3A_1026, %dma_start3A_1027] : memref<1024x16xf32, #tpu.memory_space<vmem>> -> memref<128x16xf32, #tpu.memory_space<vmem>>
        %dma_start3A_1029 = arith.constant 0 : i32
        %dma_start3A_1030 = tpu.memref_slice %arg7[%dma_start3A_1025, %dma_start3A_1029] : memref<8x128xi32, #tpu.memory_space<vmem>> -> memref<1x128xi32, #tpu.memory_space<vmem>>
        %dma_start3A_1031 = tpu.memref_squeeze %dma_start3A_1030 : memref<1x128xi32, #tpu.memory_space<vmem>> -> memref<128xi32, #tpu.memory_space<vmem>>
        %dma_start3A_1032 = arith.constant 0 : i32
        %dma_start3A_1033 = arith.constant 0 : i32
        %dma_start3A_1034 = tpu.memref_slice %arg2[%dma_start3A_1032, %dma_start3A_1033] : memref<100000x16xf32, #tpu.memory_space<hbm>> -> memref<100000x16xf32, #tpu.memory_space<hbm>>
        tpu.enqueue_indirect_dma source(%dma_start3A_1034 : memref<100000x16xf32, #tpu.memory_space<hbm>>) target(%dma_start3A_1028 : memref<128x16xf32, #tpu.memory_space<vmem>>) offsets(%dma_start3A_1031 : memref<128xi32, #tpu.memory_space<vmem>>) semaphore(%arg15 : memref<!tpu.dma_semaphore, #tpu.memory_space<semaphore_mem>>)
        %dma_start3A_1035 = arith.constant 2 : i32
        %dma_start3A_1036 = arith.constant 256 : i32
        %dma_start3A_1037 = arith.constant 0 : i32
        %dma_start3A_1038 = tpu.memref_slice %arg12[%dma_start3A_1036, %dma_start3A_1037] : memref<1024x16xf32, #tpu.memory_space<vmem>> -> memref<128x16xf32, #tpu.memory_space<vmem>>
        %dma_start3A_1039 = arith.constant 0 : i32
        %dma_start3A_1040 = tpu.memref_slice %arg8[%dma_start3A_1035, %dma_start3A_1039] : memref<8x128xi32, #tpu.memory_space<vmem>> -> memref<1x128xi32, #tpu.memory_space<vmem>>
        %dma_start3A_1041 = tpu.memref_squeeze %dma_start3A_1040 : memref<1x128xi32, #tpu.memory_space<vmem>> -> memref<128xi32, #tpu.memory_space<vmem>>
        %dma_start3A_1042 = arith.constant 0 : i32
        %dma_start3A_1043 = arith.constant 0 : i32
        %dma_start3A_1044 = tpu.memref_slice %arg2[%dma_start3A_1042, %dma_start3A_1043] : memref<100000x16xf32, #tpu.memory_space<hbm>> -> memref<100000x16xf32, #tpu.memory_space<hbm>>
        tpu.enqueue_indirect_dma source(%dma_start3A_1044 : memref<100000x16xf32, #tpu.memory_space<hbm>>) target(%dma_start3A_1038 : memref<128x16xf32, #tpu.memory_space<vmem>>) offsets(%dma_start3A_1041 : memref<128xi32, #tpu.memory_space<vmem>>) semaphore(%arg15 : memref<!tpu.dma_semaphore, #tpu.memory_space<semaphore_mem>>)
        %dma_start3A_1045 = arith.constant 3 : i32
        %dma_start3A_1046 = arith.constant 384 : i32
        %dma_start3A_1047 = arith.constant 0 : i32
        %dma_start3A_1048 = tpu.memref_slice %arg11[%dma_start3A_1046, %dma_start3A_1047] : memref<1024x16xf32, #tpu.memory_space<vmem>> -> memref<128x16xf32, #tpu.memory_space<vmem>>
        %dma_start3A_1049 = arith.constant 0 : i32
        %dma_start3A_1050 = tpu.memref_slice %arg7[%dma_start3A_1045, %dma_start3A_1049] : memref<8x128xi32, #tpu.memory_space<vmem>> -> memref<1x128xi32, #tpu.memory_space<vmem>>
        %dma_start3A_1051 = tpu.memref_squeeze %dma_start3A_1050 : memref<1x128xi32, #tpu.memory_space<vmem>> -> memref<128xi32, #tpu.memory_space<vmem>>
        %dma_start3A_1052 = arith.constant 0 : i32
        %dma_start3A_1053 = arith.constant 0 : i32
        %dma_start3A_1054 = tpu.memref_slice %arg2[%dma_start3A_1052, %dma_start3A_1053] : memref<100000x16xf32, #tpu.memory_space<hbm>> -> memref<100000x16xf32, #tpu.memory_space<hbm>>
        tpu.enqueue_indirect_dma source(%dma_start3A_1054 : memref<100000x16xf32, #tpu.memory_space<hbm>>) target(%dma_start3A_1048 : memref<128x16xf32, #tpu.memory_space<vmem>>) offsets(%dma_start3A_1051 : memref<128xi32, #tpu.memory_space<vmem>>) semaphore(%arg15 : memref<!tpu.dma_semaphore, #tpu.memory_space<semaphore_mem>>)
        %dma_start3A_1055 = arith.constant 3 : i32
        %dma_start3A_1056 = arith.constant 384 : i32
        %dma_start3A_1057 = arith.constant 0 : i32
        %dma_start3A_1058 = tpu.memref_slice %arg12[%dma_start3A_1056, %dma_start3A_1057] : memref<1024x16xf32, #tpu.memory_space<vmem>> -> memref<128x16xf32, #tpu.memory_space<vmem>>
        %dma_start3A_1059 = arith.constant 0 : i32
        %dma_start3A_1060 = tpu.memref_slice %arg8[%dma_start3A_1055, %dma_start3A_1059] : memref<8x128xi32, #tpu.memory_space<vmem>> -> memref<1x128xi32, #tpu.memory_space<vmem>>
        %dma_start3A_1061 = tpu.memref_squeeze %dma_start3A_1060 : memref<1x128xi32, #tpu.memory_space<vmem>> -> memref<128xi32, #tpu.memory_space<vmem>>
        %dma_start3A_1062 = arith.constant 0 : i32
        %dma_start3A_1063 = arith.constant 0 : i32
        %dma_start3A_1064 = tpu.memref_slice %arg2[%dma_start3A_1062, %dma_start3A_1063] : memref<100000x16xf32, #tpu.memory_space<hbm>> -> memref<100000x16xf32, #tpu.memory_space<hbm>>
        tpu.enqueue_indirect_dma source(%dma_start3A_1064 : memref<100000x16xf32, #tpu.memory_space<hbm>>) target(%dma_start3A_1058 : memref<128x16xf32, #tpu.memory_space<vmem>>) offsets(%dma_start3A_1061 : memref<128xi32, #tpu.memory_space<vmem>>) semaphore(%arg15 : memref<!tpu.dma_semaphore, #tpu.memory_space<semaphore_mem>>)
        %dma_start3A_1065 = arith.constant 4 : i32
        %dma_start3A_1066 = arith.constant 512 : i32
        %dma_start3A_1067 = arith.constant 0 : i32
        %dma_start3A_1068 = tpu.memref_slice %arg11[%dma_start3A_1066, %dma_start3A_1067] : memref<1024x16xf32, #tpu.memory_space<vmem>> -> memref<128x16xf32, #tpu.memory_space<vmem>>
        %dma_start3A_1069 = arith.constant 0 : i32
        %dma_start3A_1070 = tpu.memref_slice %arg7[%dma_start3A_1065, %dma_start3A_1069] : memref<8x128xi32, #tpu.memory_space<vmem>> -> memref<1x128xi32, #tpu.memory_space<vmem>>
        %dma_start3A_1071 = tpu.memref_squeeze %dma_start3A_1070 : memref<1x128xi32, #tpu.memory_space<vmem>> -> memref<128xi32, #tpu.memory_space<vmem>>
        %dma_start3A_1072 = arith.constant 0 : i32
        %dma_start3A_1073 = arith.constant 0 : i32
        %dma_start3A_1074 = tpu.memref_slice %arg2[%dma_start3A_1072, %dma_start3A_1073] : memref<100000x16xf32, #tpu.memory_space<hbm>> -> memref<100000x16xf32, #tpu.memory_space<hbm>>
        tpu.enqueue_indirect_dma source(%dma_start3A_1074 : memref<100000x16xf32, #tpu.memory_space<hbm>>) target(%dma_start3A_1068 : memref<128x16xf32, #tpu.memory_space<vmem>>) offsets(%dma_start3A_1071 : memref<128xi32, #tpu.memory_space<vmem>>) semaphore(%arg15 : memref<!tpu.dma_semaphore, #tpu.memory_space<semaphore_mem>>)
        %dma_start3A_1075 = arith.constant 4 : i32
        %dma_start3A_1076 = arith.constant 512 : i32
        %dma_start3A_1077 = arith.constant 0 : i32
        %dma_start3A_1078 = tpu.memref_slice %arg12[%dma_start3A_1076, %dma_start3A_1077] : memref<1024x16xf32, #tpu.memory_space<vmem>> -> memref<128x16xf32, #tpu.memory_space<vmem>>
        %dma_start3A_1079 = arith.constant 0 : i32
        %dma_start3A_1080 = tpu.memref_slice %arg8[%dma_start3A_1075, %dma_start3A_1079] : memref<8x128xi32, #tpu.memory_space<vmem>> -> memref<1x128xi32, #tpu.memory_space<vmem>>
        %dma_start3A_1081 = tpu.memref_squeeze %dma_start3A_1080 : memref<1x128xi32, #tpu.memory_space<vmem>> -> memref<128xi32, #tpu.memory_space<vmem>>
        %dma_start3A_1082 = arith.constant 0 : i32
        %dma_start3A_1083 = arith.constant 0 : i32
        %dma_start3A_1084 = tpu.memref_slice %arg2[%dma_start3A_1082, %dma_start3A_1083] : memref<100000x16xf32, #tpu.memory_space<hbm>> -> memref<100000x16xf32, #tpu.memory_space<hbm>>
        tpu.enqueue_indirect_dma source(%dma_start3A_1084 : memref<100000x16xf32, #tpu.memory_space<hbm>>) target(%dma_start3A_1078 : memref<128x16xf32, #tpu.memory_space<vmem>>) offsets(%dma_start3A_1081 : memref<128xi32, #tpu.memory_space<vmem>>) semaphore(%arg15 : memref<!tpu.dma_semaphore, #tpu.memory_space<semaphore_mem>>)
        %dma_start3A_1085 = arith.constant 5 : i32
        %dma_start3A_1086 = arith.constant 640 : i32
        %dma_start3A_1087 = arith.constant 0 : i32
        %dma_start3A_1088 = tpu.memref_slice %arg11[%dma_start3A_1086, %dma_start3A_1087] : memref<1024x16xf32, #tpu.memory_space<vmem>> -> memref<128x16xf32, #tpu.memory_space<vmem>>
        %dma_start3A_1089 = arith.constant 0 : i32
        %dma_start3A_1090 = tpu.memref_slice %arg7[%dma_start3A_1085, %dma_start3A_1089] : memref<8x128xi32, #tpu.memory_space<vmem>> -> memref<1x128xi32, #tpu.memory_space<vmem>>
        %dma_start3A_1091 = tpu.memref_squeeze %dma_start3A_1090 : memref<1x128xi32, #tpu.memory_space<vmem>> -> memref<128xi32, #tpu.memory_space<vmem>>
        %dma_start3A_1092 = arith.constant 0 : i32
        %dma_start3A_1093 = arith.constant 0 : i32
        %dma_start3A_1094 = tpu.memref_slice %arg2[%dma_start3A_1092, %dma_start3A_1093] : memref<100000x16xf32, #tpu.memory_space<hbm>> -> memref<100000x16xf32, #tpu.memory_space<hbm>>
        tpu.enqueue_indirect_dma source(%dma_start3A_1094 : memref<100000x16xf32, #tpu.memory_space<hbm>>) target(%dma_start3A_1088 : memref<128x16xf32, #tpu.memory_space<vmem>>) offsets(%dma_start3A_1091 : memref<128xi32, #tpu.memory_space<vmem>>) semaphore(%arg15 : memref<!tpu.dma_semaphore, #tpu.memory_space<semaphore_mem>>)
        %dma_start3A_1095 = arith.constant 5 : i32
        %dma_start3A_1096 = arith.constant 640 : i32
        %dma_start3A_1097 = arith.constant 0 : i32
        %dma_start3A_1098 = tpu.memref_slice %arg12[%dma_start3A_1096, %dma_start3A_1097] : memref<1024x16xf32, #tpu.memory_space<vmem>> -> memref<128x16xf32, #tpu.memory_space<vmem>>
        %dma_start3A_1099 = arith.constant 0 : i32
        %dma_start3A_1100 = tpu.memref_slice %arg8[%dma_start3A_1095, %dma_start3A_1099] : memref<8x128xi32, #tpu.memory_space<vmem>> -> memref<1x128xi32, #tpu.memory_space<vmem>>
        %dma_start3A_1101 = tpu.memref_squeeze %dma_start3A_1100 : memref<1x128xi32, #tpu.memory_space<vmem>> -> memref<128xi32, #tpu.memory_space<vmem>>
        %dma_start3A_1102 = arith.constant 0 : i32
        %dma_start3A_1103 = arith.constant 0 : i32
        %dma_start3A_1104 = tpu.memref_slice %arg2[%dma_start3A_1102, %dma_start3A_1103] : memref<100000x16xf32, #tpu.memory_space<hbm>> -> memref<100000x16xf32, #tpu.memory_space<hbm>>
        tpu.enqueue_indirect_dma source(%dma_start3A_1104 : memref<100000x16xf32, #tpu.memory_space<hbm>>) target(%dma_start3A_1098 : memref<128x16xf32, #tpu.memory_space<vmem>>) offsets(%dma_start3A_1101 : memref<128xi32, #tpu.memory_space<vmem>>) semaphore(%arg15 : memref<!tpu.dma_semaphore, #tpu.memory_space<semaphore_mem>>)
        %dma_start3A_1105 = arith.constant 6 : i32
        %dma_start3A_1106 = arith.constant 768 : i32
        %dma_start3A_1107 = arith.constant 0 : i32
        %dma_start3A_1108 = tpu.memref_slice %arg11[%dma_start3A_1106, %dma_start3A_1107] : memref<1024x16xf32, #tpu.memory_space<vmem>> -> memref<128x16xf32, #tpu.memory_space<vmem>>
        %dma_start3A_1109 = arith.constant 0 : i32
        %dma_start3A_1110 = tpu.memref_slice %arg7[%dma_start3A_1105, %dma_start3A_1109] : memref<8x128xi32, #tpu.memory_space<vmem>> -> memref<1x128xi32, #tpu.memory_space<vmem>>
        %dma_start3A_1111 = tpu.memref_squeeze %dma_start3A_1110 : memref<1x128xi32, #tpu.memory_space<vmem>> -> memref<128xi32, #tpu.memory_space<vmem>>
        %dma_start3A_1112 = arith.constant 0 : i32
        %dma_start3A_1113 = arith.constant 0 : i32
        %dma_start3A_1114 = tpu.memref_slice %arg2[%dma_start3A_1112, %dma_start3A_1113] : memref<100000x16xf32, #tpu.memory_space<hbm>> -> memref<100000x16xf32, #tpu.memory_space<hbm>>
        tpu.enqueue_indirect_dma source(%dma_start3A_1114 : memref<100000x16xf32, #tpu.memory_space<hbm>>) target(%dma_start3A_1108 : memref<128x16xf32, #tpu.memory_space<vmem>>) offsets(%dma_start3A_1111 : memref<128xi32, #tpu.memory_space<vmem>>) semaphore(%arg15 : memref<!tpu.dma_semaphore, #tpu.memory_space<semaphore_mem>>)
        %dma_start3A_1115 = arith.constant 6 : i32
        %dma_start3A_1116 = arith.constant 768 : i32
        %dma_start3A_1117 = arith.constant 0 : i32
        %dma_start3A_1118 = tpu.memref_slice %arg12[%dma_start3A_1116, %dma_start3A_1117] : memref<1024x16xf32, #tpu.memory_space<vmem>> -> memref<128x16xf32, #tpu.memory_space<vmem>>
        %dma_start3A_1119 = arith.constant 0 : i32
        %dma_start3A_1120 = tpu.memref_slice %arg8[%dma_start3A_1115, %dma_start3A_1119] : memref<8x128xi32, #tpu.memory_space<vmem>> -> memref<1x128xi32, #tpu.memory_space<vmem>>
        %dma_start3A_1121 = tpu.memref_squeeze %dma_start3A_1120 : memref<1x128xi32, #tpu.memory_space<vmem>> -> memref<128xi32, #tpu.memory_space<vmem>>
        %dma_start3A_1122 = arith.constant 0 : i32
        %dma_start3A_1123 = arith.constant 0 : i32
        %dma_start3A_1124 = tpu.memref_slice %arg2[%dma_start3A_1122, %dma_start3A_1123] : memref<100000x16xf32, #tpu.memory_space<hbm>> -> memref<100000x16xf32, #tpu.memory_space<hbm>>
        tpu.enqueue_indirect_dma source(%dma_start3A_1124 : memref<100000x16xf32, #tpu.memory_space<hbm>>) target(%dma_start3A_1118 : memref<128x16xf32, #tpu.memory_space<vmem>>) offsets(%dma_start3A_1121 : memref<128xi32, #tpu.memory_space<vmem>>) semaphore(%arg15 : memref<!tpu.dma_semaphore, #tpu.memory_space<semaphore_mem>>)
        %dma_start3A_1125 = arith.constant 7 : i32
        %dma_start3A_1126 = arith.constant 896 : i32
        %dma_start3A_1127 = arith.constant 0 : i32
        %dma_start3A_1128 = tpu.memref_slice %arg11[%dma_start3A_1126, %dma_start3A_1127] : memref<1024x16xf32, #tpu.memory_space<vmem>> -> memref<128x16xf32, #tpu.memory_space<vmem>>
        %dma_start3A_1129 = arith.constant 0 : i32
        %dma_start3A_1130 = tpu.memref_slice %arg7[%dma_start3A_1125, %dma_start3A_1129] : memref<8x128xi32, #tpu.memory_space<vmem>> -> memref<1x128xi32, #tpu.memory_space<vmem>>
        %dma_start3A_1131 = tpu.memref_squeeze %dma_start3A_1130 : memref<1x128xi32, #tpu.memory_space<vmem>> -> memref<128xi32, #tpu.memory_space<vmem>>
        %dma_start3A_1132 = arith.constant 0 : i32
        %dma_start3A_1133 = arith.constant 0 : i32
        %dma_start3A_1134 = tpu.memref_slice %arg2[%dma_start3A_1132, %dma_start3A_1133] : memref<100000x16xf32, #tpu.memory_space<hbm>> -> memref<100000x16xf32, #tpu.memory_space<hbm>>
        tpu.enqueue_indirect_dma source(%dma_start3A_1134 : memref<100000x16xf32, #tpu.memory_space<hbm>>) target(%dma_start3A_1128 : memref<128x16xf32, #tpu.memory_space<vmem>>) offsets(%dma_start3A_1131 : memref<128xi32, #tpu.memory_space<vmem>>) semaphore(%arg15 : memref<!tpu.dma_semaphore, #tpu.memory_space<semaphore_mem>>)
        %dma_start3A_1135 = arith.constant 7 : i32
        %dma_start3A_1136 = arith.constant 896 : i32
        %dma_start3A_1137 = arith.constant 0 : i32
        %dma_start3A_1138 = tpu.memref_slice %arg12[%dma_start3A_1136, %dma_start3A_1137] : memref<1024x16xf32, #tpu.memory_space<vmem>> -> memref<128x16xf32, #tpu.memory_space<vmem>>
        %dma_start3A_1139 = arith.constant 0 : i32
        %dma_start3A_1140 = tpu.memref_slice %arg8[%dma_start3A_1135, %dma_start3A_1139] : memref<8x128xi32, #tpu.memory_space<vmem>> -> memref<1x128xi32, #tpu.memory_space<vmem>>
        %dma_start3A_1141 = tpu.memref_squeeze %dma_start3A_1140 : memref<1x128xi32, #tpu.memory_space<vmem>> -> memref<128xi32, #tpu.memory_space<vmem>>
        %dma_start3A_1142 = arith.constant 0 : i32
        %dma_start3A_1143 = arith.constant 0 : i32
        %dma_start3A_1144 = tpu.memref_slice %arg2[%dma_start3A_1142, %dma_start3A_1143] : memref<100000x16xf32, #tpu.memory_space<hbm>> -> memref<100000x16xf32, #tpu.memory_space<hbm>>
        tpu.enqueue_indirect_dma source(%dma_start3A_1144 : memref<100000x16xf32, #tpu.memory_space<hbm>>) target(%dma_start3A_1138 : memref<128x16xf32, #tpu.memory_space<vmem>>) offsets(%dma_start3A_1141 : memref<128xi32, #tpu.memory_space<vmem>>) semaphore(%arg15 : memref<!tpu.dma_semaphore, #tpu.memory_space<semaphore_mem>>)
      } else {
      }
      %dma_wait3A_762 = arith.constant 0 : i32
      %dma_wait3A_763 = arith.constant 0 : i32
      %dma_wait3A_764 = arith.constant 0 : i32
      %dma_wait3A_765 = tpu.memref_slice %arg13[%dma_wait3A_763, %dma_wait3A_764] : memref<1024x16xf32, #tpu.memory_space<vmem>> -> memref<128x16xf32, #tpu.memory_space<vmem>>
      %dma_wait3A_766 = arith.constant 0 : i32
      %dma_wait3A_767 = tpu.memref_slice %arg9[%dma_wait3A_762, %dma_wait3A_766] : memref<8x128xi32, #tpu.memory_space<vmem>> -> memref<1x128xi32, #tpu.memory_space<vmem>>
      %dma_wait3A_768 = tpu.memref_squeeze %dma_wait3A_767 : memref<1x128xi32, #tpu.memory_space<vmem>> -> memref<128xi32, #tpu.memory_space<vmem>>
      %dma_wait3A_769 = arith.constant 0 : i32
      %dma_wait3A_770 = arith.constant 0 : i32
      %dma_wait3A_771 = tpu.memref_slice %arg2[%dma_wait3A_769, %dma_wait3A_770] : memref<100000x16xf32, #tpu.memory_space<hbm>> -> memref<100000x16xf32, #tpu.memory_space<hbm>>
      tpu.wait_indirect_dma semaphore(%arg16 : memref<!tpu.dma_semaphore, #tpu.memory_space<semaphore_mem>>) src(%dma_wait3A_771 : memref<100000x16xf32, #tpu.memory_space<hbm>>) dst(%dma_wait3A_765 : memref<128x16xf32, #tpu.memory_space<vmem>>)
      %dma_wait3A_772 = arith.constant 0 : i32
      %dma_wait3A_773 = arith.constant 0 : i32
      %dma_wait3A_774 = arith.constant 0 : i32
      %dma_wait3A_775 = tpu.memref_slice %arg14[%dma_wait3A_773, %dma_wait3A_774] : memref<1024x16xf32, #tpu.memory_space<vmem>> -> memref<128x16xf32, #tpu.memory_space<vmem>>
      %dma_wait3A_776 = arith.constant 0 : i32
      %dma_wait3A_777 = tpu.memref_slice %arg10[%dma_wait3A_772, %dma_wait3A_776] : memref<8x128xi32, #tpu.memory_space<vmem>> -> memref<1x128xi32, #tpu.memory_space<vmem>>
      %dma_wait3A_778 = tpu.memref_squeeze %dma_wait3A_777 : memref<1x128xi32, #tpu.memory_space<vmem>> -> memref<128xi32, #tpu.memory_space<vmem>>
      %dma_wait3A_779 = arith.constant 0 : i32
      %dma_wait3A_780 = arith.constant 0 : i32
      %dma_wait3A_781 = tpu.memref_slice %arg2[%dma_wait3A_779, %dma_wait3A_780] : memref<100000x16xf32, #tpu.memory_space<hbm>> -> memref<100000x16xf32, #tpu.memory_space<hbm>>
      tpu.wait_indirect_dma semaphore(%arg16 : memref<!tpu.dma_semaphore, #tpu.memory_space<semaphore_mem>>) src(%dma_wait3A_781 : memref<100000x16xf32, #tpu.memory_space<hbm>>) dst(%dma_wait3A_775 : memref<128x16xf32, #tpu.memory_space<vmem>>)
      %dma_wait3A_782 = arith.constant 1 : i32
      %dma_wait3A_783 = arith.constant 128 : i32
      %dma_wait3A_784 = arith.constant 0 : i32
      %dma_wait3A_785 = tpu.memref_slice %arg13[%dma_wait3A_783, %dma_wait3A_784] : memref<1024x16xf32, #tpu.memory_space<vmem>> -> memref<128x16xf32, #tpu.memory_space<vmem>>
      %dma_wait3A_786 = arith.constant 0 : i32
      %dma_wait3A_787 = tpu.memref_slice %arg9[%dma_wait3A_782, %dma_wait3A_786] : memref<8x128xi32, #tpu.memory_space<vmem>> -> memref<1x128xi32, #tpu.memory_space<vmem>>
      %dma_wait3A_788 = tpu.memref_squeeze %dma_wait3A_787 : memref<1x128xi32, #tpu.memory_space<vmem>> -> memref<128xi32, #tpu.memory_space<vmem>>
      %dma_wait3A_789 = arith.constant 0 : i32
      %dma_wait3A_790 = arith.constant 0 : i32
      %dma_wait3A_791 = tpu.memref_slice %arg2[%dma_wait3A_789, %dma_wait3A_790] : memref<100000x16xf32, #tpu.memory_space<hbm>> -> memref<100000x16xf32, #tpu.memory_space<hbm>>
      tpu.wait_indirect_dma semaphore(%arg16 : memref<!tpu.dma_semaphore, #tpu.memory_space<semaphore_mem>>) src(%dma_wait3A_791 : memref<100000x16xf32, #tpu.memory_space<hbm>>) dst(%dma_wait3A_785 : memref<128x16xf32, #tpu.memory_space<vmem>>)
      %dma_wait3A_792 = arith.constant 1 : i32
      %dma_wait3A_793 = arith.constant 128 : i32
      %dma_wait3A_794 = arith.constant 0 : i32
      %dma_wait3A_795 = tpu.memref_slice %arg14[%dma_wait3A_793, %dma_wait3A_794] : memref<1024x16xf32, #tpu.memory_space<vmem>> -> memref<128x16xf32, #tpu.memory_space<vmem>>
      %dma_wait3A_796 = arith.constant 0 : i32
      %dma_wait3A_797 = tpu.memref_slice %arg10[%dma_wait3A_792, %dma_wait3A_796] : memref<8x128xi32, #tpu.memory_space<vmem>> -> memref<1x128xi32, #tpu.memory_space<vmem>>
      %dma_wait3A_798 = tpu.memref_squeeze %dma_wait3A_797 : memref<1x128xi32, #tpu.memory_space<vmem>> -> memref<128xi32, #tpu.memory_space<vmem>>
      %dma_wait3A_799 = arith.constant 0 : i32
      %dma_wait3A_800 = arith.constant 0 : i32
      %dma_wait3A_801 = tpu.memref_slice %arg2[%dma_wait3A_799, %dma_wait3A_800] : memref<100000x16xf32, #tpu.memory_space<hbm>> -> memref<100000x16xf32, #tpu.memory_space<hbm>>
      tpu.wait_indirect_dma semaphore(%arg16 : memref<!tpu.dma_semaphore, #tpu.memory_space<semaphore_mem>>) src(%dma_wait3A_801 : memref<100000x16xf32, #tpu.memory_space<hbm>>) dst(%dma_wait3A_795 : memref<128x16xf32, #tpu.memory_space<vmem>>)
      %dma_wait3A_802 = arith.constant 2 : i32
      %dma_wait3A_803 = arith.constant 256 : i32
      %dma_wait3A_804 = arith.constant 0 : i32
      %dma_wait3A_805 = tpu.memref_slice %arg13[%dma_wait3A_803, %dma_wait3A_804] : memref<1024x16xf32, #tpu.memory_space<vmem>> -> memref<128x16xf32, #tpu.memory_space<vmem>>
      %dma_wait3A_806 = arith.constant 0 : i32
      %dma_wait3A_807 = tpu.memref_slice %arg9[%dma_wait3A_802, %dma_wait3A_806] : memref<8x128xi32, #tpu.memory_space<vmem>> -> memref<1x128xi32, #tpu.memory_space<vmem>>
      %dma_wait3A_808 = tpu.memref_squeeze %dma_wait3A_807 : memref<1x128xi32, #tpu.memory_space<vmem>> -> memref<128xi32, #tpu.memory_space<vmem>>
      %dma_wait3A_809 = arith.constant 0 : i32
      %dma_wait3A_810 = arith.constant 0 : i32
      %dma_wait3A_811 = tpu.memref_slice %arg2[%dma_wait3A_809, %dma_wait3A_810] : memref<100000x16xf32, #tpu.memory_space<hbm>> -> memref<100000x16xf32, #tpu.memory_space<hbm>>
      tpu.wait_indirect_dma semaphore(%arg16 : memref<!tpu.dma_semaphore, #tpu.memory_space<semaphore_mem>>) src(%dma_wait3A_811 : memref<100000x16xf32, #tpu.memory_space<hbm>>) dst(%dma_wait3A_805 : memref<128x16xf32, #tpu.memory_space<vmem>>)
      %dma_wait3A_812 = arith.constant 2 : i32
      %dma_wait3A_813 = arith.constant 256 : i32
      %dma_wait3A_814 = arith.constant 0 : i32
      %dma_wait3A_815 = tpu.memref_slice %arg14[%dma_wait3A_813, %dma_wait3A_814] : memref<1024x16xf32, #tpu.memory_space<vmem>> -> memref<128x16xf32, #tpu.memory_space<vmem>>
      %dma_wait3A_816 = arith.constant 0 : i32
      %dma_wait3A_817 = tpu.memref_slice %arg10[%dma_wait3A_812, %dma_wait3A_816] : memref<8x128xi32, #tpu.memory_space<vmem>> -> memref<1x128xi32, #tpu.memory_space<vmem>>
      %dma_wait3A_818 = tpu.memref_squeeze %dma_wait3A_817 : memref<1x128xi32, #tpu.memory_space<vmem>> -> memref<128xi32, #tpu.memory_space<vmem>>
      %dma_wait3A_819 = arith.constant 0 : i32
      %dma_wait3A_820 = arith.constant 0 : i32
      %dma_wait3A_821 = tpu.memref_slice %arg2[%dma_wait3A_819, %dma_wait3A_820] : memref<100000x16xf32, #tpu.memory_space<hbm>> -> memref<100000x16xf32, #tpu.memory_space<hbm>>
      tpu.wait_indirect_dma semaphore(%arg16 : memref<!tpu.dma_semaphore, #tpu.memory_space<semaphore_mem>>) src(%dma_wait3A_821 : memref<100000x16xf32, #tpu.memory_space<hbm>>) dst(%dma_wait3A_815 : memref<128x16xf32, #tpu.memory_space<vmem>>)
      %dma_wait3A_822 = arith.constant 3 : i32
      %dma_wait3A_823 = arith.constant 384 : i32
      %dma_wait3A_824 = arith.constant 0 : i32
      %dma_wait3A_825 = tpu.memref_slice %arg13[%dma_wait3A_823, %dma_wait3A_824] : memref<1024x16xf32, #tpu.memory_space<vmem>> -> memref<128x16xf32, #tpu.memory_space<vmem>>
      %dma_wait3A_826 = arith.constant 0 : i32
      %dma_wait3A_827 = tpu.memref_slice %arg9[%dma_wait3A_822, %dma_wait3A_826] : memref<8x128xi32, #tpu.memory_space<vmem>> -> memref<1x128xi32, #tpu.memory_space<vmem>>
      %dma_wait3A_828 = tpu.memref_squeeze %dma_wait3A_827 : memref<1x128xi32, #tpu.memory_space<vmem>> -> memref<128xi32, #tpu.memory_space<vmem>>
      %dma_wait3A_829 = arith.constant 0 : i32
      %dma_wait3A_830 = arith.constant 0 : i32
      %dma_wait3A_831 = tpu.memref_slice %arg2[%dma_wait3A_829, %dma_wait3A_830] : memref<100000x16xf32, #tpu.memory_space<hbm>> -> memref<100000x16xf32, #tpu.memory_space<hbm>>
      tpu.wait_indirect_dma semaphore(%arg16 : memref<!tpu.dma_semaphore, #tpu.memory_space<semaphore_mem>>) src(%dma_wait3A_831 : memref<100000x16xf32, #tpu.memory_space<hbm>>) dst(%dma_wait3A_825 : memref<128x16xf32, #tpu.memory_space<vmem>>)
      %dma_wait3A_832 = arith.constant 3 : i32
      %dma_wait3A_833 = arith.constant 384 : i32
      %dma_wait3A_834 = arith.constant 0 : i32
      %dma_wait3A_835 = tpu.memref_slice %arg14[%dma_wait3A_833, %dma_wait3A_834] : memref<1024x16xf32, #tpu.memory_space<vmem>> -> memref<128x16xf32, #tpu.memory_space<vmem>>
      %dma_wait3A_836 = arith.constant 0 : i32
      %dma_wait3A_837 = tpu.memref_slice %arg10[%dma_wait3A_832, %dma_wait3A_836] : memref<8x128xi32, #tpu.memory_space<vmem>> -> memref<1x128xi32, #tpu.memory_space<vmem>>
      %dma_wait3A_838 = tpu.memref_squeeze %dma_wait3A_837 : memref<1x128xi32, #tpu.memory_space<vmem>> -> memref<128xi32, #tpu.memory_space<vmem>>
      %dma_wait3A_839 = arith.constant 0 : i32
      %dma_wait3A_840 = arith.constant 0 : i32
      %dma_wait3A_841 = tpu.memref_slice %arg2[%dma_wait3A_839, %dma_wait3A_840] : memref<100000x16xf32, #tpu.memory_space<hbm>> -> memref<100000x16xf32, #tpu.memory_space<hbm>>
      tpu.wait_indirect_dma semaphore(%arg16 : memref<!tpu.dma_semaphore, #tpu.memory_space<semaphore_mem>>) src(%dma_wait3A_841 : memref<100000x16xf32, #tpu.memory_space<hbm>>) dst(%dma_wait3A_835 : memref<128x16xf32, #tpu.memory_space<vmem>>)
      %dma_wait3A_842 = arith.constant 4 : i32
      %dma_wait3A_843 = arith.constant 512 : i32
      %dma_wait3A_844 = arith.constant 0 : i32
      %dma_wait3A_845 = tpu.memref_slice %arg13[%dma_wait3A_843, %dma_wait3A_844] : memref<1024x16xf32, #tpu.memory_space<vmem>> -> memref<128x16xf32, #tpu.memory_space<vmem>>
      %dma_wait3A_846 = arith.constant 0 : i32
      %dma_wait3A_847 = tpu.memref_slice %arg9[%dma_wait3A_842, %dma_wait3A_846] : memref<8x128xi32, #tpu.memory_space<vmem>> -> memref<1x128xi32, #tpu.memory_space<vmem>>
      %dma_wait3A_848 = tpu.memref_squeeze %dma_wait3A_847 : memref<1x128xi32, #tpu.memory_space<vmem>> -> memref<128xi32, #tpu.memory_space<vmem>>
      %dma_wait3A_849 = arith.constant 0 : i32
      %dma_wait3A_850 = arith.constant 0 : i32
      %dma_wait3A_851 = tpu.memref_slice %arg2[%dma_wait3A_849, %dma_wait3A_850] : memref<100000x16xf32, #tpu.memory_space<hbm>> -> memref<100000x16xf32, #tpu.memory_space<hbm>>
      tpu.wait_indirect_dma semaphore(%arg16 : memref<!tpu.dma_semaphore, #tpu.memory_space<semaphore_mem>>) src(%dma_wait3A_851 : memref<100000x16xf32, #tpu.memory_space<hbm>>) dst(%dma_wait3A_845 : memref<128x16xf32, #tpu.memory_space<vmem>>)
      %dma_wait3A_852 = arith.constant 4 : i32
      %dma_wait3A_853 = arith.constant 512 : i32
      %dma_wait3A_854 = arith.constant 0 : i32
      %dma_wait3A_855 = tpu.memref_slice %arg14[%dma_wait3A_853, %dma_wait3A_854] : memref<1024x16xf32, #tpu.memory_space<vmem>> -> memref<128x16xf32, #tpu.memory_space<vmem>>
      %dma_wait3A_856 = arith.constant 0 : i32
      %dma_wait3A_857 = tpu.memref_slice %arg10[%dma_wait3A_852, %dma_wait3A_856] : memref<8x128xi32, #tpu.memory_space<vmem>> -> memref<1x128xi32, #tpu.memory_space<vmem>>
      %dma_wait3A_858 = tpu.memref_squeeze %dma_wait3A_857 : memref<1x128xi32, #tpu.memory_space<vmem>> -> memref<128xi32, #tpu.memory_space<vmem>>
      %dma_wait3A_859 = arith.constant 0 : i32
      %dma_wait3A_860 = arith.constant 0 : i32
      %dma_wait3A_861 = tpu.memref_slice %arg2[%dma_wait3A_859, %dma_wait3A_860] : memref<100000x16xf32, #tpu.memory_space<hbm>> -> memref<100000x16xf32, #tpu.memory_space<hbm>>
      tpu.wait_indirect_dma semaphore(%arg16 : memref<!tpu.dma_semaphore, #tpu.memory_space<semaphore_mem>>) src(%dma_wait3A_861 : memref<100000x16xf32, #tpu.memory_space<hbm>>) dst(%dma_wait3A_855 : memref<128x16xf32, #tpu.memory_space<vmem>>)
      %dma_wait3A_862 = arith.constant 5 : i32
      %dma_wait3A_863 = arith.constant 640 : i32
      %dma_wait3A_864 = arith.constant 0 : i32
      %dma_wait3A_865 = tpu.memref_slice %arg13[%dma_wait3A_863, %dma_wait3A_864] : memref<1024x16xf32, #tpu.memory_space<vmem>> -> memref<128x16xf32, #tpu.memory_space<vmem>>
      %dma_wait3A_866 = arith.constant 0 : i32
      %dma_wait3A_867 = tpu.memref_slice %arg9[%dma_wait3A_862, %dma_wait3A_866] : memref<8x128xi32, #tpu.memory_space<vmem>> -> memref<1x128xi32, #tpu.memory_space<vmem>>
      %dma_wait3A_868 = tpu.memref_squeeze %dma_wait3A_867 : memref<1x128xi32, #tpu.memory_space<vmem>> -> memref<128xi32, #tpu.memory_space<vmem>>
      %dma_wait3A_869 = arith.constant 0 : i32
      %dma_wait3A_870 = arith.constant 0 : i32
      %dma_wait3A_871 = tpu.memref_slice %arg2[%dma_wait3A_869, %dma_wait3A_870] : memref<100000x16xf32, #tpu.memory_space<hbm>> -> memref<100000x16xf32, #tpu.memory_space<hbm>>
      tpu.wait_indirect_dma semaphore(%arg16 : memref<!tpu.dma_semaphore, #tpu.memory_space<semaphore_mem>>) src(%dma_wait3A_871 : memref<100000x16xf32, #tpu.memory_space<hbm>>) dst(%dma_wait3A_865 : memref<128x16xf32, #tpu.memory_space<vmem>>)
      %dma_wait3A_872 = arith.constant 5 : i32
      %dma_wait3A_873 = arith.constant 640 : i32
      %dma_wait3A_874 = arith.constant 0 : i32
      %dma_wait3A_875 = tpu.memref_slice %arg14[%dma_wait3A_873, %dma_wait3A_874] : memref<1024x16xf32, #tpu.memory_space<vmem>> -> memref<128x16xf32, #tpu.memory_space<vmem>>
      %dma_wait3A_876 = arith.constant 0 : i32
      %dma_wait3A_877 = tpu.memref_slice %arg10[%dma_wait3A_872, %dma_wait3A_876] : memref<8x128xi32, #tpu.memory_space<vmem>> -> memref<1x128xi32, #tpu.memory_space<vmem>>
      %dma_wait3A_878 = tpu.memref_squeeze %dma_wait3A_877 : memref<1x128xi32, #tpu.memory_space<vmem>> -> memref<128xi32, #tpu.memory_space<vmem>>
      %dma_wait3A_879 = arith.constant 0 : i32
      %dma_wait3A_880 = arith.constant 0 : i32
      %dma_wait3A_881 = tpu.memref_slice %arg2[%dma_wait3A_879, %dma_wait3A_880] : memref<100000x16xf32, #tpu.memory_space<hbm>> -> memref<100000x16xf32, #tpu.memory_space<hbm>>
      tpu.wait_indirect_dma semaphore(%arg16 : memref<!tpu.dma_semaphore, #tpu.memory_space<semaphore_mem>>) src(%dma_wait3A_881 : memref<100000x16xf32, #tpu.memory_space<hbm>>) dst(%dma_wait3A_875 : memref<128x16xf32, #tpu.memory_space<vmem>>)
      %dma_wait3A_882 = arith.constant 6 : i32
      %dma_wait3A_883 = arith.constant 768 : i32
      %dma_wait3A_884 = arith.constant 0 : i32
      %dma_wait3A_885 = tpu.memref_slice %arg13[%dma_wait3A_883, %dma_wait3A_884] : memref<1024x16xf32, #tpu.memory_space<vmem>> -> memref<128x16xf32, #tpu.memory_space<vmem>>
      %dma_wait3A_886 = arith.constant 0 : i32
      %dma_wait3A_887 = tpu.memref_slice %arg9[%dma_wait3A_882, %dma_wait3A_886] : memref<8x128xi32, #tpu.memory_space<vmem>> -> memref<1x128xi32, #tpu.memory_space<vmem>>
      %dma_wait3A_888 = tpu.memref_squeeze %dma_wait3A_887 : memref<1x128xi32, #tpu.memory_space<vmem>> -> memref<128xi32, #tpu.memory_space<vmem>>
      %dma_wait3A_889 = arith.constant 0 : i32
      %dma_wait3A_890 = arith.constant 0 : i32
      %dma_wait3A_891 = tpu.memref_slice %arg2[%dma_wait3A_889, %dma_wait3A_890] : memref<100000x16xf32, #tpu.memory_space<hbm>> -> memref<100000x16xf32, #tpu.memory_space<hbm>>
      tpu.wait_indirect_dma semaphore(%arg16 : memref<!tpu.dma_semaphore, #tpu.memory_space<semaphore_mem>>) src(%dma_wait3A_891 : memref<100000x16xf32, #tpu.memory_space<hbm>>) dst(%dma_wait3A_885 : memref<128x16xf32, #tpu.memory_space<vmem>>)
      %dma_wait3A_892 = arith.constant 6 : i32
      %dma_wait3A_893 = arith.constant 768 : i32
      %dma_wait3A_894 = arith.constant 0 : i32
      %dma_wait3A_895 = tpu.memref_slice %arg14[%dma_wait3A_893, %dma_wait3A_894] : memref<1024x16xf32, #tpu.memory_space<vmem>> -> memref<128x16xf32, #tpu.memory_space<vmem>>
      %dma_wait3A_896 = arith.constant 0 : i32
      %dma_wait3A_897 = tpu.memref_slice %arg10[%dma_wait3A_892, %dma_wait3A_896] : memref<8x128xi32, #tpu.memory_space<vmem>> -> memref<1x128xi32, #tpu.memory_space<vmem>>
      %dma_wait3A_898 = tpu.memref_squeeze %dma_wait3A_897 : memref<1x128xi32, #tpu.memory_space<vmem>> -> memref<128xi32, #tpu.memory_space<vmem>>
      %dma_wait3A_899 = arith.constant 0 : i32
      %dma_wait3A_900 = arith.constant 0 : i32
      %dma_wait3A_901 = tpu.memref_slice %arg2[%dma_wait3A_899, %dma_wait3A_900] : memref<100000x16xf32, #tpu.memory_space<hbm>> -> memref<100000x16xf32, #tpu.memory_space<hbm>>
      tpu.wait_indirect_dma semaphore(%arg16 : memref<!tpu.dma_semaphore, #tpu.memory_space<semaphore_mem>>) src(%dma_wait3A_901 : memref<100000x16xf32, #tpu.memory_space<hbm>>) dst(%dma_wait3A_895 : memref<128x16xf32, #tpu.memory_space<vmem>>)
      %dma_wait3A_902 = arith.constant 7 : i32
      %dma_wait3A_903 = arith.constant 896 : i32
      %dma_wait3A_904 = arith.constant 0 : i32
      %dma_wait3A_905 = tpu.memref_slice %arg13[%dma_wait3A_903, %dma_wait3A_904] : memref<1024x16xf32, #tpu.memory_space<vmem>> -> memref<128x16xf32, #tpu.memory_space<vmem>>
      %dma_wait3A_906 = arith.constant 0 : i32
      %dma_wait3A_907 = tpu.memref_slice %arg9[%dma_wait3A_902, %dma_wait3A_906] : memref<8x128xi32, #tpu.memory_space<vmem>> -> memref<1x128xi32, #tpu.memory_space<vmem>>
      %dma_wait3A_908 = tpu.memref_squeeze %dma_wait3A_907 : memref<1x128xi32, #tpu.memory_space<vmem>> -> memref<128xi32, #tpu.memory_space<vmem>>
      %dma_wait3A_909 = arith.constant 0 : i32
      %dma_wait3A_910 = arith.constant 0 : i32
      %dma_wait3A_911 = tpu.memref_slice %arg2[%dma_wait3A_909, %dma_wait3A_910] : memref<100000x16xf32, #tpu.memory_space<hbm>> -> memref<100000x16xf32, #tpu.memory_space<hbm>>
      tpu.wait_indirect_dma semaphore(%arg16 : memref<!tpu.dma_semaphore, #tpu.memory_space<semaphore_mem>>) src(%dma_wait3A_911 : memref<100000x16xf32, #tpu.memory_space<hbm>>) dst(%dma_wait3A_905 : memref<128x16xf32, #tpu.memory_space<vmem>>)
      %dma_wait3A_912 = arith.constant 7 : i32
      %dma_wait3A_913 = arith.constant 896 : i32
      %dma_wait3A_914 = arith.constant 0 : i32
      %dma_wait3A_915 = tpu.memref_slice %arg14[%dma_wait3A_913, %dma_wait3A_914] : memref<1024x16xf32, #tpu.memory_space<vmem>> -> memref<128x16xf32, #tpu.memory_space<vmem>>
      %dma_wait3A_916 = arith.constant 0 : i32
      %dma_wait3A_917 = tpu.memref_slice %arg10[%dma_wait3A_912, %dma_wait3A_916] : memref<8x128xi32, #tpu.memory_space<vmem>> -> memref<1x128xi32, #tpu.memory_space<vmem>>
      %dma_wait3A_918 = tpu.memref_squeeze %dma_wait3A_917 : memref<1x128xi32, #tpu.memory_space<vmem>> -> memref<128xi32, #tpu.memory_space<vmem>>
      %dma_wait3A_919 = arith.constant 0 : i32
      %dma_wait3A_920 = arith.constant 0 : i32
      %dma_wait3A_921 = tpu.memref_slice %arg2[%dma_wait3A_919, %dma_wait3A_920] : memref<100000x16xf32, #tpu.memory_space<hbm>> -> memref<100000x16xf32, #tpu.memory_space<hbm>>
      tpu.wait_indirect_dma semaphore(%arg16 : memref<!tpu.dma_semaphore, #tpu.memory_space<semaphore_mem>>) src(%dma_wait3A_921 : memref<100000x16xf32, #tpu.memory_space<hbm>>) dst(%dma_wait3A_915 : memref<128x16xf32, #tpu.memory_space<vmem>>)
      %mul3A_922 = arith.constant 8 : i32
      %mul3A_923 = arith.muli %add3A_403, %mul3A_922 : i32
      %add3A_924 = arith.addi %mul3A_2, %mul3A_923 : i32
      %mul3A_925 = arith.constant 128 : i32
      %mul3A_926 = arith.muli %add3A_924, %mul3A_925 : i32
      %multiple_of3A_927 = tpu.assume_multiple %mul3A_926, 1024 : i32
      %dma_start3A_928 = arith.constant 0 : i32
      %dma_start3A_929 = tpu.memref_slice %arg5[%multiple_of3A_927, %dma_start3A_928] : memref<819200x16xf32, #tpu.memory_space<hbm>> -> memref<1024x16xf32, #tpu.memory_space<hbm>>
      %dma_start3A_930 = arith.constant 0 : i32
      %dma_start3A_931 = tpu.memref_slice %arg5[%multiple_of3A_927, %dma_start3A_930] : memref<819200x16xf32, #tpu.memory_space<hbm>> -> memref<1024x16xf32, #tpu.memory_space<hbm>>
      tpu.enqueue_dma source(%arg13 : memref<1024x16xf32, #tpu.memory_space<vmem>>) target(%dma_start3A_931 : memref<1024x16xf32, #tpu.memory_space<hbm>>) target_semaphore(%arg20 : memref<!tpu.dma_semaphore, #tpu.memory_space<semaphore_mem>>)
      %dma_start3A_932 = arith.constant 0 : i32
      %dma_start3A_933 = tpu.memref_slice %arg6[%multiple_of3A_927, %dma_start3A_932] : memref<819200x16xf32, #tpu.memory_space<hbm>> -> memref<1024x16xf32, #tpu.memory_space<hbm>>
      %dma_start3A_934 = arith.constant 0 : i32
      %dma_start3A_935 = tpu.memref_slice %arg6[%multiple_of3A_927, %dma_start3A_934] : memref<819200x16xf32, #tpu.memory_space<hbm>> -> memref<1024x16xf32, #tpu.memory_space<hbm>>
      tpu.enqueue_dma source(%arg14 : memref<1024x16xf32, #tpu.memory_space<vmem>>) target(%dma_start3A_935 : memref<1024x16xf32, #tpu.memory_space<hbm>>) target_semaphore(%arg20 : memref<!tpu.dma_semaphore, #tpu.memory_space<semaphore_mem>>)
      %add3A_936 = arith.constant 2 : i32
      %add3A_937 = arith.addi %add3A_403, %add3A_936 : i32
      %lt3A_938 = arith.constant 25 : i32
      %lt3A_939 = arith.cmpi slt, %add3A_937, %lt3A_938 : i32
      %convert_element_type3A_940 = arith.extui %lt3A_939 : i1 to i32
      %cond3A_941 = arith.constant 0 : i32
      %cond3A_942 = arith.cmpi ne, %convert_element_type3A_940, %cond3A_941 : i32
      scf.if %cond3A_942 {
        %add3A_943 = arith.constant 2 : i32
        %add3A_944 = arith.addi %add3A_403, %add3A_943 : i32
        %mul3A_945 = arith.constant 8 : i32
        %mul3A_946 = arith.muli %add3A_944, %mul3A_945 : i32
        %add3A_947 = arith.addi %mul3A_2, %mul3A_946 : i32
        %multiple_of3A_948 = tpu.assume_multiple %add3A_947, 8 : i32
        %dma_start3A_949 = arith.constant 0 : i32
        %dma_start3A_950 = tpu.memref_slice %arg3[%multiple_of3A_948, %dma_start3A_949] : memref<6400x128xi32, #tpu.memory_space<hbm>> -> memref<8x128xi32, #tpu.memory_space<hbm>>
        %dma_start3A_951 = arith.constant 0 : i32
        %dma_start3A_952 = tpu.memref_slice %arg3[%multiple_of3A_948, %dma_start3A_951] : memref<6400x128xi32, #tpu.memory_space<hbm>> -> memref<8x128xi32, #tpu.memory_space<hbm>>
        tpu.enqueue_dma source(%dma_start3A_952 : memref<8x128xi32, #tpu.memory_space<hbm>>) target(%arg9 : memref<8x128xi32, #tpu.memory_space<vmem>>) target_semaphore(%arg18 : memref<!tpu.dma_semaphore, #tpu.memory_space<semaphore_mem>>)
        %dma_start3A_953 = arith.constant 0 : i32
        %dma_start3A_954 = tpu.memref_slice %arg4[%multiple_of3A_948, %dma_start3A_953] : memref<6400x128xi32, #tpu.memory_space<hbm>> -> memref<8x128xi32, #tpu.memory_space<hbm>>
        %dma_start3A_955 = arith.constant 0 : i32
        %dma_start3A_956 = tpu.memref_slice %arg4[%multiple_of3A_948, %dma_start3A_955] : memref<6400x128xi32, #tpu.memory_space<hbm>> -> memref<8x128xi32, #tpu.memory_space<hbm>>
        tpu.enqueue_dma source(%dma_start3A_956 : memref<8x128xi32, #tpu.memory_space<hbm>>) target(%arg10 : memref<8x128xi32, #tpu.memory_space<vmem>>) target_semaphore(%arg18 : memref<!tpu.dma_semaphore, #tpu.memory_space<semaphore_mem>>)
      } else {
      }
    }
    %scan3A_197 = arith.constant 12 : i32
    %dma_wait3A_198 = arith.constant 0 : i32
    %dma_wait3A_199 = arith.constant 0 : i32
    %dma_wait3A_200 = arith.constant 0 : i32
    %dma_wait3A_201 = tpu.memref_slice %arg11[%dma_wait3A_199, %dma_wait3A_200] : memref<1024x16xf32, #tpu.memory_space<vmem>> -> memref<128x16xf32, #tpu.memory_space<vmem>>
    %dma_wait3A_202 = arith.constant 0 : i32
    %dma_wait3A_203 = tpu.memref_slice %arg7[%dma_wait3A_198, %dma_wait3A_202] : memref<8x128xi32, #tpu.memory_space<vmem>> -> memref<1x128xi32, #tpu.memory_space<vmem>>
    %dma_wait3A_204 = tpu.memref_squeeze %dma_wait3A_203 : memref<1x128xi32, #tpu.memory_space<vmem>> -> memref<128xi32, #tpu.memory_space<vmem>>
    %dma_wait3A_205 = arith.constant 0 : i32
    %dma_wait3A_206 = arith.constant 0 : i32
    %dma_wait3A_207 = tpu.memref_slice %arg2[%dma_wait3A_205, %dma_wait3A_206] : memref<100000x16xf32, #tpu.memory_space<hbm>> -> memref<100000x16xf32, #tpu.memory_space<hbm>>
    tpu.wait_indirect_dma semaphore(%arg15 : memref<!tpu.dma_semaphore, #tpu.memory_space<semaphore_mem>>) src(%dma_wait3A_207 : memref<100000x16xf32, #tpu.memory_space<hbm>>) dst(%dma_wait3A_201 : memref<128x16xf32, #tpu.memory_space<vmem>>)
    %dma_wait3A_208 = arith.constant 0 : i32
    %dma_wait3A_209 = arith.constant 0 : i32
    %dma_wait3A_210 = arith.constant 0 : i32
    %dma_wait3A_211 = tpu.memref_slice %arg12[%dma_wait3A_209, %dma_wait3A_210] : memref<1024x16xf32, #tpu.memory_space<vmem>> -> memref<128x16xf32, #tpu.memory_space<vmem>>
    %dma_wait3A_212 = arith.constant 0 : i32
    %dma_wait3A_213 = tpu.memref_slice %arg8[%dma_wait3A_208, %dma_wait3A_212] : memref<8x128xi32, #tpu.memory_space<vmem>> -> memref<1x128xi32, #tpu.memory_space<vmem>>
    %dma_wait3A_214 = tpu.memref_squeeze %dma_wait3A_213 : memref<1x128xi32, #tpu.memory_space<vmem>> -> memref<128xi32, #tpu.memory_space<vmem>>
    %dma_wait3A_215 = arith.constant 0 : i32
    %dma_wait3A_216 = arith.constant 0 : i32
    %dma_wait3A_217 = tpu.memref_slice %arg2[%dma_wait3A_215, %dma_wait3A_216] : memref<100000x16xf32, #tpu.memory_space<hbm>> -> memref<100000x16xf32, #tpu.memory_space<hbm>>
    tpu.wait_indirect_dma semaphore(%arg15 : memref<!tpu.dma_semaphore, #tpu.memory_space<semaphore_mem>>) src(%dma_wait3A_217 : memref<100000x16xf32, #tpu.memory_space<hbm>>) dst(%dma_wait3A_211 : memref<128x16xf32, #tpu.memory_space<vmem>>)
    %dma_wait3A_218 = arith.constant 1 : i32
    %dma_wait3A_219 = arith.constant 128 : i32
    %dma_wait3A_220 = arith.constant 0 : i32
    %dma_wait3A_221 = tpu.memref_slice %arg11[%dma_wait3A_219, %dma_wait3A_220] : memref<1024x16xf32, #tpu.memory_space<vmem>> -> memref<128x16xf32, #tpu.memory_space<vmem>>
    %dma_wait3A_222 = arith.constant 0 : i32
    %dma_wait3A_223 = tpu.memref_slice %arg7[%dma_wait3A_218, %dma_wait3A_222] : memref<8x128xi32, #tpu.memory_space<vmem>> -> memref<1x128xi32, #tpu.memory_space<vmem>>
    %dma_wait3A_224 = tpu.memref_squeeze %dma_wait3A_223 : memref<1x128xi32, #tpu.memory_space<vmem>> -> memref<128xi32, #tpu.memory_space<vmem>>
    %dma_wait3A_225 = arith.constant 0 : i32
    %dma_wait3A_226 = arith.constant 0 : i32
    %dma_wait3A_227 = tpu.memref_slice %arg2[%dma_wait3A_225, %dma_wait3A_226] : memref<100000x16xf32, #tpu.memory_space<hbm>> -> memref<100000x16xf32, #tpu.memory_space<hbm>>
    tpu.wait_indirect_dma semaphore(%arg15 : memref<!tpu.dma_semaphore, #tpu.memory_space<semaphore_mem>>) src(%dma_wait3A_227 : memref<100000x16xf32, #tpu.memory_space<hbm>>) dst(%dma_wait3A_221 : memref<128x16xf32, #tpu.memory_space<vmem>>)
    %dma_wait3A_228 = arith.constant 1 : i32
    %dma_wait3A_229 = arith.constant 128 : i32
    %dma_wait3A_230 = arith.constant 0 : i32
    %dma_wait3A_231 = tpu.memref_slice %arg12[%dma_wait3A_229, %dma_wait3A_230] : memref<1024x16xf32, #tpu.memory_space<vmem>> -> memref<128x16xf32, #tpu.memory_space<vmem>>
    %dma_wait3A_232 = arith.constant 0 : i32
    %dma_wait3A_233 = tpu.memref_slice %arg8[%dma_wait3A_228, %dma_wait3A_232] : memref<8x128xi32, #tpu.memory_space<vmem>> -> memref<1x128xi32, #tpu.memory_space<vmem>>
    %dma_wait3A_234 = tpu.memref_squeeze %dma_wait3A_233 : memref<1x128xi32, #tpu.memory_space<vmem>> -> memref<128xi32, #tpu.memory_space<vmem>>
    %dma_wait3A_235 = arith.constant 0 : i32
    %dma_wait3A_236 = arith.constant 0 : i32
    %dma_wait3A_237 = tpu.memref_slice %arg2[%dma_wait3A_235, %dma_wait3A_236] : memref<100000x16xf32, #tpu.memory_space<hbm>> -> memref<100000x16xf32, #tpu.memory_space<hbm>>
    tpu.wait_indirect_dma semaphore(%arg15 : memref<!tpu.dma_semaphore, #tpu.memory_space<semaphore_mem>>) src(%dma_wait3A_237 : memref<100000x16xf32, #tpu.memory_space<hbm>>) dst(%dma_wait3A_231 : memref<128x16xf32, #tpu.memory_space<vmem>>)
    %dma_wait3A_238 = arith.constant 2 : i32
    %dma_wait3A_239 = arith.constant 256 : i32
    %dma_wait3A_240 = arith.constant 0 : i32
    %dma_wait3A_241 = tpu.memref_slice %arg11[%dma_wait3A_239, %dma_wait3A_240] : memref<1024x16xf32, #tpu.memory_space<vmem>> -> memref<128x16xf32, #tpu.memory_space<vmem>>
    %dma_wait3A_242 = arith.constant 0 : i32
    %dma_wait3A_243 = tpu.memref_slice %arg7[%dma_wait3A_238, %dma_wait3A_242] : memref<8x128xi32, #tpu.memory_space<vmem>> -> memref<1x128xi32, #tpu.memory_space<vmem>>
    %dma_wait3A_244 = tpu.memref_squeeze %dma_wait3A_243 : memref<1x128xi32, #tpu.memory_space<vmem>> -> memref<128xi32, #tpu.memory_space<vmem>>
    %dma_wait3A_245 = arith.constant 0 : i32
    %dma_wait3A_246 = arith.constant 0 : i32
    %dma_wait3A_247 = tpu.memref_slice %arg2[%dma_wait3A_245, %dma_wait3A_246] : memref<100000x16xf32, #tpu.memory_space<hbm>> -> memref<100000x16xf32, #tpu.memory_space<hbm>>
    tpu.wait_indirect_dma semaphore(%arg15 : memref<!tpu.dma_semaphore, #tpu.memory_space<semaphore_mem>>) src(%dma_wait3A_247 : memref<100000x16xf32, #tpu.memory_space<hbm>>) dst(%dma_wait3A_241 : memref<128x16xf32, #tpu.memory_space<vmem>>)
    %dma_wait3A_248 = arith.constant 2 : i32
    %dma_wait3A_249 = arith.constant 256 : i32
    %dma_wait3A_250 = arith.constant 0 : i32
    %dma_wait3A_251 = tpu.memref_slice %arg12[%dma_wait3A_249, %dma_wait3A_250] : memref<1024x16xf32, #tpu.memory_space<vmem>> -> memref<128x16xf32, #tpu.memory_space<vmem>>
    %dma_wait3A_252 = arith.constant 0 : i32
    %dma_wait3A_253 = tpu.memref_slice %arg8[%dma_wait3A_248, %dma_wait3A_252] : memref<8x128xi32, #tpu.memory_space<vmem>> -> memref<1x128xi32, #tpu.memory_space<vmem>>
    %dma_wait3A_254 = tpu.memref_squeeze %dma_wait3A_253 : memref<1x128xi32, #tpu.memory_space<vmem>> -> memref<128xi32, #tpu.memory_space<vmem>>
    %dma_wait3A_255 = arith.constant 0 : i32
    %dma_wait3A_256 = arith.constant 0 : i32
    %dma_wait3A_257 = tpu.memref_slice %arg2[%dma_wait3A_255, %dma_wait3A_256] : memref<100000x16xf32, #tpu.memory_space<hbm>> -> memref<100000x16xf32, #tpu.memory_space<hbm>>
    tpu.wait_indirect_dma semaphore(%arg15 : memref<!tpu.dma_semaphore, #tpu.memory_space<semaphore_mem>>) src(%dma_wait3A_257 : memref<100000x16xf32, #tpu.memory_space<hbm>>) dst(%dma_wait3A_251 : memref<128x16xf32, #tpu.memory_space<vmem>>)
    %dma_wait3A_258 = arith.constant 3 : i32
    %dma_wait3A_259 = arith.constant 384 : i32
    %dma_wait3A_260 = arith.constant 0 : i32
    %dma_wait3A_261 = tpu.memref_slice %arg11[%dma_wait3A_259, %dma_wait3A_260] : memref<1024x16xf32, #tpu.memory_space<vmem>> -> memref<128x16xf32, #tpu.memory_space<vmem>>
    %dma_wait3A_262 = arith.constant 0 : i32
    %dma_wait3A_263 = tpu.memref_slice %arg7[%dma_wait3A_258, %dma_wait3A_262] : memref<8x128xi32, #tpu.memory_space<vmem>> -> memref<1x128xi32, #tpu.memory_space<vmem>>
    %dma_wait3A_264 = tpu.memref_squeeze %dma_wait3A_263 : memref<1x128xi32, #tpu.memory_space<vmem>> -> memref<128xi32, #tpu.memory_space<vmem>>
    %dma_wait3A_265 = arith.constant 0 : i32
    %dma_wait3A_266 = arith.constant 0 : i32
    %dma_wait3A_267 = tpu.memref_slice %arg2[%dma_wait3A_265, %dma_wait3A_266] : memref<100000x16xf32, #tpu.memory_space<hbm>> -> memref<100000x16xf32, #tpu.memory_space<hbm>>
    tpu.wait_indirect_dma semaphore(%arg15 : memref<!tpu.dma_semaphore, #tpu.memory_space<semaphore_mem>>) src(%dma_wait3A_267 : memref<100000x16xf32, #tpu.memory_space<hbm>>) dst(%dma_wait3A_261 : memref<128x16xf32, #tpu.memory_space<vmem>>)
    %dma_wait3A_268 = arith.constant 3 : i32
    %dma_wait3A_269 = arith.constant 384 : i32
    %dma_wait3A_270 = arith.constant 0 : i32
    %dma_wait3A_271 = tpu.memref_slice %arg12[%dma_wait3A_269, %dma_wait3A_270] : memref<1024x16xf32, #tpu.memory_space<vmem>> -> memref<128x16xf32, #tpu.memory_space<vmem>>
    %dma_wait3A_272 = arith.constant 0 : i32
    %dma_wait3A_273 = tpu.memref_slice %arg8[%dma_wait3A_268, %dma_wait3A_272] : memref<8x128xi32, #tpu.memory_space<vmem>> -> memref<1x128xi32, #tpu.memory_space<vmem>>
    %dma_wait3A_274 = tpu.memref_squeeze %dma_wait3A_273 : memref<1x128xi32, #tpu.memory_space<vmem>> -> memref<128xi32, #tpu.memory_space<vmem>>
    %dma_wait3A_275 = arith.constant 0 : i32
    %dma_wait3A_276 = arith.constant 0 : i32
    %dma_wait3A_277 = tpu.memref_slice %arg2[%dma_wait3A_275, %dma_wait3A_276] : memref<100000x16xf32, #tpu.memory_space<hbm>> -> memref<100000x16xf32, #tpu.memory_space<hbm>>
    tpu.wait_indirect_dma semaphore(%arg15 : memref<!tpu.dma_semaphore, #tpu.memory_space<semaphore_mem>>) src(%dma_wait3A_277 : memref<100000x16xf32, #tpu.memory_space<hbm>>) dst(%dma_wait3A_271 : memref<128x16xf32, #tpu.memory_space<vmem>>)
    %dma_wait3A_278 = arith.constant 4 : i32
    %dma_wait3A_279 = arith.constant 512 : i32
    %dma_wait3A_280 = arith.constant 0 : i32
    %dma_wait3A_281 = tpu.memref_slice %arg11[%dma_wait3A_279, %dma_wait3A_280] : memref<1024x16xf32, #tpu.memory_space<vmem>> -> memref<128x16xf32, #tpu.memory_space<vmem>>
    %dma_wait3A_282 = arith.constant 0 : i32
    %dma_wait3A_283 = tpu.memref_slice %arg7[%dma_wait3A_278, %dma_wait3A_282] : memref<8x128xi32, #tpu.memory_space<vmem>> -> memref<1x128xi32, #tpu.memory_space<vmem>>
    %dma_wait3A_284 = tpu.memref_squeeze %dma_wait3A_283 : memref<1x128xi32, #tpu.memory_space<vmem>> -> memref<128xi32, #tpu.memory_space<vmem>>
    %dma_wait3A_285 = arith.constant 0 : i32
    %dma_wait3A_286 = arith.constant 0 : i32
    %dma_wait3A_287 = tpu.memref_slice %arg2[%dma_wait3A_285, %dma_wait3A_286] : memref<100000x16xf32, #tpu.memory_space<hbm>> -> memref<100000x16xf32, #tpu.memory_space<hbm>>
    tpu.wait_indirect_dma semaphore(%arg15 : memref<!tpu.dma_semaphore, #tpu.memory_space<semaphore_mem>>) src(%dma_wait3A_287 : memref<100000x16xf32, #tpu.memory_space<hbm>>) dst(%dma_wait3A_281 : memref<128x16xf32, #tpu.memory_space<vmem>>)
    %dma_wait3A_288 = arith.constant 4 : i32
    %dma_wait3A_289 = arith.constant 512 : i32
    %dma_wait3A_290 = arith.constant 0 : i32
    %dma_wait3A_291 = tpu.memref_slice %arg12[%dma_wait3A_289, %dma_wait3A_290] : memref<1024x16xf32, #tpu.memory_space<vmem>> -> memref<128x16xf32, #tpu.memory_space<vmem>>
    %dma_wait3A_292 = arith.constant 0 : i32
    %dma_wait3A_293 = tpu.memref_slice %arg8[%dma_wait3A_288, %dma_wait3A_292] : memref<8x128xi32, #tpu.memory_space<vmem>> -> memref<1x128xi32, #tpu.memory_space<vmem>>
    %dma_wait3A_294 = tpu.memref_squeeze %dma_wait3A_293 : memref<1x128xi32, #tpu.memory_space<vmem>> -> memref<128xi32, #tpu.memory_space<vmem>>
    %dma_wait3A_295 = arith.constant 0 : i32
    %dma_wait3A_296 = arith.constant 0 : i32
    %dma_wait3A_297 = tpu.memref_slice %arg2[%dma_wait3A_295, %dma_wait3A_296] : memref<100000x16xf32, #tpu.memory_space<hbm>> -> memref<100000x16xf32, #tpu.memory_space<hbm>>
    tpu.wait_indirect_dma semaphore(%arg15 : memref<!tpu.dma_semaphore, #tpu.memory_space<semaphore_mem>>) src(%dma_wait3A_297 : memref<100000x16xf32, #tpu.memory_space<hbm>>) dst(%dma_wait3A_291 : memref<128x16xf32, #tpu.memory_space<vmem>>)
    %dma_wait3A_298 = arith.constant 5 : i32
    %dma_wait3A_299 = arith.constant 640 : i32
    %dma_wait3A_300 = arith.constant 0 : i32
    %dma_wait3A_301 = tpu.memref_slice %arg11[%dma_wait3A_299, %dma_wait3A_300] : memref<1024x16xf32, #tpu.memory_space<vmem>> -> memref<128x16xf32, #tpu.memory_space<vmem>>
    %dma_wait3A_302 = arith.constant 0 : i32
    %dma_wait3A_303 = tpu.memref_slice %arg7[%dma_wait3A_298, %dma_wait3A_302] : memref<8x128xi32, #tpu.memory_space<vmem>> -> memref<1x128xi32, #tpu.memory_space<vmem>>
    %dma_wait3A_304 = tpu.memref_squeeze %dma_wait3A_303 : memref<1x128xi32, #tpu.memory_space<vmem>> -> memref<128xi32, #tpu.memory_space<vmem>>
    %dma_wait3A_305 = arith.constant 0 : i32
    %dma_wait3A_306 = arith.constant 0 : i32
    %dma_wait3A_307 = tpu.memref_slice %arg2[%dma_wait3A_305, %dma_wait3A_306] : memref<100000x16xf32, #tpu.memory_space<hbm>> -> memref<100000x16xf32, #tpu.memory_space<hbm>>
    tpu.wait_indirect_dma semaphore(%arg15 : memref<!tpu.dma_semaphore, #tpu.memory_space<semaphore_mem>>) src(%dma_wait3A_307 : memref<100000x16xf32, #tpu.memory_space<hbm>>) dst(%dma_wait3A_301 : memref<128x16xf32, #tpu.memory_space<vmem>>)
    %dma_wait3A_308 = arith.constant 5 : i32
    %dma_wait3A_309 = arith.constant 640 : i32
    %dma_wait3A_310 = arith.constant 0 : i32
    %dma_wait3A_311 = tpu.memref_slice %arg12[%dma_wait3A_309, %dma_wait3A_310] : memref<1024x16xf32, #tpu.memory_space<vmem>> -> memref<128x16xf32, #tpu.memory_space<vmem>>
    %dma_wait3A_312 = arith.constant 0 : i32
    %dma_wait3A_313 = tpu.memref_slice %arg8[%dma_wait3A_308, %dma_wait3A_312] : memref<8x128xi32, #tpu.memory_space<vmem>> -> memref<1x128xi32, #tpu.memory_space<vmem>>
    %dma_wait3A_314 = tpu.memref_squeeze %dma_wait3A_313 : memref<1x128xi32, #tpu.memory_space<vmem>> -> memref<128xi32, #tpu.memory_space<vmem>>
    %dma_wait3A_315 = arith.constant 0 : i32
    %dma_wait3A_316 = arith.constant 0 : i32
    %dma_wait3A_317 = tpu.memref_slice %arg2[%dma_wait3A_315, %dma_wait3A_316] : memref<100000x16xf32, #tpu.memory_space<hbm>> -> memref<100000x16xf32, #tpu.memory_space<hbm>>
    tpu.wait_indirect_dma semaphore(%arg15 : memref<!tpu.dma_semaphore, #tpu.memory_space<semaphore_mem>>) src(%dma_wait3A_317 : memref<100000x16xf32, #tpu.memory_space<hbm>>) dst(%dma_wait3A_311 : memref<128x16xf32, #tpu.memory_space<vmem>>)
    %dma_wait3A_318 = arith.constant 6 : i32
    %dma_wait3A_319 = arith.constant 768 : i32
    %dma_wait3A_320 = arith.constant 0 : i32
    %dma_wait3A_321 = tpu.memref_slice %arg11[%dma_wait3A_319, %dma_wait3A_320] : memref<1024x16xf32, #tpu.memory_space<vmem>> -> memref<128x16xf32, #tpu.memory_space<vmem>>
    %dma_wait3A_322 = arith.constant 0 : i32
    %dma_wait3A_323 = tpu.memref_slice %arg7[%dma_wait3A_318, %dma_wait3A_322] : memref<8x128xi32, #tpu.memory_space<vmem>> -> memref<1x128xi32, #tpu.memory_space<vmem>>
    %dma_wait3A_324 = tpu.memref_squeeze %dma_wait3A_323 : memref<1x128xi32, #tpu.memory_space<vmem>> -> memref<128xi32, #tpu.memory_space<vmem>>
    %dma_wait3A_325 = arith.constant 0 : i32
    %dma_wait3A_326 = arith.constant 0 : i32
    %dma_wait3A_327 = tpu.memref_slice %arg2[%dma_wait3A_325, %dma_wait3A_326] : memref<100000x16xf32, #tpu.memory_space<hbm>> -> memref<100000x16xf32, #tpu.memory_space<hbm>>
    tpu.wait_indirect_dma semaphore(%arg15 : memref<!tpu.dma_semaphore, #tpu.memory_space<semaphore_mem>>) src(%dma_wait3A_327 : memref<100000x16xf32, #tpu.memory_space<hbm>>) dst(%dma_wait3A_321 : memref<128x16xf32, #tpu.memory_space<vmem>>)
    %dma_wait3A_328 = arith.constant 6 : i32
    %dma_wait3A_329 = arith.constant 768 : i32
    %dma_wait3A_330 = arith.constant 0 : i32
    %dma_wait3A_331 = tpu.memref_slice %arg12[%dma_wait3A_329, %dma_wait3A_330] : memref<1024x16xf32, #tpu.memory_space<vmem>> -> memref<128x16xf32, #tpu.memory_space<vmem>>
    %dma_wait3A_332 = arith.constant 0 : i32
    %dma_wait3A_333 = tpu.memref_slice %arg8[%dma_wait3A_328, %dma_wait3A_332] : memref<8x128xi32, #tpu.memory_space<vmem>> -> memref<1x128xi32, #tpu.memory_space<vmem>>
    %dma_wait3A_334 = tpu.memref_squeeze %dma_wait3A_333 : memref<1x128xi32, #tpu.memory_space<vmem>> -> memref<128xi32, #tpu.memory_space<vmem>>
    %dma_wait3A_335 = arith.constant 0 : i32
    %dma_wait3A_336 = arith.constant 0 : i32
    %dma_wait3A_337 = tpu.memref_slice %arg2[%dma_wait3A_335, %dma_wait3A_336] : memref<100000x16xf32, #tpu.memory_space<hbm>> -> memref<100000x16xf32, #tpu.memory_space<hbm>>
    tpu.wait_indirect_dma semaphore(%arg15 : memref<!tpu.dma_semaphore, #tpu.memory_space<semaphore_mem>>) src(%dma_wait3A_337 : memref<100000x16xf32, #tpu.memory_space<hbm>>) dst(%dma_wait3A_331 : memref<128x16xf32, #tpu.memory_space<vmem>>)
    %dma_wait3A_338 = arith.constant 7 : i32
    %dma_wait3A_339 = arith.constant 896 : i32
    %dma_wait3A_340 = arith.constant 0 : i32
    %dma_wait3A_341 = tpu.memref_slice %arg11[%dma_wait3A_339, %dma_wait3A_340] : memref<1024x16xf32, #tpu.memory_space<vmem>> -> memref<128x16xf32, #tpu.memory_space<vmem>>
    %dma_wait3A_342 = arith.constant 0 : i32
    %dma_wait3A_343 = tpu.memref_slice %arg7[%dma_wait3A_338, %dma_wait3A_342] : memref<8x128xi32, #tpu.memory_space<vmem>> -> memref<1x128xi32, #tpu.memory_space<vmem>>
    %dma_wait3A_344 = tpu.memref_squeeze %dma_wait3A_343 : memref<1x128xi32, #tpu.memory_space<vmem>> -> memref<128xi32, #tpu.memory_space<vmem>>
    %dma_wait3A_345 = arith.constant 0 : i32
    %dma_wait3A_346 = arith.constant 0 : i32
    %dma_wait3A_347 = tpu.memref_slice %arg2[%dma_wait3A_345, %dma_wait3A_346] : memref<100000x16xf32, #tpu.memory_space<hbm>> -> memref<100000x16xf32, #tpu.memory_space<hbm>>
    tpu.wait_indirect_dma semaphore(%arg15 : memref<!tpu.dma_semaphore, #tpu.memory_space<semaphore_mem>>) src(%dma_wait3A_347 : memref<100000x16xf32, #tpu.memory_space<hbm>>) dst(%dma_wait3A_341 : memref<128x16xf32, #tpu.memory_space<vmem>>)
    %dma_wait3A_348 = arith.constant 7 : i32
    %dma_wait3A_349 = arith.constant 896 : i32
    %dma_wait3A_350 = arith.constant 0 : i32
    %dma_wait3A_351 = tpu.memref_slice %arg12[%dma_wait3A_349, %dma_wait3A_350] : memref<1024x16xf32, #tpu.memory_space<vmem>> -> memref<128x16xf32, #tpu.memory_space<vmem>>
    %dma_wait3A_352 = arith.constant 0 : i32
    %dma_wait3A_353 = tpu.memref_slice %arg8[%dma_wait3A_348, %dma_wait3A_352] : memref<8x128xi32, #tpu.memory_space<vmem>> -> memref<1x128xi32, #tpu.memory_space<vmem>>
    %dma_wait3A_354 = tpu.memref_squeeze %dma_wait3A_353 : memref<1x128xi32, #tpu.memory_space<vmem>> -> memref<128xi32, #tpu.memory_space<vmem>>
    %dma_wait3A_355 = arith.constant 0 : i32
    %dma_wait3A_356 = arith.constant 0 : i32
    %dma_wait3A_357 = tpu.memref_slice %arg2[%dma_wait3A_355, %dma_wait3A_356] : memref<100000x16xf32, #tpu.memory_space<hbm>> -> memref<100000x16xf32, #tpu.memory_space<hbm>>
    tpu.wait_indirect_dma semaphore(%arg15 : memref<!tpu.dma_semaphore, #tpu.memory_space<semaphore_mem>>) src(%dma_wait3A_357 : memref<100000x16xf32, #tpu.memory_space<hbm>>) dst(%dma_wait3A_351 : memref<128x16xf32, #tpu.memory_space<vmem>>)
    %add3A_358 = arith.constant 192 : i32
    %add3A_359 = arith.addi %mul3A_2, %add3A_358 : i32
    %mul3A_360 = arith.constant 128 : i32
    %mul3A_361 = arith.muli %add3A_359, %mul3A_360 : i32
    %multiple_of3A_362 = tpu.assume_multiple %mul3A_361, 1024 : i32
    %dma_start3A_363 = arith.constant 0 : i32
    %dma_start3A_364 = tpu.memref_slice %arg5[%multiple_of3A_362, %dma_start3A_363] : memref<819200x16xf32, #tpu.memory_space<hbm>> -> memref<1024x16xf32, #tpu.memory_space<hbm>>
    %dma_start3A_365 = arith.constant 0 : i32
    %dma_start3A_366 = tpu.memref_slice %arg5[%multiple_of3A_362, %dma_start3A_365] : memref<819200x16xf32, #tpu.memory_space<hbm>> -> memref<1024x16xf32, #tpu.memory_space<hbm>>
    tpu.enqueue_dma source(%arg11 : memref<1024x16xf32, #tpu.memory_space<vmem>>) target(%dma_start3A_366 : memref<1024x16xf32, #tpu.memory_space<hbm>>) target_semaphore(%arg19 : memref<!tpu.dma_semaphore, #tpu.memory_space<semaphore_mem>>)
    %dma_start3A_367 = arith.constant 0 : i32
    %dma_start3A_368 = tpu.memref_slice %arg6[%multiple_of3A_362, %dma_start3A_367] : memref<819200x16xf32, #tpu.memory_space<hbm>> -> memref<1024x16xf32, #tpu.memory_space<hbm>>
    %dma_start3A_369 = arith.constant 0 : i32
    %dma_start3A_370 = tpu.memref_slice %arg6[%multiple_of3A_362, %dma_start3A_369] : memref<819200x16xf32, #tpu.memory_space<hbm>> -> memref<1024x16xf32, #tpu.memory_space<hbm>>
    tpu.enqueue_dma source(%arg12 : memref<1024x16xf32, #tpu.memory_space<vmem>>) target(%dma_start3A_370 : memref<1024x16xf32, #tpu.memory_space<hbm>>) target_semaphore(%arg19 : memref<!tpu.dma_semaphore, #tpu.memory_space<semaphore_mem>>)
    %add3A_371 = arith.constant 192 : i32
    %add3A_372 = arith.addi %mul3A_2, %add3A_371 : i32
    %mul3A_373 = arith.constant 128 : i32
    %mul3A_374 = arith.muli %add3A_372, %mul3A_373 : i32
    %multiple_of3A_375 = tpu.assume_multiple %mul3A_374, 1024 : i32
    %dma_wait3A_376 = arith.constant 0 : i32
    %dma_wait3A_377 = tpu.memref_slice %arg5[%multiple_of3A_375, %dma_wait3A_376] : memref<819200x16xf32, #tpu.memory_space<hbm>> -> memref<1024x16xf32, #tpu.memory_space<hbm>>
    %dma_wait3A_378 = arith.constant 0 : i32
    %dma_wait3A_379 = tpu.memref_slice %arg5[%multiple_of3A_375, %dma_wait3A_378] : memref<819200x16xf32, #tpu.memory_space<hbm>> -> memref<1024x16xf32, #tpu.memory_space<hbm>>
    tpu.wait_dma2 semaphore(%arg19 : memref<!tpu.dma_semaphore, #tpu.memory_space<semaphore_mem>>) src(%arg11 : memref<1024x16xf32, #tpu.memory_space<vmem>>) dst(%dma_wait3A_379 : memref<1024x16xf32, #tpu.memory_space<hbm>>)
    %dma_wait3A_380 = arith.constant 0 : i32
    %dma_wait3A_381 = tpu.memref_slice %arg6[%multiple_of3A_375, %dma_wait3A_380] : memref<819200x16xf32, #tpu.memory_space<hbm>> -> memref<1024x16xf32, #tpu.memory_space<hbm>>
    %dma_wait3A_382 = arith.constant 0 : i32
    %dma_wait3A_383 = tpu.memref_slice %arg6[%multiple_of3A_375, %dma_wait3A_382] : memref<819200x16xf32, #tpu.memory_space<hbm>> -> memref<1024x16xf32, #tpu.memory_space<hbm>>
    tpu.wait_dma2 semaphore(%arg19 : memref<!tpu.dma_semaphore, #tpu.memory_space<semaphore_mem>>) src(%arg12 : memref<1024x16xf32, #tpu.memory_space<vmem>>) dst(%dma_wait3A_383 : memref<1024x16xf32, #tpu.memory_space<hbm>>)
    %add3A_384 = arith.constant 184 : i32
    %add3A_385 = arith.addi %mul3A_2, %add3A_384 : i32
    %mul3A_386 = arith.constant 128 : i32
    %mul3A_387 = arith.muli %add3A_385, %mul3A_386 : i32
    %multiple_of3A_388 = tpu.assume_multiple %mul3A_387, 1024 : i32
    %dma_wait3A_389 = arith.constant 0 : i32
    %dma_wait3A_390 = tpu.memref_slice %arg5[%multiple_of3A_388, %dma_wait3A_389] : memref<819200x16xf32, #tpu.memory_space<hbm>> -> memref<1024x16xf32, #tpu.memory_space<hbm>>
    %dma_wait3A_391 = arith.constant 0 : i32
    %dma_wait3A_392 = tpu.memref_slice %arg5[%multiple_of3A_388, %dma_wait3A_391] : memref<819200x16xf32, #tpu.memory_space<hbm>> -> memref<1024x16xf32, #tpu.memory_space<hbm>>
    tpu.wait_dma2 semaphore(%arg20 : memref<!tpu.dma_semaphore, #tpu.memory_space<semaphore_mem>>) src(%arg13 : memref<1024x16xf32, #tpu.memory_space<vmem>>) dst(%dma_wait3A_392 : memref<1024x16xf32, #tpu.memory_space<hbm>>)
    %dma_wait3A_393 = arith.constant 0 : i32
    %dma_wait3A_394 = tpu.memref_slice %arg6[%multiple_of3A_388, %dma_wait3A_393] : memref<819200x16xf32, #tpu.memory_space<hbm>> -> memref<1024x16xf32, #tpu.memory_space<hbm>>
    %dma_wait3A_395 = arith.constant 0 : i32
    %dma_wait3A_396 = tpu.memref_slice %arg6[%multiple_of3A_388, %dma_wait3A_395] : memref<819200x16xf32, #tpu.memory_space<hbm>> -> memref<1024x16xf32, #tpu.memory_space<hbm>>
    tpu.wait_dma2 semaphore(%arg20 : memref<!tpu.dma_semaphore, #tpu.memory_space<semaphore_mem>>) src(%arg14 : memref<1024x16xf32, #tpu.memory_space<vmem>>) dst(%dma_wait3A_396 : memref<1024x16xf32, #tpu.memory_space<hbm>>)
    return
  }
}

module attributes {stable_mosaic.version = 14 : i64} {
  func.func @_mlp_body(%arg0: i32, %arg1: memref<1024x128xf32, #tpu.memory_space<vmem>>, %arg2: memref<1024x128xf32, #tpu.memory_space<vmem>>, %arg3: memref<1x1x8192xf32, #tpu.memory_space<vmem>>, %arg4: memref<1x1x8192xf32, #tpu.memory_space<vmem>>, %arg5: memref<16x64xf32, #tpu.memory_space<vmem>>, %arg6: memref<16x64xf32, #tpu.memory_space<vmem>>, %arg7: memref<1x64xf32, #tpu.memory_space<vmem>>, %arg8: memref<1x64xf32, #tpu.memory_space<vmem>>, %arg9: memref<64x64xf32, #tpu.memory_space<vmem>>, %arg10: memref<1x64xf32, #tpu.memory_space<vmem>>, %arg11: memref<64x64xf32, #tpu.memory_space<vmem>>, %arg12: memref<1x64xf32, #tpu.memory_space<vmem>>, %arg13: memref<1x64xf32, #tpu.memory_space<vmem>>, %arg14: memref<1x1x8192xf32, #tpu.memory_space<vmem>>) attributes {dimension_semantics = [#tpu.dimension_semantics<arbitrary>], iteration_bounds = array<i64: 100>, scalar_prefetch = 0 : i64, scratch_operands = 0 : i64, tpu.core_type = #tpu.core_type<tc>, window_params = [{transform_indices = @transform_0, window_bounds = array<i64: 1024, 128>}, {transform_indices = @transform_1, window_bounds = array<i64: 1024, 128>}, {transform_indices = @transform_2, window_bounds = array<i64: 1, 1, 8192>}, {transform_indices = @transform_3, window_bounds = array<i64: 1, 1, 8192>}, {pipeline_mode = #tpu.pipeline_mode<synchronous>, transform_indices = @transform_4, window_bounds = array<i64: 16, 64>}, {pipeline_mode = #tpu.pipeline_mode<synchronous>, transform_indices = @transform_5, window_bounds = array<i64: 16, 64>}, {pipeline_mode = #tpu.pipeline_mode<synchronous>, transform_indices = @transform_6, window_bounds = array<i64: 1, 64>}, {pipeline_mode = #tpu.pipeline_mode<synchronous>, transform_indices = @transform_7, window_bounds = array<i64: 1, 64>}, {pipeline_mode = #tpu.pipeline_mode<synchronous>, transform_indices = @transform_8, window_bounds = array<i64: 64, 64>}, {pipeline_mode = #tpu.pipeline_mode<synchronous>, transform_indices = @transform_9, window_bounds = array<i64: 1, 64>}, {pipeline_mode = #tpu.pipeline_mode<synchronous>, transform_indices = @transform_10, window_bounds = array<i64: 64, 64>}, {pipeline_mode = #tpu.pipeline_mode<synchronous>, transform_indices = @transform_11, window_bounds = array<i64: 1, 64>}, {pipeline_mode = #tpu.pipeline_mode<synchronous>, transform_indices = @transform_12, window_bounds = array<i64: 1, 64>}, {transform_indices = @transform_13, window_bounds = array<i64: 1, 1, 8192>}]} {
    %get3A = arith.constant 0 : index
    %get3A_0 = arith.constant 0 : index
    %get3A_1 = vector.load %arg1[%get3A, %get3A_0] : memref<1024x128xf32, #tpu.memory_space<vmem>>, vector<1024x16xf32>
    %get3A_2 = arith.constant 0 : index
    %get3A_3 = arith.constant 0 : index
    %get3A_4 = vector.load %arg2[%get3A_2, %get3A_3] : memref<1024x128xf32, #tpu.memory_space<vmem>>, vector<1024x16xf32>
    %get3A_5 = arith.constant 0 : index
    %get3A_6 = arith.constant 0 : index
    %get3A_7 = vector.load %arg5[%get3A_5, %get3A_6] : memref<16x64xf32, #tpu.memory_space<vmem>>, vector<16x64xf32>
    %dot_general3A = arith.constant dense<0.000000e+00> : vector<1024x64xf32>
    %dot_general3A_8 = tpu.matmul %get3A_1, %get3A_7, %dot_general3A {dimension_numbers = #tpu.dot_dimension_numbers<[1], [0], [0], [1], [0, 0, 1, 1], [], []>, transpose_lhs_hint = false} : vector<1024x16xf32>, vector<16x64xf32>, vector<1024x64xf32> -> vector<1024x64xf32>
    %get3A_9 = arith.constant 0 : index
    %get3A_10 = arith.constant 0 : index
    %get3A_11 = vector.load %arg6[%get3A_9, %get3A_10] : memref<16x64xf32, #tpu.memory_space<vmem>>, vector<16x64xf32>
    %dot_general3A_12 = arith.constant dense<0.000000e+00> : vector<1024x64xf32>
    %dot_general3A_13 = tpu.matmul %get3A_4, %get3A_11, %dot_general3A_12 {dimension_numbers = #tpu.dot_dimension_numbers<[1], [0], [0], [1], [0, 0, 1, 1], [], []>, transpose_lhs_hint = false} : vector<1024x16xf32>, vector<16x64xf32>, vector<1024x64xf32> -> vector<1024x64xf32>
    %add3A = arith.addf %dot_general3A_8, %dot_general3A_13 : vector<1024x64xf32>
    %get3A_14 = arith.constant 0 : index
    %get3A_15 = arith.constant 16 : index
    %get3A_16 = vector.load %arg1[%get3A_14, %get3A_15] : memref<1024x128xf32, #tpu.memory_space<vmem>>, vector<1024x16xf32>
    %get3A_17 = arith.constant 0 : index
    %get3A_18 = arith.constant 16 : index
    %get3A_19 = vector.load %arg2[%get3A_17, %get3A_18] : memref<1024x128xf32, #tpu.memory_space<vmem>>, vector<1024x16xf32>
    %get3A_20 = arith.constant 0 : index
    %get3A_21 = arith.constant 0 : index
    %get3A_22 = vector.load %arg5[%get3A_20, %get3A_21] : memref<16x64xf32, #tpu.memory_space<vmem>>, vector<16x64xf32>
    %dot_general3A_23 = arith.constant dense<0.000000e+00> : vector<1024x64xf32>
    %dot_general3A_24 = tpu.matmul %get3A_16, %get3A_22, %dot_general3A_23 {dimension_numbers = #tpu.dot_dimension_numbers<[1], [0], [0], [1], [0, 0, 1, 1], [], []>, transpose_lhs_hint = false} : vector<1024x16xf32>, vector<16x64xf32>, vector<1024x64xf32> -> vector<1024x64xf32>
    %get3A_25 = arith.constant 0 : index
    %get3A_26 = arith.constant 0 : index
    %get3A_27 = vector.load %arg6[%get3A_25, %get3A_26] : memref<16x64xf32, #tpu.memory_space<vmem>>, vector<16x64xf32>
    %dot_general3A_28 = arith.constant dense<0.000000e+00> : vector<1024x64xf32>
    %dot_general3A_29 = tpu.matmul %get3A_19, %get3A_27, %dot_general3A_28 {dimension_numbers = #tpu.dot_dimension_numbers<[1], [0], [0], [1], [0, 0, 1, 1], [], []>, transpose_lhs_hint = false} : vector<1024x16xf32>, vector<16x64xf32>, vector<1024x64xf32> -> vector<1024x64xf32>
    %add3A_30 = arith.addf %dot_general3A_24, %dot_general3A_29 : vector<1024x64xf32>
    %get3A_31 = arith.constant 0 : index
    %get3A_32 = arith.constant 32 : index
    %get3A_33 = vector.load %arg1[%get3A_31, %get3A_32] : memref<1024x128xf32, #tpu.memory_space<vmem>>, vector<1024x16xf32>
    %get3A_34 = arith.constant 0 : index
    %get3A_35 = arith.constant 32 : index
    %get3A_36 = vector.load %arg2[%get3A_34, %get3A_35] : memref<1024x128xf32, #tpu.memory_space<vmem>>, vector<1024x16xf32>
    %get3A_37 = arith.constant 0 : index
    %get3A_38 = arith.constant 0 : index
    %get3A_39 = vector.load %arg5[%get3A_37, %get3A_38] : memref<16x64xf32, #tpu.memory_space<vmem>>, vector<16x64xf32>
    %dot_general3A_40 = arith.constant dense<0.000000e+00> : vector<1024x64xf32>
    %dot_general3A_41 = tpu.matmul %get3A_33, %get3A_39, %dot_general3A_40 {dimension_numbers = #tpu.dot_dimension_numbers<[1], [0], [0], [1], [0, 0, 1, 1], [], []>, transpose_lhs_hint = false} : vector<1024x16xf32>, vector<16x64xf32>, vector<1024x64xf32> -> vector<1024x64xf32>
    %get3A_42 = arith.constant 0 : index
    %get3A_43 = arith.constant 0 : index
    %get3A_44 = vector.load %arg6[%get3A_42, %get3A_43] : memref<16x64xf32, #tpu.memory_space<vmem>>, vector<16x64xf32>
    %dot_general3A_45 = arith.constant dense<0.000000e+00> : vector<1024x64xf32>
    %dot_general3A_46 = tpu.matmul %get3A_36, %get3A_44, %dot_general3A_45 {dimension_numbers = #tpu.dot_dimension_numbers<[1], [0], [0], [1], [0, 0, 1, 1], [], []>, transpose_lhs_hint = false} : vector<1024x16xf32>, vector<16x64xf32>, vector<1024x64xf32> -> vector<1024x64xf32>
    %add3A_47 = arith.addf %dot_general3A_41, %dot_general3A_46 : vector<1024x64xf32>
    %get3A_48 = arith.constant 0 : index
    %get3A_49 = arith.constant 48 : index
    %get3A_50 = vector.load %arg1[%get3A_48, %get3A_49] : memref<1024x128xf32, #tpu.memory_space<vmem>>, vector<1024x16xf32>
    %get3A_51 = arith.constant 0 : index
    %get3A_52 = arith.constant 48 : index
    %get3A_53 = vector.load %arg2[%get3A_51, %get3A_52] : memref<1024x128xf32, #tpu.memory_space<vmem>>, vector<1024x16xf32>
    %get3A_54 = arith.constant 0 : index
    %get3A_55 = arith.constant 0 : index
    %get3A_56 = vector.load %arg5[%get3A_54, %get3A_55] : memref<16x64xf32, #tpu.memory_space<vmem>>, vector<16x64xf32>
    %dot_general3A_57 = arith.constant dense<0.000000e+00> : vector<1024x64xf32>
    %dot_general3A_58 = tpu.matmul %get3A_50, %get3A_56, %dot_general3A_57 {dimension_numbers = #tpu.dot_dimension_numbers<[1], [0], [0], [1], [0, 0, 1, 1], [], []>, transpose_lhs_hint = false} : vector<1024x16xf32>, vector<16x64xf32>, vector<1024x64xf32> -> vector<1024x64xf32>
    %get3A_59 = arith.constant 0 : index
    %get3A_60 = arith.constant 0 : index
    %get3A_61 = vector.load %arg6[%get3A_59, %get3A_60] : memref<16x64xf32, #tpu.memory_space<vmem>>, vector<16x64xf32>
    %dot_general3A_62 = arith.constant dense<0.000000e+00> : vector<1024x64xf32>
    %dot_general3A_63 = tpu.matmul %get3A_53, %get3A_61, %dot_general3A_62 {dimension_numbers = #tpu.dot_dimension_numbers<[1], [0], [0], [1], [0, 0, 1, 1], [], []>, transpose_lhs_hint = false} : vector<1024x16xf32>, vector<16x64xf32>, vector<1024x64xf32> -> vector<1024x64xf32>
    %add3A_64 = arith.addf %dot_general3A_58, %dot_general3A_63 : vector<1024x64xf32>
    %get3A_65 = arith.constant 0 : index
    %get3A_66 = arith.constant 64 : index
    %get3A_67 = vector.load %arg1[%get3A_65, %get3A_66] : memref<1024x128xf32, #tpu.memory_space<vmem>>, vector<1024x16xf32>
    %get3A_68 = arith.constant 0 : index
    %get3A_69 = arith.constant 64 : index
    %get3A_70 = vector.load %arg2[%get3A_68, %get3A_69] : memref<1024x128xf32, #tpu.memory_space<vmem>>, vector<1024x16xf32>
    %get3A_71 = arith.constant 0 : index
    %get3A_72 = arith.constant 0 : index
    %get3A_73 = vector.load %arg5[%get3A_71, %get3A_72] : memref<16x64xf32, #tpu.memory_space<vmem>>, vector<16x64xf32>
    %dot_general3A_74 = arith.constant dense<0.000000e+00> : vector<1024x64xf32>
    %dot_general3A_75 = tpu.matmul %get3A_67, %get3A_73, %dot_general3A_74 {dimension_numbers = #tpu.dot_dimension_numbers<[1], [0], [0], [1], [0, 0, 1, 1], [], []>, transpose_lhs_hint = false} : vector<1024x16xf32>, vector<16x64xf32>, vector<1024x64xf32> -> vector<1024x64xf32>
    %get3A_76 = arith.constant 0 : index
    %get3A_77 = arith.constant 0 : index
    %get3A_78 = vector.load %arg6[%get3A_76, %get3A_77] : memref<16x64xf32, #tpu.memory_space<vmem>>, vector<16x64xf32>
    %dot_general3A_79 = arith.constant dense<0.000000e+00> : vector<1024x64xf32>
    %dot_general3A_80 = tpu.matmul %get3A_70, %get3A_78, %dot_general3A_79 {dimension_numbers = #tpu.dot_dimension_numbers<[1], [0], [0], [1], [0, 0, 1, 1], [], []>, transpose_lhs_hint = false} : vector<1024x16xf32>, vector<16x64xf32>, vector<1024x64xf32> -> vector<1024x64xf32>
    %add3A_81 = arith.addf %dot_general3A_75, %dot_general3A_80 : vector<1024x64xf32>
    %get3A_82 = arith.constant 0 : index
    %get3A_83 = arith.constant 80 : index
    %get3A_84 = vector.load %arg1[%get3A_82, %get3A_83] : memref<1024x128xf32, #tpu.memory_space<vmem>>, vector<1024x16xf32>
    %get3A_85 = arith.constant 0 : index
    %get3A_86 = arith.constant 80 : index
    %get3A_87 = vector.load %arg2[%get3A_85, %get3A_86] : memref<1024x128xf32, #tpu.memory_space<vmem>>, vector<1024x16xf32>
    %get3A_88 = arith.constant 0 : index
    %get3A_89 = arith.constant 0 : index
    %get3A_90 = vector.load %arg5[%get3A_88, %get3A_89] : memref<16x64xf32, #tpu.memory_space<vmem>>, vector<16x64xf32>
    %dot_general3A_91 = arith.constant dense<0.000000e+00> : vector<1024x64xf32>
    %dot_general3A_92 = tpu.matmul %get3A_84, %get3A_90, %dot_general3A_91 {dimension_numbers = #tpu.dot_dimension_numbers<[1], [0], [0], [1], [0, 0, 1, 1], [], []>, transpose_lhs_hint = false} : vector<1024x16xf32>, vector<16x64xf32>, vector<1024x64xf32> -> vector<1024x64xf32>
    %get3A_93 = arith.constant 0 : index
    %get3A_94 = arith.constant 0 : index
    %get3A_95 = vector.load %arg6[%get3A_93, %get3A_94] : memref<16x64xf32, #tpu.memory_space<vmem>>, vector<16x64xf32>
    %dot_general3A_96 = arith.constant dense<0.000000e+00> : vector<1024x64xf32>
    %dot_general3A_97 = tpu.matmul %get3A_87, %get3A_95, %dot_general3A_96 {dimension_numbers = #tpu.dot_dimension_numbers<[1], [0], [0], [1], [0, 0, 1, 1], [], []>, transpose_lhs_hint = false} : vector<1024x16xf32>, vector<16x64xf32>, vector<1024x64xf32> -> vector<1024x64xf32>
    %add3A_98 = arith.addf %dot_general3A_92, %dot_general3A_97 : vector<1024x64xf32>
    %get3A_99 = arith.constant 0 : index
    %get3A_100 = arith.constant 96 : index
    %get3A_101 = vector.load %arg1[%get3A_99, %get3A_100] : memref<1024x128xf32, #tpu.memory_space<vmem>>, vector<1024x16xf32>
    %get3A_102 = arith.constant 0 : index
    %get3A_103 = arith.constant 96 : index
    %get3A_104 = vector.load %arg2[%get3A_102, %get3A_103] : memref<1024x128xf32, #tpu.memory_space<vmem>>, vector<1024x16xf32>
    %get3A_105 = arith.constant 0 : index
    %get3A_106 = arith.constant 0 : index
    %get3A_107 = vector.load %arg5[%get3A_105, %get3A_106] : memref<16x64xf32, #tpu.memory_space<vmem>>, vector<16x64xf32>
    %dot_general3A_108 = arith.constant dense<0.000000e+00> : vector<1024x64xf32>
    %dot_general3A_109 = tpu.matmul %get3A_101, %get3A_107, %dot_general3A_108 {dimension_numbers = #tpu.dot_dimension_numbers<[1], [0], [0], [1], [0, 0, 1, 1], [], []>, transpose_lhs_hint = false} : vector<1024x16xf32>, vector<16x64xf32>, vector<1024x64xf32> -> vector<1024x64xf32>
    %get3A_110 = arith.constant 0 : index
    %get3A_111 = arith.constant 0 : index
    %get3A_112 = vector.load %arg6[%get3A_110, %get3A_111] : memref<16x64xf32, #tpu.memory_space<vmem>>, vector<16x64xf32>
    %dot_general3A_113 = arith.constant dense<0.000000e+00> : vector<1024x64xf32>
    %dot_general3A_114 = tpu.matmul %get3A_104, %get3A_112, %dot_general3A_113 {dimension_numbers = #tpu.dot_dimension_numbers<[1], [0], [0], [1], [0, 0, 1, 1], [], []>, transpose_lhs_hint = false} : vector<1024x16xf32>, vector<16x64xf32>, vector<1024x64xf32> -> vector<1024x64xf32>
    %add3A_115 = arith.addf %dot_general3A_109, %dot_general3A_114 : vector<1024x64xf32>
    %get3A_116 = arith.constant 0 : index
    %get3A_117 = arith.constant 112 : index
    %get3A_118 = vector.load %arg1[%get3A_116, %get3A_117] : memref<1024x128xf32, #tpu.memory_space<vmem>>, vector<1024x16xf32>
    %get3A_119 = arith.constant 0 : index
    %get3A_120 = arith.constant 112 : index
    %get3A_121 = vector.load %arg2[%get3A_119, %get3A_120] : memref<1024x128xf32, #tpu.memory_space<vmem>>, vector<1024x16xf32>
    %get3A_122 = arith.constant 0 : index
    %get3A_123 = arith.constant 0 : index
    %get3A_124 = vector.load %arg5[%get3A_122, %get3A_123] : memref<16x64xf32, #tpu.memory_space<vmem>>, vector<16x64xf32>
    %dot_general3A_125 = arith.constant dense<0.000000e+00> : vector<1024x64xf32>
    %dot_general3A_126 = tpu.matmul %get3A_118, %get3A_124, %dot_general3A_125 {dimension_numbers = #tpu.dot_dimension_numbers<[1], [0], [0], [1], [0, 0, 1, 1], [], []>, transpose_lhs_hint = false} : vector<1024x16xf32>, vector<16x64xf32>, vector<1024x64xf32> -> vector<1024x64xf32>
    %get3A_127 = arith.constant 0 : index
    %get3A_128 = arith.constant 0 : index
    %get3A_129 = vector.load %arg6[%get3A_127, %get3A_128] : memref<16x64xf32, #tpu.memory_space<vmem>>, vector<16x64xf32>
    %dot_general3A_130 = arith.constant dense<0.000000e+00> : vector<1024x64xf32>
    %dot_general3A_131 = tpu.matmul %get3A_121, %get3A_129, %dot_general3A_130 {dimension_numbers = #tpu.dot_dimension_numbers<[1], [0], [0], [1], [0, 0, 1, 1], [], []>, transpose_lhs_hint = false} : vector<1024x16xf32>, vector<16x64xf32>, vector<1024x64xf32> -> vector<1024x64xf32>
    %add3A_132 = arith.addf %dot_general3A_126, %dot_general3A_131 : vector<1024x64xf32>
    %get3A_133 = arith.constant 0 : index
    %get3A_134 = arith.constant 0 : index
    %get3A_135 = arith.constant 0 : index
    %get3A_136 = vector.load %arg3[%get3A_133, %get3A_134, %get3A_135] : memref<1x1x8192xf32, #tpu.memory_space<vmem>>, vector<1x1x8192xf32>
    %reshape3A = vector.shape_cast %get3A_136 : vector<1x1x8192xf32> to vector<1x8192xf32>
    %get3A_137 = arith.constant 0 : index
    %get3A_138 = arith.constant 0 : index
    %get3A_139 = vector.load %arg7[%get3A_137, %get3A_138] : memref<1x64xf32, #tpu.memory_space<vmem>>, vector<1x64xf32>
    %dot_general3A_140 = arith.constant dense<0.000000e+00> : vector<8192x64xf32>
    %dot_general3A_141 = tpu.matmul %reshape3A, %get3A_139, %dot_general3A_140 {dimension_numbers = #tpu.dot_dimension_numbers<[0], [0], [1], [1], [0, 1, 1, 1], [], []>, transpose_lhs_hint = false} : vector<1x8192xf32>, vector<1x64xf32>, vector<8192x64xf32> -> vector<8192x64xf32>
    %concatenate3A = tpu.concatenate %add3A, %add3A_30, %add3A_47, %add3A_64, %add3A_81, %add3A_98, %add3A_115, %add3A_132 in 0 : vector<1024x64xf32>, vector<1024x64xf32>, vector<1024x64xf32>, vector<1024x64xf32>, vector<1024x64xf32>, vector<1024x64xf32>, vector<1024x64xf32>, vector<1024x64xf32> -> vector<8192x64xf32>
    %get3A_142 = arith.constant 0 : index
    %get3A_143 = arith.constant 0 : index
    %get3A_144 = vector.load %arg8[%get3A_142, %get3A_143] : memref<1x64xf32, #tpu.memory_space<vmem>>, vector<1x64xf32>
    %add3A_145 = vector.broadcast %get3A_144 : vector<1x64xf32> to vector<8192x64xf32>
    %add3A_146 = arith.addf %dot_general3A_141, %add3A_145 : vector<8192x64xf32>
    %add3A_147 = arith.addf %concatenate3A, %add3A_146 : vector<8192x64xf32>
    %mul3A = arith.constant 5.000000e-01 : f32
    %mul3A_148 = vector.broadcast %mul3A : f32 to vector<8192x64xf32>
    %mul3A_149 = arith.mulf %mul3A_148, %add3A_147 : vector<8192x64xf32>
    %mul3A_150 = arith.constant 0.707106769 : f32
    %mul3A_151 = vector.broadcast %mul3A_150 : f32 to vector<8192x64xf32>
    %mul3A_152 = arith.mulf %add3A_147, %mul3A_151 : vector<8192x64xf32>
    %erf3A = math.erf %mul3A_152 : vector<8192x64xf32>
    %add3A_153 = arith.constant 1.000000e+00 : f32
    %add3A_154 = vector.broadcast %add3A_153 : f32 to vector<8192x64xf32>
    %add3A_155 = arith.addf %add3A_154, %erf3A : vector<8192x64xf32>
    %mul3A_156 = arith.mulf %mul3A_149, %add3A_155 : vector<8192x64xf32>
    %get3A_157 = arith.constant 0 : index
    %get3A_158 = arith.constant 0 : index
    %get3A_159 = vector.load %arg9[%get3A_157, %get3A_158] : memref<64x64xf32, #tpu.memory_space<vmem>>, vector<64x64xf32>
    %dot_general3A_160 = arith.constant dense<0.000000e+00> : vector<8192x64xf32>
    %dot_general3A_161 = tpu.matmul %mul3A_156, %get3A_159, %dot_general3A_160 {dimension_numbers = #tpu.dot_dimension_numbers<[1], [0], [0], [1], [0, 0, 1, 1], [], []>, transpose_lhs_hint = false} : vector<8192x64xf32>, vector<64x64xf32>, vector<8192x64xf32> -> vector<8192x64xf32>
    %get3A_162 = arith.constant 0 : index
    %get3A_163 = arith.constant 0 : index
    %get3A_164 = vector.load %arg10[%get3A_162, %get3A_163] : memref<1x64xf32, #tpu.memory_space<vmem>>, vector<1x64xf32>
    %add3A_165 = vector.broadcast %get3A_164 : vector<1x64xf32> to vector<8192x64xf32>
    %add3A_166 = arith.addf %dot_general3A_161, %add3A_165 : vector<8192x64xf32>
    %mul3A_167 = arith.constant 5.000000e-01 : f32
    %mul3A_168 = vector.broadcast %mul3A_167 : f32 to vector<8192x64xf32>
    %mul3A_169 = arith.mulf %mul3A_168, %add3A_166 : vector<8192x64xf32>
    %mul3A_170 = arith.constant 0.707106769 : f32
    %mul3A_171 = vector.broadcast %mul3A_170 : f32 to vector<8192x64xf32>
    %mul3A_172 = arith.mulf %add3A_166, %mul3A_171 : vector<8192x64xf32>
    %erf3A_173 = math.erf %mul3A_172 : vector<8192x64xf32>
    %add3A_174 = arith.constant 1.000000e+00 : f32
    %add3A_175 = vector.broadcast %add3A_174 : f32 to vector<8192x64xf32>
    %add3A_176 = arith.addf %add3A_175, %erf3A_173 : vector<8192x64xf32>
    %mul3A_177 = arith.mulf %mul3A_169, %add3A_176 : vector<8192x64xf32>
    %get3A_178 = arith.constant 0 : index
    %get3A_179 = arith.constant 0 : index
    %get3A_180 = vector.load %arg11[%get3A_178, %get3A_179] : memref<64x64xf32, #tpu.memory_space<vmem>>, vector<64x64xf32>
    %dot_general3A_181 = arith.constant dense<0.000000e+00> : vector<8192x64xf32>
    %dot_general3A_182 = tpu.matmul %mul3A_177, %get3A_180, %dot_general3A_181 {dimension_numbers = #tpu.dot_dimension_numbers<[1], [0], [0], [1], [0, 0, 1, 1], [], []>, transpose_lhs_hint = false} : vector<8192x64xf32>, vector<64x64xf32>, vector<8192x64xf32> -> vector<8192x64xf32>
    %get3A_183 = arith.constant 0 : index
    %get3A_184 = arith.constant 0 : index
    %get3A_185 = vector.load %arg12[%get3A_183, %get3A_184] : memref<1x64xf32, #tpu.memory_space<vmem>>, vector<1x64xf32>
    %add3A_186 = vector.broadcast %get3A_185 : vector<1x64xf32> to vector<8192x64xf32>
    %add3A_187 = arith.addf %dot_general3A_182, %add3A_186 : vector<8192x64xf32>
    %mul3A_188 = arith.constant 5.000000e-01 : f32
    %mul3A_189 = vector.broadcast %mul3A_188 : f32 to vector<8192x64xf32>
    %mul3A_190 = arith.mulf %mul3A_189, %add3A_187 : vector<8192x64xf32>
    %mul3A_191 = arith.constant 0.707106769 : f32
    %mul3A_192 = vector.broadcast %mul3A_191 : f32 to vector<8192x64xf32>
    %mul3A_193 = arith.mulf %add3A_187, %mul3A_192 : vector<8192x64xf32>
    %erf3A_194 = math.erf %mul3A_193 : vector<8192x64xf32>
    %add3A_195 = arith.constant 1.000000e+00 : f32
    %add3A_196 = vector.broadcast %add3A_195 : f32 to vector<8192x64xf32>
    %add3A_197 = arith.addf %add3A_196, %erf3A_194 : vector<8192x64xf32>
    %mul3A_198 = arith.mulf %mul3A_190, %add3A_197 : vector<8192x64xf32>
    %get3A_199 = arith.constant 0 : index
    %get3A_200 = arith.constant 0 : index
    %get3A_201 = vector.load %arg13[%get3A_199, %get3A_200] : memref<1x64xf32, #tpu.memory_space<vmem>>, vector<1x64xf32>
    %dot_general3A_202 = arith.constant dense<0.000000e+00> : vector<1x8192xf32>
    %dot_general3A_203 = tpu.matmul %get3A_201, %mul3A_198, %dot_general3A_202 {dimension_numbers = #tpu.dot_dimension_numbers<[1], [1], [0], [0], [0, 0, 1, 0], [], []>, transpose_lhs_hint = false} : vector<1x64xf32>, vector<8192x64xf32>, vector<1x8192xf32> -> vector<1x8192xf32>
    %get3A_204 = arith.constant 0 : index
    %get3A_205 = arith.constant 0 : index
    %get3A_206 = arith.constant 0 : index
    %get3A_207 = vector.load %arg4[%get3A_204, %get3A_205, %get3A_206] : memref<1x1x8192xf32, #tpu.memory_space<vmem>>, vector<1x1x8192xf32>
    %reshape3A_208 = vector.shape_cast %get3A_207 : vector<1x1x8192xf32> to vector<1x8192xf32>
    %gt3A = arith.cmpf ogt, %dot_general3A_203, %reshape3A_208 : vector<1x8192xf32>
    %convert_element_type3A = arith.extui %gt3A : vector<1x8192xi1> to vector<1x8192xi32>
    %convert_element_type3A_209 = arith.sitofp %convert_element_type3A : vector<1x8192xi32> to vector<1x8192xf32>
    %reshape3A_210 = vector.shape_cast %convert_element_type3A_209 : vector<1x8192xf32> to vector<1x1x8192xf32>
    %swap3A = arith.constant 0 : index
    %swap3A_211 = arith.constant 0 : index
    %swap3A_212 = arith.constant 0 : index
    %swap3A_213 = vector.load %arg14[%swap3A, %swap3A_211, %swap3A_212] : memref<1x1x8192xf32, #tpu.memory_space<vmem>>, vector<1x1x8192xf32>
    tpu.vector_store %arg14[%swap3A, %swap3A_211, %swap3A_212], %reshape3A_210 {strides = array<i32>} : memref<1x1x8192xf32, #tpu.memory_space<vmem>>, vector<1x1x8192xf32>,
    return
  }
  func.func @transform_0(%arg0: i32) -> (i32, i32) {
    %c0_i32 = arith.constant 0 : i32
    %c0_i32_0 = arith.constant 0 : i32
    return %arg0, %c0_i32 : i32, i32
  }
  func.func @transform_1(%arg0: i32) -> (i32, i32) {
    %c0_i32 = arith.constant 0 : i32
    %c0_i32_0 = arith.constant 0 : i32
    return %arg0, %c0_i32 : i32, i32
  }
  func.func @transform_2(%arg0: i32) -> (i32, i32, i32) {
    %c0_i32 = arith.constant 0 : i32
    %c0_i32_0 = arith.constant 0 : i32
    %c0_i32_1 = arith.constant 0 : i32
    return %arg0, %c0_i32, %c0_i32_0 : i32, i32, i32
  }
  func.func @transform_3(%arg0: i32) -> (i32, i32, i32) {
    %c0_i32 = arith.constant 0 : i32
    %c0_i32_0 = arith.constant 0 : i32
    %c0_i32_1 = arith.constant 0 : i32
    return %arg0, %c0_i32, %c0_i32_0 : i32, i32, i32
  }
  func.func @transform_4(%arg0: i32) -> (i32, i32) {
    %c0_i32 = arith.constant 0 : i32
    %c0_i32_0 = arith.constant 0 : i32
    %c0_i32_1 = arith.constant 0 : i32
    return %c0_i32, %c0_i32_0 : i32, i32
  }
  func.func @transform_5(%arg0: i32) -> (i32, i32) {
    %c0_i32 = arith.constant 0 : i32
    %c0_i32_0 = arith.constant 0 : i32
    %c0_i32_1 = arith.constant 0 : i32
    return %c0_i32, %c0_i32_0 : i32, i32
  }
  func.func @transform_6(%arg0: i32) -> (i32, i32) {
    %c0_i32 = arith.constant 0 : i32
    %c0_i32_0 = arith.constant 0 : i32
    %c0_i32_1 = arith.constant 0 : i32
    return %c0_i32, %c0_i32_0 : i32, i32
  }
  func.func @transform_7(%arg0: i32) -> (i32, i32) {
    %c0_i32 = arith.constant 0 : i32
    %c0_i32_0 = arith.constant 0 : i32
    %c0_i32_1 = arith.constant 0 : i32
    return %c0_i32, %c0_i32_0 : i32, i32
  }
  func.func @transform_8(%arg0: i32) -> (i32, i32) {
    %c0_i32 = arith.constant 0 : i32
    %c0_i32_0 = arith.constant 0 : i32
    %c0_i32_1 = arith.constant 0 : i32
    return %c0_i32, %c0_i32_0 : i32, i32
  }
  func.func @transform_9(%arg0: i32) -> (i32, i32) {
    %c0_i32 = arith.constant 0 : i32
    %c0_i32_0 = arith.constant 0 : i32
    %c0_i32_1 = arith.constant 0 : i32
    return %c0_i32, %c0_i32_0 : i32, i32
  }
  func.func @transform_10(%arg0: i32) -> (i32, i32) {
    %c0_i32 = arith.constant 0 : i32
    %c0_i32_0 = arith.constant 0 : i32
    %c0_i32_1 = arith.constant 0 : i32
    return %c0_i32, %c0_i32_0 : i32, i32
  }
  func.func @transform_11(%arg0: i32) -> (i32, i32) {
    %c0_i32 = arith.constant 0 : i32
    %c0_i32_0 = arith.constant 0 : i32
    %c0_i32_1 = arith.constant 0 : i32
    return %c0_i32, %c0_i32_0 : i32, i32
  }
  func.func @transform_12(%arg0: i32) -> (i32, i32) {
    %c0_i32 = arith.constant 0 : i32
    %c0_i32_0 = arith.constant 0 : i32
    %c0_i32_1 = arith.constant 0 : i32
    return %c0_i32, %c0_i32_0 : i32, i32
  }
  func.func @transform_13(%arg0: i32) -> (i32, i32, i32) {
    %c0_i32 = arith.constant 0 : i32
    %c0_i32_0 = arith.constant 0 : i32
    %c0_i32_1 = arith.constant 0 : i32
    return %arg0, %c0_i32, %c0_i32_0 : i32, i32, i32
  }
}

</mosaic_0001>

<sc_bundles>
// kernel: kernel.6.cloned.1.call-start
scs
__scs_entry_jumppad:
0x0: {  	(pc) =	sbr.rel $0x88, $3  }
0x1: {  	(tag) =	ssettag $0x0;
	lr =	simm.s32 $0x1  }
0x2: {  	[smem:$0x3F95] =	sst lr;
	_ =	strace $0xD0000000  }
0x3: {  	_ = 	snop  }
0x4: {  	_ = 	snop  }
0x5: {  	_ = 	snop  }
0x6: {  	_ = 	snop  }
0x7: {  	_ = 	snop  }
__scs_overlays_trampoline_lowered:
0x8: {  	[smem:$0x3FA4] =	sst s0  }
0x9: {  	[smem:$0x3FA5] =	sst s1  }
0xa: {  	[smem:$0x3FA6] =	sst s2  }
0xb: {  	[smem:$0x3FA7] =	sst s3  }
0xc: {  	[smem:$0x3FA8] =	sst s4  }
0xd: {  	[smem:$0x3FA9] =	sst s5  }
0xe: {  	[smem:$0x3FAA] =	sst s6  }
0xf: {  	[smem:$0x3FAB] =	sst s7  }
0x10: {  	[smem:$0x3FAC] =	sst s8  }
0x11: {  	[smem:$0x3FAD] =	sst s9;
	s0 =	simm.s32 @!p0 $0x0  }
0x12: {  	s1 =	sld [smem:$0x3F93];
	s0 =	simm.s32 @p0 $0x1  }
0x13: {  	[smem:$0x3FAE] =	sst s0;
	s0 =	simm.s32 @!p1 $0x0  }
0x14: {  	s2 =	sld [smem:$0x3F92];
	s0 =	simm.s32 @p1 $0x1  }
0x15: {  	[smem:$0x3FAF] =	sst s0;
	s0 =	simm.s32 @!p2 $0x0  }
0x16: {  	s3 =	sld [smem:$0x3FDB];
	s0 =	simm.s32 @p2 $0x1  }
0x17: {  	s4 =	simm.s32 $0x1BF5;
	[smem:$0x3FB1] =	sst s0  }
0x18: {  	s0 =	sld [smem:$0x3F94];
	_ =	swait.ge [sflag:s4], $0x0  }
0x19: {  	s7 =	sld [smem:$0x3F95]  }
0x1a: {  	s8 =	sadd.s32 $0xFFFFE003, lr  }
0x1b: {  	s9 =	sadd.s32 $0xFFFFFEF7, lr;
	s5 =	simm.s32 $0xFFFFFFFF;
	p2 =	slt.u32 s8, $0xFFFFF086  }
0x1c: {  	p1 =	slt.u32 s9, $0xF7A;
	s5 =	simm.s32 @!p2 $0x0  }
0x1d: {  	s5 =	simm.s32 @p1 $0x1;
	p0 =	seq.s32 s7, s2  }
0x1e: {  	s7 =	smul.u32 @!p0 $0xF7A, s2;
	p2 =	seq.s32 @!p0 s5, $0x0  }
0x1f: {  	s9 =	smul.u32 $0xF7A, s1;
	s8 =	simm.s32 @!p0 $0x1BF5;
	p2 =	por !p2, p0  }
0x20: {  	[sflag:s8] =	ssyncset.s32 @!p0 $0xFFFFF086;
	s6 =	sadd.s32 @!p0 s3, s7;
	s7 =	simm.s32 @!p0 $0x108  }
0x21: {  	s3 =	sadd.s32 s3, s9;
	s6 =	sadd.s32 @!p0 $0x88, s6;
	s7 =	simm.s32 @p2 $0x1082  }
0x22: {  	[simem:s7], [sflag:s8] =	dma.local @!p0 [hbm:s6], $0xF7A  }
0x23: {  	s9 =	sor.u32 $0xD0000000, s2;
	s6 =	simm.s32 $0x108;
	_ =	swait.ge @!p0 [sflag:s8], $0x0  }
0x24: {  	s3 =	sadd.s32 $0x88, s3;
	s6 =	simm.s32 @!p1 $0x1082;
	[sflag:s4] =	ssyncset.s32 $0xFFFFF086  }
0x25: {  	[simem:s6], [sflag:s4] =	dma.local [hbm:s3], $0xF7A  }
0x26: {  	[smem:$0x3F95] =	sst s1;
	(tag) =	ssettag s2;
	_ =	strace s9  }
0x27: {  	s1 =	sld [smem:$0x3FA5]  }
0x28: {  	s2 =	sld [smem:$0x3FA6]  }
0x29: {  	s4 =	sld [smem:$0x3FA8]  }
0x2a: {  	p0 =	seq.s32 s5, $0x0;
	s5 =	sld [smem:$0x3FA9]  }
0x2b: {  	s6 =	sld [smem:$0x3FAA]  }
0x2c: {  	s7 =	sld [smem:$0x3FAB]  }
0x2d: {  	s3 =	simm.s32 $0x108;
	s8 =	sld [smem:$0x3FAC]  }
0x2e: {  	s3 =	simm.s32 @!p0 $0x1082;
	s9 =	sld [smem:$0x3FAD]  }
0x2f: {  	lr =	sadd.s32 s0, s3;
	s0 =	sld [smem:$0x3FA4]  }
0x30: {  	s3 =	sld [smem:$0x3FA7]  }
0x31: {  	[smem:$0x3FB0] =	sst s10  }
0x32: {  	s10 =	sld [smem:$0x3FAE];
	_ =	sdelay $0x3  }
0x33: {  	p0 =	seq.s32 s10, $0x1;
	s10 =	sld [smem:$0x3FB0];
	_ =	sdelay $0x3  }
0x34: {  	[smem:$0x3FB0] =	sst s10  }
0x35: {  	s10 =	sld [smem:$0x3FAF];
	_ =	sdelay $0x3  }
0x36: {  	p1 =	seq.s32 s10, $0x1;
	s10 =	sld [smem:$0x3FB0];
	_ =	sdelay $0x3  }
0x37: {  	[smem:$0x3FB0] =	sst s10  }
0x38: {  	s10 =	sld [smem:$0x3FB1]  }
0x39: {  	_ = 	snop;
	(pc) =	sbr.ind lr, $3  }
0x3a: {  	_ = 	snop  }
0x3b: {  	_ = 	snop  }
0x3c: {  	p2 =	seq.s32 s10, $0x1;
	s10 =	sld [smem:$0x3FB0]  }
0x3d: {  	_ =	shalt  }
0x3e: {  	_ =	shalt  }
0x3f: {  	_ =	shalt  }
0x40: {  	_ =	shalt  }
0x41: {  	_ =	shalt  }
0x42: {  	_ =	shalt  }
0x43: {  	_ =	shalt  }
0x44: {  	_ =	shalt  }
0x45: {  	_ =	shalt  }
0x46: {  	_ =	shalt  }
0x47: {  	_ =	shalt  }
0x48: {  	_ =	shalt  }
0x49: {  	_ =	shalt  }
0x4a: {  	_ =	shalt  }
0x4b: {  	_ =	shalt  }
0x4c: {  	_ =	shalt  }
0x4d: {  	_ =	shalt  }
0x4e: {  	_ =	shalt  }
0x4f: {  	_ =	shalt  }
0x50: {  	_ =	shalt  }
0x51: {  	_ =	shalt  }
0x52: {  	_ =	shalt  }
0x53: {  	_ =	shalt  }
0x54: {  	_ =	shalt  }
0x55: {  	_ =	shalt  }
0x56: {  	_ =	shalt  }
0x57: {  	_ =	shalt  }
0x58: {  	_ =	shalt  }
0x59: {  	_ =	shalt  }
0x5a: {  	_ =	shalt  }
0x5b: {  	_ =	shalt  }
0x5c: {  	_ =	shalt  }
0x5d: {  	_ =	shalt  }
0x5e: {  	_ =	shalt  }
0x5f: {  	_ =	shalt  }
0x60: {  	_ =	shalt  }
0x61: {  	_ =	shalt  }
0x62: {  	_ =	shalt  }
0x63: {  	_ =	shalt  }
0x64: {  	_ =	shalt  }
0x65: {  	_ =	shalt  }
0x66: {  	_ =	shalt  }
0x67: {  	_ =	shalt  }
0x68: {  	_ =	shalt  }
0x69: {  	_ =	shalt  }
0x6a: {  	_ =	shalt  }
0x6b: {  	_ =	shalt  }
0x6c: {  	_ =	shalt  }
0x6d: {  	_ =	shalt  }
0x6e: {  	_ =	shalt  }
0x6f: {  	_ =	shalt  }
0x70: {  	_ =	shalt  }
0x71: {  	_ =	shalt  }
0x72: {  	_ =	shalt  }
0x73: {  	_ =	shalt  }
0x74: {  	_ =	shalt  }
0x75: {  	_ =	shalt  }
0x76: {  	_ =	shalt  }
0x77: {  	_ =	shalt  }
0x78: {  	_ =	shalt  }
0x79: {  	_ =	shalt  }
0x7a: {  	_ =	shalt  }
0x7b: {  	_ =	shalt  }
0x7c: {  	_ =	shalt  }
0x7d: {  	_ =	shalt  }
0x7e: {  	_ =	shalt  }
0x7f: {  	_ =	shalt  }
0x80: {  	_ =	shalt  }
0x81: {  	_ =	shalt  }
0x82: {  	_ =	shalt  }
0x83: {  	_ =	shalt  }
0x84: {  	_ =	shalt  }
0x85: {  	_ =	shalt  }
0x86: {  	_ =	shalt  }
0x87: {  	_ =	shalt  }
.Lfunc_end0:
.L_simem_size_0:
called_computation_lowered:
.L_overlay_start_0:
0x88: {  	s2 =	sld [smem:$0x3FD9]  }
0x89: {  	s3 =	sld [smem:$0x3FFE];
	_ =	sdelay $0x1  }
0x8a: {  	s1 =	srdreg.scid  }
0x8b: {  	s0 =	sand.u32 $0x1, s1  }
0x8c: {  	s17 =	sshll.u32 s0, $0xA;
	s2 =	sadd.s32 s3, s2  }
0x8d: {  	s2 =	sadd.s32 s2, s17  }
0x8e: {  	[smem:$0x3FBC] =	sst s2  }
0x8f: {  	_ = 	snop  }
0x90: {  	(tm) =	ssettm $0x1  }
0x91: {  	s18 =	sld [smem:$0x3FFB];
	_ =	sdelay $0x3  }
0x92: {  	_ =	strace s18  }
0x93: {  	s2 =	sld [smem:$0x3FFC];
	_ =	sdelay $0x3  }
0x94: {  	_ =	strace s2  }
0x95: {  	s2 =	sld [smem:$0x3FFD];
	_ =	sdelay $0x3  }
0x96: {  	_ =	strace s2  }
0x97: {  	_ =	strace $0x8FFFFFFF  }
0x98: {  	s19 =	sld [smem:$0x3FDB];
	_ =	sdelay $0x1  }
0x99: {  	s20 =	simm.s32 $_scs_section_size  }
0x9a: {  	s4 =	simm.s32 $_size__tile_overlayer_lowered;
	s5 =	simm.s32 $_tile_overlayer_lowered  }
0x9b: {  	s6 =	simm.s32 $0x1BFF;
	s21 =	sshll.u32 s5, $0x1;
	s3 =	sadd.s32 s20, s19  }
0x9c: {  	s22 =	simm.s32 $0x0;
	s4 =	sshll.u32 s4, $0x1;
	s5 =	sadd.s32 s21, s3  }
0x9d: {  	[timem:s22], [sflag:s6] =	dma.local [hbm:s5], s4  }
0x9e: {  	_ =	swait.ge [sflag:s6], s4  }
0x9f: {  	s4 =	ssub.s32 $0x0, s4;
	[sflag:s6] =	ssyncset.done $0x0  }
0xa0: {  	[sflag:s6] =	ssyncadd.s32 s4;
	_ =	sdelay $0x1  }
0xa1: {  	s23 =	simm.s32 $0x1B8B  }
0xa2: {  	_ =	swait.ge [sflag:s23], $0x1  }
0xa3: {  	[sflag:s23] =	ssyncset.done $0x0  }
0xa4: {  	[sflag:s23] =	ssyncadd.s32 $0xFFFFFFFF  }
0xa5: {  	s4 =	sld [smem:$0x0]  }
0xa6: {  	s5 =	sand.u32 $0xFFFFFFFE, s1  }
0xa7: {  	p0 =	sne.s32 s1, s5  }
0xa8: {  	s5 =	sshll.u32 @p0 s5, $0xE  }
0xa9: {  	s5 =	sadd.s32 @p0 $0x11B8D, s5;
	s6 =	sshll.u32 @p0 s4, $0x11  }
0xaa: {  	s5 =	sor.u32 @p0 s6, s5  }
0xab: {  	[sflag:s5] =	ssyncadd.remote.s32 @p0 $0x1;
	_ =	sdelay $0x1  }
0xac: {  	s5 =	simm.s32 @p0 $0x1B8D  }
0xad: {  	_ =	swait.eq @p0 [sflag:s5], $0x1  }
0xae: {  	[sflag:s5] =	ssyncadd.s32 @p0 $0xFFFFFFFF  }
0xaf: {  	s6 =	sshll.u32 @!p0 s1, $0xE  }
0xb0: {  	s6 =	sor.u32 @!p0 $0x4000, s6;
	s5 =	simm.s32 @!p0 $0x1B8D  }
0xb1: {  	s4 =	sshll.u32 @!p0 s4, $0x11;
	s6 =	sadd.s32 @!p0 $0x11B8D, s6;
	_ =	swait.eq @!p0 [sflag:s5], $0x1  }
0xb2: {  	s4 =	sor.u32 @!p0 s4, s6;
	[sflag:s5] =	ssyncadd.s32 @!p0 $0xFFFFFFFF  }
0xb3: {  	s25 =	simm.s32 $0x1B8E;
	s24 =	sld [smem:$0x3FFE];
	[sflag:s4] =	ssyncadd.remote.s32 @!p0 $0x1  }
0xb4: {  	s26 =	simm.s32 $execute0_lowered;
	[smem:$0x3FD2] =	sst s25  }
0xb5: {  	s5 =	sshll.u32 s26, $0x1;
	_ =	strace $0x80000049;
	[dreg:$0x1] =	wrdreg $0xFFFFFFFF  }
0xb6: {  	s28 =	simm.s32 $_size_execute0_lowered;
	s3 =	sadd.s32 s3, s5;
	[dreg:$0x0] =	wrdreg $0x0  }
0xb7: {  	s5 =	sshll.u32 s28, $0x1;
	[dreg:$0x2] =	wrdreg s3  }
0xb8: {  	[dreg:$0x3] =	wrdreg s5  }
0xb9: {  	[dreg:$0x4] =	wrdreg $0xC0  }
0xba: {  	_ =	task [dreg:s22], $0x5FFFF  }
0xbb: {  	[dreg:$0x1] =	wrdreg $0xFFFFFFFF  }
0xbc: {  	[dreg:$0x0] =	wrdreg $0x60  }
0xbd: {  	[dreg:$0x2] =	wrdreg s24  }
0xbe: {  	[dreg:$0x3] =	wrdreg $0x9  }
0xbf: {  	_ =	task.clear_ibuf [dreg:s22], $0x4FFFF;
	_ =	strace $0x90000049  }
0xc0: {  	s29 =	simm.s32 $0x9;
	_ =	strace $0x8000004B  }
0xc1: {  	_ =	swait.ge [sflag:s29], $0x1  }
0xc2: {  	[sflag:s29] =	ssyncadd.s32 $0xFFFFFFFF  }
0xc3: {  	_ =	strace $0x9000004B  }
0xc4: {  	_ =	sfence  }
0xc5: {  	s30 =	sld [smem:$0x0];
	_ =	sdelay $0x2  }
0xc6: {  	s31 =	sshll.u32 s1, $0xD;
	s1 =	sshrl.u32 s1, $0x2  }
0xc7: {  	s4 =	sand.u32 $0x4000, s31;
	s1 =	sadd.s32 s1, s30  }
0xc8: {  	s0 =	sor.u32 s4, s0;
	s1 =	sshll.u32 s1, $0x11  }
0xc9: {  	s0 =	sor.u32 s1, s0  }
0xca: {  	s0 =	sadd.s32 $0x8F2B, s0  }
0xcb: {  	[sflag:s0] =	ssyncadd.remote.s32 $0x1  }
0xcc: {  	_ =	sfence.sel $0xFFFF  }
0xcd: {  	[dreg:$0x0] =	wrdreg $0xFFFFFFFF;
	(pc) =	sbr.abs _section_cstart, $3  }
0xce: {  	[dreg:$0x1] =	wrdreg $0xFFFFFFFF  }
0xcf: {  	_ =	task.clear_ibuf [dreg:s22], $0x2FFFF;
	_ =	strace $0x9FFFFFFF  }
0xd0: {  	(tm) =	ssettm $0x7FFFFFFF  }
0xd1: {  	_ =	shalt  }
tec
execute0_lowered:
.L_overlay_start_1:
0x0: {  	(tag) =	ssettag $0x1  }
0x1: {  	s13 =	stileid.u32  }
0x2: {  	s0 =	rddreg [dreg:$0x0];
	s2 =	simm.s32 $0x0;
	s18 =	smul.u32 $0x19000, s13  }
0x3: {  	s1 =	srdreg.scid;
	s31 =	simm.s32 $0xB80;
	s20 =	smul.u32 $0xC8000, s13  }
0x4: {  	[smem:$0x7FF] =	sst s2;
	s1 =	sand.u32 $0x1, s1;
	s22 =	smul.u32 $0xC800, s13  }
0x5: {  	s6 =	sshll.u32 s13, $0x1;
	s5 =	sadd.s32 $0x36D400, s0;
	s19 =	smul.u32 $0xC800, s1  }
0x6: {  	s4 =	sadd.s32 $0x386400, s0;
	s7 =	sadd.s32 $0x39F400, s0;
	s14 =	smul.u32 $0x6400, s1  }
0x7: {  	s6 =	sor.u32 s1, s6;
	s8 =	ssub.s32 $0x2, s1;
	s1 =	smul.u32 $0x64000, s1  }
0x8: {  	s3 =	sadd.s32 $0x1C600, s0;
	s0 =	sadd.s32 $0x52F400, s0;
	s9 =	smul.u32 $0xC80, s6  }
0x9: {  	_ =	strace $0x8000004A;
	s10 =	sshrl.u32 s8, $0x1;
	s11 =	smul.u32 $0x6400, s6  }
0xa: {  	s6 =	smul.u32 $0x64000, s6;
	s23 =	sadd.s32 s18, s0;
	s24 =	sadd.s32 s18, s7  }
0xb: {  	s18 =	simm.s32 $0xC800;
	s8 =	ssub.s32 s8, s10;
	s25 =	sadd.s32 s14, s22  }
0xc: {  	s1 =	sadd.s32 s1, s20;
	s20 =	simm.s32 $0x400;
	s22 =	simm.s32 $0x80  }
0xd: {  	s10 =	simm.s32 $0x9000;
	s16 =	sadd.s32 s4, s9;
	s9 =	sadd.s32 s5, s9  }
0xe: {  	s17 =	sshrl.u32 s11, $0x3;
	s6 =	sshrl.u32 s6, $0x3;
	s8 =	smax.u32 s8, $0x1  }
0xf: {  	s1 =	sshrl.u32 s1, $0x3;
	s30 =	sadd.s32 $0x800, s25;
	[dreg:$0x2] =	wrdreg s16  }
0x10: {  	s11 =	simm.s32 $0xD000;
	[dreg:$0x3] =	wrdreg s9;
	s9 =	sadd.s32 $0x80, s17  }
0x11: {  	s6 =	sadd.s32 $0xC000, s6;
	[dreg:$0x8] =	wrdreg s8;
	s15 =	sadd.s32 s1, s0  }
0x12: {  	s16 =	sadd.s32 s1, s7;
	[dreg:$0xb] =	wrdreg s30;
	s12 =	sadd.s32 s4, s9  }
0x13: {  	s8 =	simm.s32 $0xC00;
	s9 =	sadd.s32 s5, s9;
	[dreg:$0x4] =	wrdreg s12  }
0x14: {  	s1 =	simm.s32 $0x1;
	s21 =	sadd.s32 s7, s6;
	[dreg:$0x5] =	wrdreg s9  }
0x15: {  	s6 =	sadd.s32 s0, s6;
	s7 =	simm.s32 $0x800;
	[dreg:$0x6] =	wrdreg s21  }
0x16: {  	s0 =	simm.s32 $0xF80;
	[dreg:$0x7] =	wrdreg s6;
	s6 =	sadd.s32 s19, s23  }
0x17: {  	s9 =	sadd.s32 $0xC00, s25;
	s21 =	simm.s32 $0x3;
	s23 =	simm.s32 $0x1000  }
.Ltmp0:
0x18: {  	s25 =	simm.s32 $0x5;
	s13 =	sadd.s32 $0x800, s6;
	(pc) =	sbr.rel .LBB2_1-.Ltmp0, $4  }
0x19: {  	s6 =	sadd.s32 s19, s24;
	s26 =	sshrl.u32 s9, $0x3;
	s24 =	simm.s32 $0x5000  }
0x1a: {  	s9 =	simm.s32 $0x4;
	s19 =	simm.s32 $0x10800;
	s28 =	sadd.s32 s26, s5  }
0x1b: {  	s14 =	sadd.s32 $0x800, s6;
	s29 =	sadd.s32 s26, s4;
	[dreg:$0x9] =	wrdreg s28  }
0x1c: {  	s6 =	simm.s32 $0x2;
	s26 =	simm.s32 $0x0;
	[dreg:$0xa] =	wrdreg s29  }
.LBB2_4:
0x1d: {  	_ =	swait.ge [sflag:s1], $0x800  }
0x1e: {  	[sflag:s1] =	ssyncset.done $0x0  }
0x1f: {  	[sflag:s1] =	ssyncadd.s32 $0xFFFFF800  }
0x20: {  	_ =	swait.ge [sflag:s1], $0x800  }
0x21: {  	[sflag:s1] =	ssyncset.done $0x0  }
0x22: {  	[sflag:s1] =	ssyncadd.s32 $0xFFFFF800  }
0x23: {  	_ =	swait.ge [sflag:s1], $0x800  }
0x24: {  	[sflag:s1] =	ssyncset.done $0x0  }
0x25: {  	[sflag:s1] =	ssyncadd.s32 $0xFFFFF800  }
0x26: {  	_ =	swait.ge [sflag:s1], $0x800  }
0x27: {  	[sflag:s1] =	ssyncset.done $0x0  }
0x28: {  	[sflag:s1] =	ssyncadd.s32 $0xFFFFF800  }
0x29: {  	_ =	swait.ge [sflag:s1], $0x800  }
0x2a: {  	[sflag:s1] =	ssyncset.done $0x0  }
0x2b: {  	[sflag:s1] =	ssyncadd.s32 $0xFFFFF800  }
0x2c: {  	_ =	swait.ge [sflag:s1], $0x800  }
0x2d: {  	[sflag:s1] =	ssyncset.done $0x0  }
0x2e: {  	[sflag:s1] =	ssyncadd.s32 $0xFFFFF800  }
0x2f: {  	_ =	swait.ge [sflag:s1], $0x800  }
0x30: {  	[sflag:s1] =	ssyncset.done $0x0  }
0x31: {  	[sflag:s1] =	ssyncadd.s32 $0xFFFFF800  }
0x32: {  	_ =	swait.ge [sflag:s1], $0x800  }
0x33: {  	[sflag:s1] =	ssyncset.done $0x0  }
0x34: {  	[sflag:s1] =	ssyncadd.s32 $0xFFFFF800  }
0x35: {  	_ =	swait.ge [sflag:s1], $0x800  }
0x36: {  	[sflag:s1] =	ssyncset.done $0x0  }
0x37: {  	[sflag:s1] =	ssyncadd.s32 $0xFFFFF800  }
0x38: {  	_ =	swait.ge [sflag:s1], $0x800  }
0x39: {  	[sflag:s1] =	ssyncset.done $0x0  }
0x3a: {  	[sflag:s1] =	ssyncadd.s32 $0xFFFFF800  }
0x3b: {  	_ =	swait.ge [sflag:s1], $0x800  }
0x3c: {  	[sflag:s1] =	ssyncset.done $0x0  }
0x3d: {  	[sflag:s1] =	ssyncadd.s32 $0xFFFFF800  }
0x3e: {  	_ =	swait.ge [sflag:s1], $0x800  }
0x3f: {  	[sflag:s1] =	ssyncset.done $0x0  }
0x40: {  	[sflag:s1] =	ssyncadd.s32 $0xFFFFF800  }
0x41: {  	_ =	swait.ge [sflag:s1], $0x800  }
0x42: {  	[sflag:s1] =	ssyncset.done $0x0  }
0x43: {  	[sflag:s1] =	ssyncadd.s32 $0xFFFFF800  }
0x44: {  	_ =	swait.ge [sflag:s1], $0x800  }
0x45: {  	[sflag:s1] =	ssyncset.done $0x0  }
0x46: {  	[sflag:s1] =	ssyncadd.s32 $0xFFFFF800  }
0x47: {  	_ =	swait.ge [sflag:s1], $0x800  }
0x48: {  	[sflag:s1] =	ssyncset.done $0x0  }
0x49: {  	[sflag:s1] =	ssyncadd.s32 $0xFFFFF800  }
0x4a: {  	_ =	swait.ge [sflag:s1], $0x800  }
0x4b: {  	[sflag:s1] =	ssyncset.done $0x0  }
0x4c: {  	s12 =	rddreg [dreg:$0x6];
	[sflag:s1] =	ssyncadd.s32 $0xFFFFF800  }
0x4d: {  	[hbm4b:s12+s2] =	stream.linear.scatter [tilespmem:s23], [sflag:$0x5], $0x4000, $0x38;
	[tilespmem:$0x11000] =	vst v63  }
0x4e: {  	s29 =	rddreg [dreg:$0x7]  }
0x4f: {  	[hbm4b:s29+s2] =	stream.linear.scatter [tilespmem:s24], [sflag:$0x5], $0x4000, $0x38;
	[tilespmem:$0x11000] =	vst v63  }
0x50: {  	_ =	swait.ge [sflag:s25], $0x4000  }
0x51: {  	[sflag:s25] =	ssyncset.done $0x0  }
0x52: {  	[sflag:s25] =	ssyncadd.s32 $0xFFFFC000  }
0x53: {  	_ =	swait.ge [sflag:s25], $0x4000  }
0x54: {  	[sflag:s25] =	ssyncset.done $0x0  }
0x55: {  	s17 =	simm.s32 $0x6;
	[sflag:s25] =	ssyncadd.s32 $0xFFFFC000  }
0x56: {  	_ =	swait.ge [sflag:s17], $0x4000  }
0x57: {  	[sflag:s17] =	ssyncset.done $0x0  }
0x58: {  	[sflag:s17] =	ssyncadd.s32 $0xFFFFC000  }
0x59: {  	_ =	swait.ge [sflag:s17], $0x4000  }
0x5a: {  	s26 =	rddreg [dreg:$0xc]  }
0x5b: {  	s30 =	rddreg [dreg:$0x8];
	s26 =	sadd.s32 $0x1, s26  }
0x5c: {  	p0 =	sne.s32 s26, s30  }
.Ltmp1:
0x5d: {  	_ = 	snop;
	(pc) =	sbr.rel @!p0 .LBB2_5-.Ltmp1, $3  }
0x5e: {  	_ =	sdelay $0x1  }
0x5f: {  	[sflag:s17] =	ssyncset.done $0x0  }
0x60: {  	[sflag:s17] =	ssyncadd.s32 $0xFFFFC000  }
.LBB2_1:
0x61: {  	[dreg:$0xc] =	wrdreg s26  }
0x62: {  	s12 =	rddreg [dreg:$0x2]  }
0x63: {  	[tilespmem:s2], [sflag:$0x3] =	stream.linear.gather [hbm4b:s12+s2], $0x400, $0x38;
	[tilespmem:$0x11000] =	vst v63  }
0x64: {  	s17 =	rddreg [dreg:$0x3]  }
0x65: {  	[tilespmem:s20], [sflag:$0x3] =	stream.linear.gather [hbm4b:s17+s2], $0x400, $0x38;
	[tilespmem:$0x11000] =	vst v63  }
0x66: {  	_ =	swait.ge [sflag:s21], $0x400  }
0x67: {  	[sflag:s21] =	ssyncset.done $0x0  }
0x68: {  	[sflag:s21] =	ssyncadd.s32 $0xFFFFFC00  }
0x69: {  	_ =	swait.ge [sflag:s21], $0x400  }
0x6a: {  	[sflag:s21] =	ssyncset.done $0x0  }
0x6b: {  	[sflag:s21] =	ssyncadd.s32 $0xFFFFFC00  }
0x6c: {  	[tilespmem:s23], [sflag:$0x1] =	stream.indirect.gather [hbm4b:s3+s22], $0x10, s2, s22, $0xb8;
	[tilespmem:$0x11000] =	vst v63  }
0x6d: {  	_ = 	snop  }
0x6e: {  	[tilespmem:s24], [sflag:$0x1] =	stream.indirect.gather [hbm4b:s3+s22], $0x10, s20, s22, $0xb8;
	[tilespmem:$0x11000] =	vst v63  }
0x6f: {  	s26 =	simm.s32 $0x1800  }
0x70: {  	[tilespmem:s26], [sflag:$0x1] =	stream.indirect.gather [hbm4b:s3+s22], $0x10, s22, s22, $0xb8;
	[tilespmem:$0x11000] =	vst v63  }
0x71: {  	s30 =	simm.s32 $0x480;
	s17 =	simm.s32 $0x5800  }
0x72: {  	[tilespmem:s17], [sflag:$0x1] =	stream.indirect.gather [hbm4b:s3+s22], $0x10, s30, s22, $0xb8;
	[tilespmem:$0x11000] =	vst v63  }
0x73: {  	s26 =	simm.s32 $0x100;
	s30 =	simm.s32 $0x2000  }
0x74: {  	[tilespmem:s30], [sflag:$0x1] =	stream.indirect.gather [hbm4b:s3+s22], $0x10, s26, s22, $0xb8;
	[tilespmem:$0x11000] =	vst v63  }
0x75: {  	s26 =	simm.s32 $0x500;
	s30 =	simm.s32 $0x6000  }
0x76: {  	[tilespmem:s30], [sflag:$0x1] =	stream.indirect.gather [hbm4b:s3+s22], $0x10, s26, s22, $0xb8;
	[tilespmem:$0x11000] =	vst v63  }
0x77: {  	s26 =	simm.s32 $0x180;
	s30 =	simm.s32 $0x2800  }
0x78: {  	[tilespmem:s30], [sflag:$0x1] =	stream.indirect.gather [hbm4b:s3+s22], $0x10, s26, s22, $0xb8;
	[tilespmem:$0x11000] =	vst v63  }
0x79: {  	s26 =	simm.s32 $0x580;
	s30 =	simm.s32 $0x6800  }
0x7a: {  	[tilespmem:s30], [sflag:$0x1] =	stream.indirect.gather [hbm4b:s3+s22], $0x10, s26, s22, $0xb8;
	[tilespmem:$0x11000] =	vst v63  }
0x7b: {  	s26 =	simm.s32 $0x200;
	s30 =	simm.s32 $0x3000  }
0x7c: {  	[tilespmem:s30], [sflag:$0x1] =	stream.indirect.gather [hbm4b:s3+s22], $0x10, s26, s22, $0xb8;
	[tilespmem:$0x11000] =	vst v63  }
0x7d: {  	s26 =	simm.s32 $0x600;
	s30 =	simm.s32 $0x7000  }
0x7e: {  	[tilespmem:s30], [sflag:$0x1] =	stream.indirect.gather [hbm4b:s3+s22], $0x10, s26, s22, $0xb8;
	[tilespmem:$0x11000] =	vst v63  }
0x7f: {  	s26 =	simm.s32 $0x280;
	s30 =	simm.s32 $0x3800  }
0x80: {  	[tilespmem:s30], [sflag:$0x1] =	stream.indirect.gather [hbm4b:s3+s22], $0x10, s26, s22, $0xb8;
	[tilespmem:$0x11000] =	vst v63  }
0x81: {  	s26 =	simm.s32 $0x680;
	s30 =	simm.s32 $0x7800  }
0x82: {  	[tilespmem:s30], [sflag:$0x1] =	stream.indirect.gather [hbm4b:s3+s22], $0x10, s26, s22, $0xb8;
	[tilespmem:$0x11000] =	vst v63  }
0x83: {  	s26 =	simm.s32 $0x300;
	s30 =	simm.s32 $0x4000  }
0x84: {  	[tilespmem:s30], [sflag:$0x1] =	stream.indirect.gather [hbm4b:s3+s22], $0x10, s26, s22, $0xb8;
	[tilespmem:$0x11000] =	vst v63  }
0x85: {  	s26 =	simm.s32 $0x700;
	s30 =	simm.s32 $0x8000  }
0x86: {  	[tilespmem:s30], [sflag:$0x1] =	stream.indirect.gather [hbm4b:s3+s22], $0x10, s26, s22, $0xb8;
	[tilespmem:$0x11000] =	vst v63  }
0x87: {  	s28 =	rddreg [dreg:$0xa];
	s26 =	simm.s32 $0x380;
	s30 =	simm.s32 $0x4800  }
0x88: {  	[tilespmem:s30], [sflag:$0x1] =	stream.indirect.gather [hbm4b:s3+s22], $0x10, s26, s22, $0xb8;
	[tilespmem:$0x11000] =	vst v63  }
0x89: {  	s29 =	rddreg [dreg:$0x9];
	s26 =	simm.s32 $0x780;
	s30 =	simm.s32 $0x8800  }
0x8a: {  	[tilespmem:s30], [sflag:$0x1] =	stream.indirect.gather [hbm4b:s3+s22], $0x10, s26, s22, $0xb8;
	[tilespmem:$0x11000] =	vst v63  }
0x8b: {  	s26 =	rddreg [dreg:$0x4]  }
0x8c: {  	s30 =	rddreg [dreg:$0x5]  }
0x8d: {  	[tilespmem:s7], [sflag:$0x4] =	stream.linear.gather [hbm4b:s26+s2], $0x400, $0x38;
	[tilespmem:$0x11000] =	vst v63  }
0x8e: {  	s12 =	simm.s32 $0x0;
	s26 =	rddreg [dreg:$0xb]  }
0x8f: {  	[tilespmem:s8], [sflag:$0x4] =	stream.linear.gather [hbm4b:s30+s2], $0x400, $0x38;
	[tilespmem:$0x11000] =	vst v63  }
.LBB2_2:
0x90: {  	_ =	swait.ge [sflag:s9], $0x400  }
0x91: {  	[sflag:s9] =	ssyncset.done $0x0  }
0x92: {  	[sflag:s9] =	ssyncadd.s32 $0xFFFFFC00  }
0x93: {  	_ =	swait.ge [sflag:s9], $0x400  }
0x94: {  	p0 =	seq.s32 s12, $0x0;
	[sflag:s9] =	ssyncset.done $0x0  }
0x95: {  	s30 =	simm.s32 @!p0 $0x6;
	[sflag:s9] =	ssyncadd.s32 $0xFFFFFC00  }
0x96: {  	_ =	swait.ge @!p0 [sflag:s30], $0x4000  }
0x97: {  	[sflag:s30] =	ssyncset.done @!p0 $0x0  }
0x98: {  	[sflag:s30] =	ssyncadd.s32 @!p0 $0xFFFFC000  }
0x99: {  	_ =	swait.ge @!p0 [sflag:s30], $0x4000  }
0x9a: {  	[sflag:s30] =	ssyncset.done @!p0 $0x0  }
0x9b: {  	[sflag:s30] =	ssyncadd.s32 @!p0 $0xFFFFC000  }
0x9c: {  	[tilespmem:s10], [sflag:$0x2] =	stream.indirect.gather [hbm4b:s3+s22], $0x10, s7, s22, $0xb8;
	[tilespmem:$0x11000] =	vst v63  }
0x9d: {  	_ = 	snop  }
0x9e: {  	[tilespmem:s11], [sflag:$0x2] =	stream.indirect.gather [hbm4b:s3+s22], $0x10, s8, s22, $0xb8;
	[tilespmem:$0x11000] =	vst v63  }
0x9f: {  	s17 =	simm.s32 $0x880;
	s30 =	simm.s32 $0x9800  }
0xa0: {  	[tilespmem:s30], [sflag:$0x2] =	stream.indirect.gather [hbm4b:s3+s22], $0x10, s17, s22, $0xb8;
	[tilespmem:$0x11000] =	vst v63  }
0xa1: {  	s17 =	simm.s32 $0xC80;
	s30 =	simm.s32 $0xD800  }
0xa2: {  	[tilespmem:s30], [sflag:$0x2] =	stream.indirect.gather [hbm4b:s3+s22], $0x10, s17, s22, $0xb8;
	[tilespmem:$0x11000] =	vst v63  }
0xa3: {  	s17 =	simm.s32 $0x900;
	s30 =	simm.s32 $0xA000  }
0xa4: {  	[tilespmem:s30], [sflag:$0x2] =	stream.indirect.gather [hbm4b:s3+s22], $0x10, s17, s22, $0xb8;
	[tilespmem:$0x11000] =	vst v63  }
0xa5: {  	s17 =	simm.s32 $0xD00;
	s30 =	simm.s32 $0xE000  }
0xa6: {  	[tilespmem:s30], [sflag:$0x2] =	stream.indirect.gather [hbm4b:s3+s22], $0x10, s17, s22, $0xb8;
	[tilespmem:$0x11000] =	vst v63  }
0xa7: {  	s17 =	simm.s32 $0x980;
	s30 =	simm.s32 $0xA800  }
0xa8: {  	[tilespmem:s30], [sflag:$0x2] =	stream.indirect.gather [hbm4b:s3+s22], $0x10, s17, s22, $0xb8;
	[tilespmem:$0x11000] =	vst v63  }
0xa9: {  	s17 =	simm.s32 $0xD80;
	s30 =	simm.s32 $0xE800  }
0xaa: {  	[tilespmem:s30], [sflag:$0x2] =	stream.indirect.gather [hbm4b:s3+s22], $0x10, s17, s22, $0xb8;
	[tilespmem:$0x11000] =	vst v63  }
0xab: {  	s17 =	simm.s32 $0xA00;
	s30 =	simm.s32 $0xB000  }
0xac: {  	[tilespmem:s30], [sflag:$0x2] =	stream.indirect.gather [hbm4b:s3+s22], $0x10, s17, s22, $0xb8;
	[tilespmem:$0x11000] =	vst v63  }
0xad: {  	s17 =	simm.s32 $0xE00;
	s30 =	simm.s32 $0xF000  }
0xae: {  	[tilespmem:s30], [sflag:$0x2] =	stream.indirect.gather [hbm4b:s3+s22], $0x10, s17, s22, $0xb8;
	[tilespmem:$0x11000] =	vst v63  }
0xaf: {  	s17 =	simm.s32 $0xA80;
	s30 =	simm.s32 $0xB800  }
0xb0: {  	[tilespmem:s30], [sflag:$0x2] =	stream.indirect.gather [hbm4b:s3+s22], $0x10, s17, s22, $0xb8;
	[tilespmem:$0x11000] =	vst v63  }
0xb1: {  	s17 =	simm.s32 $0xE80;
	s30 =	simm.s32 $0xF800  }
0xb2: {  	[tilespmem:s30], [sflag:$0x2] =	stream.indirect.gather [hbm4b:s3+s22], $0x10, s17, s22, $0xb8;
	[tilespmem:$0x11000] =	vst v63  }
0xb3: {  	s17 =	simm.s32 $0xB00;
	s30 =	simm.s32 $0xC000  }
0xb4: {  	[tilespmem:s30], [sflag:$0x2] =	stream.indirect.gather [hbm4b:s3+s22], $0x10, s17, s22, $0xb8;
	[tilespmem:$0x11000] =	vst v63  }
0xb5: {  	s17 =	simm.s32 $0xF00;
	s30 =	simm.s32 $0x10000  }
0xb6: {  	[tilespmem:s30], [sflag:$0x2] =	stream.indirect.gather [hbm4b:s3+s22], $0x10, s17, s22, $0xb8;
	[tilespmem:$0x11000] =	vst v63  }
0xb7: {  	_ = 	snop  }
0xb8: {  	[tilespmem:s18], [sflag:$0x2] =	stream.indirect.gather [hbm4b:s3+s22], $0x10, s31, s22, $0xb8;
	[tilespmem:$0x11000] =	vst v63  }
0xb9: {  	_ = 	snop  }
0xba: {  	[tilespmem:s19], [sflag:$0x2] =	stream.indirect.gather [hbm4b:s3+s22], $0x10, s0, s22, $0xb8;
	[tilespmem:$0x11000] =	vst v63  }
0xbb: {  	_ =	swait.ge [sflag:s1], $0x800  }
0xbc: {  	[sflag:s1] =	ssyncset.done $0x0  }
0xbd: {  	[sflag:s1] =	ssyncadd.s32 $0xFFFFF800  }
0xbe: {  	_ =	swait.ge [sflag:s1], $0x800  }
0xbf: {  	[sflag:s1] =	ssyncset.done $0x0  }
0xc0: {  	[sflag:s1] =	ssyncadd.s32 $0xFFFFF800  }
0xc1: {  	_ =	swait.ge [sflag:s1], $0x800  }
0xc2: {  	[sflag:s1] =	ssyncset.done $0x0  }
0xc3: {  	[sflag:s1] =	ssyncadd.s32 $0xFFFFF800  }
0xc4: {  	_ =	swait.ge [sflag:s1], $0x800  }
0xc5: {  	[sflag:s1] =	ssyncset.done $0x0  }
0xc6: {  	[sflag:s1] =	ssyncadd.s32 $0xFFFFF800  }
0xc7: {  	_ =	swait.ge [sflag:s1], $0x800  }
0xc8: {  	[sflag:s1] =	ssyncset.done $0x0  }
0xc9: {  	[sflag:s1] =	ssyncadd.s32 $0xFFFFF800  }
0xca: {  	_ =	swait.ge [sflag:s1], $0x800  }
0xcb: {  	[sflag:s1] =	ssyncset.done $0x0  }
0xcc: {  	[sflag:s1] =	ssyncadd.s32 $0xFFFFF800  }
0xcd: {  	_ =	swait.ge [sflag:s1], $0x800  }
0xce: {  	[sflag:s1] =	ssyncset.done $0x0  }
0xcf: {  	[sflag:s1] =	ssyncadd.s32 $0xFFFFF800  }
0xd0: {  	_ =	swait.ge [sflag:s1], $0x800  }
0xd1: {  	[sflag:s1] =	ssyncset.done $0x0  }
0xd2: {  	[sflag:s1] =	ssyncadd.s32 $0xFFFFF800  }
0xd3: {  	_ =	swait.ge [sflag:s1], $0x800  }
0xd4: {  	[sflag:s1] =	ssyncset.done $0x0  }
0xd5: {  	[sflag:s1] =	ssyncadd.s32 $0xFFFFF800  }
0xd6: {  	_ =	swait.ge [sflag:s1], $0x800  }
0xd7: {  	[sflag:s1] =	ssyncset.done $0x0  }
0xd8: {  	[sflag:s1] =	ssyncadd.s32 $0xFFFFF800  }
0xd9: {  	_ =	swait.ge [sflag:s1], $0x800  }
0xda: {  	[sflag:s1] =	ssyncset.done $0x0  }
0xdb: {  	[sflag:s1] =	ssyncadd.s32 $0xFFFFF800  }
0xdc: {  	_ =	swait.ge [sflag:s1], $0x800  }
0xdd: {  	[sflag:s1] =	ssyncset.done $0x0  }
0xde: {  	[sflag:s1] =	ssyncadd.s32 $0xFFFFF800  }
0xdf: {  	_ =	swait.ge [sflag:s1], $0x800  }
0xe0: {  	[sflag:s1] =	ssyncset.done $0x0  }
0xe1: {  	[sflag:s1] =	ssyncadd.s32 $0xFFFFF800  }
0xe2: {  	_ =	swait.ge [sflag:s1], $0x800  }
0xe3: {  	[sflag:s1] =	ssyncset.done $0x0  }
0xe4: {  	[sflag:s1] =	ssyncadd.s32 $0xFFFFF800  }
0xe5: {  	_ =	swait.ge [sflag:s1], $0x800  }
0xe6: {  	[sflag:s1] =	ssyncset.done $0x0  }
0xe7: {  	[sflag:s1] =	ssyncadd.s32 $0xFFFFF800  }
0xe8: {  	_ =	swait.ge [sflag:s1], $0x800  }
0xe9: {  	[sflag:s1] =	ssyncset.done $0x0  }
0xea: {  	s17 =	sadd.s32 s12, s16;
	[sflag:s1] =	ssyncadd.s32 $0xFFFFF800  }
0xeb: {  	[hbm4b:s17+s2] =	stream.linear.scatter [tilespmem:s23], [sflag:$0x5], $0x4000, $0x38;
	[tilespmem:$0x11000] =	vst v63  }
0xec: {  	s30 =	sshrl.u32 s26, $0x3;
	s17 =	sadd.s32 s12, s15  }
0xed: {  	[hbm4b:s17+s2] =	stream.linear.scatter [tilespmem:s24], [sflag:$0x5], $0x4000, $0x38;
	[tilespmem:$0x11000] =	vst v63  }
0xee: {  	s17 =	sadd.s32 s4, s30  }
0xef: {  	[tilespmem:s2], [sflag:$0x3] =	stream.linear.gather [hbm4b:s17+s2], $0x400, $0x38;
	[tilespmem:$0x11000] =	vst v63  }
0xf0: {  	s30 =	sadd.s32 s5, s30  }
0xf1: {  	[tilespmem:s20], [sflag:$0x3] =	stream.linear.gather [hbm4b:s30+s2], $0x400, $0x38;
	[tilespmem:$0x11000] =	vst v63  }
0xf2: {  	_ =	swait.ge [sflag:s21], $0x400  }
0xf3: {  	[sflag:s21] =	ssyncset.done $0x0  }
0xf4: {  	[sflag:s21] =	ssyncadd.s32 $0xFFFFFC00  }
0xf5: {  	_ =	swait.ge [sflag:s21], $0x400  }
0xf6: {  	[sflag:s21] =	ssyncset.done $0x0  }
0xf7: {  	[sflag:s21] =	ssyncadd.s32 $0xFFFFFC00  }
0xf8: {  	_ =	swait.ge [sflag:s25], $0x4000  }
0xf9: {  	[sflag:s25] =	ssyncset.done $0x0  }
0xfa: {  	[sflag:s25] =	ssyncadd.s32 $0xFFFFC000  }
0xfb: {  	_ =	swait.ge [sflag:s25], $0x4000  }
0xfc: {  	[sflag:s25] =	ssyncset.done $0x0  }
0xfd: {  	[sflag:s25] =	ssyncadd.s32 $0xFFFFC000  }
0xfe: {  	[tilespmem:s23], [sflag:$0x1] =	stream.indirect.gather [hbm4b:s3+s22], $0x10, s2, s22, $0xb8;
	[tilespmem:$0x11000] =	vst v63  }
0xff: {  	_ = 	snop  }
0x100: {  	[tilespmem:s24], [sflag:$0x1] =	stream.indirect.gather [hbm4b:s3+s22], $0x10, s20, s22, $0xb8;
	[tilespmem:$0x11000] =	vst v63  }
0x101: {  	s30 =	simm.s32 $0x1800  }
0x102: {  	[tilespmem:s30], [sflag:$0x1] =	stream.indirect.gather [hbm4b:s3+s22], $0x10, s22, s22, $0xb8;
	[tilespmem:$0x11000] =	vst v63  }
0x103: {  	s17 =	simm.s32 $0x480;
	s30 =	simm.s32 $0x5800  }
0x104: {  	[tilespmem:s30], [sflag:$0x1] =	stream.indirect.gather [hbm4b:s3+s22], $0x10, s17, s22, $0xb8;
	[tilespmem:$0x11000] =	vst v63  }
0x105: {  	s17 =	simm.s32 $0x100;
	s30 =	simm.s32 $0x2000  }
0x106: {  	[tilespmem:s30], [sflag:$0x1] =	stream.indirect.gather [hbm4b:s3+s22], $0x10, s17, s22, $0xb8;
	[tilespmem:$0x11000] =	vst v63  }
0x107: {  	s17 =	simm.s32 $0x500;
	s30 =	simm.s32 $0x6000  }
0x108: {  	[tilespmem:s30], [sflag:$0x1] =	stream.indirect.gather [hbm4b:s3+s22], $0x10, s17, s22, $0xb8;
	[tilespmem:$0x11000] =	vst v63  }
0x109: {  	s17 =	simm.s32 $0x180;
	s30 =	simm.s32 $0x2800  }
0x10a: {  	[tilespmem:s30], [sflag:$0x1] =	stream.indirect.gather [hbm4b:s3+s22], $0x10, s17, s22, $0xb8;
	[tilespmem:$0x11000] =	vst v63  }
0x10b: {  	s17 =	simm.s32 $0x580;
	s30 =	simm.s32 $0x6800  }
0x10c: {  	[tilespmem:s30], [sflag:$0x1] =	stream.indirect.gather [hbm4b:s3+s22], $0x10, s17, s22, $0xb8;
	[tilespmem:$0x11000] =	vst v63  }
0x10d: {  	s17 =	simm.s32 $0x200;
	s30 =	simm.s32 $0x3000  }
0x10e: {  	[tilespmem:s30], [sflag:$0x1] =	stream.indirect.gather [hbm4b:s3+s22], $0x10, s17, s22, $0xb8;
	[tilespmem:$0x11000] =	vst v63  }
0x10f: {  	s17 =	simm.s32 $0x600;
	s30 =	simm.s32 $0x7000  }
0x110: {  	[tilespmem:s30], [sflag:$0x1] =	stream.indirect.gather [hbm4b:s3+s22], $0x10, s17, s22, $0xb8;
	[tilespmem:$0x11000] =	vst v63  }
0x111: {  	s17 =	simm.s32 $0x280;
	s30 =	simm.s32 $0x3800  }
0x112: {  	[tilespmem:s30], [sflag:$0x1] =	stream.indirect.gather [hbm4b:s3+s22], $0x10, s17, s22, $0xb8;
	[tilespmem:$0x11000] =	vst v63  }
0x113: {  	s17 =	simm.s32 $0x680;
	s30 =	simm.s32 $0x7800  }
0x114: {  	[tilespmem:s30], [sflag:$0x1] =	stream.indirect.gather [hbm4b:s3+s22], $0x10, s17, s22, $0xb8;
	[tilespmem:$0x11000] =	vst v63  }
0x115: {  	s17 =	simm.s32 $0x300;
	s30 =	simm.s32 $0x4000  }
0x116: {  	[tilespmem:s30], [sflag:$0x1] =	stream.indirect.gather [hbm4b:s3+s22], $0x10, s17, s22, $0xb8;
	[tilespmem:$0x11000] =	vst v63  }
0x117: {  	s17 =	simm.s32 $0x700;
	s30 =	simm.s32 $0x8000  }
0x118: {  	[tilespmem:s30], [sflag:$0x1] =	stream.indirect.gather [hbm4b:s3+s22], $0x10, s17, s22, $0xb8;
	[tilespmem:$0x11000] =	vst v63  }
0x119: {  	s17 =	simm.s32 $0x380;
	s30 =	simm.s32 $0x4800  }
0x11a: {  	[tilespmem:s30], [sflag:$0x1] =	stream.indirect.gather [hbm4b:s3+s22], $0x10, s17, s22, $0xb8;
	[tilespmem:$0x11000] =	vst v63  }
0x11b: {  	s17 =	simm.s32 $0x780;
	s30 =	simm.s32 $0x8800  }
0x11c: {  	[tilespmem:s30], [sflag:$0x1] =	stream.indirect.gather [hbm4b:s3+s22], $0x10, s17, s22, $0xb8;
	[tilespmem:$0x11000] =	vst v63  }
0x11d: {  	_ =	swait.ge [sflag:s6], $0x800  }
0x11e: {  	[sflag:s6] =	ssyncset.done $0x0  }
0x11f: {  	[sflag:s6] =	ssyncadd.s32 $0xFFFFF800  }
0x120: {  	_ =	swait.ge [sflag:s6], $0x800  }
0x121: {  	[sflag:s6] =	ssyncset.done $0x0  }
0x122: {  	[sflag:s6] =	ssyncadd.s32 $0xFFFFF800  }
0x123: {  	_ =	swait.ge [sflag:s6], $0x800  }
0x124: {  	[sflag:s6] =	ssyncset.done $0x0  }
0x125: {  	[sflag:s6] =	ssyncadd.s32 $0xFFFFF800  }
0x126: {  	_ =	swait.ge [sflag:s6], $0x800  }
0x127: {  	[sflag:s6] =	ssyncset.done $0x0  }
0x128: {  	[sflag:s6] =	ssyncadd.s32 $0xFFFFF800  }
0x129: {  	_ =	swait.ge [sflag:s6], $0x800  }
0x12a: {  	[sflag:s6] =	ssyncset.done $0x0  }
0x12b: {  	[sflag:s6] =	ssyncadd.s32 $0xFFFFF800  }
0x12c: {  	_ =	swait.ge [sflag:s6], $0x800  }
0x12d: {  	[sflag:s6] =	ssyncset.done $0x0  }
0x12e: {  	[sflag:s6] =	ssyncadd.s32 $0xFFFFF800  }
0x12f: {  	_ =	swait.ge [sflag:s6], $0x800  }
0x130: {  	[sflag:s6] =	ssyncset.done $0x0  }
0x131: {  	[sflag:s6] =	ssyncadd.s32 $0xFFFFF800  }
0x132: {  	_ =	swait.ge [sflag:s6], $0x800  }
0x133: {  	[sflag:s6] =	ssyncset.done $0x0  }
0x134: {  	[sflag:s6] =	ssyncadd.s32 $0xFFFFF800  }
0x135: {  	_ =	swait.ge [sflag:s6], $0x800  }
0x136: {  	[sflag:s6] =	ssyncset.done $0x0  }
0x137: {  	[sflag:s6] =	ssyncadd.s32 $0xFFFFF800  }
0x138: {  	_ =	swait.ge [sflag:s6], $0x800  }
0x139: {  	[sflag:s6] =	ssyncset.done $0x0  }
0x13a: {  	[sflag:s6] =	ssyncadd.s32 $0xFFFFF800  }
0x13b: {  	_ =	swait.ge [sflag:s6], $0x800  }
0x13c: {  	[sflag:s6] =	ssyncset.done $0x0  }
0x13d: {  	[sflag:s6] =	ssyncadd.s32 $0xFFFFF800  }
0x13e: {  	_ =	swait.ge [sflag:s6], $0x800  }
0x13f: {  	[sflag:s6] =	ssyncset.done $0x0  }
0x140: {  	[sflag:s6] =	ssyncadd.s32 $0xFFFFF800  }
0x141: {  	_ =	swait.ge [sflag:s6], $0x800  }
0x142: {  	[sflag:s6] =	ssyncset.done $0x0  }
0x143: {  	[sflag:s6] =	ssyncadd.s32 $0xFFFFF800  }
0x144: {  	_ =	swait.ge [sflag:s6], $0x800  }
0x145: {  	[sflag:s6] =	ssyncset.done $0x0  }
0x146: {  	[sflag:s6] =	ssyncadd.s32 $0xFFFFF800  }
0x147: {  	_ =	swait.ge [sflag:s6], $0x800  }
0x148: {  	[sflag:s6] =	ssyncset.done $0x0  }
0x149: {  	[sflag:s6] =	ssyncadd.s32 $0xFFFFF800  }
0x14a: {  	p0 =	seq.s32 s12, $0xB000;
	_ =	swait.ge [sflag:s6], $0x800  }
.Ltmp2:
0x14b: {  	[sflag:s6] =	ssyncset.done $0x0;
	(pc) =	sbr.rel @p0 .LBB2_4-.Ltmp2, $4  }
0x14c: {  	s30 =	sadd.s32 s12, s14;
	[sflag:s6] =	ssyncadd.s32 $0xFFFFF800  }
0x14d: {  	[hbm4b:s30+s2] =	stream.linear.scatter [tilespmem:s10], [sflag:$0x6], $0x4000, $0x38;
	[tilespmem:$0x11000] =	vst v63  }
0x14e: {  	s30 =	sadd.s32 s12, s13  }
0x14f: {  	[hbm4b:s30+s2] =	stream.linear.scatter [tilespmem:s11], [sflag:$0x6], $0x4000, $0x38;
	[tilespmem:$0x11000] =	vst v63  }
.Ltmp3:
0x150: {  	(pc) =	sbr.rel .LBB2_2-.Ltmp3, $4  }
0x151: {  	[tilespmem:s7], [sflag:$0x4] =	stream.linear.gather [hbm4b:s28+s2], $0x400, $0x38;
	[tilespmem:$0x11000] =	vst v63  }
0x152: {  	s12 =	sadd.s32 $0x1000, s12  }
0x153: {  	[tilespmem:s8], [sflag:$0x4] =	stream.linear.gather [hbm4b:s29+s2], $0x400, $0x38;
	[tilespmem:$0x11000] =	vst v63  }
0x154: {  	s28 =	sadd.s32 $0x100, s28;
	s26 =	sadd.s32 $0x800, s26;
	s29 =	sadd.s32 $0x100, s29  }
.LBB2_5:
0x155: {  	_ =	sfence.sel $0x180000  }
0x156: {  	[bflag:$0x0] =	sbarrier.arrive $0xFFFF  }
0x157: {  	_ =	strace $0x9000004A  }
0x158: {  	s0 =	stileid.u32;
	[bflag:$0x2] =	sbarrier.arrive $0xFFFF  }
0x159: {  	p0 =	sne.s32 s0, $0x0;
	s0 =	rddreg [dreg:$0x1]  }
0x15a: {  	s0 =	sadd.s32 @!p0 $0x100000, s0  }
0x15b: {  	[sflag:s0] =	ssyncadd.tile.s32 @!p0 $0x1;
	_ =	shalt  }
.Lfunc_end2:
_tile_overlayer_lowered:
.L_overlay_start_2:
0x15c: {  	(tag) =	ssettag $0x2  }
0x15d: {  	s0 =	rddreg [dreg:$0x0];
	s2 =	stileid.u32  }
0x15e: {  	s1 =	rddreg [dreg:$0x1];
	p0 =	sne.s32 s2, $0x0  }
0x15f: {  	s3 =	rddreg [dreg:$0x2];
	[bflag:$0x3] =	sbarrier.arrive $0xFFFF;
	s2 =	simm.s32 @!p0 $0x1C07  }
0x160: {  	[timem:s3], [sflag:s2] =	dma.local @!p0 [hbm:s0], s1  }
0x161: {  	s0 =	simm.s32 @!p0 $0x7  }
0x162: {  	_ =	swait.ge @!p0 [sflag:s0], s1  }
0x163: {  	s1 =	ssub.s32 @!p0 $0x0, s1;
	[sflag:s0] =	ssyncset.done @!p0 $0x0  }
0x164: {  	[sflag:s0] =	ssyncadd.s32 @!p0 s1  }
0x165: {  	[bflag:$0x3] =	sbarrier.arrive $0xFFFF  }
0x166: {  	_ =	shalt  }

// kernel: kernel.9.cloned.1.call-start
scs
__scs_entry_jumppad:
0x0: {  	(pc) =	sbr.rel $0x88, $3  }
0x1: {  	(tag) =	ssettag $0x0;
	lr =	simm.s32 $0x1  }
0x2: {  	[smem:$0x3F95] =	sst lr;
	_ =	strace $0xD0000000  }
0x3: {  	_ = 	snop  }
0x4: {  	_ = 	snop  }
0x5: {  	_ = 	snop  }
0x6: {  	_ = 	snop  }
0x7: {  	_ = 	snop  }
__scs_overlays_trampoline_lowered:
0x8: {  	[smem:$0x3FA4] =	sst s0  }
0x9: {  	[smem:$0x3FA5] =	sst s1  }
0xa: {  	[smem:$0x3FA6] =	sst s2  }
0xb: {  	[smem:$0x3FA7] =	sst s3  }
0xc: {  	[smem:$0x3FA8] =	sst s4  }
0xd: {  	[smem:$0x3FA9] =	sst s5  }
0xe: {  	[smem:$0x3FAA] =	sst s6  }
0xf: {  	[smem:$0x3FAB] =	sst s7  }
0x10: {  	[smem:$0x3FAC] =	sst s8  }
0x11: {  	[smem:$0x3FAD] =	sst s9;
	s0 =	simm.s32 @!p0 $0x0  }
0x12: {  	s1 =	sld [smem:$0x3F93];
	s0 =	simm.s32 @p0 $0x1  }
0x13: {  	[smem:$0x3FAE] =	sst s0;
	s0 =	simm.s32 @!p1 $0x0  }
0x14: {  	s2 =	sld [smem:$0x3F92];
	s0 =	simm.s32 @p1 $0x1  }
0x15: {  	[smem:$0x3FAF] =	sst s0;
	s0 =	simm.s32 @!p2 $0x0  }
0x16: {  	s3 =	sld [smem:$0x3FDB];
	s0 =	simm.s32 @p2 $0x1  }
0x17: {  	s4 =	simm.s32 $0x1BF5;
	[smem:$0x3FB1] =	sst s0  }
0x18: {  	s0 =	sld [smem:$0x3F94];
	_ =	swait.ge [sflag:s4], $0x0  }
0x19: {  	s7 =	sld [smem:$0x3F95]  }
0x1a: {  	s8 =	sadd.s32 $0xFFFFE003, lr  }
0x1b: {  	s9 =	sadd.s32 $0xFFFFFEF7, lr;
	s5 =	simm.s32 $0xFFFFFFFF;
	p2 =	slt.u32 s8, $0xFFFFF086  }
0x1c: {  	p1 =	slt.u32 s9, $0xF7A;
	s5 =	simm.s32 @!p2 $0x0  }
0x1d: {  	s5 =	simm.s32 @p1 $0x1;
	p0 =	seq.s32 s7, s2  }
0x1e: {  	s7 =	smul.u32 @!p0 $0xF7A, s2;
	p2 =	seq.s32 @!p0 s5, $0x0  }
0x1f: {  	s9 =	smul.u32 $0xF7A, s1;
	s8 =	simm.s32 @!p0 $0x1BF5;
	p2 =	por !p2, p0  }
0x20: {  	[sflag:s8] =	ssyncset.s32 @!p0 $0xFFFFF086;
	s6 =	sadd.s32 @!p0 s3, s7;
	s7 =	simm.s32 @!p0 $0x108  }
0x21: {  	s3 =	sadd.s32 s3, s9;
	s6 =	sadd.s32 @!p0 $0x88, s6;
	s7 =	simm.s32 @p2 $0x1082  }
0x22: {  	[simem:s7], [sflag:s8] =	dma.local @!p0 [hbm:s6], $0xF7A  }
0x23: {  	s9 =	sor.u32 $0xD0000000, s2;
	s6 =	simm.s32 $0x108;
	_ =	swait.ge @!p0 [sflag:s8], $0x0  }
0x24: {  	s3 =	sadd.s32 $0x88, s3;
	s6 =	simm.s32 @!p1 $0x1082;
	[sflag:s4] =	ssyncset.s32 $0xFFFFF086  }
0x25: {  	[simem:s6], [sflag:s4] =	dma.local [hbm:s3], $0xF7A  }
0x26: {  	[smem:$0x3F95] =	sst s1;
	(tag) =	ssettag s2;
	_ =	strace s9  }
0x27: {  	s1 =	sld [smem:$0x3FA5]  }
0x28: {  	s2 =	sld [smem:$0x3FA6]  }
0x29: {  	s4 =	sld [smem:$0x3FA8]  }
0x2a: {  	p0 =	seq.s32 s5, $0x0;
	s5 =	sld [smem:$0x3FA9]  }
0x2b: {  	s6 =	sld [smem:$0x3FAA]  }
0x2c: {  	s7 =	sld [smem:$0x3FAB]  }
0x2d: {  	s3 =	simm.s32 $0x108;
	s8 =	sld [smem:$0x3FAC]  }
0x2e: {  	s3 =	simm.s32 @!p0 $0x1082;
	s9 =	sld [smem:$0x3FAD]  }
0x2f: {  	lr =	sadd.s32 s0, s3;
	s0 =	sld [smem:$0x3FA4]  }
0x30: {  	s3 =	sld [smem:$0x3FA7]  }
0x31: {  	[smem:$0x3FB0] =	sst s10  }
0x32: {  	s10 =	sld [smem:$0x3FAE];
	_ =	sdelay $0x3  }
0x33: {  	p0 =	seq.s32 s10, $0x1;
	s10 =	sld [smem:$0x3FB0];
	_ =	sdelay $0x3  }
0x34: {  	[smem:$0x3FB0] =	sst s10  }
0x35: {  	s10 =	sld [smem:$0x3FAF];
	_ =	sdelay $0x3  }
0x36: {  	p1 =	seq.s32 s10, $0x1;
	s10 =	sld [smem:$0x3FB0];
	_ =	sdelay $0x3  }
0x37: {  	[smem:$0x3FB0] =	sst s10  }
0x38: {  	s10 =	sld [smem:$0x3FB1]  }
0x39: {  	_ = 	snop;
	(pc) =	sbr.ind lr, $3  }
0x3a: {  	_ = 	snop  }
0x3b: {  	_ = 	snop  }
0x3c: {  	p2 =	seq.s32 s10, $0x1;
	s10 =	sld [smem:$0x3FB0]  }
0x3d: {  	_ =	shalt  }
0x3e: {  	_ =	shalt  }
0x3f: {  	_ =	shalt  }
0x40: {  	_ =	shalt  }
0x41: {  	_ =	shalt  }
0x42: {  	_ =	shalt  }
0x43: {  	_ =	shalt  }
0x44: {  	_ =	shalt  }
0x45: {  	_ =	shalt  }
0x46: {  	_ =	shalt  }
0x47: {  	_ =	shalt  }
0x48: {  	_ =	shalt  }
0x49: {  	_ =	shalt  }
0x4a: {  	_ =	shalt  }
0x4b: {  	_ =	shalt  }
0x4c: {  	_ =	shalt  }
0x4d: {  	_ =	shalt  }
0x4e: {  	_ =	shalt  }
0x4f: {  	_ =	shalt  }
0x50: {  	_ =	shalt  }
0x51: {  	_ =	shalt  }
0x52: {  	_ =	shalt  }
0x53: {  	_ =	shalt  }
0x54: {  	_ =	shalt  }
0x55: {  	_ =	shalt  }
0x56: {  	_ =	shalt  }
0x57: {  	_ =	shalt  }
0x58: {  	_ =	shalt  }
0x59: {  	_ =	shalt  }
0x5a: {  	_ =	shalt  }
0x5b: {  	_ =	shalt  }
0x5c: {  	_ =	shalt  }
0x5d: {  	_ =	shalt  }
0x5e: {  	_ =	shalt  }
0x5f: {  	_ =	shalt  }
0x60: {  	_ =	shalt  }
0x61: {  	_ =	shalt  }
0x62: {  	_ =	shalt  }
0x63: {  	_ =	shalt  }
0x64: {  	_ =	shalt  }
0x65: {  	_ =	shalt  }
0x66: {  	_ =	shalt  }
0x67: {  	_ =	shalt  }
0x68: {  	_ =	shalt  }
0x69: {  	_ =	shalt  }
0x6a: {  	_ =	shalt  }
0x6b: {  	_ =	shalt  }
0x6c: {  	_ =	shalt  }
0x6d: {  	_ =	shalt  }
0x6e: {  	_ =	shalt  }
0x6f: {  	_ =	shalt  }
0x70: {  	_ =	shalt  }
0x71: {  	_ =	shalt  }
0x72: {  	_ =	shalt  }
0x73: {  	_ =	shalt  }
0x74: {  	_ =	shalt  }
0x75: {  	_ =	shalt  }
0x76: {  	_ =	shalt  }
0x77: {  	_ =	shalt  }
0x78: {  	_ =	shalt  }
0x79: {  	_ =	shalt  }
0x7a: {  	_ =	shalt  }
0x7b: {  	_ =	shalt  }
0x7c: {  	_ =	shalt  }
0x7d: {  	_ =	shalt  }
0x7e: {  	_ =	shalt  }
0x7f: {  	_ =	shalt  }
0x80: {  	_ =	shalt  }
0x81: {  	_ =	shalt  }
0x82: {  	_ =	shalt  }
0x83: {  	_ =	shalt  }
0x84: {  	_ =	shalt  }
0x85: {  	_ =	shalt  }
0x86: {  	_ =	shalt  }
0x87: {  	_ =	shalt  }
.Lfunc_end0:
.L_simem_size_0:
called_computation.1_lowered:
.L_overlay_start_0:
0x88: {  	s2 =	sld [smem:$0x3FD9]  }
0x89: {  	s3 =	sld [smem:$0x3FFE];
	_ =	sdelay $0x1  }
0x8a: {  	s1 =	srdreg.scid  }
0x8b: {  	s0 =	sand.u32 $0x1, s1  }
0x8c: {  	s17 =	sshll.u32 s0, $0xA;
	s2 =	sadd.s32 s3, s2  }
0x8d: {  	s2 =	sadd.s32 s2, s17  }
0x8e: {  	[smem:$0x3FBC] =	sst s2  }
0x8f: {  	_ = 	snop  }
0x90: {  	s2 =	sld [smem:$0x3FD0];
	(tm) =	ssettm $0x1  }
0x91: {  	s18 =	sld [smem:$0x3FFB];
	_ =	sdelay $0x3  }
0x92: {  	_ =	strace s18  }
0x93: {  	s3 =	sld [smem:$0x3FFC];
	_ =	sdelay $0x3  }
0x94: {  	_ =	strace s3  }
0x95: {  	s3 =	sld [smem:$0x3FFD];
	_ =	sdelay $0x3  }
0x96: {  	_ =	strace s3  }
0x97: {  	_ =	strace $0x8FFFFFFF  }
0x98: {  	s19 =	sld [smem:$0x3FDB];
	_ =	sdelay $0x1  }
0x99: {  	s4 =	simm.s32 $_scs_section_size  }
0x9a: {  	s5 =	simm.s32 $_size__tile_overlayer_lowered;
	s6 =	simm.s32 $_tile_overlayer_lowered  }
0x9b: {  	s22 =	simm.s32 $0x1BFF;
	s21 =	sshll.u32 s6, $0x1;
	s3 =	sadd.s32 s4, s19  }
0x9c: {  	s7 =	simm.s32 $0x0;
	s20 =	sshll.u32 s5, $0x1;
	s5 =	sadd.s32 s21, s3  }
0x9d: {  	[timem:s7], [sflag:s22] =	dma.local [hbm:s5], s20  }
0x9e: {  	_ =	swait.ge [sflag:s22], s20  }
0x9f: {  	s4 =	ssub.s32 $0x0, s20;
	[sflag:s22] =	ssyncset.done $0x0  }
0xa0: {  	[sflag:s22] =	ssyncadd.s32 s4;
	_ =	sdelay $0x1  }
0xa1: {  	s23 =	simm.s32 $0x1B8B  }
0xa2: {  	_ =	swait.ge [sflag:s23], $0x1  }
0xa3: {  	[sflag:s23] =	ssyncset.done $0x0  }
0xa4: {  	s25 =	simm.s32 $0x1B8E;
	s24 =	sld [smem:$0x3FFE];
	[sflag:s23] =	ssyncadd.s32 $0xFFFFFFFF  }
0xa5: {  	s26 =	simm.s32 $execute0_lowered;
	[smem:$0x3FD2] =	sst s25  }
0xa6: {  	s5 =	sshll.u32 s26, $0x1;
	_ =	strace $0x80000046;
	[dreg:$0x1] =	wrdreg $0xFFFFFFFF  }
0xa7: {  	s28 =	simm.s32 $_size_execute0_lowered;
	s3 =	sadd.s32 s3, s5;
	[dreg:$0x0] =	wrdreg $0x0  }
0xa8: {  	s5 =	sshll.u32 s28, $0x1;
	[dreg:$0x2] =	wrdreg s3  }
0xa9: {  	[dreg:$0x3] =	wrdreg s5  }
0xaa: {  	[dreg:$0x4] =	wrdreg $0xC0  }
0xab: {  	_ =	task [dreg:s7], $0x5FFFF  }
0xac: {  	[dreg:$0x1] =	wrdreg $0xFFFFFFFF  }
0xad: {  	[dreg:$0x0] =	wrdreg $0x60  }
0xae: {  	[dreg:$0x2] =	wrdreg s24  }
0xaf: {  	[dreg:$0x3] =	wrdreg s2  }
0xb0: {  	[dreg:$0x4] =	wrdreg $0xA  }
0xb1: {  	_ =	task.clear_ibuf [dreg:s7], $0x5FFFF;
	_ =	strace $0x90000046  }
0xb2: {  	s29 =	simm.s32 $0xA;
	_ =	strace $0x80000048  }
0xb3: {  	_ =	swait.ge [sflag:s29], $0x1  }
0xb4: {  	[sflag:s29] =	ssyncadd.s32 $0xFFFFFFFF  }
0xb5: {  	_ =	strace $0x90000048  }
0xb6: {  	_ =	sfence  }
0xb7: {  	s30 =	sld [smem:$0x0];
	_ =	sdelay $0x2  }
0xb8: {  	s31 =	sshll.u32 s1, $0xD;
	s1 =	sshrl.u32 s1, $0x2  }
0xb9: {  	s3 =	sand.u32 $0x4000, s31;
	s1 =	sadd.s32 s1, s30  }
0xba: {  	s0 =	sor.u32 s3, s0;
	s1 =	sshll.u32 s1, $0x11  }
0xbb: {  	s0 =	sor.u32 s1, s0  }
0xbc: {  	s0 =	sadd.s32 $0x8F2B, s0  }
0xbd: {  	[sflag:s0] =	ssyncadd.remote.s32 $0x1  }
0xbe: {  	_ =	sfence.sel $0xFFFF  }
0xbf: {  	[dreg:$0x0] =	wrdreg $0xFFFFFFFF;
	(pc) =	sbr.abs _section_cstart, $3  }
0xc0: {  	[dreg:$0x1] =	wrdreg $0xFFFFFFFF  }
0xc1: {  	_ =	task.clear_ibuf [dreg:s7], $0x2FFFF;
	_ =	strace $0x9FFFFFFF  }
0xc2: {  	(tm) =	ssettm $0x7FFFFFFF  }
0xc3: {  	_ =	shalt  }
tec
execute0_lowered:
.L_overlay_start_1:
0x0: {  	(tag) =	ssettag $0x1  }
0x1: {  	s0 =	rddreg [dreg:$0x0];
	s12 =	stileid.u32  }
0x2: {  	s17 =	rddreg [dreg:$0x1];
	s3 =	simm.s32 $0x0;
	s14 =	smul.u32 $0x19000, s12  }
0x3: {  	s1 =	srdreg.scid;
	s29 =	simm.s32 $0xB80;
	s16 =	smul.u32 $0xC8000, s12  }
0x4: {  	s30 =	simm.s32 $0xF80;
	s1 =	sand.u32 $0x1, s1;
	s19 =	smul.u32 $0xC800, s12  }
0x5: {  	s31 =	simm.s32 $0x1;
	[smem:$0x7FF] =	sst s3;
	s15 =	smul.u32 $0xC800, s1  }
0x6: {  	s2 =	sshll.u32 s12, $0x1;
	s4 =	sadd.s32 $0x1C600, s0;
	s21 =	smul.u32 $0x6400, s1  }
0x7: {  	s2 =	sor.u32 s1, s2;
	s7 =	ssub.s32 $0x2, s1;
	s1 =	smul.u32 $0x64000, s1  }
0x8: {  	s5 =	sadd.s32 $0x3600, s0;
	s6 =	sadd.s32 $0x4D400, s0;
	s8 =	smul.u32 $0xC80, s2  }
0x9: {  	s0 =	sadd.s32 $0x1DD400, s0;
	s12 =	simm.s32 $0xC800;
	s10 =	smul.u32 $0x6400, s2  }
0xa: {  	_ =	strace $0x80000047;
	s9 =	sshrl.u32 s7, $0x1;
	s2 =	smul.u32 $0x64000, s2  }
0xb: {  	s20 =	sadd.s32 s14, s0;
	s22 =	sadd.s32 s14, s6;
	s7 =	ssub.s32 s7, s9  }
0xc: {  	s23 =	sadd.s32 s21, s19;
	s1 =	sadd.s32 s1, s16;
	s21 =	simm.s32 $0x3  }
0xd: {  	s9 =	simm.s32 $0x9000;
	s19 =	simm.s32 $0x0;
	s11 =	sadd.s32 s17, s8  }
0xe: {  	s8 =	sadd.s32 s5, s8;
	s13 =	sshrl.u32 s10, $0x3;
	[dreg:$0x3] =	wrdreg s11  }
0xf: {  	s2 =	sshrl.u32 s2, $0x3;
	s7 =	smax.u32 s7, $0x1;
	[dreg:$0x4] =	wrdreg s8  }
0x10: {  	s28 =	sadd.s32 $0x800, s23;
	s8 =	sadd.s32 $0x80, s13;
	[dreg:$0x9] =	wrdreg s7  }
0x11: {  	s1 =	sshrl.u32 s1, $0x3;
	[dreg:$0xc] =	wrdreg s28;
	s11 =	sadd.s32 s17, s8  }
0x12: {  	s2 =	sadd.s32 $0xC000, s2;
	s8 =	sadd.s32 s5, s8;
	[dreg:$0x5] =	wrdreg s11  }
0x13: {  	s10 =	simm.s32 $0xD000;
	s18 =	sadd.s32 s6, s2;
	[dreg:$0x6] =	wrdreg s8  }
0x14: {  	s16 =	sadd.s32 s1, s6;
	s2 =	sadd.s32 s0, s2;
	[dreg:$0x7] =	wrdreg s18  }
0x15: {  	s7 =	simm.s32 $0xC00;
	s6 =	simm.s32 $0x800;
	[dreg:$0x8] =	wrdreg s2  }
0x16: {  	s2 =	sadd.s32 s15, s20;
	s8 =	sadd.s32 $0xC00, s23;
	s20 =	simm.s32 $0x400  }
0x17: {  	s23 =	simm.s32 $0x1000;
	s11 =	simm.s32 $0x10000;
	s18 =	simm.s32 $0x5  }
.Ltmp0:
0x18: {  	s13 =	sadd.s32 $0x800, s2;
	s2 =	sadd.s32 s15, s22;
	(pc) =	sbr.rel .LBB2_1-.Ltmp0, $4  }
0x19: {  	s24 =	sshrl.u32 s8, $0x3;
	s15 =	sadd.s32 s1, s0;
	s22 =	simm.s32 $0x80  }
0x1a: {  	s8 =	simm.s32 $0x4;
	s0 =	simm.s32 $0x2;
	s25 =	sadd.s32 s24, s5  }
0x1b: {  	s14 =	sadd.s32 $0x800, s2;
	s26 =	sadd.s32 s24, s17;
	[dreg:$0xa] =	wrdreg s25  }
0x1c: {  	s24 =	simm.s32 $0x5000;
	s17 =	simm.s32 $0x10800;
	[dreg:$0xb] =	wrdreg s26  }
.LBB2_4:
0x1d: {  	_ =	swait.ge [sflag:s31], $0x800  }
0x1e: {  	[sflag:s31] =	ssyncset.done $0x0  }
0x1f: {  	[sflag:s31] =	ssyncadd.s32 $0xFFFFF800  }
0x20: {  	_ =	swait.ge [sflag:s31], $0x800  }
0x21: {  	[sflag:s31] =	ssyncset.done $0x0  }
0x22: {  	[sflag:s31] =	ssyncadd.s32 $0xFFFFF800  }
0x23: {  	_ =	swait.ge [sflag:s31], $0x800  }
0x24: {  	[sflag:s31] =	ssyncset.done $0x0  }
0x25: {  	[sflag:s31] =	ssyncadd.s32 $0xFFFFF800  }
0x26: {  	_ =	swait.ge [sflag:s31], $0x800  }
0x27: {  	[sflag:s31] =	ssyncset.done $0x0  }
0x28: {  	[sflag:s31] =	ssyncadd.s32 $0xFFFFF800  }
0x29: {  	_ =	swait.ge [sflag:s31], $0x800  }
0x2a: {  	[sflag:s31] =	ssyncset.done $0x0  }
0x2b: {  	[sflag:s31] =	ssyncadd.s32 $0xFFFFF800  }
0x2c: {  	_ =	swait.ge [sflag:s31], $0x800  }
0x2d: {  	[sflag:s31] =	ssyncset.done $0x0  }
0x2e: {  	[sflag:s31] =	ssyncadd.s32 $0xFFFFF800  }
0x2f: {  	_ =	swait.ge [sflag:s31], $0x800  }
0x30: {  	[sflag:s31] =	ssyncset.done $0x0  }
0x31: {  	[sflag:s31] =	ssyncadd.s32 $0xFFFFF800  }
0x32: {  	_ =	swait.ge [sflag:s31], $0x800  }
0x33: {  	[sflag:s31] =	ssyncset.done $0x0  }
0x34: {  	[sflag:s31] =	ssyncadd.s32 $0xFFFFF800  }
0x35: {  	_ =	swait.ge [sflag:s31], $0x800  }
0x36: {  	[sflag:s31] =	ssyncset.done $0x0  }
0x37: {  	[sflag:s31] =	ssyncadd.s32 $0xFFFFF800  }
0x38: {  	_ =	swait.ge [sflag:s31], $0x800  }
0x39: {  	[sflag:s31] =	ssyncset.done $0x0  }
0x3a: {  	[sflag:s31] =	ssyncadd.s32 $0xFFFFF800  }
0x3b: {  	_ =	swait.ge [sflag:s31], $0x800  }
0x3c: {  	[sflag:s31] =	ssyncset.done $0x0  }
0x3d: {  	[sflag:s31] =	ssyncadd.s32 $0xFFFFF800  }
0x3e: {  	_ =	swait.ge [sflag:s31], $0x800  }
0x3f: {  	[sflag:s31] =	ssyncset.done $0x0  }
0x40: {  	[sflag:s31] =	ssyncadd.s32 $0xFFFFF800  }
0x41: {  	_ =	swait.ge [sflag:s31], $0x800  }
0x42: {  	[sflag:s31] =	ssyncset.done $0x0  }
0x43: {  	[sflag:s31] =	ssyncadd.s32 $0xFFFFF800  }
0x44: {  	_ =	swait.ge [sflag:s31], $0x800  }
0x45: {  	[sflag:s31] =	ssyncset.done $0x0  }
0x46: {  	[sflag:s31] =	ssyncadd.s32 $0xFFFFF800  }
0x47: {  	_ =	swait.ge [sflag:s31], $0x800  }
0x48: {  	[sflag:s31] =	ssyncset.done $0x0  }
0x49: {  	[sflag:s31] =	ssyncadd.s32 $0xFFFFF800  }
0x4a: {  	_ =	swait.ge [sflag:s31], $0x800  }
0x4b: {  	[sflag:s31] =	ssyncset.done $0x0  }
0x4c: {  	s1 =	rddreg [dreg:$0x7];
	[sflag:s31] =	ssyncadd.s32 $0xFFFFF800  }
0x4d: {  	[hbm4b:s1+s3] =	stream.linear.scatter [tilespmem:s23], [sflag:$0x5], $0x4000, $0x38;
	[tilespmem:$0x11000] =	vst v63  }
0x4e: {  	s26 =	rddreg [dreg:$0x8]  }
0x4f: {  	[hbm4b:s26+s3] =	stream.linear.scatter [tilespmem:s24], [sflag:$0x5], $0x4000, $0x38;
	[tilespmem:$0x11000] =	vst v63  }
0x50: {  	_ =	swait.ge [sflag:s18], $0x4000  }
0x51: {  	[sflag:s18] =	ssyncset.done $0x0  }
0x52: {  	[sflag:s18] =	ssyncadd.s32 $0xFFFFC000  }
0x53: {  	_ =	swait.ge [sflag:s18], $0x4000  }
0x54: {  	[sflag:s18] =	ssyncset.done $0x0  }
0x55: {  	s2 =	simm.s32 $0x6;
	[sflag:s18] =	ssyncadd.s32 $0xFFFFC000  }
0x56: {  	_ =	swait.ge [sflag:s2], $0x4000  }
0x57: {  	[sflag:s2] =	ssyncset.done $0x0  }
0x58: {  	[sflag:s2] =	ssyncadd.s32 $0xFFFFC000  }
0x59: {  	_ =	swait.ge [sflag:s2], $0x4000  }
0x5a: {  	s19 =	rddreg [dreg:$0xd]  }
0x5b: {  	s28 =	rddreg [dreg:$0x9];
	s19 =	sadd.s32 $0x1, s19  }
0x5c: {  	p0 =	sne.s32 s19, s28  }
.Ltmp1:
0x5d: {  	_ = 	snop;
	(pc) =	sbr.rel @!p0 .LBB2_5-.Ltmp1, $3  }
0x5e: {  	_ =	sdelay $0x1  }
0x5f: {  	[sflag:s2] =	ssyncset.done $0x0  }
0x60: {  	[sflag:s2] =	ssyncadd.s32 $0xFFFFC000  }
.LBB2_1:
0x61: {  	[dreg:$0xd] =	wrdreg s19  }
0x62: {  	s1 =	rddreg [dreg:$0x3]  }
0x63: {  	[tilespmem:s3], [sflag:$0x3] =	stream.linear.gather [hbm4b:s1+s3], $0x400, $0x38;
	[tilespmem:$0x11000] =	vst v63  }
0x64: {  	s2 =	rddreg [dreg:$0x4]  }
0x65: {  	[tilespmem:s20], [sflag:$0x3] =	stream.linear.gather [hbm4b:s2+s3], $0x400, $0x38;
	[tilespmem:$0x11000] =	vst v63  }
0x66: {  	_ =	swait.ge [sflag:s21], $0x400  }
0x67: {  	[sflag:s21] =	ssyncset.done $0x0  }
0x68: {  	[sflag:s21] =	ssyncadd.s32 $0xFFFFFC00  }
0x69: {  	_ =	swait.ge [sflag:s21], $0x400  }
0x6a: {  	[sflag:s21] =	ssyncset.done $0x0  }
0x6b: {  	[sflag:s21] =	ssyncadd.s32 $0xFFFFFC00  }
0x6c: {  	[tilespmem:s23], [sflag:$0x1] =	stream.indirect.gather [hbm4b:s4+s22], $0x10, s3, s22, $0xb8;
	[tilespmem:$0x11000] =	vst v63  }
0x6d: {  	_ = 	snop  }
0x6e: {  	[tilespmem:s24], [sflag:$0x1] =	stream.indirect.gather [hbm4b:s4+s22], $0x10, s20, s22, $0xb8;
	[tilespmem:$0x11000] =	vst v63  }
0x6f: {  	s19 =	simm.s32 $0x1800  }
0x70: {  	[tilespmem:s19], [sflag:$0x1] =	stream.indirect.gather [hbm4b:s4+s22], $0x10, s22, s22, $0xb8;
	[tilespmem:$0x11000] =	vst v63  }
0x71: {  	s25 =	simm.s32 $0x480;
	s2 =	simm.s32 $0x5800  }
0x72: {  	[tilespmem:s2], [sflag:$0x1] =	stream.indirect.gather [hbm4b:s4+s22], $0x10, s25, s22, $0xb8;
	[tilespmem:$0x11000] =	vst v63  }
0x73: {  	s26 =	simm.s32 $0x100;
	s28 =	simm.s32 $0x2000  }
0x74: {  	[tilespmem:s28], [sflag:$0x1] =	stream.indirect.gather [hbm4b:s4+s22], $0x10, s26, s22, $0xb8;
	[tilespmem:$0x11000] =	vst v63  }
0x75: {  	s19 =	simm.s32 $0x500;
	s25 =	simm.s32 $0x6000  }
0x76: {  	[tilespmem:s25], [sflag:$0x1] =	stream.indirect.gather [hbm4b:s4+s22], $0x10, s19, s22, $0xb8;
	[tilespmem:$0x11000] =	vst v63  }
0x77: {  	s26 =	simm.s32 $0x180;
	s28 =	simm.s32 $0x2800  }
0x78: {  	[tilespmem:s28], [sflag:$0x1] =	stream.indirect.gather [hbm4b:s4+s22], $0x10, s26, s22, $0xb8;
	[tilespmem:$0x11000] =	vst v63  }
0x79: {  	s19 =	simm.s32 $0x580;
	s25 =	simm.s32 $0x6800  }
0x7a: {  	[tilespmem:s25], [sflag:$0x1] =	stream.indirect.gather [hbm4b:s4+s22], $0x10, s19, s22, $0xb8;
	[tilespmem:$0x11000] =	vst v63  }
0x7b: {  	s26 =	simm.s32 $0x200;
	s28 =	simm.s32 $0x3000  }
0x7c: {  	[tilespmem:s28], [sflag:$0x1] =	stream.indirect.gather [hbm4b:s4+s22], $0x10, s26, s22, $0xb8;
	[tilespmem:$0x11000] =	vst v63  }
0x7d: {  	s19 =	simm.s32 $0x600;
	s25 =	simm.s32 $0x7000  }
0x7e: {  	[tilespmem:s25], [sflag:$0x1] =	stream.indirect.gather [hbm4b:s4+s22], $0x10, s19, s22, $0xb8;
	[tilespmem:$0x11000] =	vst v63  }
0x7f: {  	s26 =	simm.s32 $0x280;
	s28 =	simm.s32 $0x3800  }
0x80: {  	[tilespmem:s28], [sflag:$0x1] =	stream.indirect.gather [hbm4b:s4+s22], $0x10, s26, s22, $0xb8;
	[tilespmem:$0x11000] =	vst v63  }
0x81: {  	s19 =	simm.s32 $0x680;
	s25 =	simm.s32 $0x7800  }
0x82: {  	[tilespmem:s25], [sflag:$0x1] =	stream.indirect.gather [hbm4b:s4+s22], $0x10, s19, s22, $0xb8;
	[tilespmem:$0x11000] =	vst v63  }
0x83: {  	s26 =	simm.s32 $0x300;
	s28 =	simm.s32 $0x4000  }
0x84: {  	[tilespmem:s28], [sflag:$0x1] =	stream.indirect.gather [hbm4b:s4+s22], $0x10, s26, s22, $0xb8;
	[tilespmem:$0x11000] =	vst v63  }
0x85: {  	s1 =	rddreg [dreg:$0xa];
	s19 =	simm.s32 $0x700;
	s25 =	simm.s32 $0x8000  }
0x86: {  	[tilespmem:s25], [sflag:$0x1] =	stream.indirect.gather [hbm4b:s4+s22], $0x10, s19, s22, $0xb8;
	[tilespmem:$0x11000] =	vst v63  }
0x87: {  	s2 =	rddreg [dreg:$0xb];
	s26 =	simm.s32 $0x380;
	s28 =	simm.s32 $0x4800  }
0x88: {  	[tilespmem:s28], [sflag:$0x1] =	stream.indirect.gather [hbm4b:s4+s22], $0x10, s26, s22, $0xb8;
	[tilespmem:$0x11000] =	vst v63  }
0x89: {  	s19 =	simm.s32 $0x780;
	s25 =	simm.s32 $0x8800;
	s26 =	rddreg [dreg:$0x5]  }
0x8a: {  	[tilespmem:s25], [sflag:$0x1] =	stream.indirect.gather [hbm4b:s4+s22], $0x10, s19, s22, $0xb8;
	[tilespmem:$0x11000] =	vst v63  }
0x8b: {  	s28 =	rddreg [dreg:$0x6]  }
0x8c: {  	[tilespmem:s6], [sflag:$0x4] =	stream.linear.gather [hbm4b:s26+s3], $0x400, $0x38;
	[tilespmem:$0x11000] =	vst v63  }
0x8d: {  	s19 =	rddreg [dreg:$0xc];
	s25 =	simm.s32 $0x0  }
0x8e: {  	[tilespmem:s7], [sflag:$0x4] =	stream.linear.gather [hbm4b:s28+s3], $0x400, $0x38;
	[tilespmem:$0x11000] =	vst v63  }
.LBB2_2:
0x8f: {  	_ =	swait.ge [sflag:s8], $0x400  }
0x90: {  	[sflag:s8] =	ssyncset.done $0x0  }
0x91: {  	[sflag:s8] =	ssyncadd.s32 $0xFFFFFC00  }
0x92: {  	_ =	swait.ge [sflag:s8], $0x400  }
0x93: {  	p0 =	seq.s32 s25, $0x0;
	[sflag:s8] =	ssyncset.done $0x0  }
0x94: {  	s26 =	simm.s32 @!p0 $0x6;
	[sflag:s8] =	ssyncadd.s32 $0xFFFFFC00  }
0x95: {  	_ =	swait.ge @!p0 [sflag:s26], $0x4000  }
0x96: {  	[sflag:s26] =	ssyncset.done @!p0 $0x0  }
0x97: {  	[sflag:s26] =	ssyncadd.s32 @!p0 $0xFFFFC000  }
0x98: {  	_ =	swait.ge @!p0 [sflag:s26], $0x4000  }
0x99: {  	[sflag:s26] =	ssyncset.done @!p0 $0x0  }
0x9a: {  	[sflag:s26] =	ssyncadd.s32 @!p0 $0xFFFFC000  }
0x9b: {  	[tilespmem:s9], [sflag:$0x2] =	stream.indirect.gather [hbm4b:s4+s22], $0x10, s6, s22, $0xb8;
	[tilespmem:$0x11000] =	vst v63  }
0x9c: {  	_ = 	snop  }
0x9d: {  	[tilespmem:s10], [sflag:$0x2] =	stream.indirect.gather [hbm4b:s4+s22], $0x10, s7, s22, $0xb8;
	[tilespmem:$0x11000] =	vst v63  }
0x9e: {  	s28 =	simm.s32 $0x9800;
	s26 =	simm.s32 $0x880  }
0x9f: {  	[tilespmem:s28], [sflag:$0x2] =	stream.indirect.gather [hbm4b:s4+s22], $0x10, s26, s22, $0xb8;
	[tilespmem:$0x11000] =	vst v63  }
0xa0: {  	s26 =	simm.s32 $0xC80;
	s28 =	simm.s32 $0xD800  }
0xa1: {  	[tilespmem:s28], [sflag:$0x2] =	stream.indirect.gather [hbm4b:s4+s22], $0x10, s26, s22, $0xb8;
	[tilespmem:$0x11000] =	vst v63  }
0xa2: {  	s26 =	simm.s32 $0x900;
	s28 =	simm.s32 $0xA000  }
0xa3: {  	[tilespmem:s28], [sflag:$0x2] =	stream.indirect.gather [hbm4b:s4+s22], $0x10, s26, s22, $0xb8;
	[tilespmem:$0x11000] =	vst v63  }
0xa4: {  	s26 =	simm.s32 $0xD00;
	s28 =	simm.s32 $0xE000  }
0xa5: {  	[tilespmem:s28], [sflag:$0x2] =	stream.indirect.gather [hbm4b:s4+s22], $0x10, s26, s22, $0xb8;
	[tilespmem:$0x11000] =	vst v63  }
0xa6: {  	s26 =	simm.s32 $0x980;
	s28 =	simm.s32 $0xA800  }
0xa7: {  	[tilespmem:s28], [sflag:$0x2] =	stream.indirect.gather [hbm4b:s4+s22], $0x10, s26, s22, $0xb8;
	[tilespmem:$0x11000] =	vst v63  }
0xa8: {  	s26 =	simm.s32 $0xD80;
	s28 =	simm.s32 $0xE800  }
0xa9: {  	[tilespmem:s28], [sflag:$0x2] =	stream.indirect.gather [hbm4b:s4+s22], $0x10, s26, s22, $0xb8;
	[tilespmem:$0x11000] =	vst v63  }
0xaa: {  	s26 =	simm.s32 $0xA00;
	s28 =	simm.s32 $0xB000  }
0xab: {  	[tilespmem:s28], [sflag:$0x2] =	stream.indirect.gather [hbm4b:s4+s22], $0x10, s26, s22, $0xb8;
	[tilespmem:$0x11000] =	vst v63  }
0xac: {  	s26 =	simm.s32 $0xE00;
	s28 =	simm.s32 $0xF000  }
0xad: {  	[tilespmem:s28], [sflag:$0x2] =	stream.indirect.gather [hbm4b:s4+s22], $0x10, s26, s22, $0xb8;
	[tilespmem:$0x11000] =	vst v63  }
0xae: {  	s26 =	simm.s32 $0xA80;
	s28 =	simm.s32 $0xB800  }
0xaf: {  	[tilespmem:s28], [sflag:$0x2] =	stream.indirect.gather [hbm4b:s4+s22], $0x10, s26, s22, $0xb8;
	[tilespmem:$0x11000] =	vst v63  }
0xb0: {  	s26 =	simm.s32 $0xE80;
	s28 =	simm.s32 $0xF800  }
0xb1: {  	[tilespmem:s28], [sflag:$0x2] =	stream.indirect.gather [hbm4b:s4+s22], $0x10, s26, s22, $0xb8;
	[tilespmem:$0x11000] =	vst v63  }
0xb2: {  	s26 =	simm.s32 $0xB00;
	s28 =	simm.s32 $0xC000  }
0xb3: {  	[tilespmem:s28], [sflag:$0x2] =	stream.indirect.gather [hbm4b:s4+s22], $0x10, s26, s22, $0xb8;
	[tilespmem:$0x11000] =	vst v63  }
0xb4: {  	s28 =	simm.s32 $0xF00  }
0xb5: {  	[tilespmem:s11], [sflag:$0x2] =	stream.indirect.gather [hbm4b:s4+s22], $0x10, s28, s22, $0xb8;
	[tilespmem:$0x11000] =	vst v63  }
0xb6: {  	_ = 	snop  }
0xb7: {  	[tilespmem:s12], [sflag:$0x2] =	stream.indirect.gather [hbm4b:s4+s22], $0x10, s29, s22, $0xb8;
	[tilespmem:$0x11000] =	vst v63  }
0xb8: {  	_ = 	snop  }
0xb9: {  	[tilespmem:s17], [sflag:$0x2] =	stream.indirect.gather [hbm4b:s4+s22], $0x10, s30, s22, $0xb8;
	[tilespmem:$0x11000] =	vst v63  }
0xba: {  	_ =	swait.ge [sflag:s31], $0x800  }
0xbb: {  	[sflag:s31] =	ssyncset.done $0x0  }
0xbc: {  	[sflag:s31] =	ssyncadd.s32 $0xFFFFF800  }
0xbd: {  	_ =	swait.ge [sflag:s31], $0x800  }
0xbe: {  	[sflag:s31] =	ssyncset.done $0x0  }
0xbf: {  	[sflag:s31] =	ssyncadd.s32 $0xFFFFF800  }
0xc0: {  	_ =	swait.ge [sflag:s31], $0x800  }
0xc1: {  	[sflag:s31] =	ssyncset.done $0x0  }
0xc2: {  	[sflag:s31] =	ssyncadd.s32 $0xFFFFF800  }
0xc3: {  	_ =	swait.ge [sflag:s31], $0x800  }
0xc4: {  	[sflag:s31] =	ssyncset.done $0x0  }
0xc5: {  	[sflag:s31] =	ssyncadd.s32 $0xFFFFF800  }
0xc6: {  	_ =	swait.ge [sflag:s31], $0x800  }
0xc7: {  	[sflag:s31] =	ssyncset.done $0x0  }
0xc8: {  	[sflag:s31] =	ssyncadd.s32 $0xFFFFF800  }
0xc9: {  	_ =	swait.ge [sflag:s31], $0x800  }
0xca: {  	[sflag:s31] =	ssyncset.done $0x0  }
0xcb: {  	[sflag:s31] =	ssyncadd.s32 $0xFFFFF800  }
0xcc: {  	_ =	swait.ge [sflag:s31], $0x800  }
0xcd: {  	[sflag:s31] =	ssyncset.done $0x0  }
0xce: {  	[sflag:s31] =	ssyncadd.s32 $0xFFFFF800  }
0xcf: {  	_ =	swait.ge [sflag:s31], $0x800  }
0xd0: {  	[sflag:s31] =	ssyncset.done $0x0  }
0xd1: {  	[sflag:s31] =	ssyncadd.s32 $0xFFFFF800  }
0xd2: {  	_ =	swait.ge [sflag:s31], $0x800  }
0xd3: {  	[sflag:s31] =	ssyncset.done $0x0  }
0xd4: {  	[sflag:s31] =	ssyncadd.s32 $0xFFFFF800  }
0xd5: {  	_ =	swait.ge [sflag:s31], $0x800  }
0xd6: {  	[sflag:s31] =	ssyncset.done $0x0  }
0xd7: {  	[sflag:s31] =	ssyncadd.s32 $0xFFFFF800  }
0xd8: {  	_ =	swait.ge [sflag:s31], $0x800  }
0xd9: {  	[sflag:s31] =	ssyncset.done $0x0  }
0xda: {  	[sflag:s31] =	ssyncadd.s32 $0xFFFFF800  }
0xdb: {  	_ =	swait.ge [sflag:s31], $0x800  }
0xdc: {  	[sflag:s31] =	ssyncset.done $0x0  }
0xdd: {  	[sflag:s31] =	ssyncadd.s32 $0xFFFFF800  }
0xde: {  	_ =	swait.ge [sflag:s31], $0x800  }
0xdf: {  	[sflag:s31] =	ssyncset.done $0x0  }
0xe0: {  	[sflag:s31] =	ssyncadd.s32 $0xFFFFF800  }
0xe1: {  	_ =	swait.ge [sflag:s31], $0x800  }
0xe2: {  	[sflag:s31] =	ssyncset.done $0x0  }
0xe3: {  	[sflag:s31] =	ssyncadd.s32 $0xFFFFF800  }
0xe4: {  	_ =	swait.ge [sflag:s31], $0x800  }
0xe5: {  	[sflag:s31] =	ssyncset.done $0x0  }
0xe6: {  	[sflag:s31] =	ssyncadd.s32 $0xFFFFF800  }
0xe7: {  	_ =	swait.ge [sflag:s31], $0x800  }
0xe8: {  	[sflag:s31] =	ssyncset.done $0x0  }
0xe9: {  	s28 =	sadd.s32 s25, s16;
	[sflag:s31] =	ssyncadd.s32 $0xFFFFF800  }
0xea: {  	[hbm4b:s28+s3] =	stream.linear.scatter [tilespmem:s23], [sflag:$0x5], $0x4000, $0x38;
	[tilespmem:$0x11000] =	vst v63  }
0xeb: {  	s28 =	sadd.s32 s25, s15  }
0xec: {  	[hbm4b:s28+s3] =	stream.linear.scatter [tilespmem:s24], [sflag:$0x5], $0x4000, $0x38;
	[tilespmem:$0x11000] =	vst v63  }
0xed: {  	s26 =	sshrl.u32 s19, $0x3;
	s28 =	rddreg [dreg:$0x1]  }
0xee: {  	s28 =	sadd.s32 s28, s26  }
0xef: {  	[tilespmem:s3], [sflag:$0x3] =	stream.linear.gather [hbm4b:s28+s3], $0x400, $0x38;
	[tilespmem:$0x11000] =	vst v63  }
0xf0: {  	s26 =	sadd.s32 s5, s26  }
0xf1: {  	[tilespmem:s20], [sflag:$0x3] =	stream.linear.gather [hbm4b:s26+s3], $0x400, $0x38;
	[tilespmem:$0x11000] =	vst v63  }
0xf2: {  	_ =	swait.ge [sflag:s21], $0x400  }
0xf3: {  	[sflag:s21] =	ssyncset.done $0x0  }
0xf4: {  	[sflag:s21] =	ssyncadd.s32 $0xFFFFFC00  }
0xf5: {  	_ =	swait.ge [sflag:s21], $0x400  }
0xf6: {  	[sflag:s21] =	ssyncset.done $0x0  }
0xf7: {  	[sflag:s21] =	ssyncadd.s32 $0xFFFFFC00  }
0xf8: {  	_ =	swait.ge [sflag:s18], $0x4000  }
0xf9: {  	[sflag:s18] =	ssyncset.done $0x0  }
0xfa: {  	[sflag:s18] =	ssyncadd.s32 $0xFFFFC000  }
0xfb: {  	_ =	swait.ge [sflag:s18], $0x4000  }
0xfc: {  	[sflag:s18] =	ssyncset.done $0x0  }
0xfd: {  	[sflag:s18] =	ssyncadd.s32 $0xFFFFC000  }
0xfe: {  	[tilespmem:s23], [sflag:$0x1] =	stream.indirect.gather [hbm4b:s4+s22], $0x10, s3, s22, $0xb8;
	[tilespmem:$0x11000] =	vst v63  }
0xff: {  	_ = 	snop  }
0x100: {  	[tilespmem:s24], [sflag:$0x1] =	stream.indirect.gather [hbm4b:s4+s22], $0x10, s20, s22, $0xb8;
	[tilespmem:$0x11000] =	vst v63  }
0x101: {  	s28 =	simm.s32 $0x1800  }
0x102: {  	[tilespmem:s28], [sflag:$0x1] =	stream.indirect.gather [hbm4b:s4+s22], $0x10, s22, s22, $0xb8;
	[tilespmem:$0x11000] =	vst v63  }
0x103: {  	s26 =	simm.s32 $0x480;
	s28 =	simm.s32 $0x5800  }
0x104: {  	[tilespmem:s28], [sflag:$0x1] =	stream.indirect.gather [hbm4b:s4+s22], $0x10, s26, s22, $0xb8;
	[tilespmem:$0x11000] =	vst v63  }
0x105: {  	s26 =	simm.s32 $0x100;
	s28 =	simm.s32 $0x2000  }
0x106: {  	[tilespmem:s28], [sflag:$0x1] =	stream.indirect.gather [hbm4b:s4+s22], $0x10, s26, s22, $0xb8;
	[tilespmem:$0x11000] =	vst v63  }
0x107: {  	s26 =	simm.s32 $0x500;
	s28 =	simm.s32 $0x6000  }
0x108: {  	[tilespmem:s28], [sflag:$0x1] =	stream.indirect.gather [hbm4b:s4+s22], $0x10, s26, s22, $0xb8;
	[tilespmem:$0x11000] =	vst v63  }
0x109: {  	s26 =	simm.s32 $0x180;
	s28 =	simm.s32 $0x2800  }
0x10a: {  	[tilespmem:s28], [sflag:$0x1] =	stream.indirect.gather [hbm4b:s4+s22], $0x10, s26, s22, $0xb8;
	[tilespmem:$0x11000] =	vst v63  }
0x10b: {  	s26 =	simm.s32 $0x580;
	s28 =	simm.s32 $0x6800  }
0x10c: {  	[tilespmem:s28], [sflag:$0x1] =	stream.indirect.gather [hbm4b:s4+s22], $0x10, s26, s22, $0xb8;
	[tilespmem:$0x11000] =	vst v63  }
0x10d: {  	s26 =	simm.s32 $0x200;
	s28 =	simm.s32 $0x3000  }
0x10e: {  	[tilespmem:s28], [sflag:$0x1] =	stream.indirect.gather [hbm4b:s4+s22], $0x10, s26, s22, $0xb8;
	[tilespmem:$0x11000] =	vst v63  }
0x10f: {  	s26 =	simm.s32 $0x600;
	s28 =	simm.s32 $0x7000  }
0x110: {  	[tilespmem:s28], [sflag:$0x1] =	stream.indirect.gather [hbm4b:s4+s22], $0x10, s26, s22, $0xb8;
	[tilespmem:$0x11000] =	vst v63  }
0x111: {  	s26 =	simm.s32 $0x280;
	s28 =	simm.s32 $0x3800  }
0x112: {  	[tilespmem:s28], [sflag:$0x1] =	stream.indirect.gather [hbm4b:s4+s22], $0x10, s26, s22, $0xb8;
	[tilespmem:$0x11000] =	vst v63  }
0x113: {  	s26 =	simm.s32 $0x680;
	s28 =	simm.s32 $0x7800  }
0x114: {  	[tilespmem:s28], [sflag:$0x1] =	stream.indirect.gather [hbm4b:s4+s22], $0x10, s26, s22, $0xb8;
	[tilespmem:$0x11000] =	vst v63  }
0x115: {  	s26 =	simm.s32 $0x300;
	s28 =	simm.s32 $0x4000  }
0x116: {  	[tilespmem:s28], [sflag:$0x1] =	stream.indirect.gather [hbm4b:s4+s22], $0x10, s26, s22, $0xb8;
	[tilespmem:$0x11000] =	vst v63  }
0x117: {  	s26 =	simm.s32 $0x700;
	s28 =	simm.s32 $0x8000  }
0x118: {  	[tilespmem:s28], [sflag:$0x1] =	stream.indirect.gather [hbm4b:s4+s22], $0x10, s26, s22, $0xb8;
	[tilespmem:$0x11000] =	vst v63  }
0x119: {  	s26 =	simm.s32 $0x380;
	s28 =	simm.s32 $0x4800  }
0x11a: {  	[tilespmem:s28], [sflag:$0x1] =	stream.indirect.gather [hbm4b:s4+s22], $0x10, s26, s22, $0xb8;
	[tilespmem:$0x11000] =	vst v63  }
0x11b: {  	s26 =	simm.s32 $0x780;
	s28 =	simm.s32 $0x8800  }
0x11c: {  	[tilespmem:s28], [sflag:$0x1] =	stream.indirect.gather [hbm4b:s4+s22], $0x10, s26, s22, $0xb8;
	[tilespmem:$0x11000] =	vst v63  }
0x11d: {  	_ =	swait.ge [sflag:s0], $0x800  }
0x11e: {  	[sflag:s0] =	ssyncset.done $0x0  }
0x11f: {  	[sflag:s0] =	ssyncadd.s32 $0xFFFFF800  }
0x120: {  	_ =	swait.ge [sflag:s0], $0x800  }
0x121: {  	[sflag:s0] =	ssyncset.done $0x0  }
0x122: {  	[sflag:s0] =	ssyncadd.s32 $0xFFFFF800  }
0x123: {  	_ =	swait.ge [sflag:s0], $0x800  }
0x124: {  	[sflag:s0] =	ssyncset.done $0x0  }
0x125: {  	[sflag:s0] =	ssyncadd.s32 $0xFFFFF800  }
0x126: {  	_ =	swait.ge [sflag:s0], $0x800  }
0x127: {  	[sflag:s0] =	ssyncset.done $0x0  }
0x128: {  	[sflag:s0] =	ssyncadd.s32 $0xFFFFF800  }
0x129: {  	_ =	swait.ge [sflag:s0], $0x800  }
0x12a: {  	[sflag:s0] =	ssyncset.done $0x0  }
0x12b: {  	[sflag:s0] =	ssyncadd.s32 $0xFFFFF800  }
0x12c: {  	_ =	swait.ge [sflag:s0], $0x800  }
0x12d: {  	[sflag:s0] =	ssyncset.done $0x0  }
0x12e: {  	[sflag:s0] =	ssyncadd.s32 $0xFFFFF800  }
0x12f: {  	_ =	swait.ge [sflag:s0], $0x800  }
0x130: {  	[sflag:s0] =	ssyncset.done $0x0  }
0x131: {  	[sflag:s0] =	ssyncadd.s32 $0xFFFFF800  }
0x132: {  	_ =	swait.ge [sflag:s0], $0x800  }
0x133: {  	[sflag:s0] =	ssyncset.done $0x0  }
0x134: {  	[sflag:s0] =	ssyncadd.s32 $0xFFFFF800  }
0x135: {  	_ =	swait.ge [sflag:s0], $0x800  }
0x136: {  	[sflag:s0] =	ssyncset.done $0x0  }
0x137: {  	[sflag:s0] =	ssyncadd.s32 $0xFFFFF800  }
0x138: {  	_ =	swait.ge [sflag:s0], $0x800  }
0x139: {  	[sflag:s0] =	ssyncset.done $0x0  }
0x13a: {  	[sflag:s0] =	ssyncadd.s32 $0xFFFFF800  }
0x13b: {  	_ =	swait.ge [sflag:s0], $0x800  }
0x13c: {  	[sflag:s0] =	ssyncset.done $0x0  }
0x13d: {  	[sflag:s0] =	ssyncadd.s32 $0xFFFFF800  }
0x13e: {  	_ =	swait.ge [sflag:s0], $0x800  }
0x13f: {  	[sflag:s0] =	ssyncset.done $0x0  }
0x140: {  	[sflag:s0] =	ssyncadd.s32 $0xFFFFF800  }
0x141: {  	_ =	swait.ge [sflag:s0], $0x800  }
0x142: {  	[sflag:s0] =	ssyncset.done $0x0  }
0x143: {  	[sflag:s0] =	ssyncadd.s32 $0xFFFFF800  }
0x144: {  	_ =	swait.ge [sflag:s0], $0x800  }
0x145: {  	[sflag:s0] =	ssyncset.done $0x0  }
0x146: {  	[sflag:s0] =	ssyncadd.s32 $0xFFFFF800  }
0x147: {  	_ =	swait.ge [sflag:s0], $0x800  }
0x148: {  	[sflag:s0] =	ssyncset.done $0x0  }
0x149: {  	[sflag:s0] =	ssyncadd.s32 $0xFFFFF800  }
0x14a: {  	p0 =	seq.s32 s25, $0xB000;
	_ =	swait.ge [sflag:s0], $0x800  }
.Ltmp2:
0x14b: {  	[sflag:s0] =	ssyncset.done $0x0;
	(pc) =	sbr.rel @p0 .LBB2_4-.Ltmp2, $4  }
0x14c: {  	s28 =	sadd.s32 s25, s14;
	[sflag:s0] =	ssyncadd.s32 $0xFFFFF800  }
0x14d: {  	[hbm4b:s28+s3] =	stream.linear.scatter [tilespmem:s9], [sflag:$0x6], $0x4000, $0x38;
	[tilespmem:$0x11000] =	vst v63  }
0x14e: {  	s28 =	sadd.s32 s25, s13  }
0x14f: {  	[hbm4b:s28+s3] =	stream.linear.scatter [tilespmem:s10], [sflag:$0x6], $0x4000, $0x38;
	[tilespmem:$0x11000] =	vst v63  }
.Ltmp3:
0x150: {  	(pc) =	sbr.rel .LBB2_2-.Ltmp3, $4  }
0x151: {  	[tilespmem:s6], [sflag:$0x4] =	stream.linear.gather [hbm4b:s2+s3], $0x400, $0x38;
	[tilespmem:$0x11000] =	vst v63  }
0x152: {  	s25 =	sadd.s32 $0x1000, s25  }
0x153: {  	[tilespmem:s7], [sflag:$0x4] =	stream.linear.gather [hbm4b:s1+s3], $0x400, $0x38;
	[tilespmem:$0x11000] =	vst v63  }
0x154: {  	s2 =	sadd.s32 $0x100, s2;
	s19 =	sadd.s32 $0x800, s19;
	s1 =	sadd.s32 $0x100, s1  }
.LBB2_5:
0x155: {  	_ =	sfence.sel $0x180000  }
0x156: {  	[bflag:$0x0] =	sbarrier.arrive $0xFFFF  }
0x157: {  	_ =	strace $0x90000047  }
0x158: {  	s0 =	stileid.u32;
	[bflag:$0x2] =	sbarrier.arrive $0xFFFF  }
0x159: {  	p0 =	sne.s32 s0, $0x0;
	s0 =	rddreg [dreg:$0x2]  }
0x15a: {  	s0 =	sadd.s32 @!p0 $0x100000, s0  }
0x15b: {  	[sflag:s0] =	ssyncadd.tile.s32 @!p0 $0x1;
	_ =	shalt  }
.Lfunc_end2:
_tile_overlayer_lowered:
.L_overlay_start_2:
0x15c: {  	(tag) =	ssettag $0x2  }
0x15d: {  	s0 =	rddreg [dreg:$0x0];
	s2 =	stileid.u32  }
0x15e: {  	s1 =	rddreg [dreg:$0x1];
	p0 =	sne.s32 s2, $0x0  }
0x15f: {  	s3 =	rddreg [dreg:$0x2];
	[bflag:$0x3] =	sbarrier.arrive $0xFFFF;
	s2 =	simm.s32 @!p0 $0x1C07  }
0x160: {  	[timem:s3], [sflag:s2] =	dma.local @!p0 [hbm:s0], s1  }
0x161: {  	s0 =	simm.s32 @!p0 $0x7  }
0x162: {  	_ =	swait.ge @!p0 [sflag:s0], s1  }
0x163: {  	s1 =	ssub.s32 @!p0 $0x0, s1;
	[sflag:s0] =	ssyncset.done @!p0 $0x0  }
0x164: {  	[sflag:s0] =	ssyncadd.s32 @!p0 s1  }
0x165: {  	[bflag:$0x3] =	sbarrier.arrive $0xFFFF  }
0x166: {  	_ =	shalt  }

</sc_bundles>
